<compile_context>
chip_gen: v7x
topology: tpu7x:2x2x1
jax: 0.10.2.dev20260603
libtpu: 0.0.44.dev20260713+nightly
codegen_flags: <defaults>
</compile_context>

<pallas_src>
import functools

import jax
import jax.numpy as jnp
from jax import lax
from jax.experimental import pallas as pl
from jax.experimental.pallas import tpu as pltpu
from jax.experimental.pallas import tpu_sc as plsc

_HID = 128
_NEI = 32
_G = 4
_L = 16
_NSUB = 16
_NG0 = 132
_NG1 = 26
_NBUF = 2


@functools.lru_cache(maxsize=None)
def _build(n_pad, n_nodes):
  pair_rows = (_NG0 + _NG1) * _G
  assert n_pad == _NSUB * pair_rows
  mesh = plsc.VectorSubcoreMesh(core_axis_name="c", subcore_axis_name="s",
                                num_cores=2, num_subcores=16)

  def body(nei_hbm, h_hbm, out_hbm, idx_all, rows0, rows1, ov0, ov1,
           gsem0, gsem1, osem0, osem1):
    bufs = ((rows0, ov0, gsem0, osem0), (rows1, ov1, gsem1, osem1))
    c = lax.axis_index("c")
    s = lax.axis_index("s")
    row_base = s * pair_rows + jnp.where(c == 0, 0, _NG0 * _G)
    ng = jnp.where(c == 0, _NG0, _NG1)
    ibase = row_base * _NEI

    @pl.when(c == 0)
    def _():
      n = _NG0 * _G * _NEI
      pltpu.sync_copy(nei_hbm.at[pl.ds(ibase, n)], idx_all.at[pl.ds(0, n)])

    @pl.when(c == 1)
    def _():
      n = _NG1 * _G * _NEI
      pltpu.sync_copy(nei_hbm.at[pl.ds(ibase, n)], idx_all.at[pl.ds(0, n)])

    def start(g, rows_v, gsem):
      idx = idx_all.at[pl.ds(g * _G * _NEI, _G * _NEI)]
      return pltpu.async_copy(h_hbm.at[idx], rows_v, gsem)

    def reduce_group(g, rows_v, ov, osem):
      @pl.when(g >= _NBUF)
      def _():
        pltpu.make_async_copy(
            ov, out_hbm.at[pl.ds(row_base + g * _G, _G)], osem).wait()

      def jstep(j2, accs):
        for u in range(2):
          j = j2 * 2 + u
          new = []
          for d in range(_G):
            r = d * _NEI + j
            for k in range(_HID // _L):
              new.append(accs[d * (_HID // _L) + k]
                         + rows_v[r, pl.ds(k * _L, _L)])
          accs = tuple(new)
        return accs

      init = tuple(jnp.zeros((_L,), jnp.float32)
                   for _ in range(_G * (_HID // _L)))
      accs = lax.fori_loop(0, _NEI // 2, jstep, init)
      inv = jnp.float32(1.0 / _NEI)
      for d in range(_G):
        for k in range(_HID // _L):
          ov[d, pl.ds(k * _L, _L)] = accs[d * (_HID // _L) + k] * inv
      pltpu.async_copy(ov, out_hbm.at[pl.ds(row_base + g * _G, _G)], osem)

    for b in range(_NBUF):
      start(b, bufs[b][0], bufs[b][2])

    def outer(i, _):
      g = i * _NBUF
      for b in range(_NBUF):
        gb = g + b
        rows_v, ov, gsem, osem = bufs[b]
        pltpu.make_async_copy(h_hbm.at[idx_all.at[pl.ds(0, _G * _NEI)]],
                              rows_v, gsem).wait()
        reduce_group(gb, rows_v, ov, osem)

        @pl.when(gb + _NBUF < ng)
        def _():
          start(gb + _NBUF, rows_v, gsem)
      return 0

    lax.fori_loop(0, ng // _NBUF, outer, 0)

    for b in range(_NBUF):
      rows_v, ov, gsem, osem = bufs[b]
      pltpu.make_async_copy(
          ov, out_hbm.at[pl.ds(row_base, _G)], osem).wait()

  grid_kernel = pl.kernel(
      body,
      out_type=jax.ShapeDtypeStruct((n_pad, _HID), jnp.float32),
      mesh=mesh,
      scratch_types=(
          [pltpu.VMEM((_NG0 * _G * _NEI,), jnp.int32)]
          + [pltpu.VMEM((_G * _NEI, _HID), jnp.float32)] * _NBUF
          + [pltpu.VMEM((_G, _HID), jnp.float32)] * _NBUF
          + [pltpu.SemaphoreType.DMA] * (2 * _NBUF)
      ),
  )
  return grid_kernel


@jax.jit
def kernel(nei, h, h_refer, att):
  n_dst = nei.shape[0]
  n_pad = _NSUB * (_NG0 + _NG1) * _G
  nei_flat = jnp.pad(nei.astype(jnp.int32),
                     ((0, n_pad - n_dst), (0, 0))).reshape(-1)
  out = _build(n_pad, h.shape[0])(nei_flat, h)
  return out[:n_dst]

# --- scband reference (transcript-rebuilt; emitter-appended) ---
"""Pipeline reference for scband-intra-att-11029476016254 (READ-ONLY COPY).

The authoritative reference and input builder live on the scoring server;
editing this copy changes nothing except your own understanding.
"""

import jax, jax.numpy as jnp
import numpy as np

HIDDEN_DIM = 128
N_DST = 10000
NUM_NEI = 32
N_NODES = 50000


def setup_inputs(seed: int = 0) -> dict:
    key = jax.random.key(seed)
    k1, k2, k3, k4 = jax.random.split(key, 4)
    nei = jax.random.randint(k1, (N_DST, NUM_NEI), 0, N_NODES, dtype=jnp.int64) if jax.config.jax_enable_x64 else jax.random.randint(k1, (N_DST, NUM_NEI), 0, N_NODES, dtype=jnp.int32)
    h = jax.random.normal(k2, (N_NODES, HIDDEN_DIM), dtype=jnp.float32)
    h_refer = jax.random.normal(k3, (N_DST, HIDDEN_DIM), dtype=jnp.float32)
    # learned parameter from __init__ (xavier-normal init, unused in this forward but part of module state)
    att = jax.random.normal(k4, (1, 2 * HIDDEN_DIM), dtype=jnp.float32) * 1.414 * np.sqrt(2.0 / (1 + 2 * HIDDEN_DIM))
    return {"nei": nei, "h": h, "h_refer": h_refer, "att": att}


def reference(nei, h, h_refer, att):
    # nei_emb = F.embedding(nei, h)  -> gather rows of h
    nei_emb = jnp.take(h, nei, axis=0)  # [N_DST, NUM_NEI, HIDDEN_DIM]
    # uniform attention weights (mean aggregation), faithful to original math
    w = jnp.ones((nei_emb.shape[0], nei_emb.shape[1], 1), dtype=nei_emb.dtype)
    w = w / nei_emb.shape[1]
    out = (w * nei_emb).sum(axis=1)  # [N_DST, HIDDEN_DIM]
    return out

if __name__ == "__main__":
    import jax
    _d = setup_inputs()
    print(jax.jit(kernel)(*tuple(_d.values())))

</pallas_src>

<mosaic_0001>
#map = affine_map<(d0, d1) -> (0)>
#map1 = affine_map<(d0, d1) -> (0, 0)>
module attributes {stable_mosaic.version = 14 : i64} {
  func.func @body(%arg0: i32, %arg1: i32, %arg2: memref<323584xi32, #tpu.memory_space<hbm>>, %arg3: memref<50000x128xf32, #tpu.memory_space<hbm>>, %arg4: memref<10112x128xf32, #tpu.memory_space<hbm>>, %arg5: memref<16896xi32, #tpu.memory_space<vmem>>, %arg6: memref<128x128xf32, #tpu.memory_space<vmem>>, %arg7: memref<128x128xf32, #tpu.memory_space<vmem>>, %arg8: memref<4x128xf32, #tpu.memory_space<vmem>>, %arg9: memref<4x128xf32, #tpu.memory_space<vmem>>, %arg10: memref<!tpu.dma_semaphore, #tpu.memory_space<semaphore_mem>>, %arg11: memref<!tpu.dma_semaphore, #tpu.memory_space<semaphore_mem>>, %arg12: memref<!tpu.dma_semaphore, #tpu.memory_space<semaphore_mem>>, %arg13: memref<!tpu.dma_semaphore, #tpu.memory_space<semaphore_mem>>) attributes {dimension_semantics = [#tpu.dimension_semantics<core_parallel>, #tpu.dimension_semantics<subcore_parallel>], iteration_bounds = array<i64: 2, 16>, scalar_prefetch = 0 : i64, scratch_operands = 9 : i64, tpu.core_type = #tpu.core_type<sc_vector_subcore>, window_params = [{transform_indices = #map}, {transform_indices = #map1}, {transform_indices = #map1}]} {
    %mul3A = arith.constant 632 : i32
    %mul3A_0 = arith.muli %arg1, %mul3A : i32
    %eq3A = arith.constant 0 : i32
    %eq3A_1 = arith.cmpi eq, %arg0, %eq3A : i32
    %jit3A = arith.constant 0 : i32
    %jit3A_2 = arith.constant 528 : i32
    %select_n3A = arith.select %eq3A_1, %jit3A, %jit3A_2 : i32
    %add3A = arith.addi %mul3A_0, %select_n3A : i32
    %eq3A_3 = arith.constant 0 : i32
    %eq3A_4 = arith.cmpi eq, %arg0, %eq3A_3 : i32
    %jit3A_5 = arith.constant 132 : i32
    %jit3A_6 = arith.constant 26 : i32
    %select_n3A_7 = arith.select %eq3A_4, %jit3A_5, %jit3A_6 : i32
    %mul3A_8 = arith.constant 32 : i32
    %mul3A_9 = arith.muli %add3A, %mul3A_8 : i32
    %eq3A_10 = arith.constant 0 : i32
    %eq3A_11 = arith.cmpi eq, %arg0, %eq3A_10 : i32
    %convert_element_type3A = arith.extui %eq3A_11 : i1 to i32
    %cond3A = arith.constant 0 : i32
    %cond3A_12 = arith.cmpi ne, %convert_element_type3A, %cond3A : i32
    scf.if %cond3A_12 {
      "tpu.region"() ({
        %run_scoped3A = tpu.sem_alloc : memref<!tpu.dma_semaphore, #tpu.memory_space<semaphore_mem>>
        %dma_start3A_63 = arith.constant 0 : i32
        %dma_start3A_64 = tpu.memref_slice %arg5[%dma_start3A_63] : memref<16896xi32, #tpu.memory_space<vmem>> -> memref<16896xi32, #tpu.memory_space<vmem>>
        %dma_start3A_65 = tpu.memref_slice %arg2[%mul3A_9] : memref<323584xi32, #tpu.memory_space<hbm>> -> memref<16896xi32, #tpu.memory_space<hbm>>
        %dma_start3A_66 = arith.constant 0 : i32
        %dma_start3A_67 = tpu.memref_slice %arg5[%dma_start3A_66] : memref<16896xi32, #tpu.memory_space<vmem>> -> memref<16896xi32, #tpu.memory_space<vmem>>
        %dma_start3A_68 = tpu.memref_slice %arg2[%mul3A_9] : memref<323584xi32, #tpu.memory_space<hbm>> -> memref<16896xi32, #tpu.memory_space<hbm>>
        tpu.enqueue_dma source(%dma_start3A_68 : memref<16896xi32, #tpu.memory_space<hbm>>) target(%dma_start3A_67 : memref<16896xi32, #tpu.memory_space<vmem>>) target_semaphore(%run_scoped3A : memref<!tpu.dma_semaphore, #tpu.memory_space<semaphore_mem>>)
        %dma_wait3A_69 = arith.constant 0 : i32
        %dma_wait3A_70 = tpu.memref_slice %arg5[%dma_wait3A_69] : memref<16896xi32, #tpu.memory_space<vmem>> -> memref<16896xi32, #tpu.memory_space<vmem>>
        %dma_wait3A_71 = tpu.memref_slice %arg2[%mul3A_9] : memref<323584xi32, #tpu.memory_space<hbm>> -> memref<16896xi32, #tpu.memory_space<hbm>>
        %dma_wait3A_72 = arith.constant 0 : i32
        %dma_wait3A_73 = tpu.memref_slice %arg5[%dma_wait3A_72] : memref<16896xi32, #tpu.memory_space<vmem>> -> memref<16896xi32, #tpu.memory_space<vmem>>
        %dma_wait3A_74 = tpu.memref_slice %arg2[%mul3A_9] : memref<323584xi32, #tpu.memory_space<hbm>> -> memref<16896xi32, #tpu.memory_space<hbm>>
        tpu.wait_dma2 semaphore(%run_scoped3A : memref<!tpu.dma_semaphore, #tpu.memory_space<semaphore_mem>>) src(%dma_wait3A_74 : memref<16896xi32, #tpu.memory_space<hbm>>) dst(%dma_wait3A_73 : memref<16896xi32, #tpu.memory_space<vmem>>)
        tpu.yield
      }) : () -> ()
    } else {
    }
    %eq3A_13 = arith.constant 1 : i32
    %eq3A_14 = arith.cmpi eq, %arg0, %eq3A_13 : i32
    %convert_element_type3A_15 = arith.extui %eq3A_14 : i1 to i32
    %cond3A_16 = arith.constant 0 : i32
    %cond3A_17 = arith.cmpi ne, %convert_element_type3A_15, %cond3A_16 : i32
    scf.if %cond3A_17 {
      "tpu.region"() ({
        %run_scoped3A = tpu.sem_alloc : memref<!tpu.dma_semaphore, #tpu.memory_space<semaphore_mem>>
        %dma_start3A_63 = arith.constant 0 : i32
        %dma_start3A_64 = tpu.memref_slice %arg5[%dma_start3A_63] : memref<16896xi32, #tpu.memory_space<vmem>> -> memref<3328xi32, #tpu.memory_space<vmem>>
        %dma_start3A_65 = tpu.memref_slice %arg2[%mul3A_9] : memref<323584xi32, #tpu.memory_space<hbm>> -> memref<3328xi32, #tpu.memory_space<hbm>>
        %dma_start3A_66 = arith.constant 0 : i32
        %dma_start3A_67 = tpu.memref_slice %arg5[%dma_start3A_66] : memref<16896xi32, #tpu.memory_space<vmem>> -> memref<3328xi32, #tpu.memory_space<vmem>>
        %dma_start3A_68 = tpu.memref_slice %arg2[%mul3A_9] : memref<323584xi32, #tpu.memory_space<hbm>> -> memref<3328xi32, #tpu.memory_space<hbm>>
        tpu.enqueue_dma source(%dma_start3A_68 : memref<3328xi32, #tpu.memory_space<hbm>>) target(%dma_start3A_67 : memref<3328xi32, #tpu.memory_space<vmem>>) target_semaphore(%run_scoped3A : memref<!tpu.dma_semaphore, #tpu.memory_space<semaphore_mem>>)
        %dma_wait3A_69 = arith.constant 0 : i32
        %dma_wait3A_70 = tpu.memref_slice %arg5[%dma_wait3A_69] : memref<16896xi32, #tpu.memory_space<vmem>> -> memref<3328xi32, #tpu.memory_space<vmem>>
        %dma_wait3A_71 = tpu.memref_slice %arg2[%mul3A_9] : memref<323584xi32, #tpu.memory_space<hbm>> -> memref<3328xi32, #tpu.memory_space<hbm>>
        %dma_wait3A_72 = arith.constant 0 : i32
        %dma_wait3A_73 = tpu.memref_slice %arg5[%dma_wait3A_72] : memref<16896xi32, #tpu.memory_space<vmem>> -> memref<3328xi32, #tpu.memory_space<vmem>>
        %dma_wait3A_74 = tpu.memref_slice %arg2[%mul3A_9] : memref<323584xi32, #tpu.memory_space<hbm>> -> memref<3328xi32, #tpu.memory_space<hbm>>
        tpu.wait_dma2 semaphore(%run_scoped3A : memref<!tpu.dma_semaphore, #tpu.memory_space<semaphore_mem>>) src(%dma_wait3A_74 : memref<3328xi32, #tpu.memory_space<hbm>>) dst(%dma_wait3A_73 : memref<3328xi32, #tpu.memory_space<vmem>>)
        tpu.yield
      }) : () -> ()
    } else {
    }
    %dma_start3A = arith.constant 0 : i32
    %dma_start3A_18 = tpu.memref_slice %arg5[%dma_start3A] : memref<16896xi32, #tpu.memory_space<vmem>> -> memref<128xi32, #tpu.memory_space<vmem>>
    %dma_start3A_19 = arith.constant 0 : i32
    %dma_start3A_20 = arith.constant 0 : i32
    %dma_start3A_21 = tpu.memref_slice %arg3[%dma_start3A_19, %dma_start3A_20] : memref<50000x128xf32, #tpu.memory_space<hbm>> -> memref<50000x128xf32, #tpu.memory_space<hbm>>
    tpu.enqueue_indirect_dma source(%dma_start3A_21 : memref<50000x128xf32, #tpu.memory_space<hbm>>) target(%arg6 : memref<128x128xf32, #tpu.memory_space<vmem>>) offsets(%dma_start3A_18 : memref<128xi32, #tpu.memory_space<vmem>>) semaphore(%arg10 : memref<!tpu.dma_semaphore, #tpu.memory_space<semaphore_mem>>)
    %dma_start3A_22 = arith.constant 128 : i32
    %dma_start3A_23 = tpu.memref_slice %arg5[%dma_start3A_22] : memref<16896xi32, #tpu.memory_space<vmem>> -> memref<128xi32, #tpu.memory_space<vmem>>
    %dma_start3A_24 = arith.constant 0 : i32
    %dma_start3A_25 = arith.constant 0 : i32
    %dma_start3A_26 = tpu.memref_slice %arg3[%dma_start3A_24, %dma_start3A_25] : memref<50000x128xf32, #tpu.memory_space<hbm>> -> memref<50000x128xf32, #tpu.memory_space<hbm>>
    tpu.enqueue_indirect_dma source(%dma_start3A_26 : memref<50000x128xf32, #tpu.memory_space<hbm>>) target(%arg7 : memref<128x128xf32, #tpu.memory_space<vmem>>) offsets(%dma_start3A_23 : memref<128xi32, #tpu.memory_space<vmem>>) semaphore(%arg11 : memref<!tpu.dma_semaphore, #tpu.memory_space<semaphore_mem>>)
    %jit3A_27 = arith.constant 2 : i32
    %div3A = arith.divsi %select_n3A_7, %jit3A_27 : i32
    %sign3A = arith.constant 0 : i32
    %sign3A_28 = arith.cmpi sgt, %select_n3A_7, %sign3A : i32
    %sign3A_29 = arith.extui %sign3A_28 : i1 to i32
    %sign3A_30 = arith.constant 0 : i32
    %sign3A_31 = arith.cmpi slt, %select_n3A_7, %sign3A_30 : i32
    %sign3A_32 = arith.extui %sign3A_31 : i1 to i32
    %sign3A_33 = arith.subi %sign3A_29, %sign3A_32 : i32
    %sign3A_34 = arith.constant 0 : i32
    %sign3A_35 = arith.cmpi sgt, %jit3A_27, %sign3A_34 : i32
    %sign3A_36 = arith.extui %sign3A_35 : i1 to i32
    %sign3A_37 = arith.constant 0 : i32
    %sign3A_38 = arith.cmpi slt, %jit3A_27, %sign3A_37 : i32
    %sign3A_39 = arith.extui %sign3A_38 : i1 to i32
    %sign3A_40 = arith.subi %sign3A_36, %sign3A_39 : i32
    %ne3A = arith.cmpi ne, %sign3A_33, %sign3A_40 : i32
    %rem3A = arith.remsi %select_n3A_7, %jit3A_27 : i32
    %ne3A_41 = arith.constant 0 : i32
    %ne3A_42 = arith.cmpi ne, %rem3A, %ne3A_41 : i32
    %and3A = arith.andi %ne3A, %ne3A_42 : i1
    %sub3A = arith.constant 1 : i32
    %sub3A_43 = arith.subi %div3A, %sub3A : i32
    %select_n3A_44 = arith.select %and3A, %sub3A_43, %div3A : i32
    %while3A = arith.constant 0 : i32
    %while3A_45 = arith.constant 0 : i32
    %while3A_46 = arith.subi %select_n3A_44, %while3A : i32
    %while3A_47 = arith.addi %while3A, %while3A_46 : i32
    %while3A_48 = arith.constant 1 : i32
    %while3A_49 = arith.divsi %while3A_46, %while3A_48 : i32
    %while3A_50 = arith.muli %while3A_49, %while3A_48 : i32
    %while3A_51 = arith.addi %while3A, %while3A_50 : i32
    %while3A_52 = arith.constant 1 : i32
    %while3A_53 = scf.for %while3A_63 = %while3A to %while3A_51 step %while3A_52 iter_args(%while3A_64 = %while3A_45) -> (i32)  : i32 {
      %mul3A_65 = arith.constant 2 : i32
      %mul3A_66 = arith.muli %while3A_63, %mul3A_65 : i32
      %add3A_67 = arith.constant 0 : i32
      %add3A_68 = arith.addi %mul3A_66, %add3A_67 : i32
      %dma_wait3A_69 = arith.constant 0 : i32
      %dma_wait3A_70 = tpu.memref_slice %arg5[%dma_wait3A_69] : memref<16896xi32, #tpu.memory_space<vmem>> -> memref<128xi32, #tpu.memory_space<vmem>>
      %dma_wait3A_71 = arith.constant 0 : i32
      %dma_wait3A_72 = arith.constant 0 : i32
      %dma_wait3A_73 = tpu.memref_slice %arg3[%dma_wait3A_71, %dma_wait3A_72] : memref<50000x128xf32, #tpu.memory_space<hbm>> -> memref<50000x128xf32, #tpu.memory_space<hbm>>
      tpu.wait_indirect_dma semaphore(%arg10 : memref<!tpu.dma_semaphore, #tpu.memory_space<semaphore_mem>>) src(%dma_wait3A_73 : memref<50000x128xf32, #tpu.memory_space<hbm>>) dst(%arg6 : memref<128x128xf32, #tpu.memory_space<vmem>>)
      %ge3A = arith.constant 2 : i32
      %ge3A_74 = arith.cmpi sge, %add3A_68, %ge3A : i32
      %convert_element_type3A_75 = arith.extui %ge3A_74 : i1 to i32
      %cond3A_76 = arith.constant 0 : i32
      %cond3A_77 = arith.cmpi ne, %convert_element_type3A_75, %cond3A_76 : i32
      scf.if %cond3A_77 {
        %mul3A_829 = arith.constant 4 : i32
        %mul3A_830 = arith.muli %add3A_68, %mul3A_829 : i32
        %add3A_831 = arith.addi %add3A, %mul3A_830 : i32
        %dma_wait3A_832 = arith.constant 0 : i32
        %dma_wait3A_833 = tpu.memref_slice %arg4[%add3A_831, %dma_wait3A_832] : memref<10112x128xf32, #tpu.memory_space<hbm>> -> memref<4x128xf32, #tpu.memory_space<hbm>>
        %dma_wait3A_834 = arith.constant 0 : i32
        %dma_wait3A_835 = tpu.memref_slice %arg4[%add3A_831, %dma_wait3A_834] : memref<10112x128xf32, #tpu.memory_space<hbm>> -> memref<4x128xf32, #tpu.memory_space<hbm>>
        tpu.wait_dma2 semaphore(%arg12 : memref<!tpu.dma_semaphore, #tpu.memory_space<semaphore_mem>>) src(%arg8 : memref<4x128xf32, #tpu.memory_space<vmem>>) dst(%dma_wait3A_835 : memref<4x128xf32, #tpu.memory_space<hbm>>)
      } else {
      }
      %broadcast_in_dim3A = arith.constant 0.000000e+00 : f32
      %broadcast_in_dim3A_78 = vector.broadcast %broadcast_in_dim3A : f32 to vector<16xf32>
      %broadcast_in_dim3A_79 = arith.constant 0.000000e+00 : f32
      %broadcast_in_dim3A_80 = vector.broadcast %broadcast_in_dim3A_79 : f32 to vector<16xf32>
      %broadcast_in_dim3A_81 = arith.constant 0.000000e+00 : f32
      %broadcast_in_dim3A_82 = vector.broadcast %broadcast_in_dim3A_81 : f32 to vector<16xf32>
      %broadcast_in_dim3A_83 = arith.constant 0.000000e+00 : f32
      %broadcast_in_dim3A_84 = vector.broadcast %broadcast_in_dim3A_83 : f32 to vector<16xf32>
      %broadcast_in_dim3A_85 = arith.constant 0.000000e+00 : f32
      %broadcast_in_dim3A_86 = vector.broadcast %broadcast_in_dim3A_85 : f32 to vector<16xf32>
      %broadcast_in_dim3A_87 = arith.constant 0.000000e+00 : f32
      %broadcast_in_dim3A_88 = vector.broadcast %broadcast_in_dim3A_87 : f32 to vector<16xf32>
      %broadcast_in_dim3A_89 = arith.constant 0.000000e+00 : f32
      %broadcast_in_dim3A_90 = vector.broadcast %broadcast_in_dim3A_89 : f32 to vector<16xf32>
      %broadcast_in_dim3A_91 = arith.constant 0.000000e+00 : f32
      %broadcast_in_dim3A_92 = vector.broadcast %broadcast_in_dim3A_91 : f32 to vector<16xf32>
      %broadcast_in_dim3A_93 = arith.constant 0.000000e+00 : f32
      %broadcast_in_dim3A_94 = vector.broadcast %broadcast_in_dim3A_93 : f32 to vector<16xf32>
      %broadcast_in_dim3A_95 = arith.constant 0.000000e+00 : f32
      %broadcast_in_dim3A_96 = vector.broadcast %broadcast_in_dim3A_95 : f32 to vector<16xf32>
      %broadcast_in_dim3A_97 = arith.constant 0.000000e+00 : f32
      %broadcast_in_dim3A_98 = vector.broadcast %broadcast_in_dim3A_97 : f32 to vector<16xf32>
      %broadcast_in_dim3A_99 = arith.constant 0.000000e+00 : f32
      %broadcast_in_dim3A_100 = vector.broadcast %broadcast_in_dim3A_99 : f32 to vector<16xf32>
      %broadcast_in_dim3A_101 = arith.constant 0.000000e+00 : f32
      %broadcast_in_dim3A_102 = vector.broadcast %broadcast_in_dim3A_101 : f32 to vector<16xf32>
      %broadcast_in_dim3A_103 = arith.constant 0.000000e+00 : f32
      %broadcast_in_dim3A_104 = vector.broadcast %broadcast_in_dim3A_103 : f32 to vector<16xf32>
      %broadcast_in_dim3A_105 = arith.constant 0.000000e+00 : f32
      %broadcast_in_dim3A_106 = vector.broadcast %broadcast_in_dim3A_105 : f32 to vector<16xf32>
      %broadcast_in_dim3A_107 = arith.constant 0.000000e+00 : f32
      %broadcast_in_dim3A_108 = vector.broadcast %broadcast_in_dim3A_107 : f32 to vector<16xf32>
      %broadcast_in_dim3A_109 = arith.constant 0.000000e+00 : f32
      %broadcast_in_dim3A_110 = vector.broadcast %broadcast_in_dim3A_109 : f32 to vector<16xf32>
      %broadcast_in_dim3A_111 = arith.constant 0.000000e+00 : f32
      %broadcast_in_dim3A_112 = vector.broadcast %broadcast_in_dim3A_111 : f32 to vector<16xf32>
      %broadcast_in_dim3A_113 = arith.constant 0.000000e+00 : f32
      %broadcast_in_dim3A_114 = vector.broadcast %broadcast_in_dim3A_113 : f32 to vector<16xf32>
      %broadcast_in_dim3A_115 = arith.constant 0.000000e+00 : f32
      %broadcast_in_dim3A_116 = vector.broadcast %broadcast_in_dim3A_115 : f32 to vector<16xf32>
      %broadcast_in_dim3A_117 = arith.constant 0.000000e+00 : f32
      %broadcast_in_dim3A_118 = vector.broadcast %broadcast_in_dim3A_117 : f32 to vector<16xf32>
      %broadcast_in_dim3A_119 = arith.constant 0.000000e+00 : f32
      %broadcast_in_dim3A_120 = vector.broadcast %broadcast_in_dim3A_119 : f32 to vector<16xf32>
      %broadcast_in_dim3A_121 = arith.constant 0.000000e+00 : f32
      %broadcast_in_dim3A_122 = vector.broadcast %broadcast_in_dim3A_121 : f32 to vector<16xf32>
      %broadcast_in_dim3A_123 = arith.constant 0.000000e+00 : f32
      %broadcast_in_dim3A_124 = vector.broadcast %broadcast_in_dim3A_123 : f32 to vector<16xf32>
      %broadcast_in_dim3A_125 = arith.constant 0.000000e+00 : f32
      %broadcast_in_dim3A_126 = vector.broadcast %broadcast_in_dim3A_125 : f32 to vector<16xf32>
      %broadcast_in_dim3A_127 = arith.constant 0.000000e+00 : f32
      %broadcast_in_dim3A_128 = vector.broadcast %broadcast_in_dim3A_127 : f32 to vector<16xf32>
      %broadcast_in_dim3A_129 = arith.constant 0.000000e+00 : f32
      %broadcast_in_dim3A_130 = vector.broadcast %broadcast_in_dim3A_129 : f32 to vector<16xf32>
      %broadcast_in_dim3A_131 = arith.constant 0.000000e+00 : f32
      %broadcast_in_dim3A_132 = vector.broadcast %broadcast_in_dim3A_131 : f32 to vector<16xf32>
      %broadcast_in_dim3A_133 = arith.constant 0.000000e+00 : f32
      %broadcast_in_dim3A_134 = vector.broadcast %broadcast_in_dim3A_133 : f32 to vector<16xf32>
      %broadcast_in_dim3A_135 = arith.constant 0.000000e+00 : f32
      %broadcast_in_dim3A_136 = vector.broadcast %broadcast_in_dim3A_135 : f32 to vector<16xf32>
      %broadcast_in_dim3A_137 = arith.constant 0.000000e+00 : f32
      %broadcast_in_dim3A_138 = vector.broadcast %broadcast_in_dim3A_137 : f32 to vector<16xf32>
      %broadcast_in_dim3A_139 = arith.constant 0.000000e+00 : f32
      %broadcast_in_dim3A_140 = vector.broadcast %broadcast_in_dim3A_139 : f32 to vector<16xf32>
      %scan3A = arith.constant 0 : i32
      %scan3A_141 = arith.constant 16 : i32
      %scan3A_142 = arith.addi %scan3A, %scan3A_141 : i32
      %scan3A_143 = arith.constant 1 : i32
      %scan3A_144:32 = scf.for %scan3A_829 = %scan3A to %scan3A_142 step %scan3A_143 iter_args(%scan3A_830 = %broadcast_in_dim3A_78, %scan3A_831 = %broadcast_in_dim3A_80, %scan3A_832 = %broadcast_in_dim3A_82, %scan3A_833 = %broadcast_in_dim3A_84, %scan3A_834 = %broadcast_in_dim3A_86, %scan3A_835 = %broadcast_in_dim3A_88, %scan3A_836 = %broadcast_in_dim3A_90, %scan3A_837 = %broadcast_in_dim3A_92, %scan3A_838 = %broadcast_in_dim3A_94, %scan3A_839 = %broadcast_in_dim3A_96, %scan3A_840 = %broadcast_in_dim3A_98, %scan3A_841 = %broadcast_in_dim3A_100, %scan3A_842 = %broadcast_in_dim3A_102, %scan3A_843 = %broadcast_in_dim3A_104, %scan3A_844 = %broadcast_in_dim3A_106, %scan3A_845 = %broadcast_in_dim3A_108, %scan3A_846 = %broadcast_in_dim3A_110, %scan3A_847 = %broadcast_in_dim3A_112, %scan3A_848 = %broadcast_in_dim3A_114, %scan3A_849 = %broadcast_in_dim3A_116, %scan3A_850 = %broadcast_in_dim3A_118, %scan3A_851 = %broadcast_in_dim3A_120, %scan3A_852 = %broadcast_in_dim3A_122, %scan3A_853 = %broadcast_in_dim3A_124, %scan3A_854 = %broadcast_in_dim3A_126, %scan3A_855 = %broadcast_in_dim3A_128, %scan3A_856 = %broadcast_in_dim3A_130, %scan3A_857 = %broadcast_in_dim3A_132, %scan3A_858 = %broadcast_in_dim3A_134, %scan3A_859 = %broadcast_in_dim3A_136, %scan3A_860 = %broadcast_in_dim3A_138, %scan3A_861 = %broadcast_in_dim3A_140) -> (vector<16xf32>, vector<16xf32>, vector<16xf32>, vector<16xf32>, vector<16xf32>, vector<16xf32>, vector<16xf32>, vector<16xf32>, vector<16xf32>, vector<16xf32>, vector<16xf32>, vector<16xf32>, vector<16xf32>, vector<16xf32>, vector<16xf32>, vector<16xf32>, vector<16xf32>, vector<16xf32>, vector<16xf32>, vector<16xf32>, vector<16xf32>, vector<16xf32>, vector<16xf32>, vector<16xf32>, vector<16xf32>, vector<16xf32>, vector<16xf32>, vector<16xf32>, vector<16xf32>, vector<16xf32>, vector<16xf32>, vector<16xf32>)  : i32 {
        %mul3A_862 = arith.constant 2 : i32
        %mul3A_863 = arith.muli %scan3A_829, %mul3A_862 : i32
        %add3A_864 = arith.constant 0 : i32
        %add3A_865 = arith.addi %mul3A_863, %add3A_864 : i32
        %add3A_866 = arith.constant 0 : i32
        %add3A_867 = arith.addi %add3A_866, %add3A_865 : i32
        %get3A = arith.index_cast %add3A_867 : i32 to index
        %get3A_868 = arith.constant 0 : index
        %get3A_869 = tpu.vector_load %arg6[%get3A, %get3A_868] {strides = array<i32>} : memref<128x128xf32, #tpu.memory_space<vmem>>, vector<1x16xf32>,
        %get3A_870 = vector.shape_cast %get3A_869 : vector<1x16xf32> to vector<16xf32>
        %add3A_871 = arith.addf %scan3A_830, %get3A_870 : vector<16xf32>
        %get3A_872 = arith.index_cast %add3A_867 : i32 to index
        %get3A_873 = arith.constant 16 : index
        %get3A_874 = tpu.vector_load %arg6[%get3A_872, %get3A_873] {strides = array<i32>} : memref<128x128xf32, #tpu.memory_space<vmem>>, vector<1x16xf32>,
        %get3A_875 = vector.shape_cast %get3A_874 : vector<1x16xf32> to vector<16xf32>
        %add3A_876 = arith.addf %scan3A_831, %get3A_875 : vector<16xf32>
        %get3A_877 = arith.index_cast %add3A_867 : i32 to index
        %get3A_878 = arith.constant 32 : index
        %get3A_879 = tpu.vector_load %arg6[%get3A_877, %get3A_878] {strides = array<i32>} : memref<128x128xf32, #tpu.memory_space<vmem>>, vector<1x16xf32>,
        %get3A_880 = vector.shape_cast %get3A_879 : vector<1x16xf32> to vector<16xf32>
        %add3A_881 = arith.addf %scan3A_832, %get3A_880 : vector<16xf32>
        %get3A_882 = arith.index_cast %add3A_867 : i32 to index
        %get3A_883 = arith.constant 48 : index
        %get3A_884 = tpu.vector_load %arg6[%get3A_882, %get3A_883] {strides = array<i32>} : memref<128x128xf32, #tpu.memory_space<vmem>>, vector<1x16xf32>,
        %get3A_885 = vector.shape_cast %get3A_884 : vector<1x16xf32> to vector<16xf32>
        %add3A_886 = arith.addf %scan3A_833, %get3A_885 : vector<16xf32>
        %get3A_887 = arith.index_cast %add3A_867 : i32 to index
        %get3A_888 = arith.constant 64 : index
        %get3A_889 = tpu.vector_load %arg6[%get3A_887, %get3A_888] {strides = array<i32>} : memref<128x128xf32, #tpu.memory_space<vmem>>, vector<1x16xf32>,
        %get3A_890 = vector.shape_cast %get3A_889 : vector<1x16xf32> to vector<16xf32>
        %add3A_891 = arith.addf %scan3A_834, %get3A_890 : vector<16xf32>
        %get3A_892 = arith.index_cast %add3A_867 : i32 to index
        %get3A_893 = arith.constant 80 : index
        %get3A_894 = tpu.vector_load %arg6[%get3A_892, %get3A_893] {strides = array<i32>} : memref<128x128xf32, #tpu.memory_space<vmem>>, vector<1x16xf32>,
        %get3A_895 = vector.shape_cast %get3A_894 : vector<1x16xf32> to vector<16xf32>
        %add3A_896 = arith.addf %scan3A_835, %get3A_895 : vector<16xf32>
        %get3A_897 = arith.index_cast %add3A_867 : i32 to index
        %get3A_898 = arith.constant 96 : index
        %get3A_899 = tpu.vector_load %arg6[%get3A_897, %get3A_898] {strides = array<i32>} : memref<128x128xf32, #tpu.memory_space<vmem>>, vector<1x16xf32>,
        %get3A_900 = vector.shape_cast %get3A_899 : vector<1x16xf32> to vector<16xf32>
        %add3A_901 = arith.addf %scan3A_836, %get3A_900 : vector<16xf32>
        %get3A_902 = arith.index_cast %add3A_867 : i32 to index
        %get3A_903 = arith.constant 112 : index
        %get3A_904 = tpu.vector_load %arg6[%get3A_902, %get3A_903] {strides = array<i32>} : memref<128x128xf32, #tpu.memory_space<vmem>>, vector<1x16xf32>,
        %get3A_905 = vector.shape_cast %get3A_904 : vector<1x16xf32> to vector<16xf32>
        %add3A_906 = arith.addf %scan3A_837, %get3A_905 : vector<16xf32>
        %add3A_907 = arith.constant 32 : i32
        %add3A_908 = arith.addi %add3A_907, %add3A_865 : i32
        %get3A_909 = arith.index_cast %add3A_908 : i32 to index
        %get3A_910 = arith.constant 0 : index
        %get3A_911 = tpu.vector_load %arg6[%get3A_909, %get3A_910] {strides = array<i32>} : memref<128x128xf32, #tpu.memory_space<vmem>>, vector<1x16xf32>,
        %get3A_912 = vector.shape_cast %get3A_911 : vector<1x16xf32> to vector<16xf32>
        %add3A_913 = arith.addf %scan3A_838, %get3A_912 : vector<16xf32>
        %get3A_914 = arith.index_cast %add3A_908 : i32 to index
        %get3A_915 = arith.constant 16 : index
        %get3A_916 = tpu.vector_load %arg6[%get3A_914, %get3A_915] {strides = array<i32>} : memref<128x128xf32, #tpu.memory_space<vmem>>, vector<1x16xf32>,
        %get3A_917 = vector.shape_cast %get3A_916 : vector<1x16xf32> to vector<16xf32>
        %add3A_918 = arith.addf %scan3A_839, %get3A_917 : vector<16xf32>
        %get3A_919 = arith.index_cast %add3A_908 : i32 to index
        %get3A_920 = arith.constant 32 : index
        %get3A_921 = tpu.vector_load %arg6[%get3A_919, %get3A_920] {strides = array<i32>} : memref<128x128xf32, #tpu.memory_space<vmem>>, vector<1x16xf32>,
        %get3A_922 = vector.shape_cast %get3A_921 : vector<1x16xf32> to vector<16xf32>
        %add3A_923 = arith.addf %scan3A_840, %get3A_922 : vector<16xf32>
        %get3A_924 = arith.index_cast %add3A_908 : i32 to index
        %get3A_925 = arith.constant 48 : index
        %get3A_926 = tpu.vector_load %arg6[%get3A_924, %get3A_925] {strides = array<i32>} : memref<128x128xf32, #tpu.memory_space<vmem>>, vector<1x16xf32>,
        %get3A_927 = vector.shape_cast %get3A_926 : vector<1x16xf32> to vector<16xf32>
        %add3A_928 = arith.addf %scan3A_841, %get3A_927 : vector<16xf32>
        %get3A_929 = arith.index_cast %add3A_908 : i32 to index
        %get3A_930 = arith.constant 64 : index
        %get3A_931 = tpu.vector_load %arg6[%get3A_929, %get3A_930] {strides = array<i32>} : memref<128x128xf32, #tpu.memory_space<vmem>>, vector<1x16xf32>,
        %get3A_932 = vector.shape_cast %get3A_931 : vector<1x16xf32> to vector<16xf32>
        %add3A_933 = arith.addf %scan3A_842, %get3A_932 : vector<16xf32>
        %get3A_934 = arith.index_cast %add3A_908 : i32 to index
        %get3A_935 = arith.constant 80 : index
        %get3A_936 = tpu.vector_load %arg6[%get3A_934, %get3A_935] {strides = array<i32>} : memref<128x128xf32, #tpu.memory_space<vmem>>, vector<1x16xf32>,
        %get3A_937 = vector.shape_cast %get3A_936 : vector<1x16xf32> to vector<16xf32>
        %add3A_938 = arith.addf %scan3A_843, %get3A_937 : vector<16xf32>
        %get3A_939 = arith.index_cast %add3A_908 : i32 to index
        %get3A_940 = arith.constant 96 : index
        %get3A_941 = tpu.vector_load %arg6[%get3A_939, %get3A_940] {strides = array<i32>} : memref<128x128xf32, #tpu.memory_space<vmem>>, vector<1x16xf32>,
        %get3A_942 = vector.shape_cast %get3A_941 : vector<1x16xf32> to vector<16xf32>
        %add3A_943 = arith.addf %scan3A_844, %get3A_942 : vector<16xf32>
        %get3A_944 = arith.index_cast %add3A_908 : i32 to index
        %get3A_945 = arith.constant 112 : index
        %get3A_946 = tpu.vector_load %arg6[%get3A_944, %get3A_945] {strides = array<i32>} : memref<128x128xf32, #tpu.memory_space<vmem>>, vector<1x16xf32>,
        %get3A_947 = vector.shape_cast %get3A_946 : vector<1x16xf32> to vector<16xf32>
        %add3A_948 = arith.addf %scan3A_845, %get3A_947 : vector<16xf32>
        %add3A_949 = arith.constant 64 : i32
        %add3A_950 = arith.addi %add3A_949, %add3A_865 : i32
        %get3A_951 = arith.index_cast %add3A_950 : i32 to index
        %get3A_952 = arith.constant 0 : index
        %get3A_953 = tpu.vector_load %arg6[%get3A_951, %get3A_952] {strides = array<i32>} : memref<128x128xf32, #tpu.memory_space<vmem>>, vector<1x16xf32>,
        %get3A_954 = vector.shape_cast %get3A_953 : vector<1x16xf32> to vector<16xf32>
        %add3A_955 = arith.addf %scan3A_846, %get3A_954 : vector<16xf32>
        %get3A_956 = arith.index_cast %add3A_950 : i32 to index
        %get3A_957 = arith.constant 16 : index
        %get3A_958 = tpu.vector_load %arg6[%get3A_956, %get3A_957] {strides = array<i32>} : memref<128x128xf32, #tpu.memory_space<vmem>>, vector<1x16xf32>,
        %get3A_959 = vector.shape_cast %get3A_958 : vector<1x16xf32> to vector<16xf32>
        %add3A_960 = arith.addf %scan3A_847, %get3A_959 : vector<16xf32>
        %get3A_961 = arith.index_cast %add3A_950 : i32 to index
        %get3A_962 = arith.constant 32 : index
        %get3A_963 = tpu.vector_load %arg6[%get3A_961, %get3A_962] {strides = array<i32>} : memref<128x128xf32, #tpu.memory_space<vmem>>, vector<1x16xf32>,
        %get3A_964 = vector.shape_cast %get3A_963 : vector<1x16xf32> to vector<16xf32>
        %add3A_965 = arith.addf %scan3A_848, %get3A_964 : vector<16xf32>
        %get3A_966 = arith.index_cast %add3A_950 : i32 to index
        %get3A_967 = arith.constant 48 : index
        %get3A_968 = tpu.vector_load %arg6[%get3A_966, %get3A_967] {strides = array<i32>} : memref<128x128xf32, #tpu.memory_space<vmem>>, vector<1x16xf32>,
        %get3A_969 = vector.shape_cast %get3A_968 : vector<1x16xf32> to vector<16xf32>
        %add3A_970 = arith.addf %scan3A_849, %get3A_969 : vector<16xf32>
        %get3A_971 = arith.index_cast %add3A_950 : i32 to index
        %get3A_972 = arith.constant 64 : index
        %get3A_973 = tpu.vector_load %arg6[%get3A_971, %get3A_972] {strides = array<i32>} : memref<128x128xf32, #tpu.memory_space<vmem>>, vector<1x16xf32>,
        %get3A_974 = vector.shape_cast %get3A_973 : vector<1x16xf32> to vector<16xf32>
        %add3A_975 = arith.addf %scan3A_850, %get3A_974 : vector<16xf32>
        %get3A_976 = arith.index_cast %add3A_950 : i32 to index
        %get3A_977 = arith.constant 80 : index
        %get3A_978 = tpu.vector_load %arg6[%get3A_976, %get3A_977] {strides = array<i32>} : memref<128x128xf32, #tpu.memory_space<vmem>>, vector<1x16xf32>,
        %get3A_979 = vector.shape_cast %get3A_978 : vector<1x16xf32> to vector<16xf32>
        %add3A_980 = arith.addf %scan3A_851, %get3A_979 : vector<16xf32>
        %get3A_981 = arith.index_cast %add3A_950 : i32 to index
        %get3A_982 = arith.constant 96 : index
        %get3A_983 = tpu.vector_load %arg6[%get3A_981, %get3A_982] {strides = array<i32>} : memref<128x128xf32, #tpu.memory_space<vmem>>, vector<1x16xf32>,
        %get3A_984 = vector.shape_cast %get3A_983 : vector<1x16xf32> to vector<16xf32>
        %add3A_985 = arith.addf %scan3A_852, %get3A_984 : vector<16xf32>
        %get3A_986 = arith.index_cast %add3A_950 : i32 to index
        %get3A_987 = arith.constant 112 : index
        %get3A_988 = tpu.vector_load %arg6[%get3A_986, %get3A_987] {strides = array<i32>} : memref<128x128xf32, #tpu.memory_space<vmem>>, vector<1x16xf32>,
        %get3A_989 = vector.shape_cast %get3A_988 : vector<1x16xf32> to vector<16xf32>
        %add3A_990 = arith.addf %scan3A_853, %get3A_989 : vector<16xf32>
        %add3A_991 = arith.constant 96 : i32
        %add3A_992 = arith.addi %add3A_991, %add3A_865 : i32
        %get3A_993 = arith.index_cast %add3A_992 : i32 to index
        %get3A_994 = arith.constant 0 : index
        %get3A_995 = tpu.vector_load %arg6[%get3A_993, %get3A_994] {strides = array<i32>} : memref<128x128xf32, #tpu.memory_space<vmem>>, vector<1x16xf32>,
        %get3A_996 = vector.shape_cast %get3A_995 : vector<1x16xf32> to vector<16xf32>
        %add3A_997 = arith.addf %scan3A_854, %get3A_996 : vector<16xf32>
        %get3A_998 = arith.index_cast %add3A_992 : i32 to index
        %get3A_999 = arith.constant 16 : index
        %get3A_1000 = tpu.vector_load %arg6[%get3A_998, %get3A_999] {strides = array<i32>} : memref<128x128xf32, #tpu.memory_space<vmem>>, vector<1x16xf32>,
        %get3A_1001 = vector.shape_cast %get3A_1000 : vector<1x16xf32> to vector<16xf32>
        %add3A_1002 = arith.addf %scan3A_855, %get3A_1001 : vector<16xf32>
        %get3A_1003 = arith.index_cast %add3A_992 : i32 to index
        %get3A_1004 = arith.constant 32 : index
        %get3A_1005 = tpu.vector_load %arg6[%get3A_1003, %get3A_1004] {strides = array<i32>} : memref<128x128xf32, #tpu.memory_space<vmem>>, vector<1x16xf32>,
        %get3A_1006 = vector.shape_cast %get3A_1005 : vector<1x16xf32> to vector<16xf32>
        %add3A_1007 = arith.addf %scan3A_856, %get3A_1006 : vector<16xf32>
        %get3A_1008 = arith.index_cast %add3A_992 : i32 to index
        %get3A_1009 = arith.constant 48 : index
        %get3A_1010 = tpu.vector_load %arg6[%get3A_1008, %get3A_1009] {strides = array<i32>} : memref<128x128xf32, #tpu.memory_space<vmem>>, vector<1x16xf32>,
        %get3A_1011 = vector.shape_cast %get3A_1010 : vector<1x16xf32> to vector<16xf32>
        %add3A_1012 = arith.addf %scan3A_857, %get3A_1011 : vector<16xf32>
        %get3A_1013 = arith.index_cast %add3A_992 : i32 to index
        %get3A_1014 = arith.constant 64 : index
        %get3A_1015 = tpu.vector_load %arg6[%get3A_1013, %get3A_1014] {strides = array<i32>} : memref<128x128xf32, #tpu.memory_space<vmem>>, vector<1x16xf32>,
        %get3A_1016 = vector.shape_cast %get3A_1015 : vector<1x16xf32> to vector<16xf32>
        %add3A_1017 = arith.addf %scan3A_858, %get3A_1016 : vector<16xf32>
        %get3A_1018 = arith.index_cast %add3A_992 : i32 to index
        %get3A_1019 = arith.constant 80 : index
        %get3A_1020 = tpu.vector_load %arg6[%get3A_1018, %get3A_1019] {strides = array<i32>} : memref<128x128xf32, #tpu.memory_space<vmem>>, vector<1x16xf32>,
        %get3A_1021 = vector.shape_cast %get3A_1020 : vector<1x16xf32> to vector<16xf32>
        %add3A_1022 = arith.addf %scan3A_859, %get3A_1021 : vector<16xf32>
        %get3A_1023 = arith.index_cast %add3A_992 : i32 to index
        %get3A_1024 = arith.constant 96 : index
        %get3A_1025 = tpu.vector_load %arg6[%get3A_1023, %get3A_1024] {strides = array<i32>} : memref<128x128xf32, #tpu.memory_space<vmem>>, vector<1x16xf32>,
        %get3A_1026 = vector.shape_cast %get3A_1025 : vector<1x16xf32> to vector<16xf32>
        %add3A_1027 = arith.addf %scan3A_860, %get3A_1026 : vector<16xf32>
        %get3A_1028 = arith.index_cast %add3A_992 : i32 to index
        %get3A_1029 = arith.constant 112 : index
        %get3A_1030 = tpu.vector_load %arg6[%get3A_1028, %get3A_1029] {strides = array<i32>} : memref<128x128xf32, #tpu.memory_space<vmem>>, vector<1x16xf32>,
        %get3A_1031 = vector.shape_cast %get3A_1030 : vector<1x16xf32> to vector<16xf32>
        %add3A_1032 = arith.addf %scan3A_861, %get3A_1031 : vector<16xf32>
        %mul3A_1033 = arith.constant 2 : i32
        %mul3A_1034 = arith.muli %scan3A_829, %mul3A_1033 : i32
        %add3A_1035 = arith.constant 1 : i32
        %add3A_1036 = arith.addi %mul3A_1034, %add3A_1035 : i32
        %add3A_1037 = arith.constant 0 : i32
        %add3A_1038 = arith.addi %add3A_1037, %add3A_1036 : i32
        %get3A_1039 = arith.index_cast %add3A_1038 : i32 to index
        %get3A_1040 = arith.constant 0 : index
        %get3A_1041 = tpu.vector_load %arg6[%get3A_1039, %get3A_1040] {strides = array<i32>} : memref<128x128xf32, #tpu.memory_space<vmem>>, vector<1x16xf32>,
        %get3A_1042 = vector.shape_cast %get3A_1041 : vector<1x16xf32> to vector<16xf32>
        %add3A_1043 = arith.addf %add3A_871, %get3A_1042 : vector<16xf32>
        %get3A_1044 = arith.index_cast %add3A_1038 : i32 to index
        %get3A_1045 = arith.constant 16 : index
        %get3A_1046 = tpu.vector_load %arg6[%get3A_1044, %get3A_1045] {strides = array<i32>} : memref<128x128xf32, #tpu.memory_space<vmem>>, vector<1x16xf32>,
        %get3A_1047 = vector.shape_cast %get3A_1046 : vector<1x16xf32> to vector<16xf32>
        %add3A_1048 = arith.addf %add3A_876, %get3A_1047 : vector<16xf32>
        %get3A_1049 = arith.index_cast %add3A_1038 : i32 to index
        %get3A_1050 = arith.constant 32 : index
        %get3A_1051 = tpu.vector_load %arg6[%get3A_1049, %get3A_1050] {strides = array<i32>} : memref<128x128xf32, #tpu.memory_space<vmem>>, vector<1x16xf32>,
        %get3A_1052 = vector.shape_cast %get3A_1051 : vector<1x16xf32> to vector<16xf32>
        %add3A_1053 = arith.addf %add3A_881, %get3A_1052 : vector<16xf32>
        %get3A_1054 = arith.index_cast %add3A_1038 : i32 to index
        %get3A_1055 = arith.constant 48 : index
        %get3A_1056 = tpu.vector_load %arg6[%get3A_1054, %get3A_1055] {strides = array<i32>} : memref<128x128xf32, #tpu.memory_space<vmem>>, vector<1x16xf32>,
        %get3A_1057 = vector.shape_cast %get3A_1056 : vector<1x16xf32> to vector<16xf32>
        %add3A_1058 = arith.addf %add3A_886, %get3A_1057 : vector<16xf32>
        %get3A_1059 = arith.index_cast %add3A_1038 : i32 to index
        %get3A_1060 = arith.constant 64 : index
        %get3A_1061 = tpu.vector_load %arg6[%get3A_1059, %get3A_1060] {strides = array<i32>} : memref<128x128xf32, #tpu.memory_space<vmem>>, vector<1x16xf32>,
        %get3A_1062 = vector.shape_cast %get3A_1061 : vector<1x16xf32> to vector<16xf32>
        %add3A_1063 = arith.addf %add3A_891, %get3A_1062 : vector<16xf32>
        %get3A_1064 = arith.index_cast %add3A_1038 : i32 to index
        %get3A_1065 = arith.constant 80 : index
        %get3A_1066 = tpu.vector_load %arg6[%get3A_1064, %get3A_1065] {strides = array<i32>} : memref<128x128xf32, #tpu.memory_space<vmem>>, vector<1x16xf32>,
        %get3A_1067 = vector.shape_cast %get3A_1066 : vector<1x16xf32> to vector<16xf32>
        %add3A_1068 = arith.addf %add3A_896, %get3A_1067 : vector<16xf32>
        %get3A_1069 = arith.index_cast %add3A_1038 : i32 to index
        %get3A_1070 = arith.constant 96 : index
        %get3A_1071 = tpu.vector_load %arg6[%get3A_1069, %get3A_1070] {strides = array<i32>} : memref<128x128xf32, #tpu.memory_space<vmem>>, vector<1x16xf32>,
        %get3A_1072 = vector.shape_cast %get3A_1071 : vector<1x16xf32> to vector<16xf32>
        %add3A_1073 = arith.addf %add3A_901, %get3A_1072 : vector<16xf32>
        %get3A_1074 = arith.index_cast %add3A_1038 : i32 to index
        %get3A_1075 = arith.constant 112 : index
        %get3A_1076 = tpu.vector_load %arg6[%get3A_1074, %get3A_1075] {strides = array<i32>} : memref<128x128xf32, #tpu.memory_space<vmem>>, vector<1x16xf32>,
        %get3A_1077 = vector.shape_cast %get3A_1076 : vector<1x16xf32> to vector<16xf32>
        %add3A_1078 = arith.addf %add3A_906, %get3A_1077 : vector<16xf32>
        %add3A_1079 = arith.constant 32 : i32
        %add3A_1080 = arith.addi %add3A_1079, %add3A_1036 : i32
        %get3A_1081 = arith.index_cast %add3A_1080 : i32 to index
        %get3A_1082 = arith.constant 0 : index
        %get3A_1083 = tpu.vector_load %arg6[%get3A_1081, %get3A_1082] {strides = array<i32>} : memref<128x128xf32, #tpu.memory_space<vmem>>, vector<1x16xf32>,
        %get3A_1084 = vector.shape_cast %get3A_1083 : vector<1x16xf32> to vector<16xf32>
        %add3A_1085 = arith.addf %add3A_913, %get3A_1084 : vector<16xf32>
        %get3A_1086 = arith.index_cast %add3A_1080 : i32 to index
        %get3A_1087 = arith.constant 16 : index
        %get3A_1088 = tpu.vector_load %arg6[%get3A_1086, %get3A_1087] {strides = array<i32>} : memref<128x128xf32, #tpu.memory_space<vmem>>, vector<1x16xf32>,
        %get3A_1089 = vector.shape_cast %get3A_1088 : vector<1x16xf32> to vector<16xf32>
        %add3A_1090 = arith.addf %add3A_918, %get3A_1089 : vector<16xf32>
        %get3A_1091 = arith.index_cast %add3A_1080 : i32 to index
        %get3A_1092 = arith.constant 32 : index
        %get3A_1093 = tpu.vector_load %arg6[%get3A_1091, %get3A_1092] {strides = array<i32>} : memref<128x128xf32, #tpu.memory_space<vmem>>, vector<1x16xf32>,
        %get3A_1094 = vector.shape_cast %get3A_1093 : vector<1x16xf32> to vector<16xf32>
        %add3A_1095 = arith.addf %add3A_923, %get3A_1094 : vector<16xf32>
        %get3A_1096 = arith.index_cast %add3A_1080 : i32 to index
        %get3A_1097 = arith.constant 48 : index
        %get3A_1098 = tpu.vector_load %arg6[%get3A_1096, %get3A_1097] {strides = array<i32>} : memref<128x128xf32, #tpu.memory_space<vmem>>, vector<1x16xf32>,
        %get3A_1099 = vector.shape_cast %get3A_1098 : vector<1x16xf32> to vector<16xf32>
        %add3A_1100 = arith.addf %add3A_928, %get3A_1099 : vector<16xf32>
        %get3A_1101 = arith.index_cast %add3A_1080 : i32 to index
        %get3A_1102 = arith.constant 64 : index
        %get3A_1103 = tpu.vector_load %arg6[%get3A_1101, %get3A_1102] {strides = array<i32>} : memref<128x128xf32, #tpu.memory_space<vmem>>, vector<1x16xf32>,
        %get3A_1104 = vector.shape_cast %get3A_1103 : vector<1x16xf32> to vector<16xf32>
        %add3A_1105 = arith.addf %add3A_933, %get3A_1104 : vector<16xf32>
        %get3A_1106 = arith.index_cast %add3A_1080 : i32 to index
        %get3A_1107 = arith.constant 80 : index
        %get3A_1108 = tpu.vector_load %arg6[%get3A_1106, %get3A_1107] {strides = array<i32>} : memref<128x128xf32, #tpu.memory_space<vmem>>, vector<1x16xf32>,
        %get3A_1109 = vector.shape_cast %get3A_1108 : vector<1x16xf32> to vector<16xf32>
        %add3A_1110 = arith.addf %add3A_938, %get3A_1109 : vector<16xf32>
        %get3A_1111 = arith.index_cast %add3A_1080 : i32 to index
        %get3A_1112 = arith.constant 96 : index
        %get3A_1113 = tpu.vector_load %arg6[%get3A_1111, %get3A_1112] {strides = array<i32>} : memref<128x128xf32, #tpu.memory_space<vmem>>, vector<1x16xf32>,
        %get3A_1114 = vector.shape_cast %get3A_1113 : vector<1x16xf32> to vector<16xf32>
        %add3A_1115 = arith.addf %add3A_943, %get3A_1114 : vector<16xf32>
        %get3A_1116 = arith.index_cast %add3A_1080 : i32 to index
        %get3A_1117 = arith.constant 112 : index
        %get3A_1118 = tpu.vector_load %arg6[%get3A_1116, %get3A_1117] {strides = array<i32>} : memref<128x128xf32, #tpu.memory_space<vmem>>, vector<1x16xf32>,
        %get3A_1119 = vector.shape_cast %get3A_1118 : vector<1x16xf32> to vector<16xf32>
        %add3A_1120 = arith.addf %add3A_948, %get3A_1119 : vector<16xf32>
        %add3A_1121 = arith.constant 64 : i32
        %add3A_1122 = arith.addi %add3A_1121, %add3A_1036 : i32
        %get3A_1123 = arith.index_cast %add3A_1122 : i32 to index
        %get3A_1124 = arith.constant 0 : index
        %get3A_1125 = tpu.vector_load %arg6[%get3A_1123, %get3A_1124] {strides = array<i32>} : memref<128x128xf32, #tpu.memory_space<vmem>>, vector<1x16xf32>,
        %get3A_1126 = vector.shape_cast %get3A_1125 : vector<1x16xf32> to vector<16xf32>
        %add3A_1127 = arith.addf %add3A_955, %get3A_1126 : vector<16xf32>
        %get3A_1128 = arith.index_cast %add3A_1122 : i32 to index
        %get3A_1129 = arith.constant 16 : index
        %get3A_1130 = tpu.vector_load %arg6[%get3A_1128, %get3A_1129] {strides = array<i32>} : memref<128x128xf32, #tpu.memory_space<vmem>>, vector<1x16xf32>,
        %get3A_1131 = vector.shape_cast %get3A_1130 : vector<1x16xf32> to vector<16xf32>
        %add3A_1132 = arith.addf %add3A_960, %get3A_1131 : vector<16xf32>
        %get3A_1133 = arith.index_cast %add3A_1122 : i32 to index
        %get3A_1134 = arith.constant 32 : index
        %get3A_1135 = tpu.vector_load %arg6[%get3A_1133, %get3A_1134] {strides = array<i32>} : memref<128x128xf32, #tpu.memory_space<vmem>>, vector<1x16xf32>,
        %get3A_1136 = vector.shape_cast %get3A_1135 : vector<1x16xf32> to vector<16xf32>
        %add3A_1137 = arith.addf %add3A_965, %get3A_1136 : vector<16xf32>
        %get3A_1138 = arith.index_cast %add3A_1122 : i32 to index
        %get3A_1139 = arith.constant 48 : index
        %get3A_1140 = tpu.vector_load %arg6[%get3A_1138, %get3A_1139] {strides = array<i32>} : memref<128x128xf32, #tpu.memory_space<vmem>>, vector<1x16xf32>,
        %get3A_1141 = vector.shape_cast %get3A_1140 : vector<1x16xf32> to vector<16xf32>
        %add3A_1142 = arith.addf %add3A_970, %get3A_1141 : vector<16xf32>
        %get3A_1143 = arith.index_cast %add3A_1122 : i32 to index
        %get3A_1144 = arith.constant 64 : index
        %get3A_1145 = tpu.vector_load %arg6[%get3A_1143, %get3A_1144] {strides = array<i32>} : memref<128x128xf32, #tpu.memory_space<vmem>>, vector<1x16xf32>,
        %get3A_1146 = vector.shape_cast %get3A_1145 : vector<1x16xf32> to vector<16xf32>
        %add3A_1147 = arith.addf %add3A_975, %get3A_1146 : vector<16xf32>
        %get3A_1148 = arith.index_cast %add3A_1122 : i32 to index
        %get3A_1149 = arith.constant 80 : index
        %get3A_1150 = tpu.vector_load %arg6[%get3A_1148, %get3A_1149] {strides = array<i32>} : memref<128x128xf32, #tpu.memory_space<vmem>>, vector<1x16xf32>,
        %get3A_1151 = vector.shape_cast %get3A_1150 : vector<1x16xf32> to vector<16xf32>
        %add3A_1152 = arith.addf %add3A_980, %get3A_1151 : vector<16xf32>
        %get3A_1153 = arith.index_cast %add3A_1122 : i32 to index
        %get3A_1154 = arith.constant 96 : index
        %get3A_1155 = tpu.vector_load %arg6[%get3A_1153, %get3A_1154] {strides = array<i32>} : memref<128x128xf32, #tpu.memory_space<vmem>>, vector<1x16xf32>,
        %get3A_1156 = vector.shape_cast %get3A_1155 : vector<1x16xf32> to vector<16xf32>
        %add3A_1157 = arith.addf %add3A_985, %get3A_1156 : vector<16xf32>
        %get3A_1158 = arith.index_cast %add3A_1122 : i32 to index
        %get3A_1159 = arith.constant 112 : index
        %get3A_1160 = tpu.vector_load %arg6[%get3A_1158, %get3A_1159] {strides = array<i32>} : memref<128x128xf32, #tpu.memory_space<vmem>>, vector<1x16xf32>,
        %get3A_1161 = vector.shape_cast %get3A_1160 : vector<1x16xf32> to vector<16xf32>
        %add3A_1162 = arith.addf %add3A_990, %get3A_1161 : vector<16xf32>
        %add3A_1163 = arith.constant 96 : i32
        %add3A_1164 = arith.addi %add3A_1163, %add3A_1036 : i32
        %get3A_1165 = arith.index_cast %add3A_1164 : i32 to index
        %get3A_1166 = arith.constant 0 : index
        %get3A_1167 = tpu.vector_load %arg6[%get3A_1165, %get3A_1166] {strides = array<i32>} : memref<128x128xf32, #tpu.memory_space<vmem>>, vector<1x16xf32>,
        %get3A_1168 = vector.shape_cast %get3A_1167 : vector<1x16xf32> to vector<16xf32>
        %add3A_1169 = arith.addf %add3A_997, %get3A_1168 : vector<16xf32>
        %get3A_1170 = arith.index_cast %add3A_1164 : i32 to index
        %get3A_1171 = arith.constant 16 : index
        %get3A_1172 = tpu.vector_load %arg6[%get3A_1170, %get3A_1171] {strides = array<i32>} : memref<128x128xf32, #tpu.memory_space<vmem>>, vector<1x16xf32>,
        %get3A_1173 = vector.shape_cast %get3A_1172 : vector<1x16xf32> to vector<16xf32>
        %add3A_1174 = arith.addf %add3A_1002, %get3A_1173 : vector<16xf32>
        %get3A_1175 = arith.index_cast %add3A_1164 : i32 to index
        %get3A_1176 = arith.constant 32 : index
        %get3A_1177 = tpu.vector_load %arg6[%get3A_1175, %get3A_1176] {strides = array<i32>} : memref<128x128xf32, #tpu.memory_space<vmem>>, vector<1x16xf32>,
        %get3A_1178 = vector.shape_cast %get3A_1177 : vector<1x16xf32> to vector<16xf32>
        %add3A_1179 = arith.addf %add3A_1007, %get3A_1178 : vector<16xf32>
        %get3A_1180 = arith.index_cast %add3A_1164 : i32 to index
        %get3A_1181 = arith.constant 48 : index
        %get3A_1182 = tpu.vector_load %arg6[%get3A_1180, %get3A_1181] {strides = array<i32>} : memref<128x128xf32, #tpu.memory_space<vmem>>, vector<1x16xf32>,
        %get3A_1183 = vector.shape_cast %get3A_1182 : vector<1x16xf32> to vector<16xf32>
        %add3A_1184 = arith.addf %add3A_1012, %get3A_1183 : vector<16xf32>
        %get3A_1185 = arith.index_cast %add3A_1164 : i32 to index
        %get3A_1186 = arith.constant 64 : index
        %get3A_1187 = tpu.vector_load %arg6[%get3A_1185, %get3A_1186] {strides = array<i32>} : memref<128x128xf32, #tpu.memory_space<vmem>>, vector<1x16xf32>,
        %get3A_1188 = vector.shape_cast %get3A_1187 : vector<1x16xf32> to vector<16xf32>
        %add3A_1189 = arith.addf %add3A_1017, %get3A_1188 : vector<16xf32>
        %get3A_1190 = arith.index_cast %add3A_1164 : i32 to index
        %get3A_1191 = arith.constant 80 : index
        %get3A_1192 = tpu.vector_load %arg6[%get3A_1190, %get3A_1191] {strides = array<i32>} : memref<128x128xf32, #tpu.memory_space<vmem>>, vector<1x16xf32>,
        %get3A_1193 = vector.shape_cast %get3A_1192 : vector<1x16xf32> to vector<16xf32>
        %add3A_1194 = arith.addf %add3A_1022, %get3A_1193 : vector<16xf32>
        %get3A_1195 = arith.index_cast %add3A_1164 : i32 to index
        %get3A_1196 = arith.constant 96 : index
        %get3A_1197 = tpu.vector_load %arg6[%get3A_1195, %get3A_1196] {strides = array<i32>} : memref<128x128xf32, #tpu.memory_space<vmem>>, vector<1x16xf32>,
        %get3A_1198 = vector.shape_cast %get3A_1197 : vector<1x16xf32> to vector<16xf32>
        %add3A_1199 = arith.addf %add3A_1027, %get3A_1198 : vector<16xf32>
        %get3A_1200 = arith.index_cast %add3A_1164 : i32 to index
        %get3A_1201 = arith.constant 112 : index
        %get3A_1202 = tpu.vector_load %arg6[%get3A_1200, %get3A_1201] {strides = array<i32>} : memref<128x128xf32, #tpu.memory_space<vmem>>, vector<1x16xf32>,
        %get3A_1203 = vector.shape_cast %get3A_1202 : vector<1x16xf32> to vector<16xf32>
        %add3A_1204 = arith.addf %add3A_1032, %get3A_1203 : vector<16xf32>
        scf.yield %add3A_1043, %add3A_1048, %add3A_1053, %add3A_1058, %add3A_1063, %add3A_1068, %add3A_1073, %add3A_1078, %add3A_1085, %add3A_1090, %add3A_1095, %add3A_1100, %add3A_1105, %add3A_1110, %add3A_1115, %add3A_1120, %add3A_1127, %add3A_1132, %add3A_1137, %add3A_1142, %add3A_1147, %add3A_1152, %add3A_1157, %add3A_1162, %add3A_1169, %add3A_1174, %add3A_1179, %add3A_1184, %add3A_1189, %add3A_1194, %add3A_1199, %add3A_1204 : vector<16xf32>, vector<16xf32>, vector<16xf32>, vector<16xf32>, vector<16xf32>, vector<16xf32>, vector<16xf32>, vector<16xf32>, vector<16xf32>, vector<16xf32>, vector<16xf32>, vector<16xf32>, vector<16xf32>, vector<16xf32>, vector<16xf32>, vector<16xf32>, vector<16xf32>, vector<16xf32>, vector<16xf32>, vector<16xf32>, vector<16xf32>, vector<16xf32>, vector<16xf32>, vector<16xf32>, vector<16xf32>, vector<16xf32>, vector<16xf32>, vector<16xf32>, vector<16xf32>, vector<16xf32>, vector<16xf32>, vector<16xf32>
      }
      %scan3A_145 = arith.constant 16 : i32
      %mul3A_146 = arith.constant 3.125000e-02 : f32
      %mul3A_147 = vector.broadcast %mul3A_146 : f32 to vector<16xf32>
      %mul3A_148 = arith.mulf %scan3A_144#0, %mul3A_147 : vector<16xf32>
      %swap3A = arith.constant 0 : i32
      %swap3A_149 = arith.index_cast %swap3A : i32 to index
      %swap3A_150 = arith.constant 0 : index
      %swap3A_151 = tpu.vector_load %arg8[%swap3A_149, %swap3A_150] {strides = array<i32>} : memref<4x128xf32, #tpu.memory_space<vmem>>, vector<1x16xf32>,
      %swap3A_152 = vector.shape_cast %swap3A_151 : vector<1x16xf32> to vector<16xf32>
      %swap3A_153 = vector.shape_cast %mul3A_148 : vector<16xf32> to vector<1x16xf32>
      tpu.vector_store %arg8[%swap3A_149, %swap3A_150], %swap3A_153 {strides = array<i32>} : memref<4x128xf32, #tpu.memory_space<vmem>>, vector<1x16xf32>,
      %mul3A_154 = arith.constant 3.125000e-02 : f32
      %mul3A_155 = vector.broadcast %mul3A_154 : f32 to vector<16xf32>
      %mul3A_156 = arith.mulf %scan3A_144#1, %mul3A_155 : vector<16xf32>
      %swap3A_157 = arith.constant 0 : i32
      %swap3A_158 = arith.index_cast %swap3A_157 : i32 to index
      %swap3A_159 = arith.constant 16 : index
      %swap3A_160 = tpu.vector_load %arg8[%swap3A_158, %swap3A_159] {strides = array<i32>} : memref<4x128xf32, #tpu.memory_space<vmem>>, vector<1x16xf32>,
      %swap3A_161 = vector.shape_cast %swap3A_160 : vector<1x16xf32> to vector<16xf32>
      %swap3A_162 = vector.shape_cast %mul3A_156 : vector<16xf32> to vector<1x16xf32>
      tpu.vector_store %arg8[%swap3A_158, %swap3A_159], %swap3A_162 {strides = array<i32>} : memref<4x128xf32, #tpu.memory_space<vmem>>, vector<1x16xf32>,
      %mul3A_163 = arith.constant 3.125000e-02 : f32
      %mul3A_164 = vector.broadcast %mul3A_163 : f32 to vector<16xf32>
      %mul3A_165 = arith.mulf %scan3A_144#2, %mul3A_164 : vector<16xf32>
      %swap3A_166 = arith.constant 0 : i32
      %swap3A_167 = arith.index_cast %swap3A_166 : i32 to index
      %swap3A_168 = arith.constant 32 : index
      %swap3A_169 = tpu.vector_load %arg8[%swap3A_167, %swap3A_168] {strides = array<i32>} : memref<4x128xf32, #tpu.memory_space<vmem>>, vector<1x16xf32>,
      %swap3A_170 = vector.shape_cast %swap3A_169 : vector<1x16xf32> to vector<16xf32>
      %swap3A_171 = vector.shape_cast %mul3A_165 : vector<16xf32> to vector<1x16xf32>
      tpu.vector_store %arg8[%swap3A_167, %swap3A_168], %swap3A_171 {strides = array<i32>} : memref<4x128xf32, #tpu.memory_space<vmem>>, vector<1x16xf32>,
      %mul3A_172 = arith.constant 3.125000e-02 : f32
      %mul3A_173 = vector.broadcast %mul3A_172 : f32 to vector<16xf32>
      %mul3A_174 = arith.mulf %scan3A_144#3, %mul3A_173 : vector<16xf32>
      %swap3A_175 = arith.constant 0 : i32
      %swap3A_176 = arith.index_cast %swap3A_175 : i32 to index
      %swap3A_177 = arith.constant 48 : index
      %swap3A_178 = tpu.vector_load %arg8[%swap3A_176, %swap3A_177] {strides = array<i32>} : memref<4x128xf32, #tpu.memory_space<vmem>>, vector<1x16xf32>,
      %swap3A_179 = vector.shape_cast %swap3A_178 : vector<1x16xf32> to vector<16xf32>
      %swap3A_180 = vector.shape_cast %mul3A_174 : vector<16xf32> to vector<1x16xf32>
      tpu.vector_store %arg8[%swap3A_176, %swap3A_177], %swap3A_180 {strides = array<i32>} : memref<4x128xf32, #tpu.memory_space<vmem>>, vector<1x16xf32>,
      %mul3A_181 = arith.constant 3.125000e-02 : f32
      %mul3A_182 = vector.broadcast %mul3A_181 : f32 to vector<16xf32>
      %mul3A_183 = arith.mulf %scan3A_144#4, %mul3A_182 : vector<16xf32>
      %swap3A_184 = arith.constant 0 : i32
      %swap3A_185 = arith.index_cast %swap3A_184 : i32 to index
      %swap3A_186 = arith.constant 64 : index
      %swap3A_187 = tpu.vector_load %arg8[%swap3A_185, %swap3A_186] {strides = array<i32>} : memref<4x128xf32, #tpu.memory_space<vmem>>, vector<1x16xf32>,
      %swap3A_188 = vector.shape_cast %swap3A_187 : vector<1x16xf32> to vector<16xf32>
      %swap3A_189 = vector.shape_cast %mul3A_183 : vector<16xf32> to vector<1x16xf32>
      tpu.vector_store %arg8[%swap3A_185, %swap3A_186], %swap3A_189 {strides = array<i32>} : memref<4x128xf32, #tpu.memory_space<vmem>>, vector<1x16xf32>,
      %mul3A_190 = arith.constant 3.125000e-02 : f32
      %mul3A_191 = vector.broadcast %mul3A_190 : f32 to vector<16xf32>
      %mul3A_192 = arith.mulf %scan3A_144#5, %mul3A_191 : vector<16xf32>
      %swap3A_193 = arith.constant 0 : i32
      %swap3A_194 = arith.index_cast %swap3A_193 : i32 to index
      %swap3A_195 = arith.constant 80 : index
      %swap3A_196 = tpu.vector_load %arg8[%swap3A_194, %swap3A_195] {strides = array<i32>} : memref<4x128xf32, #tpu.memory_space<vmem>>, vector<1x16xf32>,
      %swap3A_197 = vector.shape_cast %swap3A_196 : vector<1x16xf32> to vector<16xf32>
      %swap3A_198 = vector.shape_cast %mul3A_192 : vector<16xf32> to vector<1x16xf32>
      tpu.vector_store %arg8[%swap3A_194, %swap3A_195], %swap3A_198 {strides = array<i32>} : memref<4x128xf32, #tpu.memory_space<vmem>>, vector<1x16xf32>,
      %mul3A_199 = arith.constant 3.125000e-02 : f32
      %mul3A_200 = vector.broadcast %mul3A_199 : f32 to vector<16xf32>
      %mul3A_201 = arith.mulf %scan3A_144#6, %mul3A_200 : vector<16xf32>
      %swap3A_202 = arith.constant 0 : i32
      %swap3A_203 = arith.index_cast %swap3A_202 : i32 to index
      %swap3A_204 = arith.constant 96 : index
      %swap3A_205 = tpu.vector_load %arg8[%swap3A_203, %swap3A_204] {strides = array<i32>} : memref<4x128xf32, #tpu.memory_space<vmem>>, vector<1x16xf32>,
      %swap3A_206 = vector.shape_cast %swap3A_205 : vector<1x16xf32> to vector<16xf32>
      %swap3A_207 = vector.shape_cast %mul3A_201 : vector<16xf32> to vector<1x16xf32>
      tpu.vector_store %arg8[%swap3A_203, %swap3A_204], %swap3A_207 {strides = array<i32>} : memref<4x128xf32, #tpu.memory_space<vmem>>, vector<1x16xf32>,
      %mul3A_208 = arith.constant 3.125000e-02 : f32
      %mul3A_209 = vector.broadcast %mul3A_208 : f32 to vector<16xf32>
      %mul3A_210 = arith.mulf %scan3A_144#7, %mul3A_209 : vector<16xf32>
      %swap3A_211 = arith.constant 0 : i32
      %swap3A_212 = arith.index_cast %swap3A_211 : i32 to index
      %swap3A_213 = arith.constant 112 : index
      %swap3A_214 = tpu.vector_load %arg8[%swap3A_212, %swap3A_213] {strides = array<i32>} : memref<4x128xf32, #tpu.memory_space<vmem>>, vector<1x16xf32>,
      %swap3A_215 = vector.shape_cast %swap3A_214 : vector<1x16xf32> to vector<16xf32>
      %swap3A_216 = vector.shape_cast %mul3A_210 : vector<16xf32> to vector<1x16xf32>
      tpu.vector_store %arg8[%swap3A_212, %swap3A_213], %swap3A_216 {strides = array<i32>} : memref<4x128xf32, #tpu.memory_space<vmem>>, vector<1x16xf32>,
      %mul3A_217 = arith.constant 3.125000e-02 : f32
      %mul3A_218 = vector.broadcast %mul3A_217 : f32 to vector<16xf32>
      %mul3A_219 = arith.mulf %scan3A_144#8, %mul3A_218 : vector<16xf32>
      %swap3A_220 = arith.constant 1 : i32
      %swap3A_221 = arith.index_cast %swap3A_220 : i32 to index
      %swap3A_222 = arith.constant 0 : index
      %swap3A_223 = tpu.vector_load %arg8[%swap3A_221, %swap3A_222] {strides = array<i32>} : memref<4x128xf32, #tpu.memory_space<vmem>>, vector<1x16xf32>,
      %swap3A_224 = vector.shape_cast %swap3A_223 : vector<1x16xf32> to vector<16xf32>
      %swap3A_225 = vector.shape_cast %mul3A_219 : vector<16xf32> to vector<1x16xf32>
      tpu.vector_store %arg8[%swap3A_221, %swap3A_222], %swap3A_225 {strides = array<i32>} : memref<4x128xf32, #tpu.memory_space<vmem>>, vector<1x16xf32>,
      %mul3A_226 = arith.constant 3.125000e-02 : f32
      %mul3A_227 = vector.broadcast %mul3A_226 : f32 to vector<16xf32>
      %mul3A_228 = arith.mulf %scan3A_144#9, %mul3A_227 : vector<16xf32>
      %swap3A_229 = arith.constant 1 : i32
      %swap3A_230 = arith.index_cast %swap3A_229 : i32 to index
      %swap3A_231 = arith.constant 16 : index
      %swap3A_232 = tpu.vector_load %arg8[%swap3A_230, %swap3A_231] {strides = array<i32>} : memref<4x128xf32, #tpu.memory_space<vmem>>, vector<1x16xf32>,
      %swap3A_233 = vector.shape_cast %swap3A_232 : vector<1x16xf32> to vector<16xf32>
      %swap3A_234 = vector.shape_cast %mul3A_228 : vector<16xf32> to vector<1x16xf32>
      tpu.vector_store %arg8[%swap3A_230, %swap3A_231], %swap3A_234 {strides = array<i32>} : memref<4x128xf32, #tpu.memory_space<vmem>>, vector<1x16xf32>,
      %mul3A_235 = arith.constant 3.125000e-02 : f32
      %mul3A_236 = vector.broadcast %mul3A_235 : f32 to vector<16xf32>
      %mul3A_237 = arith.mulf %scan3A_144#10, %mul3A_236 : vector<16xf32>
      %swap3A_238 = arith.constant 1 : i32
      %swap3A_239 = arith.index_cast %swap3A_238 : i32 to index
      %swap3A_240 = arith.constant 32 : index
      %swap3A_241 = tpu.vector_load %arg8[%swap3A_239, %swap3A_240] {strides = array<i32>} : memref<4x128xf32, #tpu.memory_space<vmem>>, vector<1x16xf32>,
      %swap3A_242 = vector.shape_cast %swap3A_241 : vector<1x16xf32> to vector<16xf32>
      %swap3A_243 = vector.shape_cast %mul3A_237 : vector<16xf32> to vector<1x16xf32>
      tpu.vector_store %arg8[%swap3A_239, %swap3A_240], %swap3A_243 {strides = array<i32>} : memref<4x128xf32, #tpu.memory_space<vmem>>, vector<1x16xf32>,
      %mul3A_244 = arith.constant 3.125000e-02 : f32
      %mul3A_245 = vector.broadcast %mul3A_244 : f32 to vector<16xf32>
      %mul3A_246 = arith.mulf %scan3A_144#11, %mul3A_245 : vector<16xf32>
      %swap3A_247 = arith.constant 1 : i32
      %swap3A_248 = arith.index_cast %swap3A_247 : i32 to index
      %swap3A_249 = arith.constant 48 : index
      %swap3A_250 = tpu.vector_load %arg8[%swap3A_248, %swap3A_249] {strides = array<i32>} : memref<4x128xf32, #tpu.memory_space<vmem>>, vector<1x16xf32>,
      %swap3A_251 = vector.shape_cast %swap3A_250 : vector<1x16xf32> to vector<16xf32>
      %swap3A_252 = vector.shape_cast %mul3A_246 : vector<16xf32> to vector<1x16xf32>
      tpu.vector_store %arg8[%swap3A_248, %swap3A_249], %swap3A_252 {strides = array<i32>} : memref<4x128xf32, #tpu.memory_space<vmem>>, vector<1x16xf32>,
      %mul3A_253 = arith.constant 3.125000e-02 : f32
      %mul3A_254 = vector.broadcast %mul3A_253 : f32 to vector<16xf32>
      %mul3A_255 = arith.mulf %scan3A_144#12, %mul3A_254 : vector<16xf32>
      %swap3A_256 = arith.constant 1 : i32
      %swap3A_257 = arith.index_cast %swap3A_256 : i32 to index
      %swap3A_258 = arith.constant 64 : index
      %swap3A_259 = tpu.vector_load %arg8[%swap3A_257, %swap3A_258] {strides = array<i32>} : memref<4x128xf32, #tpu.memory_space<vmem>>, vector<1x16xf32>,
      %swap3A_260 = vector.shape_cast %swap3A_259 : vector<1x16xf32> to vector<16xf32>
      %swap3A_261 = vector.shape_cast %mul3A_255 : vector<16xf32> to vector<1x16xf32>
      tpu.vector_store %arg8[%swap3A_257, %swap3A_258], %swap3A_261 {strides = array<i32>} : memref<4x128xf32, #tpu.memory_space<vmem>>, vector<1x16xf32>,
      %mul3A_262 = arith.constant 3.125000e-02 : f32
      %mul3A_263 = vector.broadcast %mul3A_262 : f32 to vector<16xf32>
      %mul3A_264 = arith.mulf %scan3A_144#13, %mul3A_263 : vector<16xf32>
      %swap3A_265 = arith.constant 1 : i32
      %swap3A_266 = arith.index_cast %swap3A_265 : i32 to index
      %swap3A_267 = arith.constant 80 : index
      %swap3A_268 = tpu.vector_load %arg8[%swap3A_266, %swap3A_267] {strides = array<i32>} : memref<4x128xf32, #tpu.memory_space<vmem>>, vector<1x16xf32>,
      %swap3A_269 = vector.shape_cast %swap3A_268 : vector<1x16xf32> to vector<16xf32>
      %swap3A_270 = vector.shape_cast %mul3A_264 : vector<16xf32> to vector<1x16xf32>
      tpu.vector_store %arg8[%swap3A_266, %swap3A_267], %swap3A_270 {strides = array<i32>} : memref<4x128xf32, #tpu.memory_space<vmem>>, vector<1x16xf32>,
      %mul3A_271 = arith.constant 3.125000e-02 : f32
      %mul3A_272 = vector.broadcast %mul3A_271 : f32 to vector<16xf32>
      %mul3A_273 = arith.mulf %scan3A_144#14, %mul3A_272 : vector<16xf32>
      %swap3A_274 = arith.constant 1 : i32
      %swap3A_275 = arith.index_cast %swap3A_274 : i32 to index
      %swap3A_276 = arith.constant 96 : index
      %swap3A_277 = tpu.vector_load %arg8[%swap3A_275, %swap3A_276] {strides = array<i32>} : memref<4x128xf32, #tpu.memory_space<vmem>>, vector<1x16xf32>,
      %swap3A_278 = vector.shape_cast %swap3A_277 : vector<1x16xf32> to vector<16xf32>
      %swap3A_279 = vector.shape_cast %mul3A_273 : vector<16xf32> to vector<1x16xf32>
      tpu.vector_store %arg8[%swap3A_275, %swap3A_276], %swap3A_279 {strides = array<i32>} : memref<4x128xf32, #tpu.memory_space<vmem>>, vector<1x16xf32>,
      %mul3A_280 = arith.constant 3.125000e-02 : f32
      %mul3A_281 = vector.broadcast %mul3A_280 : f32 to vector<16xf32>
      %mul3A_282 = arith.mulf %scan3A_144#15, %mul3A_281 : vector<16xf32>
      %swap3A_283 = arith.constant 1 : i32
      %swap3A_284 = arith.index_cast %swap3A_283 : i32 to index
      %swap3A_285 = arith.constant 112 : index
      %swap3A_286 = tpu.vector_load %arg8[%swap3A_284, %swap3A_285] {strides = array<i32>} : memref<4x128xf32, #tpu.memory_space<vmem>>, vector<1x16xf32>,
      %swap3A_287 = vector.shape_cast %swap3A_286 : vector<1x16xf32> to vector<16xf32>
      %swap3A_288 = vector.shape_cast %mul3A_282 : vector<16xf32> to vector<1x16xf32>
      tpu.vector_store %arg8[%swap3A_284, %swap3A_285], %swap3A_288 {strides = array<i32>} : memref<4x128xf32, #tpu.memory_space<vmem>>, vector<1x16xf32>,
      %mul3A_289 = arith.constant 3.125000e-02 : f32
      %mul3A_290 = vector.broadcast %mul3A_289 : f32 to vector<16xf32>
      %mul3A_291 = arith.mulf %scan3A_144#16, %mul3A_290 : vector<16xf32>
      %swap3A_292 = arith.constant 2 : i32
      %swap3A_293 = arith.index_cast %swap3A_292 : i32 to index
      %swap3A_294 = arith.constant 0 : index
      %swap3A_295 = tpu.vector_load %arg8[%swap3A_293, %swap3A_294] {strides = array<i32>} : memref<4x128xf32, #tpu.memory_space<vmem>>, vector<1x16xf32>,
      %swap3A_296 = vector.shape_cast %swap3A_295 : vector<1x16xf32> to vector<16xf32>
      %swap3A_297 = vector.shape_cast %mul3A_291 : vector<16xf32> to vector<1x16xf32>
      tpu.vector_store %arg8[%swap3A_293, %swap3A_294], %swap3A_297 {strides = array<i32>} : memref<4x128xf32, #tpu.memory_space<vmem>>, vector<1x16xf32>,
      %mul3A_298 = arith.constant 3.125000e-02 : f32
      %mul3A_299 = vector.broadcast %mul3A_298 : f32 to vector<16xf32>
      %mul3A_300 = arith.mulf %scan3A_144#17, %mul3A_299 : vector<16xf32>
      %swap3A_301 = arith.constant 2 : i32
      %swap3A_302 = arith.index_cast %swap3A_301 : i32 to index
      %swap3A_303 = arith.constant 16 : index
      %swap3A_304 = tpu.vector_load %arg8[%swap3A_302, %swap3A_303] {strides = array<i32>} : memref<4x128xf32, #tpu.memory_space<vmem>>, vector<1x16xf32>,
      %swap3A_305 = vector.shape_cast %swap3A_304 : vector<1x16xf32> to vector<16xf32>
      %swap3A_306 = vector.shape_cast %mul3A_300 : vector<16xf32> to vector<1x16xf32>
      tpu.vector_store %arg8[%swap3A_302, %swap3A_303], %swap3A_306 {strides = array<i32>} : memref<4x128xf32, #tpu.memory_space<vmem>>, vector<1x16xf32>,
      %mul3A_307 = arith.constant 3.125000e-02 : f32
      %mul3A_308 = vector.broadcast %mul3A_307 : f32 to vector<16xf32>
      %mul3A_309 = arith.mulf %scan3A_144#18, %mul3A_308 : vector<16xf32>
      %swap3A_310 = arith.constant 2 : i32
      %swap3A_311 = arith.index_cast %swap3A_310 : i32 to index
      %swap3A_312 = arith.constant 32 : index
      %swap3A_313 = tpu.vector_load %arg8[%swap3A_311, %swap3A_312] {strides = array<i32>} : memref<4x128xf32, #tpu.memory_space<vmem>>, vector<1x16xf32>,
      %swap3A_314 = vector.shape_cast %swap3A_313 : vector<1x16xf32> to vector<16xf32>
      %swap3A_315 = vector.shape_cast %mul3A_309 : vector<16xf32> to vector<1x16xf32>
      tpu.vector_store %arg8[%swap3A_311, %swap3A_312], %swap3A_315 {strides = array<i32>} : memref<4x128xf32, #tpu.memory_space<vmem>>, vector<1x16xf32>,
      %mul3A_316 = arith.constant 3.125000e-02 : f32
      %mul3A_317 = vector.broadcast %mul3A_316 : f32 to vector<16xf32>
      %mul3A_318 = arith.mulf %scan3A_144#19, %mul3A_317 : vector<16xf32>
      %swap3A_319 = arith.constant 2 : i32
      %swap3A_320 = arith.index_cast %swap3A_319 : i32 to index
      %swap3A_321 = arith.constant 48 : index
      %swap3A_322 = tpu.vector_load %arg8[%swap3A_320, %swap3A_321] {strides = array<i32>} : memref<4x128xf32, #tpu.memory_space<vmem>>, vector<1x16xf32>,
      %swap3A_323 = vector.shape_cast %swap3A_322 : vector<1x16xf32> to vector<16xf32>
      %swap3A_324 = vector.shape_cast %mul3A_318 : vector<16xf32> to vector<1x16xf32>
      tpu.vector_store %arg8[%swap3A_320, %swap3A_321], %swap3A_324 {strides = array<i32>} : memref<4x128xf32, #tpu.memory_space<vmem>>, vector<1x16xf32>,
      %mul3A_325 = arith.constant 3.125000e-02 : f32
      %mul3A_326 = vector.broadcast %mul3A_325 : f32 to vector<16xf32>
      %mul3A_327 = arith.mulf %scan3A_144#20, %mul3A_326 : vector<16xf32>
      %swap3A_328 = arith.constant 2 : i32
      %swap3A_329 = arith.index_cast %swap3A_328 : i32 to index
      %swap3A_330 = arith.constant 64 : index
      %swap3A_331 = tpu.vector_load %arg8[%swap3A_329, %swap3A_330] {strides = array<i32>} : memref<4x128xf32, #tpu.memory_space<vmem>>, vector<1x16xf32>,
      %swap3A_332 = vector.shape_cast %swap3A_331 : vector<1x16xf32> to vector<16xf32>
      %swap3A_333 = vector.shape_cast %mul3A_327 : vector<16xf32> to vector<1x16xf32>
      tpu.vector_store %arg8[%swap3A_329, %swap3A_330], %swap3A_333 {strides = array<i32>} : memref<4x128xf32, #tpu.memory_space<vmem>>, vector<1x16xf32>,
      %mul3A_334 = arith.constant 3.125000e-02 : f32
      %mul3A_335 = vector.broadcast %mul3A_334 : f32 to vector<16xf32>
      %mul3A_336 = arith.mulf %scan3A_144#21, %mul3A_335 : vector<16xf32>
      %swap3A_337 = arith.constant 2 : i32
      %swap3A_338 = arith.index_cast %swap3A_337 : i32 to index
      %swap3A_339 = arith.constant 80 : index
      %swap3A_340 = tpu.vector_load %arg8[%swap3A_338, %swap3A_339] {strides = array<i32>} : memref<4x128xf32, #tpu.memory_space<vmem>>, vector<1x16xf32>,
      %swap3A_341 = vector.shape_cast %swap3A_340 : vector<1x16xf32> to vector<16xf32>
      %swap3A_342 = vector.shape_cast %mul3A_336 : vector<16xf32> to vector<1x16xf32>
      tpu.vector_store %arg8[%swap3A_338, %swap3A_339], %swap3A_342 {strides = array<i32>} : memref<4x128xf32, #tpu.memory_space<vmem>>, vector<1x16xf32>,
      %mul3A_343 = arith.constant 3.125000e-02 : f32
      %mul3A_344 = vector.broadcast %mul3A_343 : f32 to vector<16xf32>
      %mul3A_345 = arith.mulf %scan3A_144#22, %mul3A_344 : vector<16xf32>
      %swap3A_346 = arith.constant 2 : i32
      %swap3A_347 = arith.index_cast %swap3A_346 : i32 to index
      %swap3A_348 = arith.constant 96 : index
      %swap3A_349 = tpu.vector_load %arg8[%swap3A_347, %swap3A_348] {strides = array<i32>} : memref<4x128xf32, #tpu.memory_space<vmem>>, vector<1x16xf32>,
      %swap3A_350 = vector.shape_cast %swap3A_349 : vector<1x16xf32> to vector<16xf32>
      %swap3A_351 = vector.shape_cast %mul3A_345 : vector<16xf32> to vector<1x16xf32>
      tpu.vector_store %arg8[%swap3A_347, %swap3A_348], %swap3A_351 {strides = array<i32>} : memref<4x128xf32, #tpu.memory_space<vmem>>, vector<1x16xf32>,
      %mul3A_352 = arith.constant 3.125000e-02 : f32
      %mul3A_353 = vector.broadcast %mul3A_352 : f32 to vector<16xf32>
      %mul3A_354 = arith.mulf %scan3A_144#23, %mul3A_353 : vector<16xf32>
      %swap3A_355 = arith.constant 2 : i32
      %swap3A_356 = arith.index_cast %swap3A_355 : i32 to index
      %swap3A_357 = arith.constant 112 : index
      %swap3A_358 = tpu.vector_load %arg8[%swap3A_356, %swap3A_357] {strides = array<i32>} : memref<4x128xf32, #tpu.memory_space<vmem>>, vector<1x16xf32>,
      %swap3A_359 = vector.shape_cast %swap3A_358 : vector<1x16xf32> to vector<16xf32>
      %swap3A_360 = vector.shape_cast %mul3A_354 : vector<16xf32> to vector<1x16xf32>
      tpu.vector_store %arg8[%swap3A_356, %swap3A_357], %swap3A_360 {strides = array<i32>} : memref<4x128xf32, #tpu.memory_space<vmem>>, vector<1x16xf32>,
      %mul3A_361 = arith.constant 3.125000e-02 : f32
      %mul3A_362 = vector.broadcast %mul3A_361 : f32 to vector<16xf32>
      %mul3A_363 = arith.mulf %scan3A_144#24, %mul3A_362 : vector<16xf32>
      %swap3A_364 = arith.constant 3 : i32
      %swap3A_365 = arith.index_cast %swap3A_364 : i32 to index
      %swap3A_366 = arith.constant 0 : index
      %swap3A_367 = tpu.vector_load %arg8[%swap3A_365, %swap3A_366] {strides = array<i32>} : memref<4x128xf32, #tpu.memory_space<vmem>>, vector<1x16xf32>,
      %swap3A_368 = vector.shape_cast %swap3A_367 : vector<1x16xf32> to vector<16xf32>
      %swap3A_369 = vector.shape_cast %mul3A_363 : vector<16xf32> to vector<1x16xf32>
      tpu.vector_store %arg8[%swap3A_365, %swap3A_366], %swap3A_369 {strides = array<i32>} : memref<4x128xf32, #tpu.memory_space<vmem>>, vector<1x16xf32>,
      %mul3A_370 = arith.constant 3.125000e-02 : f32
      %mul3A_371 = vector.broadcast %mul3A_370 : f32 to vector<16xf32>
      %mul3A_372 = arith.mulf %scan3A_144#25, %mul3A_371 : vector<16xf32>
      %swap3A_373 = arith.constant 3 : i32
      %swap3A_374 = arith.index_cast %swap3A_373 : i32 to index
      %swap3A_375 = arith.constant 16 : index
      %swap3A_376 = tpu.vector_load %arg8[%swap3A_374, %swap3A_375] {strides = array<i32>} : memref<4x128xf32, #tpu.memory_space<vmem>>, vector<1x16xf32>,
      %swap3A_377 = vector.shape_cast %swap3A_376 : vector<1x16xf32> to vector<16xf32>
      %swap3A_378 = vector.shape_cast %mul3A_372 : vector<16xf32> to vector<1x16xf32>
      tpu.vector_store %arg8[%swap3A_374, %swap3A_375], %swap3A_378 {strides = array<i32>} : memref<4x128xf32, #tpu.memory_space<vmem>>, vector<1x16xf32>,
      %mul3A_379 = arith.constant 3.125000e-02 : f32
      %mul3A_380 = vector.broadcast %mul3A_379 : f32 to vector<16xf32>
      %mul3A_381 = arith.mulf %scan3A_144#26, %mul3A_380 : vector<16xf32>
      %swap3A_382 = arith.constant 3 : i32
      %swap3A_383 = arith.index_cast %swap3A_382 : i32 to index
      %swap3A_384 = arith.constant 32 : index
      %swap3A_385 = tpu.vector_load %arg8[%swap3A_383, %swap3A_384] {strides = array<i32>} : memref<4x128xf32, #tpu.memory_space<vmem>>, vector<1x16xf32>,
      %swap3A_386 = vector.shape_cast %swap3A_385 : vector<1x16xf32> to vector<16xf32>
      %swap3A_387 = vector.shape_cast %mul3A_381 : vector<16xf32> to vector<1x16xf32>
      tpu.vector_store %arg8[%swap3A_383, %swap3A_384], %swap3A_387 {strides = array<i32>} : memref<4x128xf32, #tpu.memory_space<vmem>>, vector<1x16xf32>,
      %mul3A_388 = arith.constant 3.125000e-02 : f32
      %mul3A_389 = vector.broadcast %mul3A_388 : f32 to vector<16xf32>
      %mul3A_390 = arith.mulf %scan3A_144#27, %mul3A_389 : vector<16xf32>
      %swap3A_391 = arith.constant 3 : i32
      %swap3A_392 = arith.index_cast %swap3A_391 : i32 to index
      %swap3A_393 = arith.constant 48 : index
      %swap3A_394 = tpu.vector_load %arg8[%swap3A_392, %swap3A_393] {strides = array<i32>} : memref<4x128xf32, #tpu.memory_space<vmem>>, vector<1x16xf32>,
      %swap3A_395 = vector.shape_cast %swap3A_394 : vector<1x16xf32> to vector<16xf32>
      %swap3A_396 = vector.shape_cast %mul3A_390 : vector<16xf32> to vector<1x16xf32>
      tpu.vector_store %arg8[%swap3A_392, %swap3A_393], %swap3A_396 {strides = array<i32>} : memref<4x128xf32, #tpu.memory_space<vmem>>, vector<1x16xf32>,
      %mul3A_397 = arith.constant 3.125000e-02 : f32
      %mul3A_398 = vector.broadcast %mul3A_397 : f32 to vector<16xf32>
      %mul3A_399 = arith.mulf %scan3A_144#28, %mul3A_398 : vector<16xf32>
      %swap3A_400 = arith.constant 3 : i32
      %swap3A_401 = arith.index_cast %swap3A_400 : i32 to index
      %swap3A_402 = arith.constant 64 : index
      %swap3A_403 = tpu.vector_load %arg8[%swap3A_401, %swap3A_402] {strides = array<i32>} : memref<4x128xf32, #tpu.memory_space<vmem>>, vector<1x16xf32>,
      %swap3A_404 = vector.shape_cast %swap3A_403 : vector<1x16xf32> to vector<16xf32>
      %swap3A_405 = vector.shape_cast %mul3A_399 : vector<16xf32> to vector<1x16xf32>
      tpu.vector_store %arg8[%swap3A_401, %swap3A_402], %swap3A_405 {strides = array<i32>} : memref<4x128xf32, #tpu.memory_space<vmem>>, vector<1x16xf32>,
      %mul3A_406 = arith.constant 3.125000e-02 : f32
      %mul3A_407 = vector.broadcast %mul3A_406 : f32 to vector<16xf32>
      %mul3A_408 = arith.mulf %scan3A_144#29, %mul3A_407 : vector<16xf32>
      %swap3A_409 = arith.constant 3 : i32
      %swap3A_410 = arith.index_cast %swap3A_409 : i32 to index
      %swap3A_411 = arith.constant 80 : index
      %swap3A_412 = tpu.vector_load %arg8[%swap3A_410, %swap3A_411] {strides = array<i32>} : memref<4x128xf32, #tpu.memory_space<vmem>>, vector<1x16xf32>,
      %swap3A_413 = vector.shape_cast %swap3A_412 : vector<1x16xf32> to vector<16xf32>
      %swap3A_414 = vector.shape_cast %mul3A_408 : vector<16xf32> to vector<1x16xf32>
      tpu.vector_store %arg8[%swap3A_410, %swap3A_411], %swap3A_414 {strides = array<i32>} : memref<4x128xf32, #tpu.memory_space<vmem>>, vector<1x16xf32>,
      %mul3A_415 = arith.constant 3.125000e-02 : f32
      %mul3A_416 = vector.broadcast %mul3A_415 : f32 to vector<16xf32>
      %mul3A_417 = arith.mulf %scan3A_144#30, %mul3A_416 : vector<16xf32>
      %swap3A_418 = arith.constant 3 : i32
      %swap3A_419 = arith.index_cast %swap3A_418 : i32 to index
      %swap3A_420 = arith.constant 96 : index
      %swap3A_421 = tpu.vector_load %arg8[%swap3A_419, %swap3A_420] {strides = array<i32>} : memref<4x128xf32, #tpu.memory_space<vmem>>, vector<1x16xf32>,
      %swap3A_422 = vector.shape_cast %swap3A_421 : vector<1x16xf32> to vector<16xf32>
      %swap3A_423 = vector.shape_cast %mul3A_417 : vector<16xf32> to vector<1x16xf32>
      tpu.vector_store %arg8[%swap3A_419, %swap3A_420], %swap3A_423 {strides = array<i32>} : memref<4x128xf32, #tpu.memory_space<vmem>>, vector<1x16xf32>,
      %mul3A_424 = arith.constant 3.125000e-02 : f32
      %mul3A_425 = vector.broadcast %mul3A_424 : f32 to vector<16xf32>
      %mul3A_426 = arith.mulf %scan3A_144#31, %mul3A_425 : vector<16xf32>
      %swap3A_427 = arith.constant 3 : i32
      %swap3A_428 = arith.index_cast %swap3A_427 : i32 to index
      %swap3A_429 = arith.constant 112 : index
      %swap3A_430 = tpu.vector_load %arg8[%swap3A_428, %swap3A_429] {strides = array<i32>} : memref<4x128xf32, #tpu.memory_space<vmem>>, vector<1x16xf32>,
      %swap3A_431 = vector.shape_cast %swap3A_430 : vector<1x16xf32> to vector<16xf32>
      %swap3A_432 = vector.shape_cast %mul3A_426 : vector<16xf32> to vector<1x16xf32>
      tpu.vector_store %arg8[%swap3A_428, %swap3A_429], %swap3A_432 {strides = array<i32>} : memref<4x128xf32, #tpu.memory_space<vmem>>, vector<1x16xf32>,
      %mul3A_433 = arith.constant 4 : i32
      %mul3A_434 = arith.muli %add3A_68, %mul3A_433 : i32
      %add3A_435 = arith.addi %add3A, %mul3A_434 : i32
      %dma_start3A_436 = arith.constant 0 : i32
      %dma_start3A_437 = tpu.memref_slice %arg4[%add3A_435, %dma_start3A_436] : memref<10112x128xf32, #tpu.memory_space<hbm>> -> memref<4x128xf32, #tpu.memory_space<hbm>>
      %dma_start3A_438 = arith.constant 0 : i32
      %dma_start3A_439 = tpu.memref_slice %arg4[%add3A_435, %dma_start3A_438] : memref<10112x128xf32, #tpu.memory_space<hbm>> -> memref<4x128xf32, #tpu.memory_space<hbm>>
      tpu.enqueue_dma source(%arg8 : memref<4x128xf32, #tpu.memory_space<vmem>>) target(%dma_start3A_439 : memref<4x128xf32, #tpu.memory_space<hbm>>) target_semaphore(%arg12 : memref<!tpu.dma_semaphore, #tpu.memory_space<semaphore_mem>>)
      %add3A_440 = arith.constant 2 : i32
      %add3A_441 = arith.addi %add3A_68, %add3A_440 : i32
      %lt3A = arith.cmpi slt, %add3A_441, %select_n3A_7 : i32
      %convert_element_type3A_442 = arith.extui %lt3A : i1 to i32
      %cond3A_443 = arith.constant 0 : i32
      %cond3A_444 = arith.cmpi ne, %convert_element_type3A_442, %cond3A_443 : i32
      scf.if %cond3A_444 {
        %add3A_829 = arith.constant 2 : i32
        %add3A_830 = arith.addi %add3A_68, %add3A_829 : i32
        %mul3A_831 = arith.constant 4 : i32
        %mul3A_832 = arith.muli %add3A_830, %mul3A_831 : i32
        %mul3A_833 = arith.constant 32 : i32
        %mul3A_834 = arith.muli %mul3A_832, %mul3A_833 : i32
        %dma_start3A_835 = tpu.memref_slice %arg5[%mul3A_834] : memref<16896xi32, #tpu.memory_space<vmem>> -> memref<128xi32, #tpu.memory_space<vmem>>
        %dma_start3A_836 = arith.constant 0 : i32
        %dma_start3A_837 = arith.constant 0 : i32
        %dma_start3A_838 = tpu.memref_slice %arg3[%dma_start3A_836, %dma_start3A_837] : memref<50000x128xf32, #tpu.memory_space<hbm>> -> memref<50000x128xf32, #tpu.memory_space<hbm>>
        tpu.enqueue_indirect_dma source(%dma_start3A_838 : memref<50000x128xf32, #tpu.memory_space<hbm>>) target(%arg6 : memref<128x128xf32, #tpu.memory_space<vmem>>) offsets(%dma_start3A_835 : memref<128xi32, #tpu.memory_space<vmem>>) semaphore(%arg10 : memref<!tpu.dma_semaphore, #tpu.memory_space<semaphore_mem>>)
      } else {
      }
      %add3A_445 = arith.constant 1 : i32
      %add3A_446 = arith.addi %mul3A_66, %add3A_445 : i32
      %dma_wait3A_447 = arith.constant 0 : i32
      %dma_wait3A_448 = tpu.memref_slice %arg5[%dma_wait3A_447] : memref<16896xi32, #tpu.memory_space<vmem>> -> memref<128xi32, #tpu.memory_space<vmem>>
      %dma_wait3A_449 = arith.constant 0 : i32
      %dma_wait3A_450 = arith.constant 0 : i32
      %dma_wait3A_451 = tpu.memref_slice %arg3[%dma_wait3A_449, %dma_wait3A_450] : memref<50000x128xf32, #tpu.memory_space<hbm>> -> memref<50000x128xf32, #tpu.memory_space<hbm>>
      tpu.wait_indirect_dma semaphore(%arg11 : memref<!tpu.dma_semaphore, #tpu.memory_space<semaphore_mem>>) src(%dma_wait3A_451 : memref<50000x128xf32, #tpu.memory_space<hbm>>) dst(%arg7 : memref<128x128xf32, #tpu.memory_space<vmem>>)
      %ge3A_452 = arith.constant 2 : i32
      %ge3A_453 = arith.cmpi sge, %add3A_446, %ge3A_452 : i32
      %convert_element_type3A_454 = arith.extui %ge3A_453 : i1 to i32
      %cond3A_455 = arith.constant 0 : i32
      %cond3A_456 = arith.cmpi ne, %convert_element_type3A_454, %cond3A_455 : i32
      scf.if %cond3A_456 {
        %mul3A_829 = arith.constant 4 : i32
        %mul3A_830 = arith.muli %add3A_446, %mul3A_829 : i32
        %add3A_831 = arith.addi %add3A, %mul3A_830 : i32
        %dma_wait3A_832 = arith.constant 0 : i32
        %dma_wait3A_833 = tpu.memref_slice %arg4[%add3A_831, %dma_wait3A_832] : memref<10112x128xf32, #tpu.memory_space<hbm>> -> memref<4x128xf32, #tpu.memory_space<hbm>>
        %dma_wait3A_834 = arith.constant 0 : i32
        %dma_wait3A_835 = tpu.memref_slice %arg4[%add3A_831, %dma_wait3A_834] : memref<10112x128xf32, #tpu.memory_space<hbm>> -> memref<4x128xf32, #tpu.memory_space<hbm>>
        tpu.wait_dma2 semaphore(%arg13 : memref<!tpu.dma_semaphore, #tpu.memory_space<semaphore_mem>>) src(%arg9 : memref<4x128xf32, #tpu.memory_space<vmem>>) dst(%dma_wait3A_835 : memref<4x128xf32, #tpu.memory_space<hbm>>)
      } else {
      }
      %broadcast_in_dim3A_457 = arith.constant 0.000000e+00 : f32
      %broadcast_in_dim3A_458 = vector.broadcast %broadcast_in_dim3A_457 : f32 to vector<16xf32>
      %broadcast_in_dim3A_459 = arith.constant 0.000000e+00 : f32
      %broadcast_in_dim3A_460 = vector.broadcast %broadcast_in_dim3A_459 : f32 to vector<16xf32>
      %broadcast_in_dim3A_461 = arith.constant 0.000000e+00 : f32
      %broadcast_in_dim3A_462 = vector.broadcast %broadcast_in_dim3A_461 : f32 to vector<16xf32>
      %broadcast_in_dim3A_463 = arith.constant 0.000000e+00 : f32
      %broadcast_in_dim3A_464 = vector.broadcast %broadcast_in_dim3A_463 : f32 to vector<16xf32>
      %broadcast_in_dim3A_465 = arith.constant 0.000000e+00 : f32
      %broadcast_in_dim3A_466 = vector.broadcast %broadcast_in_dim3A_465 : f32 to vector<16xf32>
      %broadcast_in_dim3A_467 = arith.constant 0.000000e+00 : f32
      %broadcast_in_dim3A_468 = vector.broadcast %broadcast_in_dim3A_467 : f32 to vector<16xf32>
      %broadcast_in_dim3A_469 = arith.constant 0.000000e+00 : f32
      %broadcast_in_dim3A_470 = vector.broadcast %broadcast_in_dim3A_469 : f32 to vector<16xf32>
      %broadcast_in_dim3A_471 = arith.constant 0.000000e+00 : f32
      %broadcast_in_dim3A_472 = vector.broadcast %broadcast_in_dim3A_471 : f32 to vector<16xf32>
      %broadcast_in_dim3A_473 = arith.constant 0.000000e+00 : f32
      %broadcast_in_dim3A_474 = vector.broadcast %broadcast_in_dim3A_473 : f32 to vector<16xf32>
      %broadcast_in_dim3A_475 = arith.constant 0.000000e+00 : f32
      %broadcast_in_dim3A_476 = vector.broadcast %broadcast_in_dim3A_475 : f32 to vector<16xf32>
      %broadcast_in_dim3A_477 = arith.constant 0.000000e+00 : f32
      %broadcast_in_dim3A_478 = vector.broadcast %broadcast_in_dim3A_477 : f32 to vector<16xf32>
      %broadcast_in_dim3A_479 = arith.constant 0.000000e+00 : f32
      %broadcast_in_dim3A_480 = vector.broadcast %broadcast_in_dim3A_479 : f32 to vector<16xf32>
      %broadcast_in_dim3A_481 = arith.constant 0.000000e+00 : f32
      %broadcast_in_dim3A_482 = vector.broadcast %broadcast_in_dim3A_481 : f32 to vector<16xf32>
      %broadcast_in_dim3A_483 = arith.constant 0.000000e+00 : f32
      %broadcast_in_dim3A_484 = vector.broadcast %broadcast_in_dim3A_483 : f32 to vector<16xf32>
      %broadcast_in_dim3A_485 = arith.constant 0.000000e+00 : f32
      %broadcast_in_dim3A_486 = vector.broadcast %broadcast_in_dim3A_485 : f32 to vector<16xf32>
      %broadcast_in_dim3A_487 = arith.constant 0.000000e+00 : f32
      %broadcast_in_dim3A_488 = vector.broadcast %broadcast_in_dim3A_487 : f32 to vector<16xf32>
      %broadcast_in_dim3A_489 = arith.constant 0.000000e+00 : f32
      %broadcast_in_dim3A_490 = vector.broadcast %broadcast_in_dim3A_489 : f32 to vector<16xf32>
      %broadcast_in_dim3A_491 = arith.constant 0.000000e+00 : f32
      %broadcast_in_dim3A_492 = vector.broadcast %broadcast_in_dim3A_491 : f32 to vector<16xf32>
      %broadcast_in_dim3A_493 = arith.constant 0.000000e+00 : f32
      %broadcast_in_dim3A_494 = vector.broadcast %broadcast_in_dim3A_493 : f32 to vector<16xf32>
      %broadcast_in_dim3A_495 = arith.constant 0.000000e+00 : f32
      %broadcast_in_dim3A_496 = vector.broadcast %broadcast_in_dim3A_495 : f32 to vector<16xf32>
      %broadcast_in_dim3A_497 = arith.constant 0.000000e+00 : f32
      %broadcast_in_dim3A_498 = vector.broadcast %broadcast_in_dim3A_497 : f32 to vector<16xf32>
      %broadcast_in_dim3A_499 = arith.constant 0.000000e+00 : f32
      %broadcast_in_dim3A_500 = vector.broadcast %broadcast_in_dim3A_499 : f32 to vector<16xf32>
      %broadcast_in_dim3A_501 = arith.constant 0.000000e+00 : f32
      %broadcast_in_dim3A_502 = vector.broadcast %broadcast_in_dim3A_501 : f32 to vector<16xf32>
      %broadcast_in_dim3A_503 = arith.constant 0.000000e+00 : f32
      %broadcast_in_dim3A_504 = vector.broadcast %broadcast_in_dim3A_503 : f32 to vector<16xf32>
      %broadcast_in_dim3A_505 = arith.constant 0.000000e+00 : f32
      %broadcast_in_dim3A_506 = vector.broadcast %broadcast_in_dim3A_505 : f32 to vector<16xf32>
      %broadcast_in_dim3A_507 = arith.constant 0.000000e+00 : f32
      %broadcast_in_dim3A_508 = vector.broadcast %broadcast_in_dim3A_507 : f32 to vector<16xf32>
      %broadcast_in_dim3A_509 = arith.constant 0.000000e+00 : f32
      %broadcast_in_dim3A_510 = vector.broadcast %broadcast_in_dim3A_509 : f32 to vector<16xf32>
      %broadcast_in_dim3A_511 = arith.constant 0.000000e+00 : f32
      %broadcast_in_dim3A_512 = vector.broadcast %broadcast_in_dim3A_511 : f32 to vector<16xf32>
      %broadcast_in_dim3A_513 = arith.constant 0.000000e+00 : f32
      %broadcast_in_dim3A_514 = vector.broadcast %broadcast_in_dim3A_513 : f32 to vector<16xf32>
      %broadcast_in_dim3A_515 = arith.constant 0.000000e+00 : f32
      %broadcast_in_dim3A_516 = vector.broadcast %broadcast_in_dim3A_515 : f32 to vector<16xf32>
      %broadcast_in_dim3A_517 = arith.constant 0.000000e+00 : f32
      %broadcast_in_dim3A_518 = vector.broadcast %broadcast_in_dim3A_517 : f32 to vector<16xf32>
      %broadcast_in_dim3A_519 = arith.constant 0.000000e+00 : f32
      %broadcast_in_dim3A_520 = vector.broadcast %broadcast_in_dim3A_519 : f32 to vector<16xf32>
      %scan3A_521 = arith.constant 0 : i32
      %scan3A_522 = arith.constant 16 : i32
      %scan3A_523 = arith.addi %scan3A_521, %scan3A_522 : i32
      %scan3A_524 = arith.constant 1 : i32
      %scan3A_525:32 = scf.for %scan3A_829 = %scan3A_521 to %scan3A_523 step %scan3A_524 iter_args(%scan3A_830 = %broadcast_in_dim3A_458, %scan3A_831 = %broadcast_in_dim3A_460, %scan3A_832 = %broadcast_in_dim3A_462, %scan3A_833 = %broadcast_in_dim3A_464, %scan3A_834 = %broadcast_in_dim3A_466, %scan3A_835 = %broadcast_in_dim3A_468, %scan3A_836 = %broadcast_in_dim3A_470, %scan3A_837 = %broadcast_in_dim3A_472, %scan3A_838 = %broadcast_in_dim3A_474, %scan3A_839 = %broadcast_in_dim3A_476, %scan3A_840 = %broadcast_in_dim3A_478, %scan3A_841 = %broadcast_in_dim3A_480, %scan3A_842 = %broadcast_in_dim3A_482, %scan3A_843 = %broadcast_in_dim3A_484, %scan3A_844 = %broadcast_in_dim3A_486, %scan3A_845 = %broadcast_in_dim3A_488, %scan3A_846 = %broadcast_in_dim3A_490, %scan3A_847 = %broadcast_in_dim3A_492, %scan3A_848 = %broadcast_in_dim3A_494, %scan3A_849 = %broadcast_in_dim3A_496, %scan3A_850 = %broadcast_in_dim3A_498, %scan3A_851 = %broadcast_in_dim3A_500, %scan3A_852 = %broadcast_in_dim3A_502, %scan3A_853 = %broadcast_in_dim3A_504, %scan3A_854 = %broadcast_in_dim3A_506, %scan3A_855 = %broadcast_in_dim3A_508, %scan3A_856 = %broadcast_in_dim3A_510, %scan3A_857 = %broadcast_in_dim3A_512, %scan3A_858 = %broadcast_in_dim3A_514, %scan3A_859 = %broadcast_in_dim3A_516, %scan3A_860 = %broadcast_in_dim3A_518, %scan3A_861 = %broadcast_in_dim3A_520) -> (vector<16xf32>, vector<16xf32>, vector<16xf32>, vector<16xf32>, vector<16xf32>, vector<16xf32>, vector<16xf32>, vector<16xf32>, vector<16xf32>, vector<16xf32>, vector<16xf32>, vector<16xf32>, vector<16xf32>, vector<16xf32>, vector<16xf32>, vector<16xf32>, vector<16xf32>, vector<16xf32>, vector<16xf32>, vector<16xf32>, vector<16xf32>, vector<16xf32>, vector<16xf32>, vector<16xf32>, vector<16xf32>, vector<16xf32>, vector<16xf32>, vector<16xf32>, vector<16xf32>, vector<16xf32>, vector<16xf32>, vector<16xf32>)  : i32 {
        %mul3A_862 = arith.constant 2 : i32
        %mul3A_863 = arith.muli %scan3A_829, %mul3A_862 : i32
        %add3A_864 = arith.constant 0 : i32
        %add3A_865 = arith.addi %mul3A_863, %add3A_864 : i32
        %add3A_866 = arith.constant 0 : i32
        %add3A_867 = arith.addi %add3A_866, %add3A_865 : i32
        %get3A = arith.index_cast %add3A_867 : i32 to index
        %get3A_868 = arith.constant 0 : index
        %get3A_869 = tpu.vector_load %arg7[%get3A, %get3A_868] {strides = array<i32>} : memref<128x128xf32, #tpu.memory_space<vmem>>, vector<1x16xf32>,
        %get3A_870 = vector.shape_cast %get3A_869 : vector<1x16xf32> to vector<16xf32>
        %add3A_871 = arith.addf %scan3A_830, %get3A_870 : vector<16xf32>
        %get3A_872 = arith.index_cast %add3A_867 : i32 to index
        %get3A_873 = arith.constant 16 : index
        %get3A_874 = tpu.vector_load %arg7[%get3A_872, %get3A_873] {strides = array<i32>} : memref<128x128xf32, #tpu.memory_space<vmem>>, vector<1x16xf32>,
        %get3A_875 = vector.shape_cast %get3A_874 : vector<1x16xf32> to vector<16xf32>
        %add3A_876 = arith.addf %scan3A_831, %get3A_875 : vector<16xf32>
        %get3A_877 = arith.index_cast %add3A_867 : i32 to index
        %get3A_878 = arith.constant 32 : index
        %get3A_879 = tpu.vector_load %arg7[%get3A_877, %get3A_878] {strides = array<i32>} : memref<128x128xf32, #tpu.memory_space<vmem>>, vector<1x16xf32>,
        %get3A_880 = vector.shape_cast %get3A_879 : vector<1x16xf32> to vector<16xf32>
        %add3A_881 = arith.addf %scan3A_832, %get3A_880 : vector<16xf32>
        %get3A_882 = arith.index_cast %add3A_867 : i32 to index
        %get3A_883 = arith.constant 48 : index
        %get3A_884 = tpu.vector_load %arg7[%get3A_882, %get3A_883] {strides = array<i32>} : memref<128x128xf32, #tpu.memory_space<vmem>>, vector<1x16xf32>,
        %get3A_885 = vector.shape_cast %get3A_884 : vector<1x16xf32> to vector<16xf32>
        %add3A_886 = arith.addf %scan3A_833, %get3A_885 : vector<16xf32>
        %get3A_887 = arith.index_cast %add3A_867 : i32 to index
        %get3A_888 = arith.constant 64 : index
        %get3A_889 = tpu.vector_load %arg7[%get3A_887, %get3A_888] {strides = array<i32>} : memref<128x128xf32, #tpu.memory_space<vmem>>, vector<1x16xf32>,
        %get3A_890 = vector.shape_cast %get3A_889 : vector<1x16xf32> to vector<16xf32>
        %add3A_891 = arith.addf %scan3A_834, %get3A_890 : vector<16xf32>
        %get3A_892 = arith.index_cast %add3A_867 : i32 to index
        %get3A_893 = arith.constant 80 : index
        %get3A_894 = tpu.vector_load %arg7[%get3A_892, %get3A_893] {strides = array<i32>} : memref<128x128xf32, #tpu.memory_space<vmem>>, vector<1x16xf32>,
        %get3A_895 = vector.shape_cast %get3A_894 : vector<1x16xf32> to vector<16xf32>
        %add3A_896 = arith.addf %scan3A_835, %get3A_895 : vector<16xf32>
        %get3A_897 = arith.index_cast %add3A_867 : i32 to index
        %get3A_898 = arith.constant 96 : index
        %get3A_899 = tpu.vector_load %arg7[%get3A_897, %get3A_898] {strides = array<i32>} : memref<128x128xf32, #tpu.memory_space<vmem>>, vector<1x16xf32>,
        %get3A_900 = vector.shape_cast %get3A_899 : vector<1x16xf32> to vector<16xf32>
        %add3A_901 = arith.addf %scan3A_836, %get3A_900 : vector<16xf32>
        %get3A_902 = arith.index_cast %add3A_867 : i32 to index
        %get3A_903 = arith.constant 112 : index
        %get3A_904 = tpu.vector_load %arg7[%get3A_902, %get3A_903] {strides = array<i32>} : memref<128x128xf32, #tpu.memory_space<vmem>>, vector<1x16xf32>,
        %get3A_905 = vector.shape_cast %get3A_904 : vector<1x16xf32> to vector<16xf32>
        %add3A_906 = arith.addf %scan3A_837, %get3A_905 : vector<16xf32>
        %add3A_907 = arith.constant 32 : i32
        %add3A_908 = arith.addi %add3A_907, %add3A_865 : i32
        %get3A_909 = arith.index_cast %add3A_908 : i32 to index
        %get3A_910 = arith.constant 0 : index
        %get3A_911 = tpu.vector_load %arg7[%get3A_909, %get3A_910] {strides = array<i32>} : memref<128x128xf32, #tpu.memory_space<vmem>>, vector<1x16xf32>,
        %get3A_912 = vector.shape_cast %get3A_911 : vector<1x16xf32> to vector<16xf32>
        %add3A_913 = arith.addf %scan3A_838, %get3A_912 : vector<16xf32>
        %get3A_914 = arith.index_cast %add3A_908 : i32 to index
        %get3A_915 = arith.constant 16 : index
        %get3A_916 = tpu.vector_load %arg7[%get3A_914, %get3A_915] {strides = array<i32>} : memref<128x128xf32, #tpu.memory_space<vmem>>, vector<1x16xf32>,
        %get3A_917 = vector.shape_cast %get3A_916 : vector<1x16xf32> to vector<16xf32>
        %add3A_918 = arith.addf %scan3A_839, %get3A_917 : vector<16xf32>
        %get3A_919 = arith.index_cast %add3A_908 : i32 to index
        %get3A_920 = arith.constant 32 : index
        %get3A_921 = tpu.vector_load %arg7[%get3A_919, %get3A_920] {strides = array<i32>} : memref<128x128xf32, #tpu.memory_space<vmem>>, vector<1x16xf32>,
        %get3A_922 = vector.shape_cast %get3A_921 : vector<1x16xf32> to vector<16xf32>
        %add3A_923 = arith.addf %scan3A_840, %get3A_922 : vector<16xf32>
        %get3A_924 = arith.index_cast %add3A_908 : i32 to index
        %get3A_925 = arith.constant 48 : index
        %get3A_926 = tpu.vector_load %arg7[%get3A_924, %get3A_925] {strides = array<i32>} : memref<128x128xf32, #tpu.memory_space<vmem>>, vector<1x16xf32>,
        %get3A_927 = vector.shape_cast %get3A_926 : vector<1x16xf32> to vector<16xf32>
        %add3A_928 = arith.addf %scan3A_841, %get3A_927 : vector<16xf32>
        %get3A_929 = arith.index_cast %add3A_908 : i32 to index
        %get3A_930 = arith.constant 64 : index
        %get3A_931 = tpu.vector_load %arg7[%get3A_929, %get3A_930] {strides = array<i32>} : memref<128x128xf32, #tpu.memory_space<vmem>>, vector<1x16xf32>,
        %get3A_932 = vector.shape_cast %get3A_931 : vector<1x16xf32> to vector<16xf32>
        %add3A_933 = arith.addf %scan3A_842, %get3A_932 : vector<16xf32>
        %get3A_934 = arith.index_cast %add3A_908 : i32 to index
        %get3A_935 = arith.constant 80 : index
        %get3A_936 = tpu.vector_load %arg7[%get3A_934, %get3A_935] {strides = array<i32>} : memref<128x128xf32, #tpu.memory_space<vmem>>, vector<1x16xf32>,
        %get3A_937 = vector.shape_cast %get3A_936 : vector<1x16xf32> to vector<16xf32>
        %add3A_938 = arith.addf %scan3A_843, %get3A_937 : vector<16xf32>
        %get3A_939 = arith.index_cast %add3A_908 : i32 to index
        %get3A_940 = arith.constant 96 : index
        %get3A_941 = tpu.vector_load %arg7[%get3A_939, %get3A_940] {strides = array<i32>} : memref<128x128xf32, #tpu.memory_space<vmem>>, vector<1x16xf32>,
        %get3A_942 = vector.shape_cast %get3A_941 : vector<1x16xf32> to vector<16xf32>
        %add3A_943 = arith.addf %scan3A_844, %get3A_942 : vector<16xf32>
        %get3A_944 = arith.index_cast %add3A_908 : i32 to index
        %get3A_945 = arith.constant 112 : index
        %get3A_946 = tpu.vector_load %arg7[%get3A_944, %get3A_945] {strides = array<i32>} : memref<128x128xf32, #tpu.memory_space<vmem>>, vector<1x16xf32>,
        %get3A_947 = vector.shape_cast %get3A_946 : vector<1x16xf32> to vector<16xf32>
        %add3A_948 = arith.addf %scan3A_845, %get3A_947 : vector<16xf32>
        %add3A_949 = arith.constant 64 : i32
        %add3A_950 = arith.addi %add3A_949, %add3A_865 : i32
        %get3A_951 = arith.index_cast %add3A_950 : i32 to index
        %get3A_952 = arith.constant 0 : index
        %get3A_953 = tpu.vector_load %arg7[%get3A_951, %get3A_952] {strides = array<i32>} : memref<128x128xf32, #tpu.memory_space<vmem>>, vector<1x16xf32>,
        %get3A_954 = vector.shape_cast %get3A_953 : vector<1x16xf32> to vector<16xf32>
        %add3A_955 = arith.addf %scan3A_846, %get3A_954 : vector<16xf32>
        %get3A_956 = arith.index_cast %add3A_950 : i32 to index
        %get3A_957 = arith.constant 16 : index
        %get3A_958 = tpu.vector_load %arg7[%get3A_956, %get3A_957] {strides = array<i32>} : memref<128x128xf32, #tpu.memory_space<vmem>>, vector<1x16xf32>,
        %get3A_959 = vector.shape_cast %get3A_958 : vector<1x16xf32> to vector<16xf32>
        %add3A_960 = arith.addf %scan3A_847, %get3A_959 : vector<16xf32>
        %get3A_961 = arith.index_cast %add3A_950 : i32 to index
        %get3A_962 = arith.constant 32 : index
        %get3A_963 = tpu.vector_load %arg7[%get3A_961, %get3A_962] {strides = array<i32>} : memref<128x128xf32, #tpu.memory_space<vmem>>, vector<1x16xf32>,
        %get3A_964 = vector.shape_cast %get3A_963 : vector<1x16xf32> to vector<16xf32>
        %add3A_965 = arith.addf %scan3A_848, %get3A_964 : vector<16xf32>
        %get3A_966 = arith.index_cast %add3A_950 : i32 to index
        %get3A_967 = arith.constant 48 : index
        %get3A_968 = tpu.vector_load %arg7[%get3A_966, %get3A_967] {strides = array<i32>} : memref<128x128xf32, #tpu.memory_space<vmem>>, vector<1x16xf32>,
        %get3A_969 = vector.shape_cast %get3A_968 : vector<1x16xf32> to vector<16xf32>
        %add3A_970 = arith.addf %scan3A_849, %get3A_969 : vector<16xf32>
        %get3A_971 = arith.index_cast %add3A_950 : i32 to index
        %get3A_972 = arith.constant 64 : index
        %get3A_973 = tpu.vector_load %arg7[%get3A_971, %get3A_972] {strides = array<i32>} : memref<128x128xf32, #tpu.memory_space<vmem>>, vector<1x16xf32>,
        %get3A_974 = vector.shape_cast %get3A_973 : vector<1x16xf32> to vector<16xf32>
        %add3A_975 = arith.addf %scan3A_850, %get3A_974 : vector<16xf32>
        %get3A_976 = arith.index_cast %add3A_950 : i32 to index
        %get3A_977 = arith.constant 80 : index
        %get3A_978 = tpu.vector_load %arg7[%get3A_976, %get3A_977] {strides = array<i32>} : memref<128x128xf32, #tpu.memory_space<vmem>>, vector<1x16xf32>,
        %get3A_979 = vector.shape_cast %get3A_978 : vector<1x16xf32> to vector<16xf32>
        %add3A_980 = arith.addf %scan3A_851, %get3A_979 : vector<16xf32>
        %get3A_981 = arith.index_cast %add3A_950 : i32 to index
        %get3A_982 = arith.constant 96 : index
        %get3A_983 = tpu.vector_load %arg7[%get3A_981, %get3A_982] {strides = array<i32>} : memref<128x128xf32, #tpu.memory_space<vmem>>, vector<1x16xf32>,
        %get3A_984 = vector.shape_cast %get3A_983 : vector<1x16xf32> to vector<16xf32>
        %add3A_985 = arith.addf %scan3A_852, %get3A_984 : vector<16xf32>
        %get3A_986 = arith.index_cast %add3A_950 : i32 to index
        %get3A_987 = arith.constant 112 : index
        %get3A_988 = tpu.vector_load %arg7[%get3A_986, %get3A_987] {strides = array<i32>} : memref<128x128xf32, #tpu.memory_space<vmem>>, vector<1x16xf32>,
        %get3A_989 = vector.shape_cast %get3A_988 : vector<1x16xf32> to vector<16xf32>
        %add3A_990 = arith.addf %scan3A_853, %get3A_989 : vector<16xf32>
        %add3A_991 = arith.constant 96 : i32
        %add3A_992 = arith.addi %add3A_991, %add3A_865 : i32
        %get3A_993 = arith.index_cast %add3A_992 : i32 to index
        %get3A_994 = arith.constant 0 : index
        %get3A_995 = tpu.vector_load %arg7[%get3A_993, %get3A_994] {strides = array<i32>} : memref<128x128xf32, #tpu.memory_space<vmem>>, vector<1x16xf32>,
        %get3A_996 = vector.shape_cast %get3A_995 : vector<1x16xf32> to vector<16xf32>
        %add3A_997 = arith.addf %scan3A_854, %get3A_996 : vector<16xf32>
        %get3A_998 = arith.index_cast %add3A_992 : i32 to index
        %get3A_999 = arith.constant 16 : index
        %get3A_1000 = tpu.vector_load %arg7[%get3A_998, %get3A_999] {strides = array<i32>} : memref<128x128xf32, #tpu.memory_space<vmem>>, vector<1x16xf32>,
        %get3A_1001 = vector.shape_cast %get3A_1000 : vector<1x16xf32> to vector<16xf32>
        %add3A_1002 = arith.addf %scan3A_855, %get3A_1001 : vector<16xf32>
        %get3A_1003 = arith.index_cast %add3A_992 : i32 to index
        %get3A_1004 = arith.constant 32 : index
        %get3A_1005 = tpu.vector_load %arg7[%get3A_1003, %get3A_1004] {strides = array<i32>} : memref<128x128xf32, #tpu.memory_space<vmem>>, vector<1x16xf32>,
        %get3A_1006 = vector.shape_cast %get3A_1005 : vector<1x16xf32> to vector<16xf32>
        %add3A_1007 = arith.addf %scan3A_856, %get3A_1006 : vector<16xf32>
        %get3A_1008 = arith.index_cast %add3A_992 : i32 to index
        %get3A_1009 = arith.constant 48 : index
        %get3A_1010 = tpu.vector_load %arg7[%get3A_1008, %get3A_1009] {strides = array<i32>} : memref<128x128xf32, #tpu.memory_space<vmem>>, vector<1x16xf32>,
        %get3A_1011 = vector.shape_cast %get3A_1010 : vector<1x16xf32> to vector<16xf32>
        %add3A_1012 = arith.addf %scan3A_857, %get3A_1011 : vector<16xf32>
        %get3A_1013 = arith.index_cast %add3A_992 : i32 to index
        %get3A_1014 = arith.constant 64 : index
        %get3A_1015 = tpu.vector_load %arg7[%get3A_1013, %get3A_1014] {strides = array<i32>} : memref<128x128xf32, #tpu.memory_space<vmem>>, vector<1x16xf32>,
        %get3A_1016 = vector.shape_cast %get3A_1015 : vector<1x16xf32> to vector<16xf32>
        %add3A_1017 = arith.addf %scan3A_858, %get3A_1016 : vector<16xf32>
        %get3A_1018 = arith.index_cast %add3A_992 : i32 to index
        %get3A_1019 = arith.constant 80 : index
        %get3A_1020 = tpu.vector_load %arg7[%get3A_1018, %get3A_1019] {strides = array<i32>} : memref<128x128xf32, #tpu.memory_space<vmem>>, vector<1x16xf32>,
        %get3A_1021 = vector.shape_cast %get3A_1020 : vector<1x16xf32> to vector<16xf32>
        %add3A_1022 = arith.addf %scan3A_859, %get3A_1021 : vector<16xf32>
        %get3A_1023 = arith.index_cast %add3A_992 : i32 to index
        %get3A_1024 = arith.constant 96 : index
        %get3A_1025 = tpu.vector_load %arg7[%get3A_1023, %get3A_1024] {strides = array<i32>} : memref<128x128xf32, #tpu.memory_space<vmem>>, vector<1x16xf32>,
        %get3A_1026 = vector.shape_cast %get3A_1025 : vector<1x16xf32> to vector<16xf32>
        %add3A_1027 = arith.addf %scan3A_860, %get3A_1026 : vector<16xf32>
        %get3A_1028 = arith.index_cast %add3A_992 : i32 to index
        %get3A_1029 = arith.constant 112 : index
        %get3A_1030 = tpu.vector_load %arg7[%get3A_1028, %get3A_1029] {strides = array<i32>} : memref<128x128xf32, #tpu.memory_space<vmem>>, vector<1x16xf32>,
        %get3A_1031 = vector.shape_cast %get3A_1030 : vector<1x16xf32> to vector<16xf32>
        %add3A_1032 = arith.addf %scan3A_861, %get3A_1031 : vector<16xf32>
        %mul3A_1033 = arith.constant 2 : i32
        %mul3A_1034 = arith.muli %scan3A_829, %mul3A_1033 : i32
        %add3A_1035 = arith.constant 1 : i32
        %add3A_1036 = arith.addi %mul3A_1034, %add3A_1035 : i32
        %add3A_1037 = arith.constant 0 : i32
        %add3A_1038 = arith.addi %add3A_1037, %add3A_1036 : i32
        %get3A_1039 = arith.index_cast %add3A_1038 : i32 to index
        %get3A_1040 = arith.constant 0 : index
        %get3A_1041 = tpu.vector_load %arg7[%get3A_1039, %get3A_1040] {strides = array<i32>} : memref<128x128xf32, #tpu.memory_space<vmem>>, vector<1x16xf32>,
        %get3A_1042 = vector.shape_cast %get3A_1041 : vector<1x16xf32> to vector<16xf32>
        %add3A_1043 = arith.addf %add3A_871, %get3A_1042 : vector<16xf32>
        %get3A_1044 = arith.index_cast %add3A_1038 : i32 to index
        %get3A_1045 = arith.constant 16 : index
        %get3A_1046 = tpu.vector_load %arg7[%get3A_1044, %get3A_1045] {strides = array<i32>} : memref<128x128xf32, #tpu.memory_space<vmem>>, vector<1x16xf32>,
        %get3A_1047 = vector.shape_cast %get3A_1046 : vector<1x16xf32> to vector<16xf32>
        %add3A_1048 = arith.addf %add3A_876, %get3A_1047 : vector<16xf32>
        %get3A_1049 = arith.index_cast %add3A_1038 : i32 to index
        %get3A_1050 = arith.constant 32 : index
        %get3A_1051 = tpu.vector_load %arg7[%get3A_1049, %get3A_1050] {strides = array<i32>} : memref<128x128xf32, #tpu.memory_space<vmem>>, vector<1x16xf32>,
        %get3A_1052 = vector.shape_cast %get3A_1051 : vector<1x16xf32> to vector<16xf32>
        %add3A_1053 = arith.addf %add3A_881, %get3A_1052 : vector<16xf32>
        %get3A_1054 = arith.index_cast %add3A_1038 : i32 to index
        %get3A_1055 = arith.constant 48 : index
        %get3A_1056 = tpu.vector_load %arg7[%get3A_1054, %get3A_1055] {strides = array<i32>} : memref<128x128xf32, #tpu.memory_space<vmem>>, vector<1x16xf32>,
        %get3A_1057 = vector.shape_cast %get3A_1056 : vector<1x16xf32> to vector<16xf32>
        %add3A_1058 = arith.addf %add3A_886, %get3A_1057 : vector<16xf32>
        %get3A_1059 = arith.index_cast %add3A_1038 : i32 to index
        %get3A_1060 = arith.constant 64 : index
        %get3A_1061 = tpu.vector_load %arg7[%get3A_1059, %get3A_1060] {strides = array<i32>} : memref<128x128xf32, #tpu.memory_space<vmem>>, vector<1x16xf32>,
        %get3A_1062 = vector.shape_cast %get3A_1061 : vector<1x16xf32> to vector<16xf32>
        %add3A_1063 = arith.addf %add3A_891, %get3A_1062 : vector<16xf32>
        %get3A_1064 = arith.index_cast %add3A_1038 : i32 to index
        %get3A_1065 = arith.constant 80 : index
        %get3A_1066 = tpu.vector_load %arg7[%get3A_1064, %get3A_1065] {strides = array<i32>} : memref<128x128xf32, #tpu.memory_space<vmem>>, vector<1x16xf32>,
        %get3A_1067 = vector.shape_cast %get3A_1066 : vector<1x16xf32> to vector<16xf32>
        %add3A_1068 = arith.addf %add3A_896, %get3A_1067 : vector<16xf32>
        %get3A_1069 = arith.index_cast %add3A_1038 : i32 to index
        %get3A_1070 = arith.constant 96 : index
        %get3A_1071 = tpu.vector_load %arg7[%get3A_1069, %get3A_1070] {strides = array<i32>} : memref<128x128xf32, #tpu.memory_space<vmem>>, vector<1x16xf32>,
        %get3A_1072 = vector.shape_cast %get3A_1071 : vector<1x16xf32> to vector<16xf32>
        %add3A_1073 = arith.addf %add3A_901, %get3A_1072 : vector<16xf32>
        %get3A_1074 = arith.index_cast %add3A_1038 : i32 to index
        %get3A_1075 = arith.constant 112 : index
        %get3A_1076 = tpu.vector_load %arg7[%get3A_1074, %get3A_1075] {strides = array<i32>} : memref<128x128xf32, #tpu.memory_space<vmem>>, vector<1x16xf32>,
        %get3A_1077 = vector.shape_cast %get3A_1076 : vector<1x16xf32> to vector<16xf32>
        %add3A_1078 = arith.addf %add3A_906, %get3A_1077 : vector<16xf32>
        %add3A_1079 = arith.constant 32 : i32
        %add3A_1080 = arith.addi %add3A_1079, %add3A_1036 : i32
        %get3A_1081 = arith.index_cast %add3A_1080 : i32 to index
        %get3A_1082 = arith.constant 0 : index
        %get3A_1083 = tpu.vector_load %arg7[%get3A_1081, %get3A_1082] {strides = array<i32>} : memref<128x128xf32, #tpu.memory_space<vmem>>, vector<1x16xf32>,
        %get3A_1084 = vector.shape_cast %get3A_1083 : vector<1x16xf32> to vector<16xf32>
        %add3A_1085 = arith.addf %add3A_913, %get3A_1084 : vector<16xf32>
        %get3A_1086 = arith.index_cast %add3A_1080 : i32 to index
        %get3A_1087 = arith.constant 16 : index
        %get3A_1088 = tpu.vector_load %arg7[%get3A_1086, %get3A_1087] {strides = array<i32>} : memref<128x128xf32, #tpu.memory_space<vmem>>, vector<1x16xf32>,
        %get3A_1089 = vector.shape_cast %get3A_1088 : vector<1x16xf32> to vector<16xf32>
        %add3A_1090 = arith.addf %add3A_918, %get3A_1089 : vector<16xf32>
        %get3A_1091 = arith.index_cast %add3A_1080 : i32 to index
        %get3A_1092 = arith.constant 32 : index
        %get3A_1093 = tpu.vector_load %arg7[%get3A_1091, %get3A_1092] {strides = array<i32>} : memref<128x128xf32, #tpu.memory_space<vmem>>, vector<1x16xf32>,
        %get3A_1094 = vector.shape_cast %get3A_1093 : vector<1x16xf32> to vector<16xf32>
        %add3A_1095 = arith.addf %add3A_923, %get3A_1094 : vector<16xf32>
        %get3A_1096 = arith.index_cast %add3A_1080 : i32 to index
        %get3A_1097 = arith.constant 48 : index
        %get3A_1098 = tpu.vector_load %arg7[%get3A_1096, %get3A_1097] {strides = array<i32>} : memref<128x128xf32, #tpu.memory_space<vmem>>, vector<1x16xf32>,
        %get3A_1099 = vector.shape_cast %get3A_1098 : vector<1x16xf32> to vector<16xf32>
        %add3A_1100 = arith.addf %add3A_928, %get3A_1099 : vector<16xf32>
        %get3A_1101 = arith.index_cast %add3A_1080 : i32 to index
        %get3A_1102 = arith.constant 64 : index
        %get3A_1103 = tpu.vector_load %arg7[%get3A_1101, %get3A_1102] {strides = array<i32>} : memref<128x128xf32, #tpu.memory_space<vmem>>, vector<1x16xf32>,
        %get3A_1104 = vector.shape_cast %get3A_1103 : vector<1x16xf32> to vector<16xf32>
        %add3A_1105 = arith.addf %add3A_933, %get3A_1104 : vector<16xf32>
        %get3A_1106 = arith.index_cast %add3A_1080 : i32 to index
        %get3A_1107 = arith.constant 80 : index
        %get3A_1108 = tpu.vector_load %arg7[%get3A_1106, %get3A_1107] {strides = array<i32>} : memref<128x128xf32, #tpu.memory_space<vmem>>, vector<1x16xf32>,
        %get3A_1109 = vector.shape_cast %get3A_1108 : vector<1x16xf32> to vector<16xf32>
        %add3A_1110 = arith.addf %add3A_938, %get3A_1109 : vector<16xf32>
        %get3A_1111 = arith.index_cast %add3A_1080 : i32 to index
        %get3A_1112 = arith.constant 96 : index
        %get3A_1113 = tpu.vector_load %arg7[%get3A_1111, %get3A_1112] {strides = array<i32>} : memref<128x128xf32, #tpu.memory_space<vmem>>, vector<1x16xf32>,
        %get3A_1114 = vector.shape_cast %get3A_1113 : vector<1x16xf32> to vector<16xf32>
        %add3A_1115 = arith.addf %add3A_943, %get3A_1114 : vector<16xf32>
        %get3A_1116 = arith.index_cast %add3A_1080 : i32 to index
        %get3A_1117 = arith.constant 112 : index
        %get3A_1118 = tpu.vector_load %arg7[%get3A_1116, %get3A_1117] {strides = array<i32>} : memref<128x128xf32, #tpu.memory_space<vmem>>, vector<1x16xf32>,
        %get3A_1119 = vector.shape_cast %get3A_1118 : vector<1x16xf32> to vector<16xf32>
        %add3A_1120 = arith.addf %add3A_948, %get3A_1119 : vector<16xf32>
        %add3A_1121 = arith.constant 64 : i32
        %add3A_1122 = arith.addi %add3A_1121, %add3A_1036 : i32
        %get3A_1123 = arith.index_cast %add3A_1122 : i32 to index
        %get3A_1124 = arith.constant 0 : index
        %get3A_1125 = tpu.vector_load %arg7[%get3A_1123, %get3A_1124] {strides = array<i32>} : memref<128x128xf32, #tpu.memory_space<vmem>>, vector<1x16xf32>,
        %get3A_1126 = vector.shape_cast %get3A_1125 : vector<1x16xf32> to vector<16xf32>
        %add3A_1127 = arith.addf %add3A_955, %get3A_1126 : vector<16xf32>
        %get3A_1128 = arith.index_cast %add3A_1122 : i32 to index
        %get3A_1129 = arith.constant 16 : index
        %get3A_1130 = tpu.vector_load %arg7[%get3A_1128, %get3A_1129] {strides = array<i32>} : memref<128x128xf32, #tpu.memory_space<vmem>>, vector<1x16xf32>,
        %get3A_1131 = vector.shape_cast %get3A_1130 : vector<1x16xf32> to vector<16xf32>
        %add3A_1132 = arith.addf %add3A_960, %get3A_1131 : vector<16xf32>
        %get3A_1133 = arith.index_cast %add3A_1122 : i32 to index
        %get3A_1134 = arith.constant 32 : index
        %get3A_1135 = tpu.vector_load %arg7[%get3A_1133, %get3A_1134] {strides = array<i32>} : memref<128x128xf32, #tpu.memory_space<vmem>>, vector<1x16xf32>,
        %get3A_1136 = vector.shape_cast %get3A_1135 : vector<1x16xf32> to vector<16xf32>
        %add3A_1137 = arith.addf %add3A_965, %get3A_1136 : vector<16xf32>
        %get3A_1138 = arith.index_cast %add3A_1122 : i32 to index
        %get3A_1139 = arith.constant 48 : index
        %get3A_1140 = tpu.vector_load %arg7[%get3A_1138, %get3A_1139] {strides = array<i32>} : memref<128x128xf32, #tpu.memory_space<vmem>>, vector<1x16xf32>,
        %get3A_1141 = vector.shape_cast %get3A_1140 : vector<1x16xf32> to vector<16xf32>
        %add3A_1142 = arith.addf %add3A_970, %get3A_1141 : vector<16xf32>
        %get3A_1143 = arith.index_cast %add3A_1122 : i32 to index
        %get3A_1144 = arith.constant 64 : index
        %get3A_1145 = tpu.vector_load %arg7[%get3A_1143, %get3A_1144] {strides = array<i32>} : memref<128x128xf32, #tpu.memory_space<vmem>>, vector<1x16xf32>,
        %get3A_1146 = vector.shape_cast %get3A_1145 : vector<1x16xf32> to vector<16xf32>
        %add3A_1147 = arith.addf %add3A_975, %get3A_1146 : vector<16xf32>
        %get3A_1148 = arith.index_cast %add3A_1122 : i32 to index
        %get3A_1149 = arith.constant 80 : index
        %get3A_1150 = tpu.vector_load %arg7[%get3A_1148, %get3A_1149] {strides = array<i32>} : memref<128x128xf32, #tpu.memory_space<vmem>>, vector<1x16xf32>,
        %get3A_1151 = vector.shape_cast %get3A_1150 : vector<1x16xf32> to vector<16xf32>
        %add3A_1152 = arith.addf %add3A_980, %get3A_1151 : vector<16xf32>
        %get3A_1153 = arith.index_cast %add3A_1122 : i32 to index
        %get3A_1154 = arith.constant 96 : index
        %get3A_1155 = tpu.vector_load %arg7[%get3A_1153, %get3A_1154] {strides = array<i32>} : memref<128x128xf32, #tpu.memory_space<vmem>>, vector<1x16xf32>,
        %get3A_1156 = vector.shape_cast %get3A_1155 : vector<1x16xf32> to vector<16xf32>
        %add3A_1157 = arith.addf %add3A_985, %get3A_1156 : vector<16xf32>
        %get3A_1158 = arith.index_cast %add3A_1122 : i32 to index
        %get3A_1159 = arith.constant 112 : index
        %get3A_1160 = tpu.vector_load %arg7[%get3A_1158, %get3A_1159] {strides = array<i32>} : memref<128x128xf32, #tpu.memory_space<vmem>>, vector<1x16xf32>,
        %get3A_1161 = vector.shape_cast %get3A_1160 : vector<1x16xf32> to vector<16xf32>
        %add3A_1162 = arith.addf %add3A_990, %get3A_1161 : vector<16xf32>
        %add3A_1163 = arith.constant 96 : i32
        %add3A_1164 = arith.addi %add3A_1163, %add3A_1036 : i32
        %get3A_1165 = arith.index_cast %add3A_1164 : i32 to index
        %get3A_1166 = arith.constant 0 : index
        %get3A_1167 = tpu.vector_load %arg7[%get3A_1165, %get3A_1166] {strides = array<i32>} : memref<128x128xf32, #tpu.memory_space<vmem>>, vector<1x16xf32>,
        %get3A_1168 = vector.shape_cast %get3A_1167 : vector<1x16xf32> to vector<16xf32>
        %add3A_1169 = arith.addf %add3A_997, %get3A_1168 : vector<16xf32>
        %get3A_1170 = arith.index_cast %add3A_1164 : i32 to index
        %get3A_1171 = arith.constant 16 : index
        %get3A_1172 = tpu.vector_load %arg7[%get3A_1170, %get3A_1171] {strides = array<i32>} : memref<128x128xf32, #tpu.memory_space<vmem>>, vector<1x16xf32>,
        %get3A_1173 = vector.shape_cast %get3A_1172 : vector<1x16xf32> to vector<16xf32>
        %add3A_1174 = arith.addf %add3A_1002, %get3A_1173 : vector<16xf32>
        %get3A_1175 = arith.index_cast %add3A_1164 : i32 to index
        %get3A_1176 = arith.constant 32 : index
        %get3A_1177 = tpu.vector_load %arg7[%get3A_1175, %get3A_1176] {strides = array<i32>} : memref<128x128xf32, #tpu.memory_space<vmem>>, vector<1x16xf32>,
        %get3A_1178 = vector.shape_cast %get3A_1177 : vector<1x16xf32> to vector<16xf32>
        %add3A_1179 = arith.addf %add3A_1007, %get3A_1178 : vector<16xf32>
        %get3A_1180 = arith.index_cast %add3A_1164 : i32 to index
        %get3A_1181 = arith.constant 48 : index
        %get3A_1182 = tpu.vector_load %arg7[%get3A_1180, %get3A_1181] {strides = array<i32>} : memref<128x128xf32, #tpu.memory_space<vmem>>, vector<1x16xf32>,
        %get3A_1183 = vector.shape_cast %get3A_1182 : vector<1x16xf32> to vector<16xf32>
        %add3A_1184 = arith.addf %add3A_1012, %get3A_1183 : vector<16xf32>
        %get3A_1185 = arith.index_cast %add3A_1164 : i32 to index
        %get3A_1186 = arith.constant 64 : index
        %get3A_1187 = tpu.vector_load %arg7[%get3A_1185, %get3A_1186] {strides = array<i32>} : memref<128x128xf32, #tpu.memory_space<vmem>>, vector<1x16xf32>,
        %get3A_1188 = vector.shape_cast %get3A_1187 : vector<1x16xf32> to vector<16xf32>
        %add3A_1189 = arith.addf %add3A_1017, %get3A_1188 : vector<16xf32>
        %get3A_1190 = arith.index_cast %add3A_1164 : i32 to index
        %get3A_1191 = arith.constant 80 : index
        %get3A_1192 = tpu.vector_load %arg7[%get3A_1190, %get3A_1191] {strides = array<i32>} : memref<128x128xf32, #tpu.memory_space<vmem>>, vector<1x16xf32>,
        %get3A_1193 = vector.shape_cast %get3A_1192 : vector<1x16xf32> to vector<16xf32>
        %add3A_1194 = arith.addf %add3A_1022, %get3A_1193 : vector<16xf32>
        %get3A_1195 = arith.index_cast %add3A_1164 : i32 to index
        %get3A_1196 = arith.constant 96 : index
        %get3A_1197 = tpu.vector_load %arg7[%get3A_1195, %get3A_1196] {strides = array<i32>} : memref<128x128xf32, #tpu.memory_space<vmem>>, vector<1x16xf32>,
        %get3A_1198 = vector.shape_cast %get3A_1197 : vector<1x16xf32> to vector<16xf32>
        %add3A_1199 = arith.addf %add3A_1027, %get3A_1198 : vector<16xf32>
        %get3A_1200 = arith.index_cast %add3A_1164 : i32 to index
        %get3A_1201 = arith.constant 112 : index
        %get3A_1202 = tpu.vector_load %arg7[%get3A_1200, %get3A_1201] {strides = array<i32>} : memref<128x128xf32, #tpu.memory_space<vmem>>, vector<1x16xf32>,
        %get3A_1203 = vector.shape_cast %get3A_1202 : vector<1x16xf32> to vector<16xf32>
        %add3A_1204 = arith.addf %add3A_1032, %get3A_1203 : vector<16xf32>
        scf.yield %add3A_1043, %add3A_1048, %add3A_1053, %add3A_1058, %add3A_1063, %add3A_1068, %add3A_1073, %add3A_1078, %add3A_1085, %add3A_1090, %add3A_1095, %add3A_1100, %add3A_1105, %add3A_1110, %add3A_1115, %add3A_1120, %add3A_1127, %add3A_1132, %add3A_1137, %add3A_1142, %add3A_1147, %add3A_1152, %add3A_1157, %add3A_1162, %add3A_1169, %add3A_1174, %add3A_1179, %add3A_1184, %add3A_1189, %add3A_1194, %add3A_1199, %add3A_1204 : vector<16xf32>, vector<16xf32>, vector<16xf32>, vector<16xf32>, vector<16xf32>, vector<16xf32>, vector<16xf32>, vector<16xf32>, vector<16xf32>, vector<16xf32>, vector<16xf32>, vector<16xf32>, vector<16xf32>, vector<16xf32>, vector<16xf32>, vector<16xf32>, vector<16xf32>, vector<16xf32>, vector<16xf32>, vector<16xf32>, vector<16xf32>, vector<16xf32>, vector<16xf32>, vector<16xf32>, vector<16xf32>, vector<16xf32>, vector<16xf32>, vector<16xf32>, vector<16xf32>, vector<16xf32>, vector<16xf32>, vector<16xf32>
      }
      %scan3A_526 = arith.constant 16 : i32
      %mul3A_527 = arith.constant 3.125000e-02 : f32
      %mul3A_528 = vector.broadcast %mul3A_527 : f32 to vector<16xf32>
      %mul3A_529 = arith.mulf %scan3A_525#0, %mul3A_528 : vector<16xf32>
      %swap3A_530 = arith.constant 0 : i32
      %swap3A_531 = arith.index_cast %swap3A_530 : i32 to index
      %swap3A_532 = arith.constant 0 : index
      %swap3A_533 = tpu.vector_load %arg9[%swap3A_531, %swap3A_532] {strides = array<i32>} : memref<4x128xf32, #tpu.memory_space<vmem>>, vector<1x16xf32>,
      %swap3A_534 = vector.shape_cast %swap3A_533 : vector<1x16xf32> to vector<16xf32>
      %swap3A_535 = vector.shape_cast %mul3A_529 : vector<16xf32> to vector<1x16xf32>
      tpu.vector_store %arg9[%swap3A_531, %swap3A_532], %swap3A_535 {strides = array<i32>} : memref<4x128xf32, #tpu.memory_space<vmem>>, vector<1x16xf32>,
      %mul3A_536 = arith.constant 3.125000e-02 : f32
      %mul3A_537 = vector.broadcast %mul3A_536 : f32 to vector<16xf32>
      %mul3A_538 = arith.mulf %scan3A_525#1, %mul3A_537 : vector<16xf32>
      %swap3A_539 = arith.constant 0 : i32
      %swap3A_540 = arith.index_cast %swap3A_539 : i32 to index
      %swap3A_541 = arith.constant 16 : index
      %swap3A_542 = tpu.vector_load %arg9[%swap3A_540, %swap3A_541] {strides = array<i32>} : memref<4x128xf32, #tpu.memory_space<vmem>>, vector<1x16xf32>,
      %swap3A_543 = vector.shape_cast %swap3A_542 : vector<1x16xf32> to vector<16xf32>
      %swap3A_544 = vector.shape_cast %mul3A_538 : vector<16xf32> to vector<1x16xf32>
      tpu.vector_store %arg9[%swap3A_540, %swap3A_541], %swap3A_544 {strides = array<i32>} : memref<4x128xf32, #tpu.memory_space<vmem>>, vector<1x16xf32>,
      %mul3A_545 = arith.constant 3.125000e-02 : f32
      %mul3A_546 = vector.broadcast %mul3A_545 : f32 to vector<16xf32>
      %mul3A_547 = arith.mulf %scan3A_525#2, %mul3A_546 : vector<16xf32>
      %swap3A_548 = arith.constant 0 : i32
      %swap3A_549 = arith.index_cast %swap3A_548 : i32 to index
      %swap3A_550 = arith.constant 32 : index
      %swap3A_551 = tpu.vector_load %arg9[%swap3A_549, %swap3A_550] {strides = array<i32>} : memref<4x128xf32, #tpu.memory_space<vmem>>, vector<1x16xf32>,
      %swap3A_552 = vector.shape_cast %swap3A_551 : vector<1x16xf32> to vector<16xf32>
      %swap3A_553 = vector.shape_cast %mul3A_547 : vector<16xf32> to vector<1x16xf32>
      tpu.vector_store %arg9[%swap3A_549, %swap3A_550], %swap3A_553 {strides = array<i32>} : memref<4x128xf32, #tpu.memory_space<vmem>>, vector<1x16xf32>,
      %mul3A_554 = arith.constant 3.125000e-02 : f32
      %mul3A_555 = vector.broadcast %mul3A_554 : f32 to vector<16xf32>
      %mul3A_556 = arith.mulf %scan3A_525#3, %mul3A_555 : vector<16xf32>
      %swap3A_557 = arith.constant 0 : i32
      %swap3A_558 = arith.index_cast %swap3A_557 : i32 to index
      %swap3A_559 = arith.constant 48 : index
      %swap3A_560 = tpu.vector_load %arg9[%swap3A_558, %swap3A_559] {strides = array<i32>} : memref<4x128xf32, #tpu.memory_space<vmem>>, vector<1x16xf32>,
      %swap3A_561 = vector.shape_cast %swap3A_560 : vector<1x16xf32> to vector<16xf32>
      %swap3A_562 = vector.shape_cast %mul3A_556 : vector<16xf32> to vector<1x16xf32>
      tpu.vector_store %arg9[%swap3A_558, %swap3A_559], %swap3A_562 {strides = array<i32>} : memref<4x128xf32, #tpu.memory_space<vmem>>, vector<1x16xf32>,
      %mul3A_563 = arith.constant 3.125000e-02 : f32
      %mul3A_564 = vector.broadcast %mul3A_563 : f32 to vector<16xf32>
      %mul3A_565 = arith.mulf %scan3A_525#4, %mul3A_564 : vector<16xf32>
      %swap3A_566 = arith.constant 0 : i32
      %swap3A_567 = arith.index_cast %swap3A_566 : i32 to index
      %swap3A_568 = arith.constant 64 : index
      %swap3A_569 = tpu.vector_load %arg9[%swap3A_567, %swap3A_568] {strides = array<i32>} : memref<4x128xf32, #tpu.memory_space<vmem>>, vector<1x16xf32>,
      %swap3A_570 = vector.shape_cast %swap3A_569 : vector<1x16xf32> to vector<16xf32>
      %swap3A_571 = vector.shape_cast %mul3A_565 : vector<16xf32> to vector<1x16xf32>
      tpu.vector_store %arg9[%swap3A_567, %swap3A_568], %swap3A_571 {strides = array<i32>} : memref<4x128xf32, #tpu.memory_space<vmem>>, vector<1x16xf32>,
      %mul3A_572 = arith.constant 3.125000e-02 : f32
      %mul3A_573 = vector.broadcast %mul3A_572 : f32 to vector<16xf32>
      %mul3A_574 = arith.mulf %scan3A_525#5, %mul3A_573 : vector<16xf32>
      %swap3A_575 = arith.constant 0 : i32
      %swap3A_576 = arith.index_cast %swap3A_575 : i32 to index
      %swap3A_577 = arith.constant 80 : index
      %swap3A_578 = tpu.vector_load %arg9[%swap3A_576, %swap3A_577] {strides = array<i32>} : memref<4x128xf32, #tpu.memory_space<vmem>>, vector<1x16xf32>,
      %swap3A_579 = vector.shape_cast %swap3A_578 : vector<1x16xf32> to vector<16xf32>
      %swap3A_580 = vector.shape_cast %mul3A_574 : vector<16xf32> to vector<1x16xf32>
      tpu.vector_store %arg9[%swap3A_576, %swap3A_577], %swap3A_580 {strides = array<i32>} : memref<4x128xf32, #tpu.memory_space<vmem>>, vector<1x16xf32>,
      %mul3A_581 = arith.constant 3.125000e-02 : f32
      %mul3A_582 = vector.broadcast %mul3A_581 : f32 to vector<16xf32>
      %mul3A_583 = arith.mulf %scan3A_525#6, %mul3A_582 : vector<16xf32>
      %swap3A_584 = arith.constant 0 : i32
      %swap3A_585 = arith.index_cast %swap3A_584 : i32 to index
      %swap3A_586 = arith.constant 96 : index
      %swap3A_587 = tpu.vector_load %arg9[%swap3A_585, %swap3A_586] {strides = array<i32>} : memref<4x128xf32, #tpu.memory_space<vmem>>, vector<1x16xf32>,
      %swap3A_588 = vector.shape_cast %swap3A_587 : vector<1x16xf32> to vector<16xf32>
      %swap3A_589 = vector.shape_cast %mul3A_583 : vector<16xf32> to vector<1x16xf32>
      tpu.vector_store %arg9[%swap3A_585, %swap3A_586], %swap3A_589 {strides = array<i32>} : memref<4x128xf32, #tpu.memory_space<vmem>>, vector<1x16xf32>,
      %mul3A_590 = arith.constant 3.125000e-02 : f32
      %mul3A_591 = vector.broadcast %mul3A_590 : f32 to vector<16xf32>
      %mul3A_592 = arith.mulf %scan3A_525#7, %mul3A_591 : vector<16xf32>
      %swap3A_593 = arith.constant 0 : i32
      %swap3A_594 = arith.index_cast %swap3A_593 : i32 to index
      %swap3A_595 = arith.constant 112 : index
      %swap3A_596 = tpu.vector_load %arg9[%swap3A_594, %swap3A_595] {strides = array<i32>} : memref<4x128xf32, #tpu.memory_space<vmem>>, vector<1x16xf32>,
      %swap3A_597 = vector.shape_cast %swap3A_596 : vector<1x16xf32> to vector<16xf32>
      %swap3A_598 = vector.shape_cast %mul3A_592 : vector<16xf32> to vector<1x16xf32>
      tpu.vector_store %arg9[%swap3A_594, %swap3A_595], %swap3A_598 {strides = array<i32>} : memref<4x128xf32, #tpu.memory_space<vmem>>, vector<1x16xf32>,
      %mul3A_599 = arith.constant 3.125000e-02 : f32
      %mul3A_600 = vector.broadcast %mul3A_599 : f32 to vector<16xf32>
      %mul3A_601 = arith.mulf %scan3A_525#8, %mul3A_600 : vector<16xf32>
      %swap3A_602 = arith.constant 1 : i32
      %swap3A_603 = arith.index_cast %swap3A_602 : i32 to index
      %swap3A_604 = arith.constant 0 : index
      %swap3A_605 = tpu.vector_load %arg9[%swap3A_603, %swap3A_604] {strides = array<i32>} : memref<4x128xf32, #tpu.memory_space<vmem>>, vector<1x16xf32>,
      %swap3A_606 = vector.shape_cast %swap3A_605 : vector<1x16xf32> to vector<16xf32>
      %swap3A_607 = vector.shape_cast %mul3A_601 : vector<16xf32> to vector<1x16xf32>
      tpu.vector_store %arg9[%swap3A_603, %swap3A_604], %swap3A_607 {strides = array<i32>} : memref<4x128xf32, #tpu.memory_space<vmem>>, vector<1x16xf32>,
      %mul3A_608 = arith.constant 3.125000e-02 : f32
      %mul3A_609 = vector.broadcast %mul3A_608 : f32 to vector<16xf32>
      %mul3A_610 = arith.mulf %scan3A_525#9, %mul3A_609 : vector<16xf32>
      %swap3A_611 = arith.constant 1 : i32
      %swap3A_612 = arith.index_cast %swap3A_611 : i32 to index
      %swap3A_613 = arith.constant 16 : index
      %swap3A_614 = tpu.vector_load %arg9[%swap3A_612, %swap3A_613] {strides = array<i32>} : memref<4x128xf32, #tpu.memory_space<vmem>>, vector<1x16xf32>,
      %swap3A_615 = vector.shape_cast %swap3A_614 : vector<1x16xf32> to vector<16xf32>
      %swap3A_616 = vector.shape_cast %mul3A_610 : vector<16xf32> to vector<1x16xf32>
      tpu.vector_store %arg9[%swap3A_612, %swap3A_613], %swap3A_616 {strides = array<i32>} : memref<4x128xf32, #tpu.memory_space<vmem>>, vector<1x16xf32>,
      %mul3A_617 = arith.constant 3.125000e-02 : f32
      %mul3A_618 = vector.broadcast %mul3A_617 : f32 to vector<16xf32>
      %mul3A_619 = arith.mulf %scan3A_525#10, %mul3A_618 : vector<16xf32>
      %swap3A_620 = arith.constant 1 : i32
      %swap3A_621 = arith.index_cast %swap3A_620 : i32 to index
      %swap3A_622 = arith.constant 32 : index
      %swap3A_623 = tpu.vector_load %arg9[%swap3A_621, %swap3A_622] {strides = array<i32>} : memref<4x128xf32, #tpu.memory_space<vmem>>, vector<1x16xf32>,
      %swap3A_624 = vector.shape_cast %swap3A_623 : vector<1x16xf32> to vector<16xf32>
      %swap3A_625 = vector.shape_cast %mul3A_619 : vector<16xf32> to vector<1x16xf32>
      tpu.vector_store %arg9[%swap3A_621, %swap3A_622], %swap3A_625 {strides = array<i32>} : memref<4x128xf32, #tpu.memory_space<vmem>>, vector<1x16xf32>,
      %mul3A_626 = arith.constant 3.125000e-02 : f32
      %mul3A_627 = vector.broadcast %mul3A_626 : f32 to vector<16xf32>
      %mul3A_628 = arith.mulf %scan3A_525#11, %mul3A_627 : vector<16xf32>
      %swap3A_629 = arith.constant 1 : i32
      %swap3A_630 = arith.index_cast %swap3A_629 : i32 to index
      %swap3A_631 = arith.constant 48 : index
      %swap3A_632 = tpu.vector_load %arg9[%swap3A_630, %swap3A_631] {strides = array<i32>} : memref<4x128xf32, #tpu.memory_space<vmem>>, vector<1x16xf32>,
      %swap3A_633 = vector.shape_cast %swap3A_632 : vector<1x16xf32> to vector<16xf32>
      %swap3A_634 = vector.shape_cast %mul3A_628 : vector<16xf32> to vector<1x16xf32>
      tpu.vector_store %arg9[%swap3A_630, %swap3A_631], %swap3A_634 {strides = array<i32>} : memref<4x128xf32, #tpu.memory_space<vmem>>, vector<1x16xf32>,
      %mul3A_635 = arith.constant 3.125000e-02 : f32
      %mul3A_636 = vector.broadcast %mul3A_635 : f32 to vector<16xf32>
      %mul3A_637 = arith.mulf %scan3A_525#12, %mul3A_636 : vector<16xf32>
      %swap3A_638 = arith.constant 1 : i32
      %swap3A_639 = arith.index_cast %swap3A_638 : i32 to index
      %swap3A_640 = arith.constant 64 : index
      %swap3A_641 = tpu.vector_load %arg9[%swap3A_639, %swap3A_640] {strides = array<i32>} : memref<4x128xf32, #tpu.memory_space<vmem>>, vector<1x16xf32>,
      %swap3A_642 = vector.shape_cast %swap3A_641 : vector<1x16xf32> to vector<16xf32>
      %swap3A_643 = vector.shape_cast %mul3A_637 : vector<16xf32> to vector<1x16xf32>
      tpu.vector_store %arg9[%swap3A_639, %swap3A_640], %swap3A_643 {strides = array<i32>} : memref<4x128xf32, #tpu.memory_space<vmem>>, vector<1x16xf32>,
      %mul3A_644 = arith.constant 3.125000e-02 : f32
      %mul3A_645 = vector.broadcast %mul3A_644 : f32 to vector<16xf32>
      %mul3A_646 = arith.mulf %scan3A_525#13, %mul3A_645 : vector<16xf32>
      %swap3A_647 = arith.constant 1 : i32
      %swap3A_648 = arith.index_cast %swap3A_647 : i32 to index
      %swap3A_649 = arith.constant 80 : index
      %swap3A_650 = tpu.vector_load %arg9[%swap3A_648, %swap3A_649] {strides = array<i32>} : memref<4x128xf32, #tpu.memory_space<vmem>>, vector<1x16xf32>,
      %swap3A_651 = vector.shape_cast %swap3A_650 : vector<1x16xf32> to vector<16xf32>
      %swap3A_652 = vector.shape_cast %mul3A_646 : vector<16xf32> to vector<1x16xf32>
      tpu.vector_store %arg9[%swap3A_648, %swap3A_649], %swap3A_652 {strides = array<i32>} : memref<4x128xf32, #tpu.memory_space<vmem>>, vector<1x16xf32>,
      %mul3A_653 = arith.constant 3.125000e-02 : f32
      %mul3A_654 = vector.broadcast %mul3A_653 : f32 to vector<16xf32>
      %mul3A_655 = arith.mulf %scan3A_525#14, %mul3A_654 : vector<16xf32>
      %swap3A_656 = arith.constant 1 : i32
      %swap3A_657 = arith.index_cast %swap3A_656 : i32 to index
      %swap3A_658 = arith.constant 96 : index
      %swap3A_659 = tpu.vector_load %arg9[%swap3A_657, %swap3A_658] {strides = array<i32>} : memref<4x128xf32, #tpu.memory_space<vmem>>, vector<1x16xf32>,
      %swap3A_660 = vector.shape_cast %swap3A_659 : vector<1x16xf32> to vector<16xf32>
      %swap3A_661 = vector.shape_cast %mul3A_655 : vector<16xf32> to vector<1x16xf32>
      tpu.vector_store %arg9[%swap3A_657, %swap3A_658], %swap3A_661 {strides = array<i32>} : memref<4x128xf32, #tpu.memory_space<vmem>>, vector<1x16xf32>,
      %mul3A_662 = arith.constant 3.125000e-02 : f32
      %mul3A_663 = vector.broadcast %mul3A_662 : f32 to vector<16xf32>
      %mul3A_664 = arith.mulf %scan3A_525#15, %mul3A_663 : vector<16xf32>
      %swap3A_665 = arith.constant 1 : i32
      %swap3A_666 = arith.index_cast %swap3A_665 : i32 to index
      %swap3A_667 = arith.constant 112 : index
      %swap3A_668 = tpu.vector_load %arg9[%swap3A_666, %swap3A_667] {strides = array<i32>} : memref<4x128xf32, #tpu.memory_space<vmem>>, vector<1x16xf32>,
      %swap3A_669 = vector.shape_cast %swap3A_668 : vector<1x16xf32> to vector<16xf32>
      %swap3A_670 = vector.shape_cast %mul3A_664 : vector<16xf32> to vector<1x16xf32>
      tpu.vector_store %arg9[%swap3A_666, %swap3A_667], %swap3A_670 {strides = array<i32>} : memref<4x128xf32, #tpu.memory_space<vmem>>, vector<1x16xf32>,
      %mul3A_671 = arith.constant 3.125000e-02 : f32
      %mul3A_672 = vector.broadcast %mul3A_671 : f32 to vector<16xf32>
      %mul3A_673 = arith.mulf %scan3A_525#16, %mul3A_672 : vector<16xf32>
      %swap3A_674 = arith.constant 2 : i32
      %swap3A_675 = arith.index_cast %swap3A_674 : i32 to index
      %swap3A_676 = arith.constant 0 : index
      %swap3A_677 = tpu.vector_load %arg9[%swap3A_675, %swap3A_676] {strides = array<i32>} : memref<4x128xf32, #tpu.memory_space<vmem>>, vector<1x16xf32>,
      %swap3A_678 = vector.shape_cast %swap3A_677 : vector<1x16xf32> to vector<16xf32>
      %swap3A_679 = vector.shape_cast %mul3A_673 : vector<16xf32> to vector<1x16xf32>
      tpu.vector_store %arg9[%swap3A_675, %swap3A_676], %swap3A_679 {strides = array<i32>} : memref<4x128xf32, #tpu.memory_space<vmem>>, vector<1x16xf32>,
      %mul3A_680 = arith.constant 3.125000e-02 : f32
      %mul3A_681 = vector.broadcast %mul3A_680 : f32 to vector<16xf32>
      %mul3A_682 = arith.mulf %scan3A_525#17, %mul3A_681 : vector<16xf32>
      %swap3A_683 = arith.constant 2 : i32
      %swap3A_684 = arith.index_cast %swap3A_683 : i32 to index
      %swap3A_685 = arith.constant 16 : index
      %swap3A_686 = tpu.vector_load %arg9[%swap3A_684, %swap3A_685] {strides = array<i32>} : memref<4x128xf32, #tpu.memory_space<vmem>>, vector<1x16xf32>,
      %swap3A_687 = vector.shape_cast %swap3A_686 : vector<1x16xf32> to vector<16xf32>
      %swap3A_688 = vector.shape_cast %mul3A_682 : vector<16xf32> to vector<1x16xf32>
      tpu.vector_store %arg9[%swap3A_684, %swap3A_685], %swap3A_688 {strides = array<i32>} : memref<4x128xf32, #tpu.memory_space<vmem>>, vector<1x16xf32>,
      %mul3A_689 = arith.constant 3.125000e-02 : f32
      %mul3A_690 = vector.broadcast %mul3A_689 : f32 to vector<16xf32>
      %mul3A_691 = arith.mulf %scan3A_525#18, %mul3A_690 : vector<16xf32>
      %swap3A_692 = arith.constant 2 : i32
      %swap3A_693 = arith.index_cast %swap3A_692 : i32 to index
      %swap3A_694 = arith.constant 32 : index
      %swap3A_695 = tpu.vector_load %arg9[%swap3A_693, %swap3A_694] {strides = array<i32>} : memref<4x128xf32, #tpu.memory_space<vmem>>, vector<1x16xf32>,
      %swap3A_696 = vector.shape_cast %swap3A_695 : vector<1x16xf32> to vector<16xf32>
      %swap3A_697 = vector.shape_cast %mul3A_691 : vector<16xf32> to vector<1x16xf32>
      tpu.vector_store %arg9[%swap3A_693, %swap3A_694], %swap3A_697 {strides = array<i32>} : memref<4x128xf32, #tpu.memory_space<vmem>>, vector<1x16xf32>,
      %mul3A_698 = arith.constant 3.125000e-02 : f32
      %mul3A_699 = vector.broadcast %mul3A_698 : f32 to vector<16xf32>
      %mul3A_700 = arith.mulf %scan3A_525#19, %mul3A_699 : vector<16xf32>
      %swap3A_701 = arith.constant 2 : i32
      %swap3A_702 = arith.index_cast %swap3A_701 : i32 to index
      %swap3A_703 = arith.constant 48 : index
      %swap3A_704 = tpu.vector_load %arg9[%swap3A_702, %swap3A_703] {strides = array<i32>} : memref<4x128xf32, #tpu.memory_space<vmem>>, vector<1x16xf32>,
      %swap3A_705 = vector.shape_cast %swap3A_704 : vector<1x16xf32> to vector<16xf32>
      %swap3A_706 = vector.shape_cast %mul3A_700 : vector<16xf32> to vector<1x16xf32>
      tpu.vector_store %arg9[%swap3A_702, %swap3A_703], %swap3A_706 {strides = array<i32>} : memref<4x128xf32, #tpu.memory_space<vmem>>, vector<1x16xf32>,
      %mul3A_707 = arith.constant 3.125000e-02 : f32
      %mul3A_708 = vector.broadcast %mul3A_707 : f32 to vector<16xf32>
      %mul3A_709 = arith.mulf %scan3A_525#20, %mul3A_708 : vector<16xf32>
      %swap3A_710 = arith.constant 2 : i32
      %swap3A_711 = arith.index_cast %swap3A_710 : i32 to index
      %swap3A_712 = arith.constant 64 : index
      %swap3A_713 = tpu.vector_load %arg9[%swap3A_711, %swap3A_712] {strides = array<i32>} : memref<4x128xf32, #tpu.memory_space<vmem>>, vector<1x16xf32>,
      %swap3A_714 = vector.shape_cast %swap3A_713 : vector<1x16xf32> to vector<16xf32>
      %swap3A_715 = vector.shape_cast %mul3A_709 : vector<16xf32> to vector<1x16xf32>
      tpu.vector_store %arg9[%swap3A_711, %swap3A_712], %swap3A_715 {strides = array<i32>} : memref<4x128xf32, #tpu.memory_space<vmem>>, vector<1x16xf32>,
      %mul3A_716 = arith.constant 3.125000e-02 : f32
      %mul3A_717 = vector.broadcast %mul3A_716 : f32 to vector<16xf32>
      %mul3A_718 = arith.mulf %scan3A_525#21, %mul3A_717 : vector<16xf32>
      %swap3A_719 = arith.constant 2 : i32
      %swap3A_720 = arith.index_cast %swap3A_719 : i32 to index
      %swap3A_721 = arith.constant 80 : index
      %swap3A_722 = tpu.vector_load %arg9[%swap3A_720, %swap3A_721] {strides = array<i32>} : memref<4x128xf32, #tpu.memory_space<vmem>>, vector<1x16xf32>,
      %swap3A_723 = vector.shape_cast %swap3A_722 : vector<1x16xf32> to vector<16xf32>
      %swap3A_724 = vector.shape_cast %mul3A_718 : vector<16xf32> to vector<1x16xf32>
      tpu.vector_store %arg9[%swap3A_720, %swap3A_721], %swap3A_724 {strides = array<i32>} : memref<4x128xf32, #tpu.memory_space<vmem>>, vector<1x16xf32>,
      %mul3A_725 = arith.constant 3.125000e-02 : f32
      %mul3A_726 = vector.broadcast %mul3A_725 : f32 to vector<16xf32>
      %mul3A_727 = arith.mulf %scan3A_525#22, %mul3A_726 : vector<16xf32>
      %swap3A_728 = arith.constant 2 : i32
      %swap3A_729 = arith.index_cast %swap3A_728 : i32 to index
      %swap3A_730 = arith.constant 96 : index
      %swap3A_731 = tpu.vector_load %arg9[%swap3A_729, %swap3A_730] {strides = array<i32>} : memref<4x128xf32, #tpu.memory_space<vmem>>, vector<1x16xf32>,
      %swap3A_732 = vector.shape_cast %swap3A_731 : vector<1x16xf32> to vector<16xf32>
      %swap3A_733 = vector.shape_cast %mul3A_727 : vector<16xf32> to vector<1x16xf32>
      tpu.vector_store %arg9[%swap3A_729, %swap3A_730], %swap3A_733 {strides = array<i32>} : memref<4x128xf32, #tpu.memory_space<vmem>>, vector<1x16xf32>,
      %mul3A_734 = arith.constant 3.125000e-02 : f32
      %mul3A_735 = vector.broadcast %mul3A_734 : f32 to vector<16xf32>
      %mul3A_736 = arith.mulf %scan3A_525#23, %mul3A_735 : vector<16xf32>
      %swap3A_737 = arith.constant 2 : i32
      %swap3A_738 = arith.index_cast %swap3A_737 : i32 to index
      %swap3A_739 = arith.constant 112 : index
      %swap3A_740 = tpu.vector_load %arg9[%swap3A_738, %swap3A_739] {strides = array<i32>} : memref<4x128xf32, #tpu.memory_space<vmem>>, vector<1x16xf32>,
      %swap3A_741 = vector.shape_cast %swap3A_740 : vector<1x16xf32> to vector<16xf32>
      %swap3A_742 = vector.shape_cast %mul3A_736 : vector<16xf32> to vector<1x16xf32>
      tpu.vector_store %arg9[%swap3A_738, %swap3A_739], %swap3A_742 {strides = array<i32>} : memref<4x128xf32, #tpu.memory_space<vmem>>, vector<1x16xf32>,
      %mul3A_743 = arith.constant 3.125000e-02 : f32
      %mul3A_744 = vector.broadcast %mul3A_743 : f32 to vector<16xf32>
      %mul3A_745 = arith.mulf %scan3A_525#24, %mul3A_744 : vector<16xf32>
      %swap3A_746 = arith.constant 3 : i32
      %swap3A_747 = arith.index_cast %swap3A_746 : i32 to index
      %swap3A_748 = arith.constant 0 : index
      %swap3A_749 = tpu.vector_load %arg9[%swap3A_747, %swap3A_748] {strides = array<i32>} : memref<4x128xf32, #tpu.memory_space<vmem>>, vector<1x16xf32>,
      %swap3A_750 = vector.shape_cast %swap3A_749 : vector<1x16xf32> to vector<16xf32>
      %swap3A_751 = vector.shape_cast %mul3A_745 : vector<16xf32> to vector<1x16xf32>
      tpu.vector_store %arg9[%swap3A_747, %swap3A_748], %swap3A_751 {strides = array<i32>} : memref<4x128xf32, #tpu.memory_space<vmem>>, vector<1x16xf32>,
      %mul3A_752 = arith.constant 3.125000e-02 : f32
      %mul3A_753 = vector.broadcast %mul3A_752 : f32 to vector<16xf32>
      %mul3A_754 = arith.mulf %scan3A_525#25, %mul3A_753 : vector<16xf32>
      %swap3A_755 = arith.constant 3 : i32
      %swap3A_756 = arith.index_cast %swap3A_755 : i32 to index
      %swap3A_757 = arith.constant 16 : index
      %swap3A_758 = tpu.vector_load %arg9[%swap3A_756, %swap3A_757] {strides = array<i32>} : memref<4x128xf32, #tpu.memory_space<vmem>>, vector<1x16xf32>,
      %swap3A_759 = vector.shape_cast %swap3A_758 : vector<1x16xf32> to vector<16xf32>
      %swap3A_760 = vector.shape_cast %mul3A_754 : vector<16xf32> to vector<1x16xf32>
      tpu.vector_store %arg9[%swap3A_756, %swap3A_757], %swap3A_760 {strides = array<i32>} : memref<4x128xf32, #tpu.memory_space<vmem>>, vector<1x16xf32>,
      %mul3A_761 = arith.constant 3.125000e-02 : f32
      %mul3A_762 = vector.broadcast %mul3A_761 : f32 to vector<16xf32>
      %mul3A_763 = arith.mulf %scan3A_525#26, %mul3A_762 : vector<16xf32>
      %swap3A_764 = arith.constant 3 : i32
      %swap3A_765 = arith.index_cast %swap3A_764 : i32 to index
      %swap3A_766 = arith.constant 32 : index
      %swap3A_767 = tpu.vector_load %arg9[%swap3A_765, %swap3A_766] {strides = array<i32>} : memref<4x128xf32, #tpu.memory_space<vmem>>, vector<1x16xf32>,
      %swap3A_768 = vector.shape_cast %swap3A_767 : vector<1x16xf32> to vector<16xf32>
      %swap3A_769 = vector.shape_cast %mul3A_763 : vector<16xf32> to vector<1x16xf32>
      tpu.vector_store %arg9[%swap3A_765, %swap3A_766], %swap3A_769 {strides = array<i32>} : memref<4x128xf32, #tpu.memory_space<vmem>>, vector<1x16xf32>,
      %mul3A_770 = arith.constant 3.125000e-02 : f32
      %mul3A_771 = vector.broadcast %mul3A_770 : f32 to vector<16xf32>
      %mul3A_772 = arith.mulf %scan3A_525#27, %mul3A_771 : vector<16xf32>
      %swap3A_773 = arith.constant 3 : i32
      %swap3A_774 = arith.index_cast %swap3A_773 : i32 to index
      %swap3A_775 = arith.constant 48 : index
      %swap3A_776 = tpu.vector_load %arg9[%swap3A_774, %swap3A_775] {strides = array<i32>} : memref<4x128xf32, #tpu.memory_space<vmem>>, vector<1x16xf32>,
      %swap3A_777 = vector.shape_cast %swap3A_776 : vector<1x16xf32> to vector<16xf32>
      %swap3A_778 = vector.shape_cast %mul3A_772 : vector<16xf32> to vector<1x16xf32>
      tpu.vector_store %arg9[%swap3A_774, %swap3A_775], %swap3A_778 {strides = array<i32>} : memref<4x128xf32, #tpu.memory_space<vmem>>, vector<1x16xf32>,
      %mul3A_779 = arith.constant 3.125000e-02 : f32
      %mul3A_780 = vector.broadcast %mul3A_779 : f32 to vector<16xf32>
      %mul3A_781 = arith.mulf %scan3A_525#28, %mul3A_780 : vector<16xf32>
      %swap3A_782 = arith.constant 3 : i32
      %swap3A_783 = arith.index_cast %swap3A_782 : i32 to index
      %swap3A_784 = arith.constant 64 : index
      %swap3A_785 = tpu.vector_load %arg9[%swap3A_783, %swap3A_784] {strides = array<i32>} : memref<4x128xf32, #tpu.memory_space<vmem>>, vector<1x16xf32>,
      %swap3A_786 = vector.shape_cast %swap3A_785 : vector<1x16xf32> to vector<16xf32>
      %swap3A_787 = vector.shape_cast %mul3A_781 : vector<16xf32> to vector<1x16xf32>
      tpu.vector_store %arg9[%swap3A_783, %swap3A_784], %swap3A_787 {strides = array<i32>} : memref<4x128xf32, #tpu.memory_space<vmem>>, vector<1x16xf32>,
      %mul3A_788 = arith.constant 3.125000e-02 : f32
      %mul3A_789 = vector.broadcast %mul3A_788 : f32 to vector<16xf32>
      %mul3A_790 = arith.mulf %scan3A_525#29, %mul3A_789 : vector<16xf32>
      %swap3A_791 = arith.constant 3 : i32
      %swap3A_792 = arith.index_cast %swap3A_791 : i32 to index
      %swap3A_793 = arith.constant 80 : index
      %swap3A_794 = tpu.vector_load %arg9[%swap3A_792, %swap3A_793] {strides = array<i32>} : memref<4x128xf32, #tpu.memory_space<vmem>>, vector<1x16xf32>,
      %swap3A_795 = vector.shape_cast %swap3A_794 : vector<1x16xf32> to vector<16xf32>
      %swap3A_796 = vector.shape_cast %mul3A_790 : vector<16xf32> to vector<1x16xf32>
      tpu.vector_store %arg9[%swap3A_792, %swap3A_793], %swap3A_796 {strides = array<i32>} : memref<4x128xf32, #tpu.memory_space<vmem>>, vector<1x16xf32>,
      %mul3A_797 = arith.constant 3.125000e-02 : f32
      %mul3A_798 = vector.broadcast %mul3A_797 : f32 to vector<16xf32>
      %mul3A_799 = arith.mulf %scan3A_525#30, %mul3A_798 : vector<16xf32>
      %swap3A_800 = arith.constant 3 : i32
      %swap3A_801 = arith.index_cast %swap3A_800 : i32 to index
      %swap3A_802 = arith.constant 96 : index
      %swap3A_803 = tpu.vector_load %arg9[%swap3A_801, %swap3A_802] {strides = array<i32>} : memref<4x128xf32, #tpu.memory_space<vmem>>, vector<1x16xf32>,
      %swap3A_804 = vector.shape_cast %swap3A_803 : vector<1x16xf32> to vector<16xf32>
      %swap3A_805 = vector.shape_cast %mul3A_799 : vector<16xf32> to vector<1x16xf32>
      tpu.vector_store %arg9[%swap3A_801, %swap3A_802], %swap3A_805 {strides = array<i32>} : memref<4x128xf32, #tpu.memory_space<vmem>>, vector<1x16xf32>,
      %mul3A_806 = arith.constant 3.125000e-02 : f32
      %mul3A_807 = vector.broadcast %mul3A_806 : f32 to vector<16xf32>
      %mul3A_808 = arith.mulf %scan3A_525#31, %mul3A_807 : vector<16xf32>
      %swap3A_809 = arith.constant 3 : i32
      %swap3A_810 = arith.index_cast %swap3A_809 : i32 to index
      %swap3A_811 = arith.constant 112 : index
      %swap3A_812 = tpu.vector_load %arg9[%swap3A_810, %swap3A_811] {strides = array<i32>} : memref<4x128xf32, #tpu.memory_space<vmem>>, vector<1x16xf32>,
      %swap3A_813 = vector.shape_cast %swap3A_812 : vector<1x16xf32> to vector<16xf32>
      %swap3A_814 = vector.shape_cast %mul3A_808 : vector<16xf32> to vector<1x16xf32>
      tpu.vector_store %arg9[%swap3A_810, %swap3A_811], %swap3A_814 {strides = array<i32>} : memref<4x128xf32, #tpu.memory_space<vmem>>, vector<1x16xf32>,
      %mul3A_815 = arith.constant 4 : i32
      %mul3A_816 = arith.muli %add3A_446, %mul3A_815 : i32
      %add3A_817 = arith.addi %add3A, %mul3A_816 : i32
      %dma_start3A_818 = arith.constant 0 : i32
      %dma_start3A_819 = tpu.memref_slice %arg4[%add3A_817, %dma_start3A_818] : memref<10112x128xf32, #tpu.memory_space<hbm>> -> memref<4x128xf32, #tpu.memory_space<hbm>>
      %dma_start3A_820 = arith.constant 0 : i32
      %dma_start3A_821 = tpu.memref_slice %arg4[%add3A_817, %dma_start3A_820] : memref<10112x128xf32, #tpu.memory_space<hbm>> -> memref<4x128xf32, #tpu.memory_space<hbm>>
      tpu.enqueue_dma source(%arg9 : memref<4x128xf32, #tpu.memory_space<vmem>>) target(%dma_start3A_821 : memref<4x128xf32, #tpu.memory_space<hbm>>) target_semaphore(%arg13 : memref<!tpu.dma_semaphore, #tpu.memory_space<semaphore_mem>>)
      %add3A_822 = arith.constant 2 : i32
      %add3A_823 = arith.addi %add3A_446, %add3A_822 : i32
      %lt3A_824 = arith.cmpi slt, %add3A_823, %select_n3A_7 : i32
      %convert_element_type3A_825 = arith.extui %lt3A_824 : i1 to i32
      %cond3A_826 = arith.constant 0 : i32
      %cond3A_827 = arith.cmpi ne, %convert_element_type3A_825, %cond3A_826 : i32
      scf.if %cond3A_827 {
        %add3A_829 = arith.constant 2 : i32
        %add3A_830 = arith.addi %add3A_446, %add3A_829 : i32
        %mul3A_831 = arith.constant 4 : i32
        %mul3A_832 = arith.muli %add3A_830, %mul3A_831 : i32
        %mul3A_833 = arith.constant 32 : i32
        %mul3A_834 = arith.muli %mul3A_832, %mul3A_833 : i32
        %dma_start3A_835 = tpu.memref_slice %arg5[%mul3A_834] : memref<16896xi32, #tpu.memory_space<vmem>> -> memref<128xi32, #tpu.memory_space<vmem>>
        %dma_start3A_836 = arith.constant 0 : i32
        %dma_start3A_837 = arith.constant 0 : i32
        %dma_start3A_838 = tpu.memref_slice %arg3[%dma_start3A_836, %dma_start3A_837] : memref<50000x128xf32, #tpu.memory_space<hbm>> -> memref<50000x128xf32, #tpu.memory_space<hbm>>
        tpu.enqueue_indirect_dma source(%dma_start3A_838 : memref<50000x128xf32, #tpu.memory_space<hbm>>) target(%arg7 : memref<128x128xf32, #tpu.memory_space<vmem>>) offsets(%dma_start3A_835 : memref<128xi32, #tpu.memory_space<vmem>>) semaphore(%arg11 : memref<!tpu.dma_semaphore, #tpu.memory_space<semaphore_mem>>)
      } else {
      }
      %while3A_828 = arith.constant 0 : i32
      scf.yield %while3A_828 : i32
    }
    %while3A_54 = arith.constant 1 : i32
    %while3A_55 = scf.for %while3A_63 = %while3A_51 to %while3A_47 step %while3A_54 iter_args(%while3A_64 = %while3A_53) -> (i32)  : i32 {
      %mul3A_65 = arith.constant 2 : i32
      %mul3A_66 = arith.muli %while3A_63, %mul3A_65 : i32
      %add3A_67 = arith.constant 0 : i32
      %add3A_68 = arith.addi %mul3A_66, %add3A_67 : i32
      %dma_wait3A_69 = arith.constant 0 : i32
      %dma_wait3A_70 = tpu.memref_slice %arg5[%dma_wait3A_69] : memref<16896xi32, #tpu.memory_space<vmem>> -> memref<128xi32, #tpu.memory_space<vmem>>
      %dma_wait3A_71 = arith.constant 0 : i32
      %dma_wait3A_72 = arith.constant 0 : i32
      %dma_wait3A_73 = tpu.memref_slice %arg3[%dma_wait3A_71, %dma_wait3A_72] : memref<50000x128xf32, #tpu.memory_space<hbm>> -> memref<50000x128xf32, #tpu.memory_space<hbm>>
      tpu.wait_indirect_dma semaphore(%arg10 : memref<!tpu.dma_semaphore, #tpu.memory_space<semaphore_mem>>) src(%dma_wait3A_73 : memref<50000x128xf32, #tpu.memory_space<hbm>>) dst(%arg6 : memref<128x128xf32, #tpu.memory_space<vmem>>)
      %ge3A = arith.constant 2 : i32
      %ge3A_74 = arith.cmpi sge, %add3A_68, %ge3A : i32
      %convert_element_type3A_75 = arith.extui %ge3A_74 : i1 to i32
      %cond3A_76 = arith.constant 0 : i32
      %cond3A_77 = arith.cmpi ne, %convert_element_type3A_75, %cond3A_76 : i32
      scf.if %cond3A_77 {
        %mul3A_829 = arith.constant 4 : i32
        %mul3A_830 = arith.muli %add3A_68, %mul3A_829 : i32
        %add3A_831 = arith.addi %add3A, %mul3A_830 : i32
        %dma_wait3A_832 = arith.constant 0 : i32
        %dma_wait3A_833 = tpu.memref_slice %arg4[%add3A_831, %dma_wait3A_832] : memref<10112x128xf32, #tpu.memory_space<hbm>> -> memref<4x128xf32, #tpu.memory_space<hbm>>
        %dma_wait3A_834 = arith.constant 0 : i32
        %dma_wait3A_835 = tpu.memref_slice %arg4[%add3A_831, %dma_wait3A_834] : memref<10112x128xf32, #tpu.memory_space<hbm>> -> memref<4x128xf32, #tpu.memory_space<hbm>>
        tpu.wait_dma2 semaphore(%arg12 : memref<!tpu.dma_semaphore, #tpu.memory_space<semaphore_mem>>) src(%arg8 : memref<4x128xf32, #tpu.memory_space<vmem>>) dst(%dma_wait3A_835 : memref<4x128xf32, #tpu.memory_space<hbm>>)
      } else {
      }
      %broadcast_in_dim3A = arith.constant 0.000000e+00 : f32
      %broadcast_in_dim3A_78 = vector.broadcast %broadcast_in_dim3A : f32 to vector<16xf32>
      %broadcast_in_dim3A_79 = arith.constant 0.000000e+00 : f32
      %broadcast_in_dim3A_80 = vector.broadcast %broadcast_in_dim3A_79 : f32 to vector<16xf32>
      %broadcast_in_dim3A_81 = arith.constant 0.000000e+00 : f32
      %broadcast_in_dim3A_82 = vector.broadcast %broadcast_in_dim3A_81 : f32 to vector<16xf32>
      %broadcast_in_dim3A_83 = arith.constant 0.000000e+00 : f32
      %broadcast_in_dim3A_84 = vector.broadcast %broadcast_in_dim3A_83 : f32 to vector<16xf32>
      %broadcast_in_dim3A_85 = arith.constant 0.000000e+00 : f32
      %broadcast_in_dim3A_86 = vector.broadcast %broadcast_in_dim3A_85 : f32 to vector<16xf32>
      %broadcast_in_dim3A_87 = arith.constant 0.000000e+00 : f32
      %broadcast_in_dim3A_88 = vector.broadcast %broadcast_in_dim3A_87 : f32 to vector<16xf32>
      %broadcast_in_dim3A_89 = arith.constant 0.000000e+00 : f32
      %broadcast_in_dim3A_90 = vector.broadcast %broadcast_in_dim3A_89 : f32 to vector<16xf32>
      %broadcast_in_dim3A_91 = arith.constant 0.000000e+00 : f32
      %broadcast_in_dim3A_92 = vector.broadcast %broadcast_in_dim3A_91 : f32 to vector<16xf32>
      %broadcast_in_dim3A_93 = arith.constant 0.000000e+00 : f32
      %broadcast_in_dim3A_94 = vector.broadcast %broadcast_in_dim3A_93 : f32 to vector<16xf32>
      %broadcast_in_dim3A_95 = arith.constant 0.000000e+00 : f32
      %broadcast_in_dim3A_96 = vector.broadcast %broadcast_in_dim3A_95 : f32 to vector<16xf32>
      %broadcast_in_dim3A_97 = arith.constant 0.000000e+00 : f32
      %broadcast_in_dim3A_98 = vector.broadcast %broadcast_in_dim3A_97 : f32 to vector<16xf32>
      %broadcast_in_dim3A_99 = arith.constant 0.000000e+00 : f32
      %broadcast_in_dim3A_100 = vector.broadcast %broadcast_in_dim3A_99 : f32 to vector<16xf32>
      %broadcast_in_dim3A_101 = arith.constant 0.000000e+00 : f32
      %broadcast_in_dim3A_102 = vector.broadcast %broadcast_in_dim3A_101 : f32 to vector<16xf32>
      %broadcast_in_dim3A_103 = arith.constant 0.000000e+00 : f32
      %broadcast_in_dim3A_104 = vector.broadcast %broadcast_in_dim3A_103 : f32 to vector<16xf32>
      %broadcast_in_dim3A_105 = arith.constant 0.000000e+00 : f32
      %broadcast_in_dim3A_106 = vector.broadcast %broadcast_in_dim3A_105 : f32 to vector<16xf32>
      %broadcast_in_dim3A_107 = arith.constant 0.000000e+00 : f32
      %broadcast_in_dim3A_108 = vector.broadcast %broadcast_in_dim3A_107 : f32 to vector<16xf32>
      %broadcast_in_dim3A_109 = arith.constant 0.000000e+00 : f32
      %broadcast_in_dim3A_110 = vector.broadcast %broadcast_in_dim3A_109 : f32 to vector<16xf32>
      %broadcast_in_dim3A_111 = arith.constant 0.000000e+00 : f32
      %broadcast_in_dim3A_112 = vector.broadcast %broadcast_in_dim3A_111 : f32 to vector<16xf32>
      %broadcast_in_dim3A_113 = arith.constant 0.000000e+00 : f32
      %broadcast_in_dim3A_114 = vector.broadcast %broadcast_in_dim3A_113 : f32 to vector<16xf32>
      %broadcast_in_dim3A_115 = arith.constant 0.000000e+00 : f32
      %broadcast_in_dim3A_116 = vector.broadcast %broadcast_in_dim3A_115 : f32 to vector<16xf32>
      %broadcast_in_dim3A_117 = arith.constant 0.000000e+00 : f32
      %broadcast_in_dim3A_118 = vector.broadcast %broadcast_in_dim3A_117 : f32 to vector<16xf32>
      %broadcast_in_dim3A_119 = arith.constant 0.000000e+00 : f32
      %broadcast_in_dim3A_120 = vector.broadcast %broadcast_in_dim3A_119 : f32 to vector<16xf32>
      %broadcast_in_dim3A_121 = arith.constant 0.000000e+00 : f32
      %broadcast_in_dim3A_122 = vector.broadcast %broadcast_in_dim3A_121 : f32 to vector<16xf32>
      %broadcast_in_dim3A_123 = arith.constant 0.000000e+00 : f32
      %broadcast_in_dim3A_124 = vector.broadcast %broadcast_in_dim3A_123 : f32 to vector<16xf32>
      %broadcast_in_dim3A_125 = arith.constant 0.000000e+00 : f32
      %broadcast_in_dim3A_126 = vector.broadcast %broadcast_in_dim3A_125 : f32 to vector<16xf32>
      %broadcast_in_dim3A_127 = arith.constant 0.000000e+00 : f32
      %broadcast_in_dim3A_128 = vector.broadcast %broadcast_in_dim3A_127 : f32 to vector<16xf32>
      %broadcast_in_dim3A_129 = arith.constant 0.000000e+00 : f32
      %broadcast_in_dim3A_130 = vector.broadcast %broadcast_in_dim3A_129 : f32 to vector<16xf32>
      %broadcast_in_dim3A_131 = arith.constant 0.000000e+00 : f32
      %broadcast_in_dim3A_132 = vector.broadcast %broadcast_in_dim3A_131 : f32 to vector<16xf32>
      %broadcast_in_dim3A_133 = arith.constant 0.000000e+00 : f32
      %broadcast_in_dim3A_134 = vector.broadcast %broadcast_in_dim3A_133 : f32 to vector<16xf32>
      %broadcast_in_dim3A_135 = arith.constant 0.000000e+00 : f32
      %broadcast_in_dim3A_136 = vector.broadcast %broadcast_in_dim3A_135 : f32 to vector<16xf32>
      %broadcast_in_dim3A_137 = arith.constant 0.000000e+00 : f32
      %broadcast_in_dim3A_138 = vector.broadcast %broadcast_in_dim3A_137 : f32 to vector<16xf32>
      %broadcast_in_dim3A_139 = arith.constant 0.000000e+00 : f32
      %broadcast_in_dim3A_140 = vector.broadcast %broadcast_in_dim3A_139 : f32 to vector<16xf32>
      %scan3A = arith.constant 0 : i32
      %scan3A_141 = arith.constant 16 : i32
      %scan3A_142 = arith.addi %scan3A, %scan3A_141 : i32
      %scan3A_143 = arith.constant 1 : i32
      %scan3A_144:32 = scf.for %scan3A_829 = %scan3A to %scan3A_142 step %scan3A_143 iter_args(%scan3A_830 = %broadcast_in_dim3A_78, %scan3A_831 = %broadcast_in_dim3A_80, %scan3A_832 = %broadcast_in_dim3A_82, %scan3A_833 = %broadcast_in_dim3A_84, %scan3A_834 = %broadcast_in_dim3A_86, %scan3A_835 = %broadcast_in_dim3A_88, %scan3A_836 = %broadcast_in_dim3A_90, %scan3A_837 = %broadcast_in_dim3A_92, %scan3A_838 = %broadcast_in_dim3A_94, %scan3A_839 = %broadcast_in_dim3A_96, %scan3A_840 = %broadcast_in_dim3A_98, %scan3A_841 = %broadcast_in_dim3A_100, %scan3A_842 = %broadcast_in_dim3A_102, %scan3A_843 = %broadcast_in_dim3A_104, %scan3A_844 = %broadcast_in_dim3A_106, %scan3A_845 = %broadcast_in_dim3A_108, %scan3A_846 = %broadcast_in_dim3A_110, %scan3A_847 = %broadcast_in_dim3A_112, %scan3A_848 = %broadcast_in_dim3A_114, %scan3A_849 = %broadcast_in_dim3A_116, %scan3A_850 = %broadcast_in_dim3A_118, %scan3A_851 = %broadcast_in_dim3A_120, %scan3A_852 = %broadcast_in_dim3A_122, %scan3A_853 = %broadcast_in_dim3A_124, %scan3A_854 = %broadcast_in_dim3A_126, %scan3A_855 = %broadcast_in_dim3A_128, %scan3A_856 = %broadcast_in_dim3A_130, %scan3A_857 = %broadcast_in_dim3A_132, %scan3A_858 = %broadcast_in_dim3A_134, %scan3A_859 = %broadcast_in_dim3A_136, %scan3A_860 = %broadcast_in_dim3A_138, %scan3A_861 = %broadcast_in_dim3A_140) -> (vector<16xf32>, vector<16xf32>, vector<16xf32>, vector<16xf32>, vector<16xf32>, vector<16xf32>, vector<16xf32>, vector<16xf32>, vector<16xf32>, vector<16xf32>, vector<16xf32>, vector<16xf32>, vector<16xf32>, vector<16xf32>, vector<16xf32>, vector<16xf32>, vector<16xf32>, vector<16xf32>, vector<16xf32>, vector<16xf32>, vector<16xf32>, vector<16xf32>, vector<16xf32>, vector<16xf32>, vector<16xf32>, vector<16xf32>, vector<16xf32>, vector<16xf32>, vector<16xf32>, vector<16xf32>, vector<16xf32>, vector<16xf32>)  : i32 {
        %mul3A_862 = arith.constant 2 : i32
        %mul3A_863 = arith.muli %scan3A_829, %mul3A_862 : i32
        %add3A_864 = arith.constant 0 : i32
        %add3A_865 = arith.addi %mul3A_863, %add3A_864 : i32
        %add3A_866 = arith.constant 0 : i32
        %add3A_867 = arith.addi %add3A_866, %add3A_865 : i32
        %get3A = arith.index_cast %add3A_867 : i32 to index
        %get3A_868 = arith.constant 0 : index
        %get3A_869 = tpu.vector_load %arg6[%get3A, %get3A_868] {strides = array<i32>} : memref<128x128xf32, #tpu.memory_space<vmem>>, vector<1x16xf32>,
        %get3A_870 = vector.shape_cast %get3A_869 : vector<1x16xf32> to vector<16xf32>
        %add3A_871 = arith.addf %scan3A_830, %get3A_870 : vector<16xf32>
        %get3A_872 = arith.index_cast %add3A_867 : i32 to index
        %get3A_873 = arith.constant 16 : index
        %get3A_874 = tpu.vector_load %arg6[%get3A_872, %get3A_873] {strides = array<i32>} : memref<128x128xf32, #tpu.memory_space<vmem>>, vector<1x16xf32>,
        %get3A_875 = vector.shape_cast %get3A_874 : vector<1x16xf32> to vector<16xf32>
        %add3A_876 = arith.addf %scan3A_831, %get3A_875 : vector<16xf32>
        %get3A_877 = arith.index_cast %add3A_867 : i32 to index
        %get3A_878 = arith.constant 32 : index
        %get3A_879 = tpu.vector_load %arg6[%get3A_877, %get3A_878] {strides = array<i32>} : memref<128x128xf32, #tpu.memory_space<vmem>>, vector<1x16xf32>,
        %get3A_880 = vector.shape_cast %get3A_879 : vector<1x16xf32> to vector<16xf32>
        %add3A_881 = arith.addf %scan3A_832, %get3A_880 : vector<16xf32>
        %get3A_882 = arith.index_cast %add3A_867 : i32 to index
        %get3A_883 = arith.constant 48 : index
        %get3A_884 = tpu.vector_load %arg6[%get3A_882, %get3A_883] {strides = array<i32>} : memref<128x128xf32, #tpu.memory_space<vmem>>, vector<1x16xf32>,
        %get3A_885 = vector.shape_cast %get3A_884 : vector<1x16xf32> to vector<16xf32>
        %add3A_886 = arith.addf %scan3A_833, %get3A_885 : vector<16xf32>
        %get3A_887 = arith.index_cast %add3A_867 : i32 to index
        %get3A_888 = arith.constant 64 : index
        %get3A_889 = tpu.vector_load %arg6[%get3A_887, %get3A_888] {strides = array<i32>} : memref<128x128xf32, #tpu.memory_space<vmem>>, vector<1x16xf32>,
        %get3A_890 = vector.shape_cast %get3A_889 : vector<1x16xf32> to vector<16xf32>
        %add3A_891 = arith.addf %scan3A_834, %get3A_890 : vector<16xf32>
        %get3A_892 = arith.index_cast %add3A_867 : i32 to index
        %get3A_893 = arith.constant 80 : index
        %get3A_894 = tpu.vector_load %arg6[%get3A_892, %get3A_893] {strides = array<i32>} : memref<128x128xf32, #tpu.memory_space<vmem>>, vector<1x16xf32>,
        %get3A_895 = vector.shape_cast %get3A_894 : vector<1x16xf32> to vector<16xf32>
        %add3A_896 = arith.addf %scan3A_835, %get3A_895 : vector<16xf32>
        %get3A_897 = arith.index_cast %add3A_867 : i32 to index
        %get3A_898 = arith.constant 96 : index
        %get3A_899 = tpu.vector_load %arg6[%get3A_897, %get3A_898] {strides = array<i32>} : memref<128x128xf32, #tpu.memory_space<vmem>>, vector<1x16xf32>,
        %get3A_900 = vector.shape_cast %get3A_899 : vector<1x16xf32> to vector<16xf32>
        %add3A_901 = arith.addf %scan3A_836, %get3A_900 : vector<16xf32>
        %get3A_902 = arith.index_cast %add3A_867 : i32 to index
        %get3A_903 = arith.constant 112 : index
        %get3A_904 = tpu.vector_load %arg6[%get3A_902, %get3A_903] {strides = array<i32>} : memref<128x128xf32, #tpu.memory_space<vmem>>, vector<1x16xf32>,
        %get3A_905 = vector.shape_cast %get3A_904 : vector<1x16xf32> to vector<16xf32>
        %add3A_906 = arith.addf %scan3A_837, %get3A_905 : vector<16xf32>
        %add3A_907 = arith.constant 32 : i32
        %add3A_908 = arith.addi %add3A_907, %add3A_865 : i32
        %get3A_909 = arith.index_cast %add3A_908 : i32 to index
        %get3A_910 = arith.constant 0 : index
        %get3A_911 = tpu.vector_load %arg6[%get3A_909, %get3A_910] {strides = array<i32>} : memref<128x128xf32, #tpu.memory_space<vmem>>, vector<1x16xf32>,
        %get3A_912 = vector.shape_cast %get3A_911 : vector<1x16xf32> to vector<16xf32>
        %add3A_913 = arith.addf %scan3A_838, %get3A_912 : vector<16xf32>
        %get3A_914 = arith.index_cast %add3A_908 : i32 to index
        %get3A_915 = arith.constant 16 : index
        %get3A_916 = tpu.vector_load %arg6[%get3A_914, %get3A_915] {strides = array<i32>} : memref<128x128xf32, #tpu.memory_space<vmem>>, vector<1x16xf32>,
        %get3A_917 = vector.shape_cast %get3A_916 : vector<1x16xf32> to vector<16xf32>
        %add3A_918 = arith.addf %scan3A_839, %get3A_917 : vector<16xf32>
        %get3A_919 = arith.index_cast %add3A_908 : i32 to index
        %get3A_920 = arith.constant 32 : index
        %get3A_921 = tpu.vector_load %arg6[%get3A_919, %get3A_920] {strides = array<i32>} : memref<128x128xf32, #tpu.memory_space<vmem>>, vector<1x16xf32>,
        %get3A_922 = vector.shape_cast %get3A_921 : vector<1x16xf32> to vector<16xf32>
        %add3A_923 = arith.addf %scan3A_840, %get3A_922 : vector<16xf32>
        %get3A_924 = arith.index_cast %add3A_908 : i32 to index
        %get3A_925 = arith.constant 48 : index
        %get3A_926 = tpu.vector_load %arg6[%get3A_924, %get3A_925] {strides = array<i32>} : memref<128x128xf32, #tpu.memory_space<vmem>>, vector<1x16xf32>,
        %get3A_927 = vector.shape_cast %get3A_926 : vector<1x16xf32> to vector<16xf32>
        %add3A_928 = arith.addf %scan3A_841, %get3A_927 : vector<16xf32>
        %get3A_929 = arith.index_cast %add3A_908 : i32 to index
        %get3A_930 = arith.constant 64 : index
        %get3A_931 = tpu.vector_load %arg6[%get3A_929, %get3A_930] {strides = array<i32>} : memref<128x128xf32, #tpu.memory_space<vmem>>, vector<1x16xf32>,
        %get3A_932 = vector.shape_cast %get3A_931 : vector<1x16xf32> to vector<16xf32>
        %add3A_933 = arith.addf %scan3A_842, %get3A_932 : vector<16xf32>
        %get3A_934 = arith.index_cast %add3A_908 : i32 to index
        %get3A_935 = arith.constant 80 : index
        %get3A_936 = tpu.vector_load %arg6[%get3A_934, %get3A_935] {strides = array<i32>} : memref<128x128xf32, #tpu.memory_space<vmem>>, vector<1x16xf32>,
        %get3A_937 = vector.shape_cast %get3A_936 : vector<1x16xf32> to vector<16xf32>
        %add3A_938 = arith.addf %scan3A_843, %get3A_937 : vector<16xf32>
        %get3A_939 = arith.index_cast %add3A_908 : i32 to index
        %get3A_940 = arith.constant 96 : index
        %get3A_941 = tpu.vector_load %arg6[%get3A_939, %get3A_940] {strides = array<i32>} : memref<128x128xf32, #tpu.memory_space<vmem>>, vector<1x16xf32>,
        %get3A_942 = vector.shape_cast %get3A_941 : vector<1x16xf32> to vector<16xf32>
        %add3A_943 = arith.addf %scan3A_844, %get3A_942 : vector<16xf32>
        %get3A_944 = arith.index_cast %add3A_908 : i32 to index
        %get3A_945 = arith.constant 112 : index
        %get3A_946 = tpu.vector_load %arg6[%get3A_944, %get3A_945] {strides = array<i32>} : memref<128x128xf32, #tpu.memory_space<vmem>>, vector<1x16xf32>,
        %get3A_947 = vector.shape_cast %get3A_946 : vector<1x16xf32> to vector<16xf32>
        %add3A_948 = arith.addf %scan3A_845, %get3A_947 : vector<16xf32>
        %add3A_949 = arith.constant 64 : i32
        %add3A_950 = arith.addi %add3A_949, %add3A_865 : i32
        %get3A_951 = arith.index_cast %add3A_950 : i32 to index
        %get3A_952 = arith.constant 0 : index
        %get3A_953 = tpu.vector_load %arg6[%get3A_951, %get3A_952] {strides = array<i32>} : memref<128x128xf32, #tpu.memory_space<vmem>>, vector<1x16xf32>,
        %get3A_954 = vector.shape_cast %get3A_953 : vector<1x16xf32> to vector<16xf32>
        %add3A_955 = arith.addf %scan3A_846, %get3A_954 : vector<16xf32>
        %get3A_956 = arith.index_cast %add3A_950 : i32 to index
        %get3A_957 = arith.constant 16 : index
        %get3A_958 = tpu.vector_load %arg6[%get3A_956, %get3A_957] {strides = array<i32>} : memref<128x128xf32, #tpu.memory_space<vmem>>, vector<1x16xf32>,
        %get3A_959 = vector.shape_cast %get3A_958 : vector<1x16xf32> to vector<16xf32>
        %add3A_960 = arith.addf %scan3A_847, %get3A_959 : vector<16xf32>
        %get3A_961 = arith.index_cast %add3A_950 : i32 to index
        %get3A_962 = arith.constant 32 : index
        %get3A_963 = tpu.vector_load %arg6[%get3A_961, %get3A_962] {strides = array<i32>} : memref<128x128xf32, #tpu.memory_space<vmem>>, vector<1x16xf32>,
        %get3A_964 = vector.shape_cast %get3A_963 : vector<1x16xf32> to vector<16xf32>
        %add3A_965 = arith.addf %scan3A_848, %get3A_964 : vector<16xf32>
        %get3A_966 = arith.index_cast %add3A_950 : i32 to index
        %get3A_967 = arith.constant 48 : index
        %get3A_968 = tpu.vector_load %arg6[%get3A_966, %get3A_967] {strides = array<i32>} : memref<128x128xf32, #tpu.memory_space<vmem>>, vector<1x16xf32>,
        %get3A_969 = vector.shape_cast %get3A_968 : vector<1x16xf32> to vector<16xf32>
        %add3A_970 = arith.addf %scan3A_849, %get3A_969 : vector<16xf32>
        %get3A_971 = arith.index_cast %add3A_950 : i32 to index
        %get3A_972 = arith.constant 64 : index
        %get3A_973 = tpu.vector_load %arg6[%get3A_971, %get3A_972] {strides = array<i32>} : memref<128x128xf32, #tpu.memory_space<vmem>>, vector<1x16xf32>,
        %get3A_974 = vector.shape_cast %get3A_973 : vector<1x16xf32> to vector<16xf32>
        %add3A_975 = arith.addf %scan3A_850, %get3A_974 : vector<16xf32>
        %get3A_976 = arith.index_cast %add3A_950 : i32 to index
        %get3A_977 = arith.constant 80 : index
        %get3A_978 = tpu.vector_load %arg6[%get3A_976, %get3A_977] {strides = array<i32>} : memref<128x128xf32, #tpu.memory_space<vmem>>, vector<1x16xf32>,
        %get3A_979 = vector.shape_cast %get3A_978 : vector<1x16xf32> to vector<16xf32>
        %add3A_980 = arith.addf %scan3A_851, %get3A_979 : vector<16xf32>
        %get3A_981 = arith.index_cast %add3A_950 : i32 to index
        %get3A_982 = arith.constant 96 : index
        %get3A_983 = tpu.vector_load %arg6[%get3A_981, %get3A_982] {strides = array<i32>} : memref<128x128xf32, #tpu.memory_space<vmem>>, vector<1x16xf32>,
        %get3A_984 = vector.shape_cast %get3A_983 : vector<1x16xf32> to vector<16xf32>
        %add3A_985 = arith.addf %scan3A_852, %get3A_984 : vector<16xf32>
        %get3A_986 = arith.index_cast %add3A_950 : i32 to index
        %get3A_987 = arith.constant 112 : index
        %get3A_988 = tpu.vector_load %arg6[%get3A_986, %get3A_987] {strides = array<i32>} : memref<128x128xf32, #tpu.memory_space<vmem>>, vector<1x16xf32>,
        %get3A_989 = vector.shape_cast %get3A_988 : vector<1x16xf32> to vector<16xf32>
        %add3A_990 = arith.addf %scan3A_853, %get3A_989 : vector<16xf32>
        %add3A_991 = arith.constant 96 : i32
        %add3A_992 = arith.addi %add3A_991, %add3A_865 : i32
        %get3A_993 = arith.index_cast %add3A_992 : i32 to index
        %get3A_994 = arith.constant 0 : index
        %get3A_995 = tpu.vector_load %arg6[%get3A_993, %get3A_994] {strides = array<i32>} : memref<128x128xf32, #tpu.memory_space<vmem>>, vector<1x16xf32>,
        %get3A_996 = vector.shape_cast %get3A_995 : vector<1x16xf32> to vector<16xf32>
        %add3A_997 = arith.addf %scan3A_854, %get3A_996 : vector<16xf32>
        %get3A_998 = arith.index_cast %add3A_992 : i32 to index
        %get3A_999 = arith.constant 16 : index
        %get3A_1000 = tpu.vector_load %arg6[%get3A_998, %get3A_999] {strides = array<i32>} : memref<128x128xf32, #tpu.memory_space<vmem>>, vector<1x16xf32>,
        %get3A_1001 = vector.shape_cast %get3A_1000 : vector<1x16xf32> to vector<16xf32>
        %add3A_1002 = arith.addf %scan3A_855, %get3A_1001 : vector<16xf32>
        %get3A_1003 = arith.index_cast %add3A_992 : i32 to index
        %get3A_1004 = arith.constant 32 : index
        %get3A_1005 = tpu.vector_load %arg6[%get3A_1003, %get3A_1004] {strides = array<i32>} : memref<128x128xf32, #tpu.memory_space<vmem>>, vector<1x16xf32>,
        %get3A_1006 = vector.shape_cast %get3A_1005 : vector<1x16xf32> to vector<16xf32>
        %add3A_1007 = arith.addf %scan3A_856, %get3A_1006 : vector<16xf32>
        %get3A_1008 = arith.index_cast %add3A_992 : i32 to index
        %get3A_1009 = arith.constant 48 : index
        %get3A_1010 = tpu.vector_load %arg6[%get3A_1008, %get3A_1009] {strides = array<i32>} : memref<128x128xf32, #tpu.memory_space<vmem>>, vector<1x16xf32>,
        %get3A_1011 = vector.shape_cast %get3A_1010 : vector<1x16xf32> to vector<16xf32>
        %add3A_1012 = arith.addf %scan3A_857, %get3A_1011 : vector<16xf32>
        %get3A_1013 = arith.index_cast %add3A_992 : i32 to index
        %get3A_1014 = arith.constant 64 : index
        %get3A_1015 = tpu.vector_load %arg6[%get3A_1013, %get3A_1014] {strides = array<i32>} : memref<128x128xf32, #tpu.memory_space<vmem>>, vector<1x16xf32>,
        %get3A_1016 = vector.shape_cast %get3A_1015 : vector<1x16xf32> to vector<16xf32>
        %add3A_1017 = arith.addf %scan3A_858, %get3A_1016 : vector<16xf32>
        %get3A_1018 = arith.index_cast %add3A_992 : i32 to index
        %get3A_1019 = arith.constant 80 : index
        %get3A_1020 = tpu.vector_load %arg6[%get3A_1018, %get3A_1019] {strides = array<i32>} : memref<128x128xf32, #tpu.memory_space<vmem>>, vector<1x16xf32>,
        %get3A_1021 = vector.shape_cast %get3A_1020 : vector<1x16xf32> to vector<16xf32>
        %add3A_1022 = arith.addf %scan3A_859, %get3A_1021 : vector<16xf32>
        %get3A_1023 = arith.index_cast %add3A_992 : i32 to index
        %get3A_1024 = arith.constant 96 : index
        %get3A_1025 = tpu.vector_load %arg6[%get3A_1023, %get3A_1024] {strides = array<i32>} : memref<128x128xf32, #tpu.memory_space<vmem>>, vector<1x16xf32>,
        %get3A_1026 = vector.shape_cast %get3A_1025 : vector<1x16xf32> to vector<16xf32>
        %add3A_1027 = arith.addf %scan3A_860, %get3A_1026 : vector<16xf32>
        %get3A_1028 = arith.index_cast %add3A_992 : i32 to index
        %get3A_1029 = arith.constant 112 : index
        %get3A_1030 = tpu.vector_load %arg6[%get3A_1028, %get3A_1029] {strides = array<i32>} : memref<128x128xf32, #tpu.memory_space<vmem>>, vector<1x16xf32>,
        %get3A_1031 = vector.shape_cast %get3A_1030 : vector<1x16xf32> to vector<16xf32>
        %add3A_1032 = arith.addf %scan3A_861, %get3A_1031 : vector<16xf32>
        %mul3A_1033 = arith.constant 2 : i32
        %mul3A_1034 = arith.muli %scan3A_829, %mul3A_1033 : i32
        %add3A_1035 = arith.constant 1 : i32
        %add3A_1036 = arith.addi %mul3A_1034, %add3A_1035 : i32
        %add3A_1037 = arith.constant 0 : i32
        %add3A_1038 = arith.addi %add3A_1037, %add3A_1036 : i32
        %get3A_1039 = arith.index_cast %add3A_1038 : i32 to index
        %get3A_1040 = arith.constant 0 : index
        %get3A_1041 = tpu.vector_load %arg6[%get3A_1039, %get3A_1040] {strides = array<i32>} : memref<128x128xf32, #tpu.memory_space<vmem>>, vector<1x16xf32>,
        %get3A_1042 = vector.shape_cast %get3A_1041 : vector<1x16xf32> to vector<16xf32>
        %add3A_1043 = arith.addf %add3A_871, %get3A_1042 : vector<16xf32>
        %get3A_1044 = arith.index_cast %add3A_1038 : i32 to index
        %get3A_1045 = arith.constant 16 : index
        %get3A_1046 = tpu.vector_load %arg6[%get3A_1044, %get3A_1045] {strides = array<i32>} : memref<128x128xf32, #tpu.memory_space<vmem>>, vector<1x16xf32>,
        %get3A_1047 = vector.shape_cast %get3A_1046 : vector<1x16xf32> to vector<16xf32>
        %add3A_1048 = arith.addf %add3A_876, %get3A_1047 : vector<16xf32>
        %get3A_1049 = arith.index_cast %add3A_1038 : i32 to index
        %get3A_1050 = arith.constant 32 : index
        %get3A_1051 = tpu.vector_load %arg6[%get3A_1049, %get3A_1050] {strides = array<i32>} : memref<128x128xf32, #tpu.memory_space<vmem>>, vector<1x16xf32>,
        %get3A_1052 = vector.shape_cast %get3A_1051 : vector<1x16xf32> to vector<16xf32>
        %add3A_1053 = arith.addf %add3A_881, %get3A_1052 : vector<16xf32>
        %get3A_1054 = arith.index_cast %add3A_1038 : i32 to index
        %get3A_1055 = arith.constant 48 : index
        %get3A_1056 = tpu.vector_load %arg6[%get3A_1054, %get3A_1055] {strides = array<i32>} : memref<128x128xf32, #tpu.memory_space<vmem>>, vector<1x16xf32>,
        %get3A_1057 = vector.shape_cast %get3A_1056 : vector<1x16xf32> to vector<16xf32>
        %add3A_1058 = arith.addf %add3A_886, %get3A_1057 : vector<16xf32>
        %get3A_1059 = arith.index_cast %add3A_1038 : i32 to index
        %get3A_1060 = arith.constant 64 : index
        %get3A_1061 = tpu.vector_load %arg6[%get3A_1059, %get3A_1060] {strides = array<i32>} : memref<128x128xf32, #tpu.memory_space<vmem>>, vector<1x16xf32>,
        %get3A_1062 = vector.shape_cast %get3A_1061 : vector<1x16xf32> to vector<16xf32>
        %add3A_1063 = arith.addf %add3A_891, %get3A_1062 : vector<16xf32>
        %get3A_1064 = arith.index_cast %add3A_1038 : i32 to index
        %get3A_1065 = arith.constant 80 : index
        %get3A_1066 = tpu.vector_load %arg6[%get3A_1064, %get3A_1065] {strides = array<i32>} : memref<128x128xf32, #tpu.memory_space<vmem>>, vector<1x16xf32>,
        %get3A_1067 = vector.shape_cast %get3A_1066 : vector<1x16xf32> to vector<16xf32>
        %add3A_1068 = arith.addf %add3A_896, %get3A_1067 : vector<16xf32>
        %get3A_1069 = arith.index_cast %add3A_1038 : i32 to index
        %get3A_1070 = arith.constant 96 : index
        %get3A_1071 = tpu.vector_load %arg6[%get3A_1069, %get3A_1070] {strides = array<i32>} : memref<128x128xf32, #tpu.memory_space<vmem>>, vector<1x16xf32>,
        %get3A_1072 = vector.shape_cast %get3A_1071 : vector<1x16xf32> to vector<16xf32>
        %add3A_1073 = arith.addf %add3A_901, %get3A_1072 : vector<16xf32>
        %get3A_1074 = arith.index_cast %add3A_1038 : i32 to index
        %get3A_1075 = arith.constant 112 : index
        %get3A_1076 = tpu.vector_load %arg6[%get3A_1074, %get3A_1075] {strides = array<i32>} : memref<128x128xf32, #tpu.memory_space<vmem>>, vector<1x16xf32>,
        %get3A_1077 = vector.shape_cast %get3A_1076 : vector<1x16xf32> to vector<16xf32>
        %add3A_1078 = arith.addf %add3A_906, %get3A_1077 : vector<16xf32>
        %add3A_1079 = arith.constant 32 : i32
        %add3A_1080 = arith.addi %add3A_1079, %add3A_1036 : i32
        %get3A_1081 = arith.index_cast %add3A_1080 : i32 to index
        %get3A_1082 = arith.constant 0 : index
        %get3A_1083 = tpu.vector_load %arg6[%get3A_1081, %get3A_1082] {strides = array<i32>} : memref<128x128xf32, #tpu.memory_space<vmem>>, vector<1x16xf32>,
        %get3A_1084 = vector.shape_cast %get3A_1083 : vector<1x16xf32> to vector<16xf32>
        %add3A_1085 = arith.addf %add3A_913, %get3A_1084 : vector<16xf32>
        %get3A_1086 = arith.index_cast %add3A_1080 : i32 to index
        %get3A_1087 = arith.constant 16 : index
        %get3A_1088 = tpu.vector_load %arg6[%get3A_1086, %get3A_1087] {strides = array<i32>} : memref<128x128xf32, #tpu.memory_space<vmem>>, vector<1x16xf32>,
        %get3A_1089 = vector.shape_cast %get3A_1088 : vector<1x16xf32> to vector<16xf32>
        %add3A_1090 = arith.addf %add3A_918, %get3A_1089 : vector<16xf32>
        %get3A_1091 = arith.index_cast %add3A_1080 : i32 to index
        %get3A_1092 = arith.constant 32 : index
        %get3A_1093 = tpu.vector_load %arg6[%get3A_1091, %get3A_1092] {strides = array<i32>} : memref<128x128xf32, #tpu.memory_space<vmem>>, vector<1x16xf32>,
        %get3A_1094 = vector.shape_cast %get3A_1093 : vector<1x16xf32> to vector<16xf32>
        %add3A_1095 = arith.addf %add3A_923, %get3A_1094 : vector<16xf32>
        %get3A_1096 = arith.index_cast %add3A_1080 : i32 to index
        %get3A_1097 = arith.constant 48 : index
        %get3A_1098 = tpu.vector_load %arg6[%get3A_1096, %get3A_1097] {strides = array<i32>} : memref<128x128xf32, #tpu.memory_space<vmem>>, vector<1x16xf32>,
        %get3A_1099 = vector.shape_cast %get3A_1098 : vector<1x16xf32> to vector<16xf32>
        %add3A_1100 = arith.addf %add3A_928, %get3A_1099 : vector<16xf32>
        %get3A_1101 = arith.index_cast %add3A_1080 : i32 to index
        %get3A_1102 = arith.constant 64 : index
        %get3A_1103 = tpu.vector_load %arg6[%get3A_1101, %get3A_1102] {strides = array<i32>} : memref<128x128xf32, #tpu.memory_space<vmem>>, vector<1x16xf32>,
        %get3A_1104 = vector.shape_cast %get3A_1103 : vector<1x16xf32> to vector<16xf32>
        %add3A_1105 = arith.addf %add3A_933, %get3A_1104 : vector<16xf32>
        %get3A_1106 = arith.index_cast %add3A_1080 : i32 to index
        %get3A_1107 = arith.constant 80 : index
        %get3A_1108 = tpu.vector_load %arg6[%get3A_1106, %get3A_1107] {strides = array<i32>} : memref<128x128xf32, #tpu.memory_space<vmem>>, vector<1x16xf32>,
        %get3A_1109 = vector.shape_cast %get3A_1108 : vector<1x16xf32> to vector<16xf32>
        %add3A_1110 = arith.addf %add3A_938, %get3A_1109 : vector<16xf32>
        %get3A_1111 = arith.index_cast %add3A_1080 : i32 to index
        %get3A_1112 = arith.constant 96 : index
        %get3A_1113 = tpu.vector_load %arg6[%get3A_1111, %get3A_1112] {strides = array<i32>} : memref<128x128xf32, #tpu.memory_space<vmem>>, vector<1x16xf32>,
        %get3A_1114 = vector.shape_cast %get3A_1113 : vector<1x16xf32> to vector<16xf32>
        %add3A_1115 = arith.addf %add3A_943, %get3A_1114 : vector<16xf32>
        %get3A_1116 = arith.index_cast %add3A_1080 : i32 to index
        %get3A_1117 = arith.constant 112 : index
        %get3A_1118 = tpu.vector_load %arg6[%get3A_1116, %get3A_1117] {strides = array<i32>} : memref<128x128xf32, #tpu.memory_space<vmem>>, vector<1x16xf32>,
        %get3A_1119 = vector.shape_cast %get3A_1118 : vector<1x16xf32> to vector<16xf32>
        %add3A_1120 = arith.addf %add3A_948, %get3A_1119 : vector<16xf32>
        %add3A_1121 = arith.constant 64 : i32
        %add3A_1122 = arith.addi %add3A_1121, %add3A_1036 : i32
        %get3A_1123 = arith.index_cast %add3A_1122 : i32 to index
        %get3A_1124 = arith.constant 0 : index
        %get3A_1125 = tpu.vector_load %arg6[%get3A_1123, %get3A_1124] {strides = array<i32>} : memref<128x128xf32, #tpu.memory_space<vmem>>, vector<1x16xf32>,
        %get3A_1126 = vector.shape_cast %get3A_1125 : vector<1x16xf32> to vector<16xf32>
        %add3A_1127 = arith.addf %add3A_955, %get3A_1126 : vector<16xf32>
        %get3A_1128 = arith.index_cast %add3A_1122 : i32 to index
        %get3A_1129 = arith.constant 16 : index
        %get3A_1130 = tpu.vector_load %arg6[%get3A_1128, %get3A_1129] {strides = array<i32>} : memref<128x128xf32, #tpu.memory_space<vmem>>, vector<1x16xf32>,
        %get3A_1131 = vector.shape_cast %get3A_1130 : vector<1x16xf32> to vector<16xf32>
        %add3A_1132 = arith.addf %add3A_960, %get3A_1131 : vector<16xf32>
        %get3A_1133 = arith.index_cast %add3A_1122 : i32 to index
        %get3A_1134 = arith.constant 32 : index
        %get3A_1135 = tpu.vector_load %arg6[%get3A_1133, %get3A_1134] {strides = array<i32>} : memref<128x128xf32, #tpu.memory_space<vmem>>, vector<1x16xf32>,
        %get3A_1136 = vector.shape_cast %get3A_1135 : vector<1x16xf32> to vector<16xf32>
        %add3A_1137 = arith.addf %add3A_965, %get3A_1136 : vector<16xf32>
        %get3A_1138 = arith.index_cast %add3A_1122 : i32 to index
        %get3A_1139 = arith.constant 48 : index
        %get3A_1140 = tpu.vector_load %arg6[%get3A_1138, %get3A_1139] {strides = array<i32>} : memref<128x128xf32, #tpu.memory_space<vmem>>, vector<1x16xf32>,
        %get3A_1141 = vector.shape_cast %get3A_1140 : vector<1x16xf32> to vector<16xf32>
        %add3A_1142 = arith.addf %add3A_970, %get3A_1141 : vector<16xf32>
        %get3A_1143 = arith.index_cast %add3A_1122 : i32 to index
        %get3A_1144 = arith.constant 64 : index
        %get3A_1145 = tpu.vector_load %arg6[%get3A_1143, %get3A_1144] {strides = array<i32>} : memref<128x128xf32, #tpu.memory_space<vmem>>, vector<1x16xf32>,
        %get3A_1146 = vector.shape_cast %get3A_1145 : vector<1x16xf32> to vector<16xf32>
        %add3A_1147 = arith.addf %add3A_975, %get3A_1146 : vector<16xf32>
        %get3A_1148 = arith.index_cast %add3A_1122 : i32 to index
        %get3A_1149 = arith.constant 80 : index
        %get3A_1150 = tpu.vector_load %arg6[%get3A_1148, %get3A_1149] {strides = array<i32>} : memref<128x128xf32, #tpu.memory_space<vmem>>, vector<1x16xf32>,
        %get3A_1151 = vector.shape_cast %get3A_1150 : vector<1x16xf32> to vector<16xf32>
        %add3A_1152 = arith.addf %add3A_980, %get3A_1151 : vector<16xf32>
        %get3A_1153 = arith.index_cast %add3A_1122 : i32 to index
        %get3A_1154 = arith.constant 96 : index
        %get3A_1155 = tpu.vector_load %arg6[%get3A_1153, %get3A_1154] {strides = array<i32>} : memref<128x128xf32, #tpu.memory_space<vmem>>, vector<1x16xf32>,
        %get3A_1156 = vector.shape_cast %get3A_1155 : vector<1x16xf32> to vector<16xf32>
        %add3A_1157 = arith.addf %add3A_985, %get3A_1156 : vector<16xf32>
        %get3A_1158 = arith.index_cast %add3A_1122 : i32 to index
        %get3A_1159 = arith.constant 112 : index
        %get3A_1160 = tpu.vector_load %arg6[%get3A_1158, %get3A_1159] {strides = array<i32>} : memref<128x128xf32, #tpu.memory_space<vmem>>, vector<1x16xf32>,
        %get3A_1161 = vector.shape_cast %get3A_1160 : vector<1x16xf32> to vector<16xf32>
        %add3A_1162 = arith.addf %add3A_990, %get3A_1161 : vector<16xf32>
        %add3A_1163 = arith.constant 96 : i32
        %add3A_1164 = arith.addi %add3A_1163, %add3A_1036 : i32
        %get3A_1165 = arith.index_cast %add3A_1164 : i32 to index
        %get3A_1166 = arith.constant 0 : index
        %get3A_1167 = tpu.vector_load %arg6[%get3A_1165, %get3A_1166] {strides = array<i32>} : memref<128x128xf32, #tpu.memory_space<vmem>>, vector<1x16xf32>,
        %get3A_1168 = vector.shape_cast %get3A_1167 : vector<1x16xf32> to vector<16xf32>
        %add3A_1169 = arith.addf %add3A_997, %get3A_1168 : vector<16xf32>
        %get3A_1170 = arith.index_cast %add3A_1164 : i32 to index
        %get3A_1171 = arith.constant 16 : index
        %get3A_1172 = tpu.vector_load %arg6[%get3A_1170, %get3A_1171] {strides = array<i32>} : memref<128x128xf32, #tpu.memory_space<vmem>>, vector<1x16xf32>,
        %get3A_1173 = vector.shape_cast %get3A_1172 : vector<1x16xf32> to vector<16xf32>
        %add3A_1174 = arith.addf %add3A_1002, %get3A_1173 : vector<16xf32>
        %get3A_1175 = arith.index_cast %add3A_1164 : i32 to index
        %get3A_1176 = arith.constant 32 : index
        %get3A_1177 = tpu.vector_load %arg6[%get3A_1175, %get3A_1176] {strides = array<i32>} : memref<128x128xf32, #tpu.memory_space<vmem>>, vector<1x16xf32>,
        %get3A_1178 = vector.shape_cast %get3A_1177 : vector<1x16xf32> to vector<16xf32>
        %add3A_1179 = arith.addf %add3A_1007, %get3A_1178 : vector<16xf32>
        %get3A_1180 = arith.index_cast %add3A_1164 : i32 to index
        %get3A_1181 = arith.constant 48 : index
        %get3A_1182 = tpu.vector_load %arg6[%get3A_1180, %get3A_1181] {strides = array<i32>} : memref<128x128xf32, #tpu.memory_space<vmem>>, vector<1x16xf32>,
        %get3A_1183 = vector.shape_cast %get3A_1182 : vector<1x16xf32> to vector<16xf32>
        %add3A_1184 = arith.addf %add3A_1012, %get3A_1183 : vector<16xf32>
        %get3A_1185 = arith.index_cast %add3A_1164 : i32 to index
        %get3A_1186 = arith.constant 64 : index
        %get3A_1187 = tpu.vector_load %arg6[%get3A_1185, %get3A_1186] {strides = array<i32>} : memref<128x128xf32, #tpu.memory_space<vmem>>, vector<1x16xf32>,
        %get3A_1188 = vector.shape_cast %get3A_1187 : vector<1x16xf32> to vector<16xf32>
        %add3A_1189 = arith.addf %add3A_1017, %get3A_1188 : vector<16xf32>
        %get3A_1190 = arith.index_cast %add3A_1164 : i32 to index
        %get3A_1191 = arith.constant 80 : index
        %get3A_1192 = tpu.vector_load %arg6[%get3A_1190, %get3A_1191] {strides = array<i32>} : memref<128x128xf32, #tpu.memory_space<vmem>>, vector<1x16xf32>,
        %get3A_1193 = vector.shape_cast %get3A_1192 : vector<1x16xf32> to vector<16xf32>
        %add3A_1194 = arith.addf %add3A_1022, %get3A_1193 : vector<16xf32>
        %get3A_1195 = arith.index_cast %add3A_1164 : i32 to index
        %get3A_1196 = arith.constant 96 : index
        %get3A_1197 = tpu.vector_load %arg6[%get3A_1195, %get3A_1196] {strides = array<i32>} : memref<128x128xf32, #tpu.memory_space<vmem>>, vector<1x16xf32>,
        %get3A_1198 = vector.shape_cast %get3A_1197 : vector<1x16xf32> to vector<16xf32>
        %add3A_1199 = arith.addf %add3A_1027, %get3A_1198 : vector<16xf32>
        %get3A_1200 = arith.index_cast %add3A_1164 : i32 to index
        %get3A_1201 = arith.constant 112 : index
        %get3A_1202 = tpu.vector_load %arg6[%get3A_1200, %get3A_1201] {strides = array<i32>} : memref<128x128xf32, #tpu.memory_space<vmem>>, vector<1x16xf32>,
        %get3A_1203 = vector.shape_cast %get3A_1202 : vector<1x16xf32> to vector<16xf32>
        %add3A_1204 = arith.addf %add3A_1032, %get3A_1203 : vector<16xf32>
        scf.yield %add3A_1043, %add3A_1048, %add3A_1053, %add3A_1058, %add3A_1063, %add3A_1068, %add3A_1073, %add3A_1078, %add3A_1085, %add3A_1090, %add3A_1095, %add3A_1100, %add3A_1105, %add3A_1110, %add3A_1115, %add3A_1120, %add3A_1127, %add3A_1132, %add3A_1137, %add3A_1142, %add3A_1147, %add3A_1152, %add3A_1157, %add3A_1162, %add3A_1169, %add3A_1174, %add3A_1179, %add3A_1184, %add3A_1189, %add3A_1194, %add3A_1199, %add3A_1204 : vector<16xf32>, vector<16xf32>, vector<16xf32>, vector<16xf32>, vector<16xf32>, vector<16xf32>, vector<16xf32>, vector<16xf32>, vector<16xf32>, vector<16xf32>, vector<16xf32>, vector<16xf32>, vector<16xf32>, vector<16xf32>, vector<16xf32>, vector<16xf32>, vector<16xf32>, vector<16xf32>, vector<16xf32>, vector<16xf32>, vector<16xf32>, vector<16xf32>, vector<16xf32>, vector<16xf32>, vector<16xf32>, vector<16xf32>, vector<16xf32>, vector<16xf32>, vector<16xf32>, vector<16xf32>, vector<16xf32>, vector<16xf32>
      }
      %scan3A_145 = arith.constant 16 : i32
      %mul3A_146 = arith.constant 3.125000e-02 : f32
      %mul3A_147 = vector.broadcast %mul3A_146 : f32 to vector<16xf32>
      %mul3A_148 = arith.mulf %scan3A_144#0, %mul3A_147 : vector<16xf32>
      %swap3A = arith.constant 0 : i32
      %swap3A_149 = arith.index_cast %swap3A : i32 to index
      %swap3A_150 = arith.constant 0 : index
      %swap3A_151 = tpu.vector_load %arg8[%swap3A_149, %swap3A_150] {strides = array<i32>} : memref<4x128xf32, #tpu.memory_space<vmem>>, vector<1x16xf32>,
      %swap3A_152 = vector.shape_cast %swap3A_151 : vector<1x16xf32> to vector<16xf32>
      %swap3A_153 = vector.shape_cast %mul3A_148 : vector<16xf32> to vector<1x16xf32>
      tpu.vector_store %arg8[%swap3A_149, %swap3A_150], %swap3A_153 {strides = array<i32>} : memref<4x128xf32, #tpu.memory_space<vmem>>, vector<1x16xf32>,
      %mul3A_154 = arith.constant 3.125000e-02 : f32
      %mul3A_155 = vector.broadcast %mul3A_154 : f32 to vector<16xf32>
      %mul3A_156 = arith.mulf %scan3A_144#1, %mul3A_155 : vector<16xf32>
      %swap3A_157 = arith.constant 0 : i32
      %swap3A_158 = arith.index_cast %swap3A_157 : i32 to index
      %swap3A_159 = arith.constant 16 : index
      %swap3A_160 = tpu.vector_load %arg8[%swap3A_158, %swap3A_159] {strides = array<i32>} : memref<4x128xf32, #tpu.memory_space<vmem>>, vector<1x16xf32>,
      %swap3A_161 = vector.shape_cast %swap3A_160 : vector<1x16xf32> to vector<16xf32>
      %swap3A_162 = vector.shape_cast %mul3A_156 : vector<16xf32> to vector<1x16xf32>
      tpu.vector_store %arg8[%swap3A_158, %swap3A_159], %swap3A_162 {strides = array<i32>} : memref<4x128xf32, #tpu.memory_space<vmem>>, vector<1x16xf32>,
      %mul3A_163 = arith.constant 3.125000e-02 : f32
      %mul3A_164 = vector.broadcast %mul3A_163 : f32 to vector<16xf32>
      %mul3A_165 = arith.mulf %scan3A_144#2, %mul3A_164 : vector<16xf32>
      %swap3A_166 = arith.constant 0 : i32
      %swap3A_167 = arith.index_cast %swap3A_166 : i32 to index
      %swap3A_168 = arith.constant 32 : index
      %swap3A_169 = tpu.vector_load %arg8[%swap3A_167, %swap3A_168] {strides = array<i32>} : memref<4x128xf32, #tpu.memory_space<vmem>>, vector<1x16xf32>,
      %swap3A_170 = vector.shape_cast %swap3A_169 : vector<1x16xf32> to vector<16xf32>
      %swap3A_171 = vector.shape_cast %mul3A_165 : vector<16xf32> to vector<1x16xf32>
      tpu.vector_store %arg8[%swap3A_167, %swap3A_168], %swap3A_171 {strides = array<i32>} : memref<4x128xf32, #tpu.memory_space<vmem>>, vector<1x16xf32>,
      %mul3A_172 = arith.constant 3.125000e-02 : f32
      %mul3A_173 = vector.broadcast %mul3A_172 : f32 to vector<16xf32>
      %mul3A_174 = arith.mulf %scan3A_144#3, %mul3A_173 : vector<16xf32>
      %swap3A_175 = arith.constant 0 : i32
      %swap3A_176 = arith.index_cast %swap3A_175 : i32 to index
      %swap3A_177 = arith.constant 48 : index
      %swap3A_178 = tpu.vector_load %arg8[%swap3A_176, %swap3A_177] {strides = array<i32>} : memref<4x128xf32, #tpu.memory_space<vmem>>, vector<1x16xf32>,
      %swap3A_179 = vector.shape_cast %swap3A_178 : vector<1x16xf32> to vector<16xf32>
      %swap3A_180 = vector.shape_cast %mul3A_174 : vector<16xf32> to vector<1x16xf32>
      tpu.vector_store %arg8[%swap3A_176, %swap3A_177], %swap3A_180 {strides = array<i32>} : memref<4x128xf32, #tpu.memory_space<vmem>>, vector<1x16xf32>,
      %mul3A_181 = arith.constant 3.125000e-02 : f32
      %mul3A_182 = vector.broadcast %mul3A_181 : f32 to vector<16xf32>
      %mul3A_183 = arith.mulf %scan3A_144#4, %mul3A_182 : vector<16xf32>
      %swap3A_184 = arith.constant 0 : i32
      %swap3A_185 = arith.index_cast %swap3A_184 : i32 to index
      %swap3A_186 = arith.constant 64 : index
      %swap3A_187 = tpu.vector_load %arg8[%swap3A_185, %swap3A_186] {strides = array<i32>} : memref<4x128xf32, #tpu.memory_space<vmem>>, vector<1x16xf32>,
      %swap3A_188 = vector.shape_cast %swap3A_187 : vector<1x16xf32> to vector<16xf32>
      %swap3A_189 = vector.shape_cast %mul3A_183 : vector<16xf32> to vector<1x16xf32>
      tpu.vector_store %arg8[%swap3A_185, %swap3A_186], %swap3A_189 {strides = array<i32>} : memref<4x128xf32, #tpu.memory_space<vmem>>, vector<1x16xf32>,
      %mul3A_190 = arith.constant 3.125000e-02 : f32
      %mul3A_191 = vector.broadcast %mul3A_190 : f32 to vector<16xf32>
      %mul3A_192 = arith.mulf %scan3A_144#5, %mul3A_191 : vector<16xf32>
      %swap3A_193 = arith.constant 0 : i32
      %swap3A_194 = arith.index_cast %swap3A_193 : i32 to index
      %swap3A_195 = arith.constant 80 : index
      %swap3A_196 = tpu.vector_load %arg8[%swap3A_194, %swap3A_195] {strides = array<i32>} : memref<4x128xf32, #tpu.memory_space<vmem>>, vector<1x16xf32>,
      %swap3A_197 = vector.shape_cast %swap3A_196 : vector<1x16xf32> to vector<16xf32>
      %swap3A_198 = vector.shape_cast %mul3A_192 : vector<16xf32> to vector<1x16xf32>
      tpu.vector_store %arg8[%swap3A_194, %swap3A_195], %swap3A_198 {strides = array<i32>} : memref<4x128xf32, #tpu.memory_space<vmem>>, vector<1x16xf32>,
      %mul3A_199 = arith.constant 3.125000e-02 : f32
      %mul3A_200 = vector.broadcast %mul3A_199 : f32 to vector<16xf32>
      %mul3A_201 = arith.mulf %scan3A_144#6, %mul3A_200 : vector<16xf32>
      %swap3A_202 = arith.constant 0 : i32
      %swap3A_203 = arith.index_cast %swap3A_202 : i32 to index
      %swap3A_204 = arith.constant 96 : index
      %swap3A_205 = tpu.vector_load %arg8[%swap3A_203, %swap3A_204] {strides = array<i32>} : memref<4x128xf32, #tpu.memory_space<vmem>>, vector<1x16xf32>,
      %swap3A_206 = vector.shape_cast %swap3A_205 : vector<1x16xf32> to vector<16xf32>
      %swap3A_207 = vector.shape_cast %mul3A_201 : vector<16xf32> to vector<1x16xf32>
      tpu.vector_store %arg8[%swap3A_203, %swap3A_204], %swap3A_207 {strides = array<i32>} : memref<4x128xf32, #tpu.memory_space<vmem>>, vector<1x16xf32>,
      %mul3A_208 = arith.constant 3.125000e-02 : f32
      %mul3A_209 = vector.broadcast %mul3A_208 : f32 to vector<16xf32>
      %mul3A_210 = arith.mulf %scan3A_144#7, %mul3A_209 : vector<16xf32>
      %swap3A_211 = arith.constant 0 : i32
      %swap3A_212 = arith.index_cast %swap3A_211 : i32 to index
      %swap3A_213 = arith.constant 112 : index
      %swap3A_214 = tpu.vector_load %arg8[%swap3A_212, %swap3A_213] {strides = array<i32>} : memref<4x128xf32, #tpu.memory_space<vmem>>, vector<1x16xf32>,
      %swap3A_215 = vector.shape_cast %swap3A_214 : vector<1x16xf32> to vector<16xf32>
      %swap3A_216 = vector.shape_cast %mul3A_210 : vector<16xf32> to vector<1x16xf32>
      tpu.vector_store %arg8[%swap3A_212, %swap3A_213], %swap3A_216 {strides = array<i32>} : memref<4x128xf32, #tpu.memory_space<vmem>>, vector<1x16xf32>,
      %mul3A_217 = arith.constant 3.125000e-02 : f32
      %mul3A_218 = vector.broadcast %mul3A_217 : f32 to vector<16xf32>
      %mul3A_219 = arith.mulf %scan3A_144#8, %mul3A_218 : vector<16xf32>
      %swap3A_220 = arith.constant 1 : i32
      %swap3A_221 = arith.index_cast %swap3A_220 : i32 to index
      %swap3A_222 = arith.constant 0 : index
      %swap3A_223 = tpu.vector_load %arg8[%swap3A_221, %swap3A_222] {strides = array<i32>} : memref<4x128xf32, #tpu.memory_space<vmem>>, vector<1x16xf32>,
      %swap3A_224 = vector.shape_cast %swap3A_223 : vector<1x16xf32> to vector<16xf32>
      %swap3A_225 = vector.shape_cast %mul3A_219 : vector<16xf32> to vector<1x16xf32>
      tpu.vector_store %arg8[%swap3A_221, %swap3A_222], %swap3A_225 {strides = array<i32>} : memref<4x128xf32, #tpu.memory_space<vmem>>, vector<1x16xf32>,
      %mul3A_226 = arith.constant 3.125000e-02 : f32
      %mul3A_227 = vector.broadcast %mul3A_226 : f32 to vector<16xf32>
      %mul3A_228 = arith.mulf %scan3A_144#9, %mul3A_227 : vector<16xf32>
      %swap3A_229 = arith.constant 1 : i32
      %swap3A_230 = arith.index_cast %swap3A_229 : i32 to index
      %swap3A_231 = arith.constant 16 : index
      %swap3A_232 = tpu.vector_load %arg8[%swap3A_230, %swap3A_231] {strides = array<i32>} : memref<4x128xf32, #tpu.memory_space<vmem>>, vector<1x16xf32>,
      %swap3A_233 = vector.shape_cast %swap3A_232 : vector<1x16xf32> to vector<16xf32>
      %swap3A_234 = vector.shape_cast %mul3A_228 : vector<16xf32> to vector<1x16xf32>
      tpu.vector_store %arg8[%swap3A_230, %swap3A_231], %swap3A_234 {strides = array<i32>} : memref<4x128xf32, #tpu.memory_space<vmem>>, vector<1x16xf32>,
      %mul3A_235 = arith.constant 3.125000e-02 : f32
      %mul3A_236 = vector.broadcast %mul3A_235 : f32 to vector<16xf32>
      %mul3A_237 = arith.mulf %scan3A_144#10, %mul3A_236 : vector<16xf32>
      %swap3A_238 = arith.constant 1 : i32
      %swap3A_239 = arith.index_cast %swap3A_238 : i32 to index
      %swap3A_240 = arith.constant 32 : index
      %swap3A_241 = tpu.vector_load %arg8[%swap3A_239, %swap3A_240] {strides = array<i32>} : memref<4x128xf32, #tpu.memory_space<vmem>>, vector<1x16xf32>,
      %swap3A_242 = vector.shape_cast %swap3A_241 : vector<1x16xf32> to vector<16xf32>
      %swap3A_243 = vector.shape_cast %mul3A_237 : vector<16xf32> to vector<1x16xf32>
      tpu.vector_store %arg8[%swap3A_239, %swap3A_240], %swap3A_243 {strides = array<i32>} : memref<4x128xf32, #tpu.memory_space<vmem>>, vector<1x16xf32>,
      %mul3A_244 = arith.constant 3.125000e-02 : f32
      %mul3A_245 = vector.broadcast %mul3A_244 : f32 to vector<16xf32>
      %mul3A_246 = arith.mulf %scan3A_144#11, %mul3A_245 : vector<16xf32>
      %swap3A_247 = arith.constant 1 : i32
      %swap3A_248 = arith.index_cast %swap3A_247 : i32 to index
      %swap3A_249 = arith.constant 48 : index
      %swap3A_250 = tpu.vector_load %arg8[%swap3A_248, %swap3A_249] {strides = array<i32>} : memref<4x128xf32, #tpu.memory_space<vmem>>, vector<1x16xf32>,
      %swap3A_251 = vector.shape_cast %swap3A_250 : vector<1x16xf32> to vector<16xf32>
      %swap3A_252 = vector.shape_cast %mul3A_246 : vector<16xf32> to vector<1x16xf32>
      tpu.vector_store %arg8[%swap3A_248, %swap3A_249], %swap3A_252 {strides = array<i32>} : memref<4x128xf32, #tpu.memory_space<vmem>>, vector<1x16xf32>,
      %mul3A_253 = arith.constant 3.125000e-02 : f32
      %mul3A_254 = vector.broadcast %mul3A_253 : f32 to vector<16xf32>
      %mul3A_255 = arith.mulf %scan3A_144#12, %mul3A_254 : vector<16xf32>
      %swap3A_256 = arith.constant 1 : i32
      %swap3A_257 = arith.index_cast %swap3A_256 : i32 to index
      %swap3A_258 = arith.constant 64 : index
      %swap3A_259 = tpu.vector_load %arg8[%swap3A_257, %swap3A_258] {strides = array<i32>} : memref<4x128xf32, #tpu.memory_space<vmem>>, vector<1x16xf32>,
      %swap3A_260 = vector.shape_cast %swap3A_259 : vector<1x16xf32> to vector<16xf32>
      %swap3A_261 = vector.shape_cast %mul3A_255 : vector<16xf32> to vector<1x16xf32>
      tpu.vector_store %arg8[%swap3A_257, %swap3A_258], %swap3A_261 {strides = array<i32>} : memref<4x128xf32, #tpu.memory_space<vmem>>, vector<1x16xf32>,
      %mul3A_262 = arith.constant 3.125000e-02 : f32
      %mul3A_263 = vector.broadcast %mul3A_262 : f32 to vector<16xf32>
      %mul3A_264 = arith.mulf %scan3A_144#13, %mul3A_263 : vector<16xf32>
      %swap3A_265 = arith.constant 1 : i32
      %swap3A_266 = arith.index_cast %swap3A_265 : i32 to index
      %swap3A_267 = arith.constant 80 : index
      %swap3A_268 = tpu.vector_load %arg8[%swap3A_266, %swap3A_267] {strides = array<i32>} : memref<4x128xf32, #tpu.memory_space<vmem>>, vector<1x16xf32>,
      %swap3A_269 = vector.shape_cast %swap3A_268 : vector<1x16xf32> to vector<16xf32>
      %swap3A_270 = vector.shape_cast %mul3A_264 : vector<16xf32> to vector<1x16xf32>
      tpu.vector_store %arg8[%swap3A_266, %swap3A_267], %swap3A_270 {strides = array<i32>} : memref<4x128xf32, #tpu.memory_space<vmem>>, vector<1x16xf32>,
      %mul3A_271 = arith.constant 3.125000e-02 : f32
      %mul3A_272 = vector.broadcast %mul3A_271 : f32 to vector<16xf32>
      %mul3A_273 = arith.mulf %scan3A_144#14, %mul3A_272 : vector<16xf32>
      %swap3A_274 = arith.constant 1 : i32
      %swap3A_275 = arith.index_cast %swap3A_274 : i32 to index
      %swap3A_276 = arith.constant 96 : index
      %swap3A_277 = tpu.vector_load %arg8[%swap3A_275, %swap3A_276] {strides = array<i32>} : memref<4x128xf32, #tpu.memory_space<vmem>>, vector<1x16xf32>,
      %swap3A_278 = vector.shape_cast %swap3A_277 : vector<1x16xf32> to vector<16xf32>
      %swap3A_279 = vector.shape_cast %mul3A_273 : vector<16xf32> to vector<1x16xf32>
      tpu.vector_store %arg8[%swap3A_275, %swap3A_276], %swap3A_279 {strides = array<i32>} : memref<4x128xf32, #tpu.memory_space<vmem>>, vector<1x16xf32>,
      %mul3A_280 = arith.constant 3.125000e-02 : f32
      %mul3A_281 = vector.broadcast %mul3A_280 : f32 to vector<16xf32>
      %mul3A_282 = arith.mulf %scan3A_144#15, %mul3A_281 : vector<16xf32>
      %swap3A_283 = arith.constant 1 : i32
      %swap3A_284 = arith.index_cast %swap3A_283 : i32 to index
      %swap3A_285 = arith.constant 112 : index
      %swap3A_286 = tpu.vector_load %arg8[%swap3A_284, %swap3A_285] {strides = array<i32>} : memref<4x128xf32, #tpu.memory_space<vmem>>, vector<1x16xf32>,
      %swap3A_287 = vector.shape_cast %swap3A_286 : vector<1x16xf32> to vector<16xf32>
      %swap3A_288 = vector.shape_cast %mul3A_282 : vector<16xf32> to vector<1x16xf32>
      tpu.vector_store %arg8[%swap3A_284, %swap3A_285], %swap3A_288 {strides = array<i32>} : memref<4x128xf32, #tpu.memory_space<vmem>>, vector<1x16xf32>,
      %mul3A_289 = arith.constant 3.125000e-02 : f32
      %mul3A_290 = vector.broadcast %mul3A_289 : f32 to vector<16xf32>
      %mul3A_291 = arith.mulf %scan3A_144#16, %mul3A_290 : vector<16xf32>
      %swap3A_292 = arith.constant 2 : i32
      %swap3A_293 = arith.index_cast %swap3A_292 : i32 to index
      %swap3A_294 = arith.constant 0 : index
      %swap3A_295 = tpu.vector_load %arg8[%swap3A_293, %swap3A_294] {strides = array<i32>} : memref<4x128xf32, #tpu.memory_space<vmem>>, vector<1x16xf32>,
      %swap3A_296 = vector.shape_cast %swap3A_295 : vector<1x16xf32> to vector<16xf32>
      %swap3A_297 = vector.shape_cast %mul3A_291 : vector<16xf32> to vector<1x16xf32>
      tpu.vector_store %arg8[%swap3A_293, %swap3A_294], %swap3A_297 {strides = array<i32>} : memref<4x128xf32, #tpu.memory_space<vmem>>, vector<1x16xf32>,
      %mul3A_298 = arith.constant 3.125000e-02 : f32
      %mul3A_299 = vector.broadcast %mul3A_298 : f32 to vector<16xf32>
      %mul3A_300 = arith.mulf %scan3A_144#17, %mul3A_299 : vector<16xf32>
      %swap3A_301 = arith.constant 2 : i32
      %swap3A_302 = arith.index_cast %swap3A_301 : i32 to index
      %swap3A_303 = arith.constant 16 : index
      %swap3A_304 = tpu.vector_load %arg8[%swap3A_302, %swap3A_303] {strides = array<i32>} : memref<4x128xf32, #tpu.memory_space<vmem>>, vector<1x16xf32>,
      %swap3A_305 = vector.shape_cast %swap3A_304 : vector<1x16xf32> to vector<16xf32>
      %swap3A_306 = vector.shape_cast %mul3A_300 : vector<16xf32> to vector<1x16xf32>
      tpu.vector_store %arg8[%swap3A_302, %swap3A_303], %swap3A_306 {strides = array<i32>} : memref<4x128xf32, #tpu.memory_space<vmem>>, vector<1x16xf32>,
      %mul3A_307 = arith.constant 3.125000e-02 : f32
      %mul3A_308 = vector.broadcast %mul3A_307 : f32 to vector<16xf32>
      %mul3A_309 = arith.mulf %scan3A_144#18, %mul3A_308 : vector<16xf32>
      %swap3A_310 = arith.constant 2 : i32
      %swap3A_311 = arith.index_cast %swap3A_310 : i32 to index
      %swap3A_312 = arith.constant 32 : index
      %swap3A_313 = tpu.vector_load %arg8[%swap3A_311, %swap3A_312] {strides = array<i32>} : memref<4x128xf32, #tpu.memory_space<vmem>>, vector<1x16xf32>,
      %swap3A_314 = vector.shape_cast %swap3A_313 : vector<1x16xf32> to vector<16xf32>
      %swap3A_315 = vector.shape_cast %mul3A_309 : vector<16xf32> to vector<1x16xf32>
      tpu.vector_store %arg8[%swap3A_311, %swap3A_312], %swap3A_315 {strides = array<i32>} : memref<4x128xf32, #tpu.memory_space<vmem>>, vector<1x16xf32>,
      %mul3A_316 = arith.constant 3.125000e-02 : f32
      %mul3A_317 = vector.broadcast %mul3A_316 : f32 to vector<16xf32>
      %mul3A_318 = arith.mulf %scan3A_144#19, %mul3A_317 : vector<16xf32>
      %swap3A_319 = arith.constant 2 : i32
      %swap3A_320 = arith.index_cast %swap3A_319 : i32 to index
      %swap3A_321 = arith.constant 48 : index
      %swap3A_322 = tpu.vector_load %arg8[%swap3A_320, %swap3A_321] {strides = array<i32>} : memref<4x128xf32, #tpu.memory_space<vmem>>, vector<1x16xf32>,
      %swap3A_323 = vector.shape_cast %swap3A_322 : vector<1x16xf32> to vector<16xf32>
      %swap3A_324 = vector.shape_cast %mul3A_318 : vector<16xf32> to vector<1x16xf32>
      tpu.vector_store %arg8[%swap3A_320, %swap3A_321], %swap3A_324 {strides = array<i32>} : memref<4x128xf32, #tpu.memory_space<vmem>>, vector<1x16xf32>,
      %mul3A_325 = arith.constant 3.125000e-02 : f32
      %mul3A_326 = vector.broadcast %mul3A_325 : f32 to vector<16xf32>
      %mul3A_327 = arith.mulf %scan3A_144#20, %mul3A_326 : vector<16xf32>
      %swap3A_328 = arith.constant 2 : i32
      %swap3A_329 = arith.index_cast %swap3A_328 : i32 to index
      %swap3A_330 = arith.constant 64 : index
      %swap3A_331 = tpu.vector_load %arg8[%swap3A_329, %swap3A_330] {strides = array<i32>} : memref<4x128xf32, #tpu.memory_space<vmem>>, vector<1x16xf32>,
      %swap3A_332 = vector.shape_cast %swap3A_331 : vector<1x16xf32> to vector<16xf32>
      %swap3A_333 = vector.shape_cast %mul3A_327 : vector<16xf32> to vector<1x16xf32>
      tpu.vector_store %arg8[%swap3A_329, %swap3A_330], %swap3A_333 {strides = array<i32>} : memref<4x128xf32, #tpu.memory_space<vmem>>, vector<1x16xf32>,
      %mul3A_334 = arith.constant 3.125000e-02 : f32
      %mul3A_335 = vector.broadcast %mul3A_334 : f32 to vector<16xf32>
      %mul3A_336 = arith.mulf %scan3A_144#21, %mul3A_335 : vector<16xf32>
      %swap3A_337 = arith.constant 2 : i32
      %swap3A_338 = arith.index_cast %swap3A_337 : i32 to index
      %swap3A_339 = arith.constant 80 : index
      %swap3A_340 = tpu.vector_load %arg8[%swap3A_338, %swap3A_339] {strides = array<i32>} : memref<4x128xf32, #tpu.memory_space<vmem>>, vector<1x16xf32>,
      %swap3A_341 = vector.shape_cast %swap3A_340 : vector<1x16xf32> to vector<16xf32>
      %swap3A_342 = vector.shape_cast %mul3A_336 : vector<16xf32> to vector<1x16xf32>
      tpu.vector_store %arg8[%swap3A_338, %swap3A_339], %swap3A_342 {strides = array<i32>} : memref<4x128xf32, #tpu.memory_space<vmem>>, vector<1x16xf32>,
      %mul3A_343 = arith.constant 3.125000e-02 : f32
      %mul3A_344 = vector.broadcast %mul3A_343 : f32 to vector<16xf32>
      %mul3A_345 = arith.mulf %scan3A_144#22, %mul3A_344 : vector<16xf32>
      %swap3A_346 = arith.constant 2 : i32
      %swap3A_347 = arith.index_cast %swap3A_346 : i32 to index
      %swap3A_348 = arith.constant 96 : index
      %swap3A_349 = tpu.vector_load %arg8[%swap3A_347, %swap3A_348] {strides = array<i32>} : memref<4x128xf32, #tpu.memory_space<vmem>>, vector<1x16xf32>,
      %swap3A_350 = vector.shape_cast %swap3A_349 : vector<1x16xf32> to vector<16xf32>
      %swap3A_351 = vector.shape_cast %mul3A_345 : vector<16xf32> to vector<1x16xf32>
      tpu.vector_store %arg8[%swap3A_347, %swap3A_348], %swap3A_351 {strides = array<i32>} : memref<4x128xf32, #tpu.memory_space<vmem>>, vector<1x16xf32>,
      %mul3A_352 = arith.constant 3.125000e-02 : f32
      %mul3A_353 = vector.broadcast %mul3A_352 : f32 to vector<16xf32>
      %mul3A_354 = arith.mulf %scan3A_144#23, %mul3A_353 : vector<16xf32>
      %swap3A_355 = arith.constant 2 : i32
      %swap3A_356 = arith.index_cast %swap3A_355 : i32 to index
      %swap3A_357 = arith.constant 112 : index
      %swap3A_358 = tpu.vector_load %arg8[%swap3A_356, %swap3A_357] {strides = array<i32>} : memref<4x128xf32, #tpu.memory_space<vmem>>, vector<1x16xf32>,
      %swap3A_359 = vector.shape_cast %swap3A_358 : vector<1x16xf32> to vector<16xf32>
      %swap3A_360 = vector.shape_cast %mul3A_354 : vector<16xf32> to vector<1x16xf32>
      tpu.vector_store %arg8[%swap3A_356, %swap3A_357], %swap3A_360 {strides = array<i32>} : memref<4x128xf32, #tpu.memory_space<vmem>>, vector<1x16xf32>,
      %mul3A_361 = arith.constant 3.125000e-02 : f32
      %mul3A_362 = vector.broadcast %mul3A_361 : f32 to vector<16xf32>
      %mul3A_363 = arith.mulf %scan3A_144#24, %mul3A_362 : vector<16xf32>
      %swap3A_364 = arith.constant 3 : i32
      %swap3A_365 = arith.index_cast %swap3A_364 : i32 to index
      %swap3A_366 = arith.constant 0 : index
      %swap3A_367 = tpu.vector_load %arg8[%swap3A_365, %swap3A_366] {strides = array<i32>} : memref<4x128xf32, #tpu.memory_space<vmem>>, vector<1x16xf32>,
      %swap3A_368 = vector.shape_cast %swap3A_367 : vector<1x16xf32> to vector<16xf32>
      %swap3A_369 = vector.shape_cast %mul3A_363 : vector<16xf32> to vector<1x16xf32>
      tpu.vector_store %arg8[%swap3A_365, %swap3A_366], %swap3A_369 {strides = array<i32>} : memref<4x128xf32, #tpu.memory_space<vmem>>, vector<1x16xf32>,
      %mul3A_370 = arith.constant 3.125000e-02 : f32
      %mul3A_371 = vector.broadcast %mul3A_370 : f32 to vector<16xf32>
      %mul3A_372 = arith.mulf %scan3A_144#25, %mul3A_371 : vector<16xf32>
      %swap3A_373 = arith.constant 3 : i32
      %swap3A_374 = arith.index_cast %swap3A_373 : i32 to index
      %swap3A_375 = arith.constant 16 : index
      %swap3A_376 = tpu.vector_load %arg8[%swap3A_374, %swap3A_375] {strides = array<i32>} : memref<4x128xf32, #tpu.memory_space<vmem>>, vector<1x16xf32>,
      %swap3A_377 = vector.shape_cast %swap3A_376 : vector<1x16xf32> to vector<16xf32>
      %swap3A_378 = vector.shape_cast %mul3A_372 : vector<16xf32> to vector<1x16xf32>
      tpu.vector_store %arg8[%swap3A_374, %swap3A_375], %swap3A_378 {strides = array<i32>} : memref<4x128xf32, #tpu.memory_space<vmem>>, vector<1x16xf32>,
      %mul3A_379 = arith.constant 3.125000e-02 : f32
      %mul3A_380 = vector.broadcast %mul3A_379 : f32 to vector<16xf32>
      %mul3A_381 = arith.mulf %scan3A_144#26, %mul3A_380 : vector<16xf32>
      %swap3A_382 = arith.constant 3 : i32
      %swap3A_383 = arith.index_cast %swap3A_382 : i32 to index
      %swap3A_384 = arith.constant 32 : index
      %swap3A_385 = tpu.vector_load %arg8[%swap3A_383, %swap3A_384] {strides = array<i32>} : memref<4x128xf32, #tpu.memory_space<vmem>>, vector<1x16xf32>,
      %swap3A_386 = vector.shape_cast %swap3A_385 : vector<1x16xf32> to vector<16xf32>
      %swap3A_387 = vector.shape_cast %mul3A_381 : vector<16xf32> to vector<1x16xf32>
      tpu.vector_store %arg8[%swap3A_383, %swap3A_384], %swap3A_387 {strides = array<i32>} : memref<4x128xf32, #tpu.memory_space<vmem>>, vector<1x16xf32>,
      %mul3A_388 = arith.constant 3.125000e-02 : f32
      %mul3A_389 = vector.broadcast %mul3A_388 : f32 to vector<16xf32>
      %mul3A_390 = arith.mulf %scan3A_144#27, %mul3A_389 : vector<16xf32>
      %swap3A_391 = arith.constant 3 : i32
      %swap3A_392 = arith.index_cast %swap3A_391 : i32 to index
      %swap3A_393 = arith.constant 48 : index
      %swap3A_394 = tpu.vector_load %arg8[%swap3A_392, %swap3A_393] {strides = array<i32>} : memref<4x128xf32, #tpu.memory_space<vmem>>, vector<1x16xf32>,
      %swap3A_395 = vector.shape_cast %swap3A_394 : vector<1x16xf32> to vector<16xf32>
      %swap3A_396 = vector.shape_cast %mul3A_390 : vector<16xf32> to vector<1x16xf32>
      tpu.vector_store %arg8[%swap3A_392, %swap3A_393], %swap3A_396 {strides = array<i32>} : memref<4x128xf32, #tpu.memory_space<vmem>>, vector<1x16xf32>,
      %mul3A_397 = arith.constant 3.125000e-02 : f32
      %mul3A_398 = vector.broadcast %mul3A_397 : f32 to vector<16xf32>
      %mul3A_399 = arith.mulf %scan3A_144#28, %mul3A_398 : vector<16xf32>
      %swap3A_400 = arith.constant 3 : i32
      %swap3A_401 = arith.index_cast %swap3A_400 : i32 to index
      %swap3A_402 = arith.constant 64 : index
      %swap3A_403 = tpu.vector_load %arg8[%swap3A_401, %swap3A_402] {strides = array<i32>} : memref<4x128xf32, #tpu.memory_space<vmem>>, vector<1x16xf32>,
      %swap3A_404 = vector.shape_cast %swap3A_403 : vector<1x16xf32> to vector<16xf32>
      %swap3A_405 = vector.shape_cast %mul3A_399 : vector<16xf32> to vector<1x16xf32>
      tpu.vector_store %arg8[%swap3A_401, %swap3A_402], %swap3A_405 {strides = array<i32>} : memref<4x128xf32, #tpu.memory_space<vmem>>, vector<1x16xf32>,
      %mul3A_406 = arith.constant 3.125000e-02 : f32
      %mul3A_407 = vector.broadcast %mul3A_406 : f32 to vector<16xf32>
      %mul3A_408 = arith.mulf %scan3A_144#29, %mul3A_407 : vector<16xf32>
      %swap3A_409 = arith.constant 3 : i32
      %swap3A_410 = arith.index_cast %swap3A_409 : i32 to index
      %swap3A_411 = arith.constant 80 : index
      %swap3A_412 = tpu.vector_load %arg8[%swap3A_410, %swap3A_411] {strides = array<i32>} : memref<4x128xf32, #tpu.memory_space<vmem>>, vector<1x16xf32>,
      %swap3A_413 = vector.shape_cast %swap3A_412 : vector<1x16xf32> to vector<16xf32>
      %swap3A_414 = vector.shape_cast %mul3A_408 : vector<16xf32> to vector<1x16xf32>
      tpu.vector_store %arg8[%swap3A_410, %swap3A_411], %swap3A_414 {strides = array<i32>} : memref<4x128xf32, #tpu.memory_space<vmem>>, vector<1x16xf32>,
      %mul3A_415 = arith.constant 3.125000e-02 : f32
      %mul3A_416 = vector.broadcast %mul3A_415 : f32 to vector<16xf32>
      %mul3A_417 = arith.mulf %scan3A_144#30, %mul3A_416 : vector<16xf32>
      %swap3A_418 = arith.constant 3 : i32
      %swap3A_419 = arith.index_cast %swap3A_418 : i32 to index
      %swap3A_420 = arith.constant 96 : index
      %swap3A_421 = tpu.vector_load %arg8[%swap3A_419, %swap3A_420] {strides = array<i32>} : memref<4x128xf32, #tpu.memory_space<vmem>>, vector<1x16xf32>,
      %swap3A_422 = vector.shape_cast %swap3A_421 : vector<1x16xf32> to vector<16xf32>
      %swap3A_423 = vector.shape_cast %mul3A_417 : vector<16xf32> to vector<1x16xf32>
      tpu.vector_store %arg8[%swap3A_419, %swap3A_420], %swap3A_423 {strides = array<i32>} : memref<4x128xf32, #tpu.memory_space<vmem>>, vector<1x16xf32>,
      %mul3A_424 = arith.constant 3.125000e-02 : f32
      %mul3A_425 = vector.broadcast %mul3A_424 : f32 to vector<16xf32>
      %mul3A_426 = arith.mulf %scan3A_144#31, %mul3A_425 : vector<16xf32>
      %swap3A_427 = arith.constant 3 : i32
      %swap3A_428 = arith.index_cast %swap3A_427 : i32 to index
      %swap3A_429 = arith.constant 112 : index
      %swap3A_430 = tpu.vector_load %arg8[%swap3A_428, %swap3A_429] {strides = array<i32>} : memref<4x128xf32, #tpu.memory_space<vmem>>, vector<1x16xf32>,
      %swap3A_431 = vector.shape_cast %swap3A_430 : vector<1x16xf32> to vector<16xf32>
      %swap3A_432 = vector.shape_cast %mul3A_426 : vector<16xf32> to vector<1x16xf32>
      tpu.vector_store %arg8[%swap3A_428, %swap3A_429], %swap3A_432 {strides = array<i32>} : memref<4x128xf32, #tpu.memory_space<vmem>>, vector<1x16xf32>,
      %mul3A_433 = arith.constant 4 : i32
      %mul3A_434 = arith.muli %add3A_68, %mul3A_433 : i32
      %add3A_435 = arith.addi %add3A, %mul3A_434 : i32
      %dma_start3A_436 = arith.constant 0 : i32
      %dma_start3A_437 = tpu.memref_slice %arg4[%add3A_435, %dma_start3A_436] : memref<10112x128xf32, #tpu.memory_space<hbm>> -> memref<4x128xf32, #tpu.memory_space<hbm>>
      %dma_start3A_438 = arith.constant 0 : i32
      %dma_start3A_439 = tpu.memref_slice %arg4[%add3A_435, %dma_start3A_438] : memref<10112x128xf32, #tpu.memory_space<hbm>> -> memref<4x128xf32, #tpu.memory_space<hbm>>
      tpu.enqueue_dma source(%arg8 : memref<4x128xf32, #tpu.memory_space<vmem>>) target(%dma_start3A_439 : memref<4x128xf32, #tpu.memory_space<hbm>>) target_semaphore(%arg12 : memref<!tpu.dma_semaphore, #tpu.memory_space<semaphore_mem>>)
      %add3A_440 = arith.constant 2 : i32
      %add3A_441 = arith.addi %add3A_68, %add3A_440 : i32
      %lt3A = arith.cmpi slt, %add3A_441, %select_n3A_7 : i32
      %convert_element_type3A_442 = arith.extui %lt3A : i1 to i32
      %cond3A_443 = arith.constant 0 : i32
      %cond3A_444 = arith.cmpi ne, %convert_element_type3A_442, %cond3A_443 : i32
      scf.if %cond3A_444 {
        %add3A_829 = arith.constant 2 : i32
        %add3A_830 = arith.addi %add3A_68, %add3A_829 : i32
        %mul3A_831 = arith.constant 4 : i32
        %mul3A_832 = arith.muli %add3A_830, %mul3A_831 : i32
        %mul3A_833 = arith.constant 32 : i32
        %mul3A_834 = arith.muli %mul3A_832, %mul3A_833 : i32
        %dma_start3A_835 = tpu.memref_slice %arg5[%mul3A_834] : memref<16896xi32, #tpu.memory_space<vmem>> -> memref<128xi32, #tpu.memory_space<vmem>>
        %dma_start3A_836 = arith.constant 0 : i32
        %dma_start3A_837 = arith.constant 0 : i32
        %dma_start3A_838 = tpu.memref_slice %arg3[%dma_start3A_836, %dma_start3A_837] : memref<50000x128xf32, #tpu.memory_space<hbm>> -> memref<50000x128xf32, #tpu.memory_space<hbm>>
        tpu.enqueue_indirect_dma source(%dma_start3A_838 : memref<50000x128xf32, #tpu.memory_space<hbm>>) target(%arg6 : memref<128x128xf32, #tpu.memory_space<vmem>>) offsets(%dma_start3A_835 : memref<128xi32, #tpu.memory_space<vmem>>) semaphore(%arg10 : memref<!tpu.dma_semaphore, #tpu.memory_space<semaphore_mem>>)
      } else {
      }
      %add3A_445 = arith.constant 1 : i32
      %add3A_446 = arith.addi %mul3A_66, %add3A_445 : i32
      %dma_wait3A_447 = arith.constant 0 : i32
      %dma_wait3A_448 = tpu.memref_slice %arg5[%dma_wait3A_447] : memref<16896xi32, #tpu.memory_space<vmem>> -> memref<128xi32, #tpu.memory_space<vmem>>
      %dma_wait3A_449 = arith.constant 0 : i32
      %dma_wait3A_450 = arith.constant 0 : i32
      %dma_wait3A_451 = tpu.memref_slice %arg3[%dma_wait3A_449, %dma_wait3A_450] : memref<50000x128xf32, #tpu.memory_space<hbm>> -> memref<50000x128xf32, #tpu.memory_space<hbm>>
      tpu.wait_indirect_dma semaphore(%arg11 : memref<!tpu.dma_semaphore, #tpu.memory_space<semaphore_mem>>) src(%dma_wait3A_451 : memref<50000x128xf32, #tpu.memory_space<hbm>>) dst(%arg7 : memref<128x128xf32, #tpu.memory_space<vmem>>)
      %ge3A_452 = arith.constant 2 : i32
      %ge3A_453 = arith.cmpi sge, %add3A_446, %ge3A_452 : i32
      %convert_element_type3A_454 = arith.extui %ge3A_453 : i1 to i32
      %cond3A_455 = arith.constant 0 : i32
      %cond3A_456 = arith.cmpi ne, %convert_element_type3A_454, %cond3A_455 : i32
      scf.if %cond3A_456 {
        %mul3A_829 = arith.constant 4 : i32
        %mul3A_830 = arith.muli %add3A_446, %mul3A_829 : i32
        %add3A_831 = arith.addi %add3A, %mul3A_830 : i32
        %dma_wait3A_832 = arith.constant 0 : i32
        %dma_wait3A_833 = tpu.memref_slice %arg4[%add3A_831, %dma_wait3A_832] : memref<10112x128xf32, #tpu.memory_space<hbm>> -> memref<4x128xf32, #tpu.memory_space<hbm>>
        %dma_wait3A_834 = arith.constant 0 : i32
        %dma_wait3A_835 = tpu.memref_slice %arg4[%add3A_831, %dma_wait3A_834] : memref<10112x128xf32, #tpu.memory_space<hbm>> -> memref<4x128xf32, #tpu.memory_space<hbm>>
        tpu.wait_dma2 semaphore(%arg13 : memref<!tpu.dma_semaphore, #tpu.memory_space<semaphore_mem>>) src(%arg9 : memref<4x128xf32, #tpu.memory_space<vmem>>) dst(%dma_wait3A_835 : memref<4x128xf32, #tpu.memory_space<hbm>>)
      } else {
      }
      %broadcast_in_dim3A_457 = arith.constant 0.000000e+00 : f32
      %broadcast_in_dim3A_458 = vector.broadcast %broadcast_in_dim3A_457 : f32 to vector<16xf32>
      %broadcast_in_dim3A_459 = arith.constant 0.000000e+00 : f32
      %broadcast_in_dim3A_460 = vector.broadcast %broadcast_in_dim3A_459 : f32 to vector<16xf32>
      %broadcast_in_dim3A_461 = arith.constant 0.000000e+00 : f32
      %broadcast_in_dim3A_462 = vector.broadcast %broadcast_in_dim3A_461 : f32 to vector<16xf32>
      %broadcast_in_dim3A_463 = arith.constant 0.000000e+00 : f32
      %broadcast_in_dim3A_464 = vector.broadcast %broadcast_in_dim3A_463 : f32 to vector<16xf32>
      %broadcast_in_dim3A_465 = arith.constant 0.000000e+00 : f32
      %broadcast_in_dim3A_466 = vector.broadcast %broadcast_in_dim3A_465 : f32 to vector<16xf32>
      %broadcast_in_dim3A_467 = arith.constant 0.000000e+00 : f32
      %broadcast_in_dim3A_468 = vector.broadcast %broadcast_in_dim3A_467 : f32 to vector<16xf32>
      %broadcast_in_dim3A_469 = arith.constant 0.000000e+00 : f32
      %broadcast_in_dim3A_470 = vector.broadcast %broadcast_in_dim3A_469 : f32 to vector<16xf32>
      %broadcast_in_dim3A_471 = arith.constant 0.000000e+00 : f32
      %broadcast_in_dim3A_472 = vector.broadcast %broadcast_in_dim3A_471 : f32 to vector<16xf32>
      %broadcast_in_dim3A_473 = arith.constant 0.000000e+00 : f32
      %broadcast_in_dim3A_474 = vector.broadcast %broadcast_in_dim3A_473 : f32 to vector<16xf32>
      %broadcast_in_dim3A_475 = arith.constant 0.000000e+00 : f32
      %broadcast_in_dim3A_476 = vector.broadcast %broadcast_in_dim3A_475 : f32 to vector<16xf32>
      %broadcast_in_dim3A_477 = arith.constant 0.000000e+00 : f32
      %broadcast_in_dim3A_478 = vector.broadcast %broadcast_in_dim3A_477 : f32 to vector<16xf32>
      %broadcast_in_dim3A_479 = arith.constant 0.000000e+00 : f32
      %broadcast_in_dim3A_480 = vector.broadcast %broadcast_in_dim3A_479 : f32 to vector<16xf32>
      %broadcast_in_dim3A_481 = arith.constant 0.000000e+00 : f32
      %broadcast_in_dim3A_482 = vector.broadcast %broadcast_in_dim3A_481 : f32 to vector<16xf32>
      %broadcast_in_dim3A_483 = arith.constant 0.000000e+00 : f32
      %broadcast_in_dim3A_484 = vector.broadcast %broadcast_in_dim3A_483 : f32 to vector<16xf32>
      %broadcast_in_dim3A_485 = arith.constant 0.000000e+00 : f32
      %broadcast_in_dim3A_486 = vector.broadcast %broadcast_in_dim3A_485 : f32 to vector<16xf32>
      %broadcast_in_dim3A_487 = arith.constant 0.000000e+00 : f32
      %broadcast_in_dim3A_488 = vector.broadcast %broadcast_in_dim3A_487 : f32 to vector<16xf32>
      %broadcast_in_dim3A_489 = arith.constant 0.000000e+00 : f32
      %broadcast_in_dim3A_490 = vector.broadcast %broadcast_in_dim3A_489 : f32 to vector<16xf32>
      %broadcast_in_dim3A_491 = arith.constant 0.000000e+00 : f32
      %broadcast_in_dim3A_492 = vector.broadcast %broadcast_in_dim3A_491 : f32 to vector<16xf32>
      %broadcast_in_dim3A_493 = arith.constant 0.000000e+00 : f32
      %broadcast_in_dim3A_494 = vector.broadcast %broadcast_in_dim3A_493 : f32 to vector<16xf32>
      %broadcast_in_dim3A_495 = arith.constant 0.000000e+00 : f32
      %broadcast_in_dim3A_496 = vector.broadcast %broadcast_in_dim3A_495 : f32 to vector<16xf32>
      %broadcast_in_dim3A_497 = arith.constant 0.000000e+00 : f32
      %broadcast_in_dim3A_498 = vector.broadcast %broadcast_in_dim3A_497 : f32 to vector<16xf32>
      %broadcast_in_dim3A_499 = arith.constant 0.000000e+00 : f32
      %broadcast_in_dim3A_500 = vector.broadcast %broadcast_in_dim3A_499 : f32 to vector<16xf32>
      %broadcast_in_dim3A_501 = arith.constant 0.000000e+00 : f32
      %broadcast_in_dim3A_502 = vector.broadcast %broadcast_in_dim3A_501 : f32 to vector<16xf32>
      %broadcast_in_dim3A_503 = arith.constant 0.000000e+00 : f32
      %broadcast_in_dim3A_504 = vector.broadcast %broadcast_in_dim3A_503 : f32 to vector<16xf32>
      %broadcast_in_dim3A_505 = arith.constant 0.000000e+00 : f32
      %broadcast_in_dim3A_506 = vector.broadcast %broadcast_in_dim3A_505 : f32 to vector<16xf32>
      %broadcast_in_dim3A_507 = arith.constant 0.000000e+00 : f32
      %broadcast_in_dim3A_508 = vector.broadcast %broadcast_in_dim3A_507 : f32 to vector<16xf32>
      %broadcast_in_dim3A_509 = arith.constant 0.000000e+00 : f32
      %broadcast_in_dim3A_510 = vector.broadcast %broadcast_in_dim3A_509 : f32 to vector<16xf32>
      %broadcast_in_dim3A_511 = arith.constant 0.000000e+00 : f32
      %broadcast_in_dim3A_512 = vector.broadcast %broadcast_in_dim3A_511 : f32 to vector<16xf32>
      %broadcast_in_dim3A_513 = arith.constant 0.000000e+00 : f32
      %broadcast_in_dim3A_514 = vector.broadcast %broadcast_in_dim3A_513 : f32 to vector<16xf32>
      %broadcast_in_dim3A_515 = arith.constant 0.000000e+00 : f32
      %broadcast_in_dim3A_516 = vector.broadcast %broadcast_in_dim3A_515 : f32 to vector<16xf32>
      %broadcast_in_dim3A_517 = arith.constant 0.000000e+00 : f32
      %broadcast_in_dim3A_518 = vector.broadcast %broadcast_in_dim3A_517 : f32 to vector<16xf32>
      %broadcast_in_dim3A_519 = arith.constant 0.000000e+00 : f32
      %broadcast_in_dim3A_520 = vector.broadcast %broadcast_in_dim3A_519 : f32 to vector<16xf32>
      %scan3A_521 = arith.constant 0 : i32
      %scan3A_522 = arith.constant 16 : i32
      %scan3A_523 = arith.addi %scan3A_521, %scan3A_522 : i32
      %scan3A_524 = arith.constant 1 : i32
      %scan3A_525:32 = scf.for %scan3A_829 = %scan3A_521 to %scan3A_523 step %scan3A_524 iter_args(%scan3A_830 = %broadcast_in_dim3A_458, %scan3A_831 = %broadcast_in_dim3A_460, %scan3A_832 = %broadcast_in_dim3A_462, %scan3A_833 = %broadcast_in_dim3A_464, %scan3A_834 = %broadcast_in_dim3A_466, %scan3A_835 = %broadcast_in_dim3A_468, %scan3A_836 = %broadcast_in_dim3A_470, %scan3A_837 = %broadcast_in_dim3A_472, %scan3A_838 = %broadcast_in_dim3A_474, %scan3A_839 = %broadcast_in_dim3A_476, %scan3A_840 = %broadcast_in_dim3A_478, %scan3A_841 = %broadcast_in_dim3A_480, %scan3A_842 = %broadcast_in_dim3A_482, %scan3A_843 = %broadcast_in_dim3A_484, %scan3A_844 = %broadcast_in_dim3A_486, %scan3A_845 = %broadcast_in_dim3A_488, %scan3A_846 = %broadcast_in_dim3A_490, %scan3A_847 = %broadcast_in_dim3A_492, %scan3A_848 = %broadcast_in_dim3A_494, %scan3A_849 = %broadcast_in_dim3A_496, %scan3A_850 = %broadcast_in_dim3A_498, %scan3A_851 = %broadcast_in_dim3A_500, %scan3A_852 = %broadcast_in_dim3A_502, %scan3A_853 = %broadcast_in_dim3A_504, %scan3A_854 = %broadcast_in_dim3A_506, %scan3A_855 = %broadcast_in_dim3A_508, %scan3A_856 = %broadcast_in_dim3A_510, %scan3A_857 = %broadcast_in_dim3A_512, %scan3A_858 = %broadcast_in_dim3A_514, %scan3A_859 = %broadcast_in_dim3A_516, %scan3A_860 = %broadcast_in_dim3A_518, %scan3A_861 = %broadcast_in_dim3A_520) -> (vector<16xf32>, vector<16xf32>, vector<16xf32>, vector<16xf32>, vector<16xf32>, vector<16xf32>, vector<16xf32>, vector<16xf32>, vector<16xf32>, vector<16xf32>, vector<16xf32>, vector<16xf32>, vector<16xf32>, vector<16xf32>, vector<16xf32>, vector<16xf32>, vector<16xf32>, vector<16xf32>, vector<16xf32>, vector<16xf32>, vector<16xf32>, vector<16xf32>, vector<16xf32>, vector<16xf32>, vector<16xf32>, vector<16xf32>, vector<16xf32>, vector<16xf32>, vector<16xf32>, vector<16xf32>, vector<16xf32>, vector<16xf32>)  : i32 {
        %mul3A_862 = arith.constant 2 : i32
        %mul3A_863 = arith.muli %scan3A_829, %mul3A_862 : i32
        %add3A_864 = arith.constant 0 : i32
        %add3A_865 = arith.addi %mul3A_863, %add3A_864 : i32
        %add3A_866 = arith.constant 0 : i32
        %add3A_867 = arith.addi %add3A_866, %add3A_865 : i32
        %get3A = arith.index_cast %add3A_867 : i32 to index
        %get3A_868 = arith.constant 0 : index
        %get3A_869 = tpu.vector_load %arg7[%get3A, %get3A_868] {strides = array<i32>} : memref<128x128xf32, #tpu.memory_space<vmem>>, vector<1x16xf32>,
        %get3A_870 = vector.shape_cast %get3A_869 : vector<1x16xf32> to vector<16xf32>
        %add3A_871 = arith.addf %scan3A_830, %get3A_870 : vector<16xf32>
        %get3A_872 = arith.index_cast %add3A_867 : i32 to index
        %get3A_873 = arith.constant 16 : index
        %get3A_874 = tpu.vector_load %arg7[%get3A_872, %get3A_873] {strides = array<i32>} : memref<128x128xf32, #tpu.memory_space<vmem>>, vector<1x16xf32>,
        %get3A_875 = vector.shape_cast %get3A_874 : vector<1x16xf32> to vector<16xf32>
        %add3A_876 = arith.addf %scan3A_831, %get3A_875 : vector<16xf32>
        %get3A_877 = arith.index_cast %add3A_867 : i32 to index
        %get3A_878 = arith.constant 32 : index
        %get3A_879 = tpu.vector_load %arg7[%get3A_877, %get3A_878] {strides = array<i32>} : memref<128x128xf32, #tpu.memory_space<vmem>>, vector<1x16xf32>,
        %get3A_880 = vector.shape_cast %get3A_879 : vector<1x16xf32> to vector<16xf32>
        %add3A_881 = arith.addf %scan3A_832, %get3A_880 : vector<16xf32>
        %get3A_882 = arith.index_cast %add3A_867 : i32 to index
        %get3A_883 = arith.constant 48 : index
        %get3A_884 = tpu.vector_load %arg7[%get3A_882, %get3A_883] {strides = array<i32>} : memref<128x128xf32, #tpu.memory_space<vmem>>, vector<1x16xf32>,
        %get3A_885 = vector.shape_cast %get3A_884 : vector<1x16xf32> to vector<16xf32>
        %add3A_886 = arith.addf %scan3A_833, %get3A_885 : vector<16xf32>
        %get3A_887 = arith.index_cast %add3A_867 : i32 to index
        %get3A_888 = arith.constant 64 : index
        %get3A_889 = tpu.vector_load %arg7[%get3A_887, %get3A_888] {strides = array<i32>} : memref<128x128xf32, #tpu.memory_space<vmem>>, vector<1x16xf32>,
        %get3A_890 = vector.shape_cast %get3A_889 : vector<1x16xf32> to vector<16xf32>
        %add3A_891 = arith.addf %scan3A_834, %get3A_890 : vector<16xf32>
        %get3A_892 = arith.index_cast %add3A_867 : i32 to index
        %get3A_893 = arith.constant 80 : index
        %get3A_894 = tpu.vector_load %arg7[%get3A_892, %get3A_893] {strides = array<i32>} : memref<128x128xf32, #tpu.memory_space<vmem>>, vector<1x16xf32>,
        %get3A_895 = vector.shape_cast %get3A_894 : vector<1x16xf32> to vector<16xf32>
        %add3A_896 = arith.addf %scan3A_835, %get3A_895 : vector<16xf32>
        %get3A_897 = arith.index_cast %add3A_867 : i32 to index
        %get3A_898 = arith.constant 96 : index
        %get3A_899 = tpu.vector_load %arg7[%get3A_897, %get3A_898] {strides = array<i32>} : memref<128x128xf32, #tpu.memory_space<vmem>>, vector<1x16xf32>,
        %get3A_900 = vector.shape_cast %get3A_899 : vector<1x16xf32> to vector<16xf32>
        %add3A_901 = arith.addf %scan3A_836, %get3A_900 : vector<16xf32>
        %get3A_902 = arith.index_cast %add3A_867 : i32 to index
        %get3A_903 = arith.constant 112 : index
        %get3A_904 = tpu.vector_load %arg7[%get3A_902, %get3A_903] {strides = array<i32>} : memref<128x128xf32, #tpu.memory_space<vmem>>, vector<1x16xf32>,
        %get3A_905 = vector.shape_cast %get3A_904 : vector<1x16xf32> to vector<16xf32>
        %add3A_906 = arith.addf %scan3A_837, %get3A_905 : vector<16xf32>
        %add3A_907 = arith.constant 32 : i32
        %add3A_908 = arith.addi %add3A_907, %add3A_865 : i32
        %get3A_909 = arith.index_cast %add3A_908 : i32 to index
        %get3A_910 = arith.constant 0 : index
        %get3A_911 = tpu.vector_load %arg7[%get3A_909, %get3A_910] {strides = array<i32>} : memref<128x128xf32, #tpu.memory_space<vmem>>, vector<1x16xf32>,
        %get3A_912 = vector.shape_cast %get3A_911 : vector<1x16xf32> to vector<16xf32>
        %add3A_913 = arith.addf %scan3A_838, %get3A_912 : vector<16xf32>
        %get3A_914 = arith.index_cast %add3A_908 : i32 to index
        %get3A_915 = arith.constant 16 : index
        %get3A_916 = tpu.vector_load %arg7[%get3A_914, %get3A_915] {strides = array<i32>} : memref<128x128xf32, #tpu.memory_space<vmem>>, vector<1x16xf32>,
        %get3A_917 = vector.shape_cast %get3A_916 : vector<1x16xf32> to vector<16xf32>
        %add3A_918 = arith.addf %scan3A_839, %get3A_917 : vector<16xf32>
        %get3A_919 = arith.index_cast %add3A_908 : i32 to index
        %get3A_920 = arith.constant 32 : index
        %get3A_921 = tpu.vector_load %arg7[%get3A_919, %get3A_920] {strides = array<i32>} : memref<128x128xf32, #tpu.memory_space<vmem>>, vector<1x16xf32>,
        %get3A_922 = vector.shape_cast %get3A_921 : vector<1x16xf32> to vector<16xf32>
        %add3A_923 = arith.addf %scan3A_840, %get3A_922 : vector<16xf32>
        %get3A_924 = arith.index_cast %add3A_908 : i32 to index
        %get3A_925 = arith.constant 48 : index
        %get3A_926 = tpu.vector_load %arg7[%get3A_924, %get3A_925] {strides = array<i32>} : memref<128x128xf32, #tpu.memory_space<vmem>>, vector<1x16xf32>,
        %get3A_927 = vector.shape_cast %get3A_926 : vector<1x16xf32> to vector<16xf32>
        %add3A_928 = arith.addf %scan3A_841, %get3A_927 : vector<16xf32>
        %get3A_929 = arith.index_cast %add3A_908 : i32 to index
        %get3A_930 = arith.constant 64 : index
        %get3A_931 = tpu.vector_load %arg7[%get3A_929, %get3A_930] {strides = array<i32>} : memref<128x128xf32, #tpu.memory_space<vmem>>, vector<1x16xf32>,
        %get3A_932 = vector.shape_cast %get3A_931 : vector<1x16xf32> to vector<16xf32>
        %add3A_933 = arith.addf %scan3A_842, %get3A_932 : vector<16xf32>
        %get3A_934 = arith.index_cast %add3A_908 : i32 to index
        %get3A_935 = arith.constant 80 : index
        %get3A_936 = tpu.vector_load %arg7[%get3A_934, %get3A_935] {strides = array<i32>} : memref<128x128xf32, #tpu.memory_space<vmem>>, vector<1x16xf32>,
        %get3A_937 = vector.shape_cast %get3A_936 : vector<1x16xf32> to vector<16xf32>
        %add3A_938 = arith.addf %scan3A_843, %get3A_937 : vector<16xf32>
        %get3A_939 = arith.index_cast %add3A_908 : i32 to index
        %get3A_940 = arith.constant 96 : index
        %get3A_941 = tpu.vector_load %arg7[%get3A_939, %get3A_940] {strides = array<i32>} : memref<128x128xf32, #tpu.memory_space<vmem>>, vector<1x16xf32>,
        %get3A_942 = vector.shape_cast %get3A_941 : vector<1x16xf32> to vector<16xf32>
        %add3A_943 = arith.addf %scan3A_844, %get3A_942 : vector<16xf32>
        %get3A_944 = arith.index_cast %add3A_908 : i32 to index
        %get3A_945 = arith.constant 112 : index
        %get3A_946 = tpu.vector_load %arg7[%get3A_944, %get3A_945] {strides = array<i32>} : memref<128x128xf32, #tpu.memory_space<vmem>>, vector<1x16xf32>,
        %get3A_947 = vector.shape_cast %get3A_946 : vector<1x16xf32> to vector<16xf32>
        %add3A_948 = arith.addf %scan3A_845, %get3A_947 : vector<16xf32>
        %add3A_949 = arith.constant 64 : i32
        %add3A_950 = arith.addi %add3A_949, %add3A_865 : i32
        %get3A_951 = arith.index_cast %add3A_950 : i32 to index
        %get3A_952 = arith.constant 0 : index
        %get3A_953 = tpu.vector_load %arg7[%get3A_951, %get3A_952] {strides = array<i32>} : memref<128x128xf32, #tpu.memory_space<vmem>>, vector<1x16xf32>,
        %get3A_954 = vector.shape_cast %get3A_953 : vector<1x16xf32> to vector<16xf32>
        %add3A_955 = arith.addf %scan3A_846, %get3A_954 : vector<16xf32>
        %get3A_956 = arith.index_cast %add3A_950 : i32 to index
        %get3A_957 = arith.constant 16 : index
        %get3A_958 = tpu.vector_load %arg7[%get3A_956, %get3A_957] {strides = array<i32>} : memref<128x128xf32, #tpu.memory_space<vmem>>, vector<1x16xf32>,
        %get3A_959 = vector.shape_cast %get3A_958 : vector<1x16xf32> to vector<16xf32>
        %add3A_960 = arith.addf %scan3A_847, %get3A_959 : vector<16xf32>
        %get3A_961 = arith.index_cast %add3A_950 : i32 to index
        %get3A_962 = arith.constant 32 : index
        %get3A_963 = tpu.vector_load %arg7[%get3A_961, %get3A_962] {strides = array<i32>} : memref<128x128xf32, #tpu.memory_space<vmem>>, vector<1x16xf32>,
        %get3A_964 = vector.shape_cast %get3A_963 : vector<1x16xf32> to vector<16xf32>
        %add3A_965 = arith.addf %scan3A_848, %get3A_964 : vector<16xf32>
        %get3A_966 = arith.index_cast %add3A_950 : i32 to index
        %get3A_967 = arith.constant 48 : index
        %get3A_968 = tpu.vector_load %arg7[%get3A_966, %get3A_967] {strides = array<i32>} : memref<128x128xf32, #tpu.memory_space<vmem>>, vector<1x16xf32>,
        %get3A_969 = vector.shape_cast %get3A_968 : vector<1x16xf32> to vector<16xf32>
        %add3A_970 = arith.addf %scan3A_849, %get3A_969 : vector<16xf32>
        %get3A_971 = arith.index_cast %add3A_950 : i32 to index
        %get3A_972 = arith.constant 64 : index
        %get3A_973 = tpu.vector_load %arg7[%get3A_971, %get3A_972] {strides = array<i32>} : memref<128x128xf32, #tpu.memory_space<vmem>>, vector<1x16xf32>,
        %get3A_974 = vector.shape_cast %get3A_973 : vector<1x16xf32> to vector<16xf32>
        %add3A_975 = arith.addf %scan3A_850, %get3A_974 : vector<16xf32>
        %get3A_976 = arith.index_cast %add3A_950 : i32 to index
        %get3A_977 = arith.constant 80 : index
        %get3A_978 = tpu.vector_load %arg7[%get3A_976, %get3A_977] {strides = array<i32>} : memref<128x128xf32, #tpu.memory_space<vmem>>, vector<1x16xf32>,
        %get3A_979 = vector.shape_cast %get3A_978 : vector<1x16xf32> to vector<16xf32>
        %add3A_980 = arith.addf %scan3A_851, %get3A_979 : vector<16xf32>
        %get3A_981 = arith.index_cast %add3A_950 : i32 to index
        %get3A_982 = arith.constant 96 : index
        %get3A_983 = tpu.vector_load %arg7[%get3A_981, %get3A_982] {strides = array<i32>} : memref<128x128xf32, #tpu.memory_space<vmem>>, vector<1x16xf32>,
        %get3A_984 = vector.shape_cast %get3A_983 : vector<1x16xf32> to vector<16xf32>
        %add3A_985 = arith.addf %scan3A_852, %get3A_984 : vector<16xf32>
        %get3A_986 = arith.index_cast %add3A_950 : i32 to index
        %get3A_987 = arith.constant 112 : index
        %get3A_988 = tpu.vector_load %arg7[%get3A_986, %get3A_987] {strides = array<i32>} : memref<128x128xf32, #tpu.memory_space<vmem>>, vector<1x16xf32>,
        %get3A_989 = vector.shape_cast %get3A_988 : vector<1x16xf32> to vector<16xf32>
        %add3A_990 = arith.addf %scan3A_853, %get3A_989 : vector<16xf32>
        %add3A_991 = arith.constant 96 : i32
        %add3A_992 = arith.addi %add3A_991, %add3A_865 : i32
        %get3A_993 = arith.index_cast %add3A_992 : i32 to index
        %get3A_994 = arith.constant 0 : index
        %get3A_995 = tpu.vector_load %arg7[%get3A_993, %get3A_994] {strides = array<i32>} : memref<128x128xf32, #tpu.memory_space<vmem>>, vector<1x16xf32>,
        %get3A_996 = vector.shape_cast %get3A_995 : vector<1x16xf32> to vector<16xf32>
        %add3A_997 = arith.addf %scan3A_854, %get3A_996 : vector<16xf32>
        %get3A_998 = arith.index_cast %add3A_992 : i32 to index
        %get3A_999 = arith.constant 16 : index
        %get3A_1000 = tpu.vector_load %arg7[%get3A_998, %get3A_999] {strides = array<i32>} : memref<128x128xf32, #tpu.memory_space<vmem>>, vector<1x16xf32>,
        %get3A_1001 = vector.shape_cast %get3A_1000 : vector<1x16xf32> to vector<16xf32>
        %add3A_1002 = arith.addf %scan3A_855, %get3A_1001 : vector<16xf32>
        %get3A_1003 = arith.index_cast %add3A_992 : i32 to index
        %get3A_1004 = arith.constant 32 : index
        %get3A_1005 = tpu.vector_load %arg7[%get3A_1003, %get3A_1004] {strides = array<i32>} : memref<128x128xf32, #tpu.memory_space<vmem>>, vector<1x16xf32>,
        %get3A_1006 = vector.shape_cast %get3A_1005 : vector<1x16xf32> to vector<16xf32>
        %add3A_1007 = arith.addf %scan3A_856, %get3A_1006 : vector<16xf32>
        %get3A_1008 = arith.index_cast %add3A_992 : i32 to index
        %get3A_1009 = arith.constant 48 : index
        %get3A_1010 = tpu.vector_load %arg7[%get3A_1008, %get3A_1009] {strides = array<i32>} : memref<128x128xf32, #tpu.memory_space<vmem>>, vector<1x16xf32>,
        %get3A_1011 = vector.shape_cast %get3A_1010 : vector<1x16xf32> to vector<16xf32>
        %add3A_1012 = arith.addf %scan3A_857, %get3A_1011 : vector<16xf32>
        %get3A_1013 = arith.index_cast %add3A_992 : i32 to index
        %get3A_1014 = arith.constant 64 : index
        %get3A_1015 = tpu.vector_load %arg7[%get3A_1013, %get3A_1014] {strides = array<i32>} : memref<128x128xf32, #tpu.memory_space<vmem>>, vector<1x16xf32>,
        %get3A_1016 = vector.shape_cast %get3A_1015 : vector<1x16xf32> to vector<16xf32>
        %add3A_1017 = arith.addf %scan3A_858, %get3A_1016 : vector<16xf32>
        %get3A_1018 = arith.index_cast %add3A_992 : i32 to index
        %get3A_1019 = arith.constant 80 : index
        %get3A_1020 = tpu.vector_load %arg7[%get3A_1018, %get3A_1019] {strides = array<i32>} : memref<128x128xf32, #tpu.memory_space<vmem>>, vector<1x16xf32>,
        %get3A_1021 = vector.shape_cast %get3A_1020 : vector<1x16xf32> to vector<16xf32>
        %add3A_1022 = arith.addf %scan3A_859, %get3A_1021 : vector<16xf32>
        %get3A_1023 = arith.index_cast %add3A_992 : i32 to index
        %get3A_1024 = arith.constant 96 : index
        %get3A_1025 = tpu.vector_load %arg7[%get3A_1023, %get3A_1024] {strides = array<i32>} : memref<128x128xf32, #tpu.memory_space<vmem>>, vector<1x16xf32>,
        %get3A_1026 = vector.shape_cast %get3A_1025 : vector<1x16xf32> to vector<16xf32>
        %add3A_1027 = arith.addf %scan3A_860, %get3A_1026 : vector<16xf32>
        %get3A_1028 = arith.index_cast %add3A_992 : i32 to index
        %get3A_1029 = arith.constant 112 : index
        %get3A_1030 = tpu.vector_load %arg7[%get3A_1028, %get3A_1029] {strides = array<i32>} : memref<128x128xf32, #tpu.memory_space<vmem>>, vector<1x16xf32>,
        %get3A_1031 = vector.shape_cast %get3A_1030 : vector<1x16xf32> to vector<16xf32>
        %add3A_1032 = arith.addf %scan3A_861, %get3A_1031 : vector<16xf32>
        %mul3A_1033 = arith.constant 2 : i32
        %mul3A_1034 = arith.muli %scan3A_829, %mul3A_1033 : i32
        %add3A_1035 = arith.constant 1 : i32
        %add3A_1036 = arith.addi %mul3A_1034, %add3A_1035 : i32
        %add3A_1037 = arith.constant 0 : i32
        %add3A_1038 = arith.addi %add3A_1037, %add3A_1036 : i32
        %get3A_1039 = arith.index_cast %add3A_1038 : i32 to index
        %get3A_1040 = arith.constant 0 : index
        %get3A_1041 = tpu.vector_load %arg7[%get3A_1039, %get3A_1040] {strides = array<i32>} : memref<128x128xf32, #tpu.memory_space<vmem>>, vector<1x16xf32>,
        %get3A_1042 = vector.shape_cast %get3A_1041 : vector<1x16xf32> to vector<16xf32>
        %add3A_1043 = arith.addf %add3A_871, %get3A_1042 : vector<16xf32>
        %get3A_1044 = arith.index_cast %add3A_1038 : i32 to index
        %get3A_1045 = arith.constant 16 : index
        %get3A_1046 = tpu.vector_load %arg7[%get3A_1044, %get3A_1045] {strides = array<i32>} : memref<128x128xf32, #tpu.memory_space<vmem>>, vector<1x16xf32>,
        %get3A_1047 = vector.shape_cast %get3A_1046 : vector<1x16xf32> to vector<16xf32>
        %add3A_1048 = arith.addf %add3A_876, %get3A_1047 : vector<16xf32>
        %get3A_1049 = arith.index_cast %add3A_1038 : i32 to index
        %get3A_1050 = arith.constant 32 : index
        %get3A_1051 = tpu.vector_load %arg7[%get3A_1049, %get3A_1050] {strides = array<i32>} : memref<128x128xf32, #tpu.memory_space<vmem>>, vector<1x16xf32>,
        %get3A_1052 = vector.shape_cast %get3A_1051 : vector<1x16xf32> to vector<16xf32>
        %add3A_1053 = arith.addf %add3A_881, %get3A_1052 : vector<16xf32>
        %get3A_1054 = arith.index_cast %add3A_1038 : i32 to index
        %get3A_1055 = arith.constant 48 : index
        %get3A_1056 = tpu.vector_load %arg7[%get3A_1054, %get3A_1055] {strides = array<i32>} : memref<128x128xf32, #tpu.memory_space<vmem>>, vector<1x16xf32>,
        %get3A_1057 = vector.shape_cast %get3A_1056 : vector<1x16xf32> to vector<16xf32>
        %add3A_1058 = arith.addf %add3A_886, %get3A_1057 : vector<16xf32>
        %get3A_1059 = arith.index_cast %add3A_1038 : i32 to index
        %get3A_1060 = arith.constant 64 : index
        %get3A_1061 = tpu.vector_load %arg7[%get3A_1059, %get3A_1060] {strides = array<i32>} : memref<128x128xf32, #tpu.memory_space<vmem>>, vector<1x16xf32>,
        %get3A_1062 = vector.shape_cast %get3A_1061 : vector<1x16xf32> to vector<16xf32>
        %add3A_1063 = arith.addf %add3A_891, %get3A_1062 : vector<16xf32>
        %get3A_1064 = arith.index_cast %add3A_1038 : i32 to index
        %get3A_1065 = arith.constant 80 : index
        %get3A_1066 = tpu.vector_load %arg7[%get3A_1064, %get3A_1065] {strides = array<i32>} : memref<128x128xf32, #tpu.memory_space<vmem>>, vector<1x16xf32>,
        %get3A_1067 = vector.shape_cast %get3A_1066 : vector<1x16xf32> to vector<16xf32>
        %add3A_1068 = arith.addf %add3A_896, %get3A_1067 : vector<16xf32>
        %get3A_1069 = arith.index_cast %add3A_1038 : i32 to index
        %get3A_1070 = arith.constant 96 : index
        %get3A_1071 = tpu.vector_load %arg7[%get3A_1069, %get3A_1070] {strides = array<i32>} : memref<128x128xf32, #tpu.memory_space<vmem>>, vector<1x16xf32>,
        %get3A_1072 = vector.shape_cast %get3A_1071 : vector<1x16xf32> to vector<16xf32>
        %add3A_1073 = arith.addf %add3A_901, %get3A_1072 : vector<16xf32>
        %get3A_1074 = arith.index_cast %add3A_1038 : i32 to index
        %get3A_1075 = arith.constant 112 : index
        %get3A_1076 = tpu.vector_load %arg7[%get3A_1074, %get3A_1075] {strides = array<i32>} : memref<128x128xf32, #tpu.memory_space<vmem>>, vector<1x16xf32>,
        %get3A_1077 = vector.shape_cast %get3A_1076 : vector<1x16xf32> to vector<16xf32>
        %add3A_1078 = arith.addf %add3A_906, %get3A_1077 : vector<16xf32>
        %add3A_1079 = arith.constant 32 : i32
        %add3A_1080 = arith.addi %add3A_1079, %add3A_1036 : i32
        %get3A_1081 = arith.index_cast %add3A_1080 : i32 to index
        %get3A_1082 = arith.constant 0 : index
        %get3A_1083 = tpu.vector_load %arg7[%get3A_1081, %get3A_1082] {strides = array<i32>} : memref<128x128xf32, #tpu.memory_space<vmem>>, vector<1x16xf32>,
        %get3A_1084 = vector.shape_cast %get3A_1083 : vector<1x16xf32> to vector<16xf32>
        %add3A_1085 = arith.addf %add3A_913, %get3A_1084 : vector<16xf32>
        %get3A_1086 = arith.index_cast %add3A_1080 : i32 to index
        %get3A_1087 = arith.constant 16 : index
        %get3A_1088 = tpu.vector_load %arg7[%get3A_1086, %get3A_1087] {strides = array<i32>} : memref<128x128xf32, #tpu.memory_space<vmem>>, vector<1x16xf32>,
        %get3A_1089 = vector.shape_cast %get3A_1088 : vector<1x16xf32> to vector<16xf32>
        %add3A_1090 = arith.addf %add3A_918, %get3A_1089 : vector<16xf32>
        %get3A_1091 = arith.index_cast %add3A_1080 : i32 to index
        %get3A_1092 = arith.constant 32 : index
        %get3A_1093 = tpu.vector_load %arg7[%get3A_1091, %get3A_1092] {strides = array<i32>} : memref<128x128xf32, #tpu.memory_space<vmem>>, vector<1x16xf32>,
        %get3A_1094 = vector.shape_cast %get3A_1093 : vector<1x16xf32> to vector<16xf32>
        %add3A_1095 = arith.addf %add3A_923, %get3A_1094 : vector<16xf32>
        %get3A_1096 = arith.index_cast %add3A_1080 : i32 to index
        %get3A_1097 = arith.constant 48 : index
        %get3A_1098 = tpu.vector_load %arg7[%get3A_1096, %get3A_1097] {strides = array<i32>} : memref<128x128xf32, #tpu.memory_space<vmem>>, vector<1x16xf32>,
        %get3A_1099 = vector.shape_cast %get3A_1098 : vector<1x16xf32> to vector<16xf32>
        %add3A_1100 = arith.addf %add3A_928, %get3A_1099 : vector<16xf32>
        %get3A_1101 = arith.index_cast %add3A_1080 : i32 to index
        %get3A_1102 = arith.constant 64 : index
        %get3A_1103 = tpu.vector_load %arg7[%get3A_1101, %get3A_1102] {strides = array<i32>} : memref<128x128xf32, #tpu.memory_space<vmem>>, vector<1x16xf32>,
        %get3A_1104 = vector.shape_cast %get3A_1103 : vector<1x16xf32> to vector<16xf32>
        %add3A_1105 = arith.addf %add3A_933, %get3A_1104 : vector<16xf32>
        %get3A_1106 = arith.index_cast %add3A_1080 : i32 to index
        %get3A_1107 = arith.constant 80 : index
        %get3A_1108 = tpu.vector_load %arg7[%get3A_1106, %get3A_1107] {strides = array<i32>} : memref<128x128xf32, #tpu.memory_space<vmem>>, vector<1x16xf32>,
        %get3A_1109 = vector.shape_cast %get3A_1108 : vector<1x16xf32> to vector<16xf32>
        %add3A_1110 = arith.addf %add3A_938, %get3A_1109 : vector<16xf32>
        %get3A_1111 = arith.index_cast %add3A_1080 : i32 to index
        %get3A_1112 = arith.constant 96 : index
        %get3A_1113 = tpu.vector_load %arg7[%get3A_1111, %get3A_1112] {strides = array<i32>} : memref<128x128xf32, #tpu.memory_space<vmem>>, vector<1x16xf32>,
        %get3A_1114 = vector.shape_cast %get3A_1113 : vector<1x16xf32> to vector<16xf32>
        %add3A_1115 = arith.addf %add3A_943, %get3A_1114 : vector<16xf32>
        %get3A_1116 = arith.index_cast %add3A_1080 : i32 to index
        %get3A_1117 = arith.constant 112 : index
        %get3A_1118 = tpu.vector_load %arg7[%get3A_1116, %get3A_1117] {strides = array<i32>} : memref<128x128xf32, #tpu.memory_space<vmem>>, vector<1x16xf32>,
        %get3A_1119 = vector.shape_cast %get3A_1118 : vector<1x16xf32> to vector<16xf32>
        %add3A_1120 = arith.addf %add3A_948, %get3A_1119 : vector<16xf32>
        %add3A_1121 = arith.constant 64 : i32
        %add3A_1122 = arith.addi %add3A_1121, %add3A_1036 : i32
        %get3A_1123 = arith.index_cast %add3A_1122 : i32 to index
        %get3A_1124 = arith.constant 0 : index
        %get3A_1125 = tpu.vector_load %arg7[%get3A_1123, %get3A_1124] {strides = array<i32>} : memref<128x128xf32, #tpu.memory_space<vmem>>, vector<1x16xf32>,
        %get3A_1126 = vector.shape_cast %get3A_1125 : vector<1x16xf32> to vector<16xf32>
        %add3A_1127 = arith.addf %add3A_955, %get3A_1126 : vector<16xf32>
        %get3A_1128 = arith.index_cast %add3A_1122 : i32 to index
        %get3A_1129 = arith.constant 16 : index
        %get3A_1130 = tpu.vector_load %arg7[%get3A_1128, %get3A_1129] {strides = array<i32>} : memref<128x128xf32, #tpu.memory_space<vmem>>, vector<1x16xf32>,
        %get3A_1131 = vector.shape_cast %get3A_1130 : vector<1x16xf32> to vector<16xf32>
        %add3A_1132 = arith.addf %add3A_960, %get3A_1131 : vector<16xf32>
        %get3A_1133 = arith.index_cast %add3A_1122 : i32 to index
        %get3A_1134 = arith.constant 32 : index
        %get3A_1135 = tpu.vector_load %arg7[%get3A_1133, %get3A_1134] {strides = array<i32>} : memref<128x128xf32, #tpu.memory_space<vmem>>, vector<1x16xf32>,
        %get3A_1136 = vector.shape_cast %get3A_1135 : vector<1x16xf32> to vector<16xf32>
        %add3A_1137 = arith.addf %add3A_965, %get3A_1136 : vector<16xf32>
        %get3A_1138 = arith.index_cast %add3A_1122 : i32 to index
        %get3A_1139 = arith.constant 48 : index
        %get3A_1140 = tpu.vector_load %arg7[%get3A_1138, %get3A_1139] {strides = array<i32>} : memref<128x128xf32, #tpu.memory_space<vmem>>, vector<1x16xf32>,
        %get3A_1141 = vector.shape_cast %get3A_1140 : vector<1x16xf32> to vector<16xf32>
        %add3A_1142 = arith.addf %add3A_970, %get3A_1141 : vector<16xf32>
        %get3A_1143 = arith.index_cast %add3A_1122 : i32 to index
        %get3A_1144 = arith.constant 64 : index
        %get3A_1145 = tpu.vector_load %arg7[%get3A_1143, %get3A_1144] {strides = array<i32>} : memref<128x128xf32, #tpu.memory_space<vmem>>, vector<1x16xf32>,
        %get3A_1146 = vector.shape_cast %get3A_1145 : vector<1x16xf32> to vector<16xf32>
        %add3A_1147 = arith.addf %add3A_975, %get3A_1146 : vector<16xf32>
        %get3A_1148 = arith.index_cast %add3A_1122 : i32 to index
        %get3A_1149 = arith.constant 80 : index
        %get3A_1150 = tpu.vector_load %arg7[%get3A_1148, %get3A_1149] {strides = array<i32>} : memref<128x128xf32, #tpu.memory_space<vmem>>, vector<1x16xf32>,
        %get3A_1151 = vector.shape_cast %get3A_1150 : vector<1x16xf32> to vector<16xf32>
        %add3A_1152 = arith.addf %add3A_980, %get3A_1151 : vector<16xf32>
        %get3A_1153 = arith.index_cast %add3A_1122 : i32 to index
        %get3A_1154 = arith.constant 96 : index
        %get3A_1155 = tpu.vector_load %arg7[%get3A_1153, %get3A_1154] {strides = array<i32>} : memref<128x128xf32, #tpu.memory_space<vmem>>, vector<1x16xf32>,
        %get3A_1156 = vector.shape_cast %get3A_1155 : vector<1x16xf32> to vector<16xf32>
        %add3A_1157 = arith.addf %add3A_985, %get3A_1156 : vector<16xf32>
        %get3A_1158 = arith.index_cast %add3A_1122 : i32 to index
        %get3A_1159 = arith.constant 112 : index
        %get3A_1160 = tpu.vector_load %arg7[%get3A_1158, %get3A_1159] {strides = array<i32>} : memref<128x128xf32, #tpu.memory_space<vmem>>, vector<1x16xf32>,
        %get3A_1161 = vector.shape_cast %get3A_1160 : vector<1x16xf32> to vector<16xf32>
        %add3A_1162 = arith.addf %add3A_990, %get3A_1161 : vector<16xf32>
        %add3A_1163 = arith.constant 96 : i32
        %add3A_1164 = arith.addi %add3A_1163, %add3A_1036 : i32
        %get3A_1165 = arith.index_cast %add3A_1164 : i32 to index
        %get3A_1166 = arith.constant 0 : index
        %get3A_1167 = tpu.vector_load %arg7[%get3A_1165, %get3A_1166] {strides = array<i32>} : memref<128x128xf32, #tpu.memory_space<vmem>>, vector<1x16xf32>,
        %get3A_1168 = vector.shape_cast %get3A_1167 : vector<1x16xf32> to vector<16xf32>
        %add3A_1169 = arith.addf %add3A_997, %get3A_1168 : vector<16xf32>
        %get3A_1170 = arith.index_cast %add3A_1164 : i32 to index
        %get3A_1171 = arith.constant 16 : index
        %get3A_1172 = tpu.vector_load %arg7[%get3A_1170, %get3A_1171] {strides = array<i32>} : memref<128x128xf32, #tpu.memory_space<vmem>>, vector<1x16xf32>,
        %get3A_1173 = vector.shape_cast %get3A_1172 : vector<1x16xf32> to vector<16xf32>
        %add3A_1174 = arith.addf %add3A_1002, %get3A_1173 : vector<16xf32>
        %get3A_1175 = arith.index_cast %add3A_1164 : i32 to index
        %get3A_1176 = arith.constant 32 : index
        %get3A_1177 = tpu.vector_load %arg7[%get3A_1175, %get3A_1176] {strides = array<i32>} : memref<128x128xf32, #tpu.memory_space<vmem>>, vector<1x16xf32>,
        %get3A_1178 = vector.shape_cast %get3A_1177 : vector<1x16xf32> to vector<16xf32>
        %add3A_1179 = arith.addf %add3A_1007, %get3A_1178 : vector<16xf32>
        %get3A_1180 = arith.index_cast %add3A_1164 : i32 to index
        %get3A_1181 = arith.constant 48 : index
        %get3A_1182 = tpu.vector_load %arg7[%get3A_1180, %get3A_1181] {strides = array<i32>} : memref<128x128xf32, #tpu.memory_space<vmem>>, vector<1x16xf32>,
        %get3A_1183 = vector.shape_cast %get3A_1182 : vector<1x16xf32> to vector<16xf32>
        %add3A_1184 = arith.addf %add3A_1012, %get3A_1183 : vector<16xf32>
        %get3A_1185 = arith.index_cast %add3A_1164 : i32 to index
        %get3A_1186 = arith.constant 64 : index
        %get3A_1187 = tpu.vector_load %arg7[%get3A_1185, %get3A_1186] {strides = array<i32>} : memref<128x128xf32, #tpu.memory_space<vmem>>, vector<1x16xf32>,
        %get3A_1188 = vector.shape_cast %get3A_1187 : vector<1x16xf32> to vector<16xf32>
        %add3A_1189 = arith.addf %add3A_1017, %get3A_1188 : vector<16xf32>
        %get3A_1190 = arith.index_cast %add3A_1164 : i32 to index
        %get3A_1191 = arith.constant 80 : index
        %get3A_1192 = tpu.vector_load %arg7[%get3A_1190, %get3A_1191] {strides = array<i32>} : memref<128x128xf32, #tpu.memory_space<vmem>>, vector<1x16xf32>,
        %get3A_1193 = vector.shape_cast %get3A_1192 : vector<1x16xf32> to vector<16xf32>
        %add3A_1194 = arith.addf %add3A_1022, %get3A_1193 : vector<16xf32>
        %get3A_1195 = arith.index_cast %add3A_1164 : i32 to index
        %get3A_1196 = arith.constant 96 : index
        %get3A_1197 = tpu.vector_load %arg7[%get3A_1195, %get3A_1196] {strides = array<i32>} : memref<128x128xf32, #tpu.memory_space<vmem>>, vector<1x16xf32>,
        %get3A_1198 = vector.shape_cast %get3A_1197 : vector<1x16xf32> to vector<16xf32>
        %add3A_1199 = arith.addf %add3A_1027, %get3A_1198 : vector<16xf32>
        %get3A_1200 = arith.index_cast %add3A_1164 : i32 to index
        %get3A_1201 = arith.constant 112 : index
        %get3A_1202 = tpu.vector_load %arg7[%get3A_1200, %get3A_1201] {strides = array<i32>} : memref<128x128xf32, #tpu.memory_space<vmem>>, vector<1x16xf32>,
        %get3A_1203 = vector.shape_cast %get3A_1202 : vector<1x16xf32> to vector<16xf32>
        %add3A_1204 = arith.addf %add3A_1032, %get3A_1203 : vector<16xf32>
        scf.yield %add3A_1043, %add3A_1048, %add3A_1053, %add3A_1058, %add3A_1063, %add3A_1068, %add3A_1073, %add3A_1078, %add3A_1085, %add3A_1090, %add3A_1095, %add3A_1100, %add3A_1105, %add3A_1110, %add3A_1115, %add3A_1120, %add3A_1127, %add3A_1132, %add3A_1137, %add3A_1142, %add3A_1147, %add3A_1152, %add3A_1157, %add3A_1162, %add3A_1169, %add3A_1174, %add3A_1179, %add3A_1184, %add3A_1189, %add3A_1194, %add3A_1199, %add3A_1204 : vector<16xf32>, vector<16xf32>, vector<16xf32>, vector<16xf32>, vector<16xf32>, vector<16xf32>, vector<16xf32>, vector<16xf32>, vector<16xf32>, vector<16xf32>, vector<16xf32>, vector<16xf32>, vector<16xf32>, vector<16xf32>, vector<16xf32>, vector<16xf32>, vector<16xf32>, vector<16xf32>, vector<16xf32>, vector<16xf32>, vector<16xf32>, vector<16xf32>, vector<16xf32>, vector<16xf32>, vector<16xf32>, vector<16xf32>, vector<16xf32>, vector<16xf32>, vector<16xf32>, vector<16xf32>, vector<16xf32>, vector<16xf32>
      }
      %scan3A_526 = arith.constant 16 : i32
      %mul3A_527 = arith.constant 3.125000e-02 : f32
      %mul3A_528 = vector.broadcast %mul3A_527 : f32 to vector<16xf32>
      %mul3A_529 = arith.mulf %scan3A_525#0, %mul3A_528 : vector<16xf32>
      %swap3A_530 = arith.constant 0 : i32
      %swap3A_531 = arith.index_cast %swap3A_530 : i32 to index
      %swap3A_532 = arith.constant 0 : index
      %swap3A_533 = tpu.vector_load %arg9[%swap3A_531, %swap3A_532] {strides = array<i32>} : memref<4x128xf32, #tpu.memory_space<vmem>>, vector<1x16xf32>,
      %swap3A_534 = vector.shape_cast %swap3A_533 : vector<1x16xf32> to vector<16xf32>
      %swap3A_535 = vector.shape_cast %mul3A_529 : vector<16xf32> to vector<1x16xf32>
      tpu.vector_store %arg9[%swap3A_531, %swap3A_532], %swap3A_535 {strides = array<i32>} : memref<4x128xf32, #tpu.memory_space<vmem>>, vector<1x16xf32>,
      %mul3A_536 = arith.constant 3.125000e-02 : f32
      %mul3A_537 = vector.broadcast %mul3A_536 : f32 to vector<16xf32>
      %mul3A_538 = arith.mulf %scan3A_525#1, %mul3A_537 : vector<16xf32>
      %swap3A_539 = arith.constant 0 : i32
      %swap3A_540 = arith.index_cast %swap3A_539 : i32 to index
      %swap3A_541 = arith.constant 16 : index
      %swap3A_542 = tpu.vector_load %arg9[%swap3A_540, %swap3A_541] {strides = array<i32>} : memref<4x128xf32, #tpu.memory_space<vmem>>, vector<1x16xf32>,
      %swap3A_543 = vector.shape_cast %swap3A_542 : vector<1x16xf32> to vector<16xf32>
      %swap3A_544 = vector.shape_cast %mul3A_538 : vector<16xf32> to vector<1x16xf32>
      tpu.vector_store %arg9[%swap3A_540, %swap3A_541], %swap3A_544 {strides = array<i32>} : memref<4x128xf32, #tpu.memory_space<vmem>>, vector<1x16xf32>,
      %mul3A_545 = arith.constant 3.125000e-02 : f32
      %mul3A_546 = vector.broadcast %mul3A_545 : f32 to vector<16xf32>
      %mul3A_547 = arith.mulf %scan3A_525#2, %mul3A_546 : vector<16xf32>
      %swap3A_548 = arith.constant 0 : i32
      %swap3A_549 = arith.index_cast %swap3A_548 : i32 to index
      %swap3A_550 = arith.constant 32 : index
      %swap3A_551 = tpu.vector_load %arg9[%swap3A_549, %swap3A_550] {strides = array<i32>} : memref<4x128xf32, #tpu.memory_space<vmem>>, vector<1x16xf32>,
      %swap3A_552 = vector.shape_cast %swap3A_551 : vector<1x16xf32> to vector<16xf32>
      %swap3A_553 = vector.shape_cast %mul3A_547 : vector<16xf32> to vector<1x16xf32>
      tpu.vector_store %arg9[%swap3A_549, %swap3A_550], %swap3A_553 {strides = array<i32>} : memref<4x128xf32, #tpu.memory_space<vmem>>, vector<1x16xf32>,
      %mul3A_554 = arith.constant 3.125000e-02 : f32
      %mul3A_555 = vector.broadcast %mul3A_554 : f32 to vector<16xf32>
      %mul3A_556 = arith.mulf %scan3A_525#3, %mul3A_555 : vector<16xf32>
      %swap3A_557 = arith.constant 0 : i32
      %swap3A_558 = arith.index_cast %swap3A_557 : i32 to index
      %swap3A_559 = arith.constant 48 : index
      %swap3A_560 = tpu.vector_load %arg9[%swap3A_558, %swap3A_559] {strides = array<i32>} : memref<4x128xf32, #tpu.memory_space<vmem>>, vector<1x16xf32>,
      %swap3A_561 = vector.shape_cast %swap3A_560 : vector<1x16xf32> to vector<16xf32>
      %swap3A_562 = vector.shape_cast %mul3A_556 : vector<16xf32> to vector<1x16xf32>
      tpu.vector_store %arg9[%swap3A_558, %swap3A_559], %swap3A_562 {strides = array<i32>} : memref<4x128xf32, #tpu.memory_space<vmem>>, vector<1x16xf32>,
      %mul3A_563 = arith.constant 3.125000e-02 : f32
      %mul3A_564 = vector.broadcast %mul3A_563 : f32 to vector<16xf32>
      %mul3A_565 = arith.mulf %scan3A_525#4, %mul3A_564 : vector<16xf32>
      %swap3A_566 = arith.constant 0 : i32
      %swap3A_567 = arith.index_cast %swap3A_566 : i32 to index
      %swap3A_568 = arith.constant 64 : index
      %swap3A_569 = tpu.vector_load %arg9[%swap3A_567, %swap3A_568] {strides = array<i32>} : memref<4x128xf32, #tpu.memory_space<vmem>>, vector<1x16xf32>,
      %swap3A_570 = vector.shape_cast %swap3A_569 : vector<1x16xf32> to vector<16xf32>
      %swap3A_571 = vector.shape_cast %mul3A_565 : vector<16xf32> to vector<1x16xf32>
      tpu.vector_store %arg9[%swap3A_567, %swap3A_568], %swap3A_571 {strides = array<i32>} : memref<4x128xf32, #tpu.memory_space<vmem>>, vector<1x16xf32>,
      %mul3A_572 = arith.constant 3.125000e-02 : f32
      %mul3A_573 = vector.broadcast %mul3A_572 : f32 to vector<16xf32>
      %mul3A_574 = arith.mulf %scan3A_525#5, %mul3A_573 : vector<16xf32>
      %swap3A_575 = arith.constant 0 : i32
      %swap3A_576 = arith.index_cast %swap3A_575 : i32 to index
      %swap3A_577 = arith.constant 80 : index
      %swap3A_578 = tpu.vector_load %arg9[%swap3A_576, %swap3A_577] {strides = array<i32>} : memref<4x128xf32, #tpu.memory_space<vmem>>, vector<1x16xf32>,
      %swap3A_579 = vector.shape_cast %swap3A_578 : vector<1x16xf32> to vector<16xf32>
      %swap3A_580 = vector.shape_cast %mul3A_574 : vector<16xf32> to vector<1x16xf32>
      tpu.vector_store %arg9[%swap3A_576, %swap3A_577], %swap3A_580 {strides = array<i32>} : memref<4x128xf32, #tpu.memory_space<vmem>>, vector<1x16xf32>,
      %mul3A_581 = arith.constant 3.125000e-02 : f32
      %mul3A_582 = vector.broadcast %mul3A_581 : f32 to vector<16xf32>
      %mul3A_583 = arith.mulf %scan3A_525#6, %mul3A_582 : vector<16xf32>
      %swap3A_584 = arith.constant 0 : i32
      %swap3A_585 = arith.index_cast %swap3A_584 : i32 to index
      %swap3A_586 = arith.constant 96 : index
      %swap3A_587 = tpu.vector_load %arg9[%swap3A_585, %swap3A_586] {strides = array<i32>} : memref<4x128xf32, #tpu.memory_space<vmem>>, vector<1x16xf32>,
      %swap3A_588 = vector.shape_cast %swap3A_587 : vector<1x16xf32> to vector<16xf32>
      %swap3A_589 = vector.shape_cast %mul3A_583 : vector<16xf32> to vector<1x16xf32>
      tpu.vector_store %arg9[%swap3A_585, %swap3A_586], %swap3A_589 {strides = array<i32>} : memref<4x128xf32, #tpu.memory_space<vmem>>, vector<1x16xf32>,
      %mul3A_590 = arith.constant 3.125000e-02 : f32
      %mul3A_591 = vector.broadcast %mul3A_590 : f32 to vector<16xf32>
      %mul3A_592 = arith.mulf %scan3A_525#7, %mul3A_591 : vector<16xf32>
      %swap3A_593 = arith.constant 0 : i32
      %swap3A_594 = arith.index_cast %swap3A_593 : i32 to index
      %swap3A_595 = arith.constant 112 : index
      %swap3A_596 = tpu.vector_load %arg9[%swap3A_594, %swap3A_595] {strides = array<i32>} : memref<4x128xf32, #tpu.memory_space<vmem>>, vector<1x16xf32>,
      %swap3A_597 = vector.shape_cast %swap3A_596 : vector<1x16xf32> to vector<16xf32>
      %swap3A_598 = vector.shape_cast %mul3A_592 : vector<16xf32> to vector<1x16xf32>
      tpu.vector_store %arg9[%swap3A_594, %swap3A_595], %swap3A_598 {strides = array<i32>} : memref<4x128xf32, #tpu.memory_space<vmem>>, vector<1x16xf32>,
      %mul3A_599 = arith.constant 3.125000e-02 : f32
      %mul3A_600 = vector.broadcast %mul3A_599 : f32 to vector<16xf32>
      %mul3A_601 = arith.mulf %scan3A_525#8, %mul3A_600 : vector<16xf32>
      %swap3A_602 = arith.constant 1 : i32
      %swap3A_603 = arith.index_cast %swap3A_602 : i32 to index
      %swap3A_604 = arith.constant 0 : index
      %swap3A_605 = tpu.vector_load %arg9[%swap3A_603, %swap3A_604] {strides = array<i32>} : memref<4x128xf32, #tpu.memory_space<vmem>>, vector<1x16xf32>,
      %swap3A_606 = vector.shape_cast %swap3A_605 : vector<1x16xf32> to vector<16xf32>
      %swap3A_607 = vector.shape_cast %mul3A_601 : vector<16xf32> to vector<1x16xf32>
      tpu.vector_store %arg9[%swap3A_603, %swap3A_604], %swap3A_607 {strides = array<i32>} : memref<4x128xf32, #tpu.memory_space<vmem>>, vector<1x16xf32>,
      %mul3A_608 = arith.constant 3.125000e-02 : f32
      %mul3A_609 = vector.broadcast %mul3A_608 : f32 to vector<16xf32>
      %mul3A_610 = arith.mulf %scan3A_525#9, %mul3A_609 : vector<16xf32>
      %swap3A_611 = arith.constant 1 : i32
      %swap3A_612 = arith.index_cast %swap3A_611 : i32 to index
      %swap3A_613 = arith.constant 16 : index
      %swap3A_614 = tpu.vector_load %arg9[%swap3A_612, %swap3A_613] {strides = array<i32>} : memref<4x128xf32, #tpu.memory_space<vmem>>, vector<1x16xf32>,
      %swap3A_615 = vector.shape_cast %swap3A_614 : vector<1x16xf32> to vector<16xf32>
      %swap3A_616 = vector.shape_cast %mul3A_610 : vector<16xf32> to vector<1x16xf32>
      tpu.vector_store %arg9[%swap3A_612, %swap3A_613], %swap3A_616 {strides = array<i32>} : memref<4x128xf32, #tpu.memory_space<vmem>>, vector<1x16xf32>,
      %mul3A_617 = arith.constant 3.125000e-02 : f32
      %mul3A_618 = vector.broadcast %mul3A_617 : f32 to vector<16xf32>
      %mul3A_619 = arith.mulf %scan3A_525#10, %mul3A_618 : vector<16xf32>
      %swap3A_620 = arith.constant 1 : i32
      %swap3A_621 = arith.index_cast %swap3A_620 : i32 to index
      %swap3A_622 = arith.constant 32 : index
      %swap3A_623 = tpu.vector_load %arg9[%swap3A_621, %swap3A_622] {strides = array<i32>} : memref<4x128xf32, #tpu.memory_space<vmem>>, vector<1x16xf32>,
      %swap3A_624 = vector.shape_cast %swap3A_623 : vector<1x16xf32> to vector<16xf32>
      %swap3A_625 = vector.shape_cast %mul3A_619 : vector<16xf32> to vector<1x16xf32>
      tpu.vector_store %arg9[%swap3A_621, %swap3A_622], %swap3A_625 {strides = array<i32>} : memref<4x128xf32, #tpu.memory_space<vmem>>, vector<1x16xf32>,
      %mul3A_626 = arith.constant 3.125000e-02 : f32
      %mul3A_627 = vector.broadcast %mul3A_626 : f32 to vector<16xf32>
      %mul3A_628 = arith.mulf %scan3A_525#11, %mul3A_627 : vector<16xf32>
      %swap3A_629 = arith.constant 1 : i32
      %swap3A_630 = arith.index_cast %swap3A_629 : i32 to index
      %swap3A_631 = arith.constant 48 : index
      %swap3A_632 = tpu.vector_load %arg9[%swap3A_630, %swap3A_631] {strides = array<i32>} : memref<4x128xf32, #tpu.memory_space<vmem>>, vector<1x16xf32>,
      %swap3A_633 = vector.shape_cast %swap3A_632 : vector<1x16xf32> to vector<16xf32>
      %swap3A_634 = vector.shape_cast %mul3A_628 : vector<16xf32> to vector<1x16xf32>
      tpu.vector_store %arg9[%swap3A_630, %swap3A_631], %swap3A_634 {strides = array<i32>} : memref<4x128xf32, #tpu.memory_space<vmem>>, vector<1x16xf32>,
      %mul3A_635 = arith.constant 3.125000e-02 : f32
      %mul3A_636 = vector.broadcast %mul3A_635 : f32 to vector<16xf32>
      %mul3A_637 = arith.mulf %scan3A_525#12, %mul3A_636 : vector<16xf32>
      %swap3A_638 = arith.constant 1 : i32
      %swap3A_639 = arith.index_cast %swap3A_638 : i32 to index
      %swap3A_640 = arith.constant 64 : index
      %swap3A_641 = tpu.vector_load %arg9[%swap3A_639, %swap3A_640] {strides = array<i32>} : memref<4x128xf32, #tpu.memory_space<vmem>>, vector<1x16xf32>,
      %swap3A_642 = vector.shape_cast %swap3A_641 : vector<1x16xf32> to vector<16xf32>
      %swap3A_643 = vector.shape_cast %mul3A_637 : vector<16xf32> to vector<1x16xf32>
      tpu.vector_store %arg9[%swap3A_639, %swap3A_640], %swap3A_643 {strides = array<i32>} : memref<4x128xf32, #tpu.memory_space<vmem>>, vector<1x16xf32>,
      %mul3A_644 = arith.constant 3.125000e-02 : f32
      %mul3A_645 = vector.broadcast %mul3A_644 : f32 to vector<16xf32>
      %mul3A_646 = arith.mulf %scan3A_525#13, %mul3A_645 : vector<16xf32>
      %swap3A_647 = arith.constant 1 : i32
      %swap3A_648 = arith.index_cast %swap3A_647 : i32 to index
      %swap3A_649 = arith.constant 80 : index
      %swap3A_650 = tpu.vector_load %arg9[%swap3A_648, %swap3A_649] {strides = array<i32>} : memref<4x128xf32, #tpu.memory_space<vmem>>, vector<1x16xf32>,
      %swap3A_651 = vector.shape_cast %swap3A_650 : vector<1x16xf32> to vector<16xf32>
      %swap3A_652 = vector.shape_cast %mul3A_646 : vector<16xf32> to vector<1x16xf32>
      tpu.vector_store %arg9[%swap3A_648, %swap3A_649], %swap3A_652 {strides = array<i32>} : memref<4x128xf32, #tpu.memory_space<vmem>>, vector<1x16xf32>,
      %mul3A_653 = arith.constant 3.125000e-02 : f32
      %mul3A_654 = vector.broadcast %mul3A_653 : f32 to vector<16xf32>
      %mul3A_655 = arith.mulf %scan3A_525#14, %mul3A_654 : vector<16xf32>
      %swap3A_656 = arith.constant 1 : i32
      %swap3A_657 = arith.index_cast %swap3A_656 : i32 to index
      %swap3A_658 = arith.constant 96 : index
      %swap3A_659 = tpu.vector_load %arg9[%swap3A_657, %swap3A_658] {strides = array<i32>} : memref<4x128xf32, #tpu.memory_space<vmem>>, vector<1x16xf32>,
      %swap3A_660 = vector.shape_cast %swap3A_659 : vector<1x16xf32> to vector<16xf32>
      %swap3A_661 = vector.shape_cast %mul3A_655 : vector<16xf32> to vector<1x16xf32>
      tpu.vector_store %arg9[%swap3A_657, %swap3A_658], %swap3A_661 {strides = array<i32>} : memref<4x128xf32, #tpu.memory_space<vmem>>, vector<1x16xf32>,
      %mul3A_662 = arith.constant 3.125000e-02 : f32
      %mul3A_663 = vector.broadcast %mul3A_662 : f32 to vector<16xf32>
      %mul3A_664 = arith.mulf %scan3A_525#15, %mul3A_663 : vector<16xf32>
      %swap3A_665 = arith.constant 1 : i32
      %swap3A_666 = arith.index_cast %swap3A_665 : i32 to index
      %swap3A_667 = arith.constant 112 : index
      %swap3A_668 = tpu.vector_load %arg9[%swap3A_666, %swap3A_667] {strides = array<i32>} : memref<4x128xf32, #tpu.memory_space<vmem>>, vector<1x16xf32>,
      %swap3A_669 = vector.shape_cast %swap3A_668 : vector<1x16xf32> to vector<16xf32>
      %swap3A_670 = vector.shape_cast %mul3A_664 : vector<16xf32> to vector<1x16xf32>
      tpu.vector_store %arg9[%swap3A_666, %swap3A_667], %swap3A_670 {strides = array<i32>} : memref<4x128xf32, #tpu.memory_space<vmem>>, vector<1x16xf32>,
      %mul3A_671 = arith.constant 3.125000e-02 : f32
      %mul3A_672 = vector.broadcast %mul3A_671 : f32 to vector<16xf32>
      %mul3A_673 = arith.mulf %scan3A_525#16, %mul3A_672 : vector<16xf32>
      %swap3A_674 = arith.constant 2 : i32
      %swap3A_675 = arith.index_cast %swap3A_674 : i32 to index
      %swap3A_676 = arith.constant 0 : index
      %swap3A_677 = tpu.vector_load %arg9[%swap3A_675, %swap3A_676] {strides = array<i32>} : memref<4x128xf32, #tpu.memory_space<vmem>>, vector<1x16xf32>,
      %swap3A_678 = vector.shape_cast %swap3A_677 : vector<1x16xf32> to vector<16xf32>
      %swap3A_679 = vector.shape_cast %mul3A_673 : vector<16xf32> to vector<1x16xf32>
      tpu.vector_store %arg9[%swap3A_675, %swap3A_676], %swap3A_679 {strides = array<i32>} : memref<4x128xf32, #tpu.memory_space<vmem>>, vector<1x16xf32>,
      %mul3A_680 = arith.constant 3.125000e-02 : f32
      %mul3A_681 = vector.broadcast %mul3A_680 : f32 to vector<16xf32>
      %mul3A_682 = arith.mulf %scan3A_525#17, %mul3A_681 : vector<16xf32>
      %swap3A_683 = arith.constant 2 : i32
      %swap3A_684 = arith.index_cast %swap3A_683 : i32 to index
      %swap3A_685 = arith.constant 16 : index
      %swap3A_686 = tpu.vector_load %arg9[%swap3A_684, %swap3A_685] {strides = array<i32>} : memref<4x128xf32, #tpu.memory_space<vmem>>, vector<1x16xf32>,
      %swap3A_687 = vector.shape_cast %swap3A_686 : vector<1x16xf32> to vector<16xf32>
      %swap3A_688 = vector.shape_cast %mul3A_682 : vector<16xf32> to vector<1x16xf32>
      tpu.vector_store %arg9[%swap3A_684, %swap3A_685], %swap3A_688 {strides = array<i32>} : memref<4x128xf32, #tpu.memory_space<vmem>>, vector<1x16xf32>,
      %mul3A_689 = arith.constant 3.125000e-02 : f32
      %mul3A_690 = vector.broadcast %mul3A_689 : f32 to vector<16xf32>
      %mul3A_691 = arith.mulf %scan3A_525#18, %mul3A_690 : vector<16xf32>
      %swap3A_692 = arith.constant 2 : i32
      %swap3A_693 = arith.index_cast %swap3A_692 : i32 to index
      %swap3A_694 = arith.constant 32 : index
      %swap3A_695 = tpu.vector_load %arg9[%swap3A_693, %swap3A_694] {strides = array<i32>} : memref<4x128xf32, #tpu.memory_space<vmem>>, vector<1x16xf32>,
      %swap3A_696 = vector.shape_cast %swap3A_695 : vector<1x16xf32> to vector<16xf32>
      %swap3A_697 = vector.shape_cast %mul3A_691 : vector<16xf32> to vector<1x16xf32>
      tpu.vector_store %arg9[%swap3A_693, %swap3A_694], %swap3A_697 {strides = array<i32>} : memref<4x128xf32, #tpu.memory_space<vmem>>, vector<1x16xf32>,
      %mul3A_698 = arith.constant 3.125000e-02 : f32
      %mul3A_699 = vector.broadcast %mul3A_698 : f32 to vector<16xf32>
      %mul3A_700 = arith.mulf %scan3A_525#19, %mul3A_699 : vector<16xf32>
      %swap3A_701 = arith.constant 2 : i32
      %swap3A_702 = arith.index_cast %swap3A_701 : i32 to index
      %swap3A_703 = arith.constant 48 : index
      %swap3A_704 = tpu.vector_load %arg9[%swap3A_702, %swap3A_703] {strides = array<i32>} : memref<4x128xf32, #tpu.memory_space<vmem>>, vector<1x16xf32>,
      %swap3A_705 = vector.shape_cast %swap3A_704 : vector<1x16xf32> to vector<16xf32>
      %swap3A_706 = vector.shape_cast %mul3A_700 : vector<16xf32> to vector<1x16xf32>
      tpu.vector_store %arg9[%swap3A_702, %swap3A_703], %swap3A_706 {strides = array<i32>} : memref<4x128xf32, #tpu.memory_space<vmem>>, vector<1x16xf32>,
      %mul3A_707 = arith.constant 3.125000e-02 : f32
      %mul3A_708 = vector.broadcast %mul3A_707 : f32 to vector<16xf32>
      %mul3A_709 = arith.mulf %scan3A_525#20, %mul3A_708 : vector<16xf32>
      %swap3A_710 = arith.constant 2 : i32
      %swap3A_711 = arith.index_cast %swap3A_710 : i32 to index
      %swap3A_712 = arith.constant 64 : index
      %swap3A_713 = tpu.vector_load %arg9[%swap3A_711, %swap3A_712] {strides = array<i32>} : memref<4x128xf32, #tpu.memory_space<vmem>>, vector<1x16xf32>,
      %swap3A_714 = vector.shape_cast %swap3A_713 : vector<1x16xf32> to vector<16xf32>
      %swap3A_715 = vector.shape_cast %mul3A_709 : vector<16xf32> to vector<1x16xf32>
      tpu.vector_store %arg9[%swap3A_711, %swap3A_712], %swap3A_715 {strides = array<i32>} : memref<4x128xf32, #tpu.memory_space<vmem>>, vector<1x16xf32>,
      %mul3A_716 = arith.constant 3.125000e-02 : f32
      %mul3A_717 = vector.broadcast %mul3A_716 : f32 to vector<16xf32>
      %mul3A_718 = arith.mulf %scan3A_525#21, %mul3A_717 : vector<16xf32>
      %swap3A_719 = arith.constant 2 : i32
      %swap3A_720 = arith.index_cast %swap3A_719 : i32 to index
      %swap3A_721 = arith.constant 80 : index
      %swap3A_722 = tpu.vector_load %arg9[%swap3A_720, %swap3A_721] {strides = array<i32>} : memref<4x128xf32, #tpu.memory_space<vmem>>, vector<1x16xf32>,
      %swap3A_723 = vector.shape_cast %swap3A_722 : vector<1x16xf32> to vector<16xf32>
      %swap3A_724 = vector.shape_cast %mul3A_718 : vector<16xf32> to vector<1x16xf32>
      tpu.vector_store %arg9[%swap3A_720, %swap3A_721], %swap3A_724 {strides = array<i32>} : memref<4x128xf32, #tpu.memory_space<vmem>>, vector<1x16xf32>,
      %mul3A_725 = arith.constant 3.125000e-02 : f32
      %mul3A_726 = vector.broadcast %mul3A_725 : f32 to vector<16xf32>
      %mul3A_727 = arith.mulf %scan3A_525#22, %mul3A_726 : vector<16xf32>
      %swap3A_728 = arith.constant 2 : i32
      %swap3A_729 = arith.index_cast %swap3A_728 : i32 to index
      %swap3A_730 = arith.constant 96 : index
      %swap3A_731 = tpu.vector_load %arg9[%swap3A_729, %swap3A_730] {strides = array<i32>} : memref<4x128xf32, #tpu.memory_space<vmem>>, vector<1x16xf32>,
      %swap3A_732 = vector.shape_cast %swap3A_731 : vector<1x16xf32> to vector<16xf32>
      %swap3A_733 = vector.shape_cast %mul3A_727 : vector<16xf32> to vector<1x16xf32>
      tpu.vector_store %arg9[%swap3A_729, %swap3A_730], %swap3A_733 {strides = array<i32>} : memref<4x128xf32, #tpu.memory_space<vmem>>, vector<1x16xf32>,
      %mul3A_734 = arith.constant 3.125000e-02 : f32
      %mul3A_735 = vector.broadcast %mul3A_734 : f32 to vector<16xf32>
      %mul3A_736 = arith.mulf %scan3A_525#23, %mul3A_735 : vector<16xf32>
      %swap3A_737 = arith.constant 2 : i32
      %swap3A_738 = arith.index_cast %swap3A_737 : i32 to index
      %swap3A_739 = arith.constant 112 : index
      %swap3A_740 = tpu.vector_load %arg9[%swap3A_738, %swap3A_739] {strides = array<i32>} : memref<4x128xf32, #tpu.memory_space<vmem>>, vector<1x16xf32>,
      %swap3A_741 = vector.shape_cast %swap3A_740 : vector<1x16xf32> to vector<16xf32>
      %swap3A_742 = vector.shape_cast %mul3A_736 : vector<16xf32> to vector<1x16xf32>
      tpu.vector_store %arg9[%swap3A_738, %swap3A_739], %swap3A_742 {strides = array<i32>} : memref<4x128xf32, #tpu.memory_space<vmem>>, vector<1x16xf32>,
      %mul3A_743 = arith.constant 3.125000e-02 : f32
      %mul3A_744 = vector.broadcast %mul3A_743 : f32 to vector<16xf32>
      %mul3A_745 = arith.mulf %scan3A_525#24, %mul3A_744 : vector<16xf32>
      %swap3A_746 = arith.constant 3 : i32
      %swap3A_747 = arith.index_cast %swap3A_746 : i32 to index
      %swap3A_748 = arith.constant 0 : index
      %swap3A_749 = tpu.vector_load %arg9[%swap3A_747, %swap3A_748] {strides = array<i32>} : memref<4x128xf32, #tpu.memory_space<vmem>>, vector<1x16xf32>,
      %swap3A_750 = vector.shape_cast %swap3A_749 : vector<1x16xf32> to vector<16xf32>
      %swap3A_751 = vector.shape_cast %mul3A_745 : vector<16xf32> to vector<1x16xf32>
      tpu.vector_store %arg9[%swap3A_747, %swap3A_748], %swap3A_751 {strides = array<i32>} : memref<4x128xf32, #tpu.memory_space<vmem>>, vector<1x16xf32>,
      %mul3A_752 = arith.constant 3.125000e-02 : f32
      %mul3A_753 = vector.broadcast %mul3A_752 : f32 to vector<16xf32>
      %mul3A_754 = arith.mulf %scan3A_525#25, %mul3A_753 : vector<16xf32>
      %swap3A_755 = arith.constant 3 : i32
      %swap3A_756 = arith.index_cast %swap3A_755 : i32 to index
      %swap3A_757 = arith.constant 16 : index
      %swap3A_758 = tpu.vector_load %arg9[%swap3A_756, %swap3A_757] {strides = array<i32>} : memref<4x128xf32, #tpu.memory_space<vmem>>, vector<1x16xf32>,
      %swap3A_759 = vector.shape_cast %swap3A_758 : vector<1x16xf32> to vector<16xf32>
      %swap3A_760 = vector.shape_cast %mul3A_754 : vector<16xf32> to vector<1x16xf32>
      tpu.vector_store %arg9[%swap3A_756, %swap3A_757], %swap3A_760 {strides = array<i32>} : memref<4x128xf32, #tpu.memory_space<vmem>>, vector<1x16xf32>,
      %mul3A_761 = arith.constant 3.125000e-02 : f32
      %mul3A_762 = vector.broadcast %mul3A_761 : f32 to vector<16xf32>
      %mul3A_763 = arith.mulf %scan3A_525#26, %mul3A_762 : vector<16xf32>
      %swap3A_764 = arith.constant 3 : i32
      %swap3A_765 = arith.index_cast %swap3A_764 : i32 to index
      %swap3A_766 = arith.constant 32 : index
      %swap3A_767 = tpu.vector_load %arg9[%swap3A_765, %swap3A_766] {strides = array<i32>} : memref<4x128xf32, #tpu.memory_space<vmem>>, vector<1x16xf32>,
      %swap3A_768 = vector.shape_cast %swap3A_767 : vector<1x16xf32> to vector<16xf32>
      %swap3A_769 = vector.shape_cast %mul3A_763 : vector<16xf32> to vector<1x16xf32>
      tpu.vector_store %arg9[%swap3A_765, %swap3A_766], %swap3A_769 {strides = array<i32>} : memref<4x128xf32, #tpu.memory_space<vmem>>, vector<1x16xf32>,
      %mul3A_770 = arith.constant 3.125000e-02 : f32
      %mul3A_771 = vector.broadcast %mul3A_770 : f32 to vector<16xf32>
      %mul3A_772 = arith.mulf %scan3A_525#27, %mul3A_771 : vector<16xf32>
      %swap3A_773 = arith.constant 3 : i32
      %swap3A_774 = arith.index_cast %swap3A_773 : i32 to index
      %swap3A_775 = arith.constant 48 : index
      %swap3A_776 = tpu.vector_load %arg9[%swap3A_774, %swap3A_775] {strides = array<i32>} : memref<4x128xf32, #tpu.memory_space<vmem>>, vector<1x16xf32>,
      %swap3A_777 = vector.shape_cast %swap3A_776 : vector<1x16xf32> to vector<16xf32>
      %swap3A_778 = vector.shape_cast %mul3A_772 : vector<16xf32> to vector<1x16xf32>
      tpu.vector_store %arg9[%swap3A_774, %swap3A_775], %swap3A_778 {strides = array<i32>} : memref<4x128xf32, #tpu.memory_space<vmem>>, vector<1x16xf32>,
      %mul3A_779 = arith.constant 3.125000e-02 : f32
      %mul3A_780 = vector.broadcast %mul3A_779 : f32 to vector<16xf32>
      %mul3A_781 = arith.mulf %scan3A_525#28, %mul3A_780 : vector<16xf32>
      %swap3A_782 = arith.constant 3 : i32
      %swap3A_783 = arith.index_cast %swap3A_782 : i32 to index
      %swap3A_784 = arith.constant 64 : index
      %swap3A_785 = tpu.vector_load %arg9[%swap3A_783, %swap3A_784] {strides = array<i32>} : memref<4x128xf32, #tpu.memory_space<vmem>>, vector<1x16xf32>,
      %swap3A_786 = vector.shape_cast %swap3A_785 : vector<1x16xf32> to vector<16xf32>
      %swap3A_787 = vector.shape_cast %mul3A_781 : vector<16xf32> to vector<1x16xf32>
      tpu.vector_store %arg9[%swap3A_783, %swap3A_784], %swap3A_787 {strides = array<i32>} : memref<4x128xf32, #tpu.memory_space<vmem>>, vector<1x16xf32>,
      %mul3A_788 = arith.constant 3.125000e-02 : f32
      %mul3A_789 = vector.broadcast %mul3A_788 : f32 to vector<16xf32>
      %mul3A_790 = arith.mulf %scan3A_525#29, %mul3A_789 : vector<16xf32>
      %swap3A_791 = arith.constant 3 : i32
      %swap3A_792 = arith.index_cast %swap3A_791 : i32 to index
      %swap3A_793 = arith.constant 80 : index
      %swap3A_794 = tpu.vector_load %arg9[%swap3A_792, %swap3A_793] {strides = array<i32>} : memref<4x128xf32, #tpu.memory_space<vmem>>, vector<1x16xf32>,
      %swap3A_795 = vector.shape_cast %swap3A_794 : vector<1x16xf32> to vector<16xf32>
      %swap3A_796 = vector.shape_cast %mul3A_790 : vector<16xf32> to vector<1x16xf32>
      tpu.vector_store %arg9[%swap3A_792, %swap3A_793], %swap3A_796 {strides = array<i32>} : memref<4x128xf32, #tpu.memory_space<vmem>>, vector<1x16xf32>,
      %mul3A_797 = arith.constant 3.125000e-02 : f32
      %mul3A_798 = vector.broadcast %mul3A_797 : f32 to vector<16xf32>
      %mul3A_799 = arith.mulf %scan3A_525#30, %mul3A_798 : vector<16xf32>
      %swap3A_800 = arith.constant 3 : i32
      %swap3A_801 = arith.index_cast %swap3A_800 : i32 to index
      %swap3A_802 = arith.constant 96 : index
      %swap3A_803 = tpu.vector_load %arg9[%swap3A_801, %swap3A_802] {strides = array<i32>} : memref<4x128xf32, #tpu.memory_space<vmem>>, vector<1x16xf32>,
      %swap3A_804 = vector.shape_cast %swap3A_803 : vector<1x16xf32> to vector<16xf32>
      %swap3A_805 = vector.shape_cast %mul3A_799 : vector<16xf32> to vector<1x16xf32>
      tpu.vector_store %arg9[%swap3A_801, %swap3A_802], %swap3A_805 {strides = array<i32>} : memref<4x128xf32, #tpu.memory_space<vmem>>, vector<1x16xf32>,
      %mul3A_806 = arith.constant 3.125000e-02 : f32
      %mul3A_807 = vector.broadcast %mul3A_806 : f32 to vector<16xf32>
      %mul3A_808 = arith.mulf %scan3A_525#31, %mul3A_807 : vector<16xf32>
      %swap3A_809 = arith.constant 3 : i32
      %swap3A_810 = arith.index_cast %swap3A_809 : i32 to index
      %swap3A_811 = arith.constant 112 : index
      %swap3A_812 = tpu.vector_load %arg9[%swap3A_810, %swap3A_811] {strides = array<i32>} : memref<4x128xf32, #tpu.memory_space<vmem>>, vector<1x16xf32>,
      %swap3A_813 = vector.shape_cast %swap3A_812 : vector<1x16xf32> to vector<16xf32>
      %swap3A_814 = vector.shape_cast %mul3A_808 : vector<16xf32> to vector<1x16xf32>
      tpu.vector_store %arg9[%swap3A_810, %swap3A_811], %swap3A_814 {strides = array<i32>} : memref<4x128xf32, #tpu.memory_space<vmem>>, vector<1x16xf32>,
      %mul3A_815 = arith.constant 4 : i32
      %mul3A_816 = arith.muli %add3A_446, %mul3A_815 : i32
      %add3A_817 = arith.addi %add3A, %mul3A_816 : i32
      %dma_start3A_818 = arith.constant 0 : i32
      %dma_start3A_819 = tpu.memref_slice %arg4[%add3A_817, %dma_start3A_818] : memref<10112x128xf32, #tpu.memory_space<hbm>> -> memref<4x128xf32, #tpu.memory_space<hbm>>
      %dma_start3A_820 = arith.constant 0 : i32
      %dma_start3A_821 = tpu.memref_slice %arg4[%add3A_817, %dma_start3A_820] : memref<10112x128xf32, #tpu.memory_space<hbm>> -> memref<4x128xf32, #tpu.memory_space<hbm>>
      tpu.enqueue_dma source(%arg9 : memref<4x128xf32, #tpu.memory_space<vmem>>) target(%dma_start3A_821 : memref<4x128xf32, #tpu.memory_space<hbm>>) target_semaphore(%arg13 : memref<!tpu.dma_semaphore, #tpu.memory_space<semaphore_mem>>)
      %add3A_822 = arith.constant 2 : i32
      %add3A_823 = arith.addi %add3A_446, %add3A_822 : i32
      %lt3A_824 = arith.cmpi slt, %add3A_823, %select_n3A_7 : i32
      %convert_element_type3A_825 = arith.extui %lt3A_824 : i1 to i32
      %cond3A_826 = arith.constant 0 : i32
      %cond3A_827 = arith.cmpi ne, %convert_element_type3A_825, %cond3A_826 : i32
      scf.if %cond3A_827 {
        %add3A_829 = arith.constant 2 : i32
        %add3A_830 = arith.addi %add3A_446, %add3A_829 : i32
        %mul3A_831 = arith.constant 4 : i32
        %mul3A_832 = arith.muli %add3A_830, %mul3A_831 : i32
        %mul3A_833 = arith.constant 32 : i32
        %mul3A_834 = arith.muli %mul3A_832, %mul3A_833 : i32
        %dma_start3A_835 = tpu.memref_slice %arg5[%mul3A_834] : memref<16896xi32, #tpu.memory_space<vmem>> -> memref<128xi32, #tpu.memory_space<vmem>>
        %dma_start3A_836 = arith.constant 0 : i32
        %dma_start3A_837 = arith.constant 0 : i32
        %dma_start3A_838 = tpu.memref_slice %arg3[%dma_start3A_836, %dma_start3A_837] : memref<50000x128xf32, #tpu.memory_space<hbm>> -> memref<50000x128xf32, #tpu.memory_space<hbm>>
        tpu.enqueue_indirect_dma source(%dma_start3A_838 : memref<50000x128xf32, #tpu.memory_space<hbm>>) target(%arg7 : memref<128x128xf32, #tpu.memory_space<vmem>>) offsets(%dma_start3A_835 : memref<128xi32, #tpu.memory_space<vmem>>) semaphore(%arg11 : memref<!tpu.dma_semaphore, #tpu.memory_space<semaphore_mem>>)
      } else {
      }
      %while3A_828 = arith.constant 0 : i32
      scf.yield %while3A_828 : i32
    }
    %dma_wait3A = arith.constant 0 : i32
    %dma_wait3A_56 = tpu.memref_slice %arg4[%add3A, %dma_wait3A] : memref<10112x128xf32, #tpu.memory_space<hbm>> -> memref<4x128xf32, #tpu.memory_space<hbm>>
    %dma_wait3A_57 = arith.constant 0 : i32
    %dma_wait3A_58 = tpu.memref_slice %arg4[%add3A, %dma_wait3A_57] : memref<10112x128xf32, #tpu.memory_space<hbm>> -> memref<4x128xf32, #tpu.memory_space<hbm>>
    tpu.wait_dma2 semaphore(%arg12 : memref<!tpu.dma_semaphore, #tpu.memory_space<semaphore_mem>>) src(%arg8 : memref<4x128xf32, #tpu.memory_space<vmem>>) dst(%dma_wait3A_58 : memref<4x128xf32, #tpu.memory_space<hbm>>)
    %dma_wait3A_59 = arith.constant 0 : i32
    %dma_wait3A_60 = tpu.memref_slice %arg4[%add3A, %dma_wait3A_59] : memref<10112x128xf32, #tpu.memory_space<hbm>> -> memref<4x128xf32, #tpu.memory_space<hbm>>
    %dma_wait3A_61 = arith.constant 0 : i32
    %dma_wait3A_62 = tpu.memref_slice %arg4[%add3A, %dma_wait3A_61] : memref<10112x128xf32, #tpu.memory_space<hbm>> -> memref<4x128xf32, #tpu.memory_space<hbm>>
    tpu.wait_dma2 semaphore(%arg13 : memref<!tpu.dma_semaphore, #tpu.memory_space<semaphore_mem>>) src(%arg9 : memref<4x128xf32, #tpu.memory_space<vmem>>) dst(%dma_wait3A_62 : memref<4x128xf32, #tpu.memory_space<hbm>>)
    return
  }
}

</mosaic_0001>

<sc_bundles>
// kernel: kernel.3.cloned.1.call-start
scs
__scs_entry_jumppad:
0x0: {  	(pc) =	sbr.rel $0x88, $3  }
0x1: {  	(tag) =	ssettag $0x0;
	lr =	simm.s32 $0x1  }
0x2: {  	[smem:$0x3F9F] =	sst lr;
	_ =	strace $0xD0000000  }
0x3: {  	_ = 	snop  }
0x4: {  	_ = 	snop  }
0x5: {  	_ = 	snop  }
0x6: {  	_ = 	snop  }
0x7: {  	_ = 	snop  }
__scs_overlays_trampoline_lowered:
0x8: {  	[smem:$0x3FAE] =	sst s0  }
0x9: {  	[smem:$0x3FAF] =	sst s1  }
0xa: {  	[smem:$0x3FB0] =	sst s2  }
0xb: {  	[smem:$0x3FB1] =	sst s3  }
0xc: {  	[smem:$0x3FB2] =	sst s4  }
0xd: {  	[smem:$0x3FB3] =	sst s5  }
0xe: {  	[smem:$0x3FB4] =	sst s6  }
0xf: {  	[smem:$0x3FB5] =	sst s7  }
0x10: {  	[smem:$0x3FB6] =	sst s8  }
0x11: {  	[smem:$0x3FB7] =	sst s9;
	s0 =	simm.s32 @!p0 $0x0  }
0x12: {  	s1 =	sld [smem:$0x3F9D];
	s0 =	simm.s32 @p0 $0x1  }
0x13: {  	[smem:$0x3FB8] =	sst s0;
	s0 =	simm.s32 @!p1 $0x0  }
0x14: {  	s2 =	sld [smem:$0x3F9C];
	s0 =	simm.s32 @p1 $0x1  }
0x15: {  	[smem:$0x3FB9] =	sst s0;
	s0 =	simm.s32 @!p2 $0x0  }
0x16: {  	s3 =	sld [smem:$0x3FDB];
	s0 =	simm.s32 @p2 $0x1  }
0x17: {  	s4 =	simm.s32 $0x1BF5;
	[smem:$0x3FBB] =	sst s0  }
0x18: {  	s0 =	sld [smem:$0x3F9E];
	_ =	swait.ge [sflag:s4], $0x0  }
0x19: {  	s7 =	sld [smem:$0x3F9F]  }
0x1a: {  	s8 =	sadd.s32 $0xFFFFE003, lr  }
0x1b: {  	s9 =	sadd.s32 $0xFFFFFEF7, lr;
	s5 =	simm.s32 $0xFFFFFFFF;
	p2 =	slt.u32 s8, $0xFFFFF086  }
0x1c: {  	p1 =	slt.u32 s9, $0xF7A;
	s5 =	simm.s32 @!p2 $0x0  }
0x1d: {  	s5 =	simm.s32 @p1 $0x1;
	p0 =	seq.s32 s7, s2  }
0x1e: {  	s7 =	smul.u32 @!p0 $0xF7A, s2;
	p2 =	seq.s32 @!p0 s5, $0x0  }
0x1f: {  	s9 =	smul.u32 $0xF7A, s1;
	s8 =	simm.s32 @!p0 $0x1BF5;
	p2 =	por !p2, p0  }
0x20: {  	[sflag:s8] =	ssyncset.s32 @!p0 $0xFFFFF086;
	s6 =	sadd.s32 @!p0 s3, s7;
	s7 =	simm.s32 @!p0 $0x108  }
0x21: {  	s3 =	sadd.s32 s3, s9;
	s6 =	sadd.s32 @!p0 $0x88, s6;
	s7 =	simm.s32 @p2 $0x1082  }
0x22: {  	[simem:s7], [sflag:s8] =	dma.local @!p0 [hbm:s6], $0xF7A  }
0x23: {  	s9 =	sor.u32 $0xD0000000, s2;
	s6 =	simm.s32 $0x108;
	_ =	swait.ge @!p0 [sflag:s8], $0x0  }
0x24: {  	s3 =	sadd.s32 $0x88, s3;
	s6 =	simm.s32 @!p1 $0x1082;
	[sflag:s4] =	ssyncset.s32 $0xFFFFF086  }
0x25: {  	[simem:s6], [sflag:s4] =	dma.local [hbm:s3], $0xF7A  }
0x26: {  	[smem:$0x3F9F] =	sst s1;
	(tag) =	ssettag s2;
	_ =	strace s9  }
0x27: {  	s1 =	sld [smem:$0x3FAF]  }
0x28: {  	s2 =	sld [smem:$0x3FB0]  }
0x29: {  	s4 =	sld [smem:$0x3FB2]  }
0x2a: {  	p0 =	seq.s32 s5, $0x0;
	s5 =	sld [smem:$0x3FB3]  }
0x2b: {  	s6 =	sld [smem:$0x3FB4]  }
0x2c: {  	s7 =	sld [smem:$0x3FB5]  }
0x2d: {  	s3 =	simm.s32 $0x108;
	s8 =	sld [smem:$0x3FB6]  }
0x2e: {  	s3 =	simm.s32 @!p0 $0x1082;
	s9 =	sld [smem:$0x3FB7]  }
0x2f: {  	lr =	sadd.s32 s0, s3;
	s0 =	sld [smem:$0x3FAE]  }
0x30: {  	s3 =	sld [smem:$0x3FB1]  }
0x31: {  	[smem:$0x3FBA] =	sst s10  }
0x32: {  	s10 =	sld [smem:$0x3FB8];
	_ =	sdelay $0x3  }
0x33: {  	p0 =	seq.s32 s10, $0x1;
	s10 =	sld [smem:$0x3FBA];
	_ =	sdelay $0x3  }
0x34: {  	[smem:$0x3FBA] =	sst s10  }
0x35: {  	s10 =	sld [smem:$0x3FB9];
	_ =	sdelay $0x3  }
0x36: {  	p1 =	seq.s32 s10, $0x1;
	s10 =	sld [smem:$0x3FBA];
	_ =	sdelay $0x3  }
0x37: {  	[smem:$0x3FBA] =	sst s10  }
0x38: {  	s10 =	sld [smem:$0x3FBB]  }
0x39: {  	_ = 	snop;
	(pc) =	sbr.ind lr, $3  }
0x3a: {  	_ = 	snop  }
0x3b: {  	_ = 	snop  }
0x3c: {  	p2 =	seq.s32 s10, $0x1;
	s10 =	sld [smem:$0x3FBA]  }
0x3d: {  	_ =	shalt  }
0x3e: {  	_ =	shalt  }
0x3f: {  	_ =	shalt  }
0x40: {  	_ =	shalt  }
0x41: {  	_ =	shalt  }
0x42: {  	_ =	shalt  }
0x43: {  	_ =	shalt  }
0x44: {  	_ =	shalt  }
0x45: {  	_ =	shalt  }
0x46: {  	_ =	shalt  }
0x47: {  	_ =	shalt  }
0x48: {  	_ =	shalt  }
0x49: {  	_ =	shalt  }
0x4a: {  	_ =	shalt  }
0x4b: {  	_ =	shalt  }
0x4c: {  	_ =	shalt  }
0x4d: {  	_ =	shalt  }
0x4e: {  	_ =	shalt  }
0x4f: {  	_ =	shalt  }
0x50: {  	_ =	shalt  }
0x51: {  	_ =	shalt  }
0x52: {  	_ =	shalt  }
0x53: {  	_ =	shalt  }
0x54: {  	_ =	shalt  }
0x55: {  	_ =	shalt  }
0x56: {  	_ =	shalt  }
0x57: {  	_ =	shalt  }
0x58: {  	_ =	shalt  }
0x59: {  	_ =	shalt  }
0x5a: {  	_ =	shalt  }
0x5b: {  	_ =	shalt  }
0x5c: {  	_ =	shalt  }
0x5d: {  	_ =	shalt  }
0x5e: {  	_ =	shalt  }
0x5f: {  	_ =	shalt  }
0x60: {  	_ =	shalt  }
0x61: {  	_ =	shalt  }
0x62: {  	_ =	shalt  }
0x63: {  	_ =	shalt  }
0x64: {  	_ =	shalt  }
0x65: {  	_ =	shalt  }
0x66: {  	_ =	shalt  }
0x67: {  	_ =	shalt  }
0x68: {  	_ =	shalt  }
0x69: {  	_ =	shalt  }
0x6a: {  	_ =	shalt  }
0x6b: {  	_ =	shalt  }
0x6c: {  	_ =	shalt  }
0x6d: {  	_ =	shalt  }
0x6e: {  	_ =	shalt  }
0x6f: {  	_ =	shalt  }
0x70: {  	_ =	shalt  }
0x71: {  	_ =	shalt  }
0x72: {  	_ =	shalt  }
0x73: {  	_ =	shalt  }
0x74: {  	_ =	shalt  }
0x75: {  	_ =	shalt  }
0x76: {  	_ =	shalt  }
0x77: {  	_ =	shalt  }
0x78: {  	_ =	shalt  }
0x79: {  	_ =	shalt  }
0x7a: {  	_ =	shalt  }
0x7b: {  	_ =	shalt  }
0x7c: {  	_ =	shalt  }
0x7d: {  	_ =	shalt  }
0x7e: {  	_ =	shalt  }
0x7f: {  	_ =	shalt  }
0x80: {  	_ =	shalt  }
0x81: {  	_ =	shalt  }
0x82: {  	_ =	shalt  }
0x83: {  	_ =	shalt  }
0x84: {  	_ =	shalt  }
0x85: {  	_ =	shalt  }
0x86: {  	_ =	shalt  }
0x87: {  	_ =	shalt  }
.Lfunc_end0:
.L_simem_size_0:
called_computation_lowered:
.L_overlay_start_0:
0x88: {  	s2 =	sld [smem:$0x3FD9]  }
0x89: {  	s3 =	sld [smem:$0x3FFE];
	_ =	sdelay $0x1  }
0x8a: {  	s1 =	srdreg.scid  }
0x8b: {  	s0 =	sand.u32 $0x1, s1  }
0x8c: {  	s17 =	sshll.u32 s0, $0xA;
	s2 =	sadd.s32 s3, s2  }
0x8d: {  	s2 =	sadd.s32 s2, s17  }
0x8e: {  	[smem:$0x3FC6] =	sst s2  }
0x8f: {  	_ = 	snop  }
0x90: {  	s2 =	sld [smem:$0x3FC8]  }
0x91: {  	s18 =	sld [smem:$0x3FD0];
	(tm) =	ssettm $0x1  }
0x92: {  	s4 =	sld [smem:$0x3FFB];
	_ =	sdelay $0x3  }
0x93: {  	_ =	strace s4  }
0x94: {  	s4 =	sld [smem:$0x3FFC];
	_ =	sdelay $0x3  }
0x95: {  	_ =	strace s4  }
0x96: {  	s4 =	sld [smem:$0x3FFD];
	_ =	sdelay $0x3  }
0x97: {  	_ =	strace s4  }
0x98: {  	_ =	strace $0x8FFFFFFF  }
0x99: {  	s19 =	sld [smem:$0x3FDB];
	_ =	sdelay $0x1  }
0x9a: {  	s5 =	simm.s32 $_scs_section_size  }
0x9b: {  	s6 =	simm.s32 $_size__tile_overlayer_lowered;
	s7 =	simm.s32 $_tile_overlayer_lowered  }
0x9c: {  	s22 =	simm.s32 $0x1BFF;
	s21 =	sshll.u32 s7, $0x1;
	s4 =	sadd.s32 s5, s19  }
0x9d: {  	s8 =	simm.s32 $0x0;
	s20 =	sshll.u32 s6, $0x1;
	s6 =	sadd.s32 s21, s4  }
0x9e: {  	[timem:s8], [sflag:s22] =	dma.local [hbm:s6], s20  }
0x9f: {  	_ =	swait.ge [sflag:s22], s20  }
0xa0: {  	s5 =	ssub.s32 $0x0, s20;
	[sflag:s22] =	ssyncset.done $0x0  }
0xa1: {  	[sflag:s22] =	ssyncadd.s32 s5;
	_ =	sdelay $0x1  }
0xa2: {  	s23 =	simm.s32 $0x1B8B  }
0xa3: {  	_ =	swait.ge [sflag:s23], $0x1  }
0xa4: {  	[sflag:s23] =	ssyncset.done $0x0  }
0xa5: {  	s25 =	simm.s32 $0x1B8E;
	s24 =	sld [smem:$0x3FFE];
	[sflag:s23] =	ssyncadd.s32 $0xFFFFFFFF  }
0xa6: {  	s26 =	simm.s32 $execute0_lowered;
	[smem:$0x3FD2] =	sst s25  }
0xa7: {  	s6 =	sshll.u32 s26, $0x1;
	_ =	strace $0x80000046;
	[dreg:$0x1] =	wrdreg $0xFFFFFFFF  }
0xa8: {  	s28 =	simm.s32 $_size_execute0_lowered;
	s4 =	sadd.s32 s4, s6;
	[dreg:$0x0] =	wrdreg $0x0  }
0xa9: {  	s6 =	sshll.u32 s28, $0x1;
	[dreg:$0x2] =	wrdreg s4  }
0xaa: {  	[dreg:$0x3] =	wrdreg s6  }
0xab: {  	[dreg:$0x4] =	wrdreg $0xC0  }
0xac: {  	_ =	task [dreg:s8], $0x5FFFF  }
0xad: {  	[dreg:$0x1] =	wrdreg $0xFFFFFFFF  }
0xae: {  	[dreg:$0x0] =	wrdreg $0x60  }
0xaf: {  	[dreg:$0x2] =	wrdreg s18  }
0xb0: {  	[dreg:$0x3] =	wrdreg s2  }
0xb1: {  	[dreg:$0x4] =	wrdreg s24  }
0xb2: {  	[dreg:$0x5] =	wrdreg $0x9  }
0xb3: {  	_ =	task.clear_ibuf [dreg:s8], $0x6FFFF;
	_ =	strace $0x90000046  }
0xb4: {  	s29 =	simm.s32 $0x9;
	_ =	strace $0x80000048  }
0xb5: {  	_ =	swait.ge [sflag:s29], $0x1  }
0xb6: {  	[sflag:s29] =	ssyncadd.s32 $0xFFFFFFFF  }
0xb7: {  	_ =	strace $0x90000048  }
0xb8: {  	_ =	sfence  }
0xb9: {  	s30 =	sld [smem:$0x0];
	_ =	sdelay $0x2  }
0xba: {  	s31 =	sshll.u32 s1, $0xD;
	s1 =	sshrl.u32 s1, $0x2  }
0xbb: {  	s3 =	sand.u32 $0x4000, s31;
	s1 =	sadd.s32 s1, s30  }
0xbc: {  	s0 =	sor.u32 s3, s0;
	s1 =	sshll.u32 s1, $0x11  }
0xbd: {  	s0 =	sor.u32 s1, s0  }
0xbe: {  	s0 =	sadd.s32 $0x8F2B, s0  }
0xbf: {  	[sflag:s0] =	ssyncadd.remote.s32 $0x1  }
0xc0: {  	_ =	sfence.sel $0xFFFF  }
0xc1: {  	[dreg:$0x0] =	wrdreg $0xFFFFFFFF;
	(pc) =	sbr.abs _section_cstart, $3  }
0xc2: {  	[dreg:$0x1] =	wrdreg $0xFFFFFFFF  }
0xc3: {  	_ =	task.clear_ibuf [dreg:s8], $0x2FFFF;
	_ =	strace $0x9FFFFFFF  }
0xc4: {  	(tm) =	ssettm $0x7FFFFFFF  }
0xc5: {  	_ =	shalt  }
tec
execute0_lowered:
.L_overlay_start_1:
0x0: {  	(tag) =	ssettag $0x1  }
0x1: {  	s6 =	rddreg [dreg:$0x0]  }
0x2: {  	s1 =	rddreg [dreg:$0x1]  }
0x3: {  	s4 =	rddreg [dreg:$0x2]  }
0x4: {  	s0 =	rddreg [dreg:$0x3]  }
0x5: {  	s3 =	simm.s32 $0x0;
	s5 =	srdreg.scid;
	s2 =	stileid.u32  }
0x6: {  	s12 =	simm.s32 $0x4200;
	s13 =	simm.s32 $0x8200;
	s14 =	simm.s32 $0x1  }
0x7: {  	s15 =	simm.s32 $0xC200;
	s16 =	simm.s32 $0x2;
	s17 =	simm.s32 $0xC400  }
0x8: {  	s18 =	simm.s32 $0x3;
	s19 =	simm.s32 $0x4;
	s20 =	simm.s32 $0x0  }
0x9: {  	[smem:$0x7FF] =	sst s3;
	s11 =	sand.u32 $0x1, s5;
	s8 =	smul.u32 $0x278, s2  }
0xa: {  	s4 =	sadd.s32 $0x400, s4;
	_ =	strace $0x80000047;
	s5 =	ssub.s32 $0x0, s11  }
0xb: {  	s7 =	ssub.s32 $0x2, s11;
	p0 =	seq.s32 s11, $0x0;
	s5 =	sand.u32 $0x210, s5  }
0xc: {  	s9 =	sshrl.u32 s7, $0x1;
	s8 =	sadd.s32 s8, s5;
	s5 =	simm.s32 $0x84  }
0xd: {  	s9 =	ssub.s32 s7, s9;
	s5 =	simm.s32 @!p0 $0x1A;
	s31 =	sshll.u32 s8, $0x2  }
0xe: {  	s10 =	sshll.u32 s8, $0x4;
	s8 =	sshrl.u32 s8, $0x3;
	s9 =	smax.u32 s9, $0x1  }
0xf: {  	p0 =	sne.s32 s11, $0x0;
	s11 =	simm.s32 $0x80;
	s10 =	sadd.s32 s10, s4  }
0x10: {  	s6 =	sadd.s32 s6, s31;
	s7 =	sshrl.u32 s5, $0x1;
	s10 =	sadd.s32 $0x40, s10  }
.LBB2_1:
0x11: {  	s21 =	simm.s32 @p0 $0x0  }
0x12: {  	[tilespmem:s21], [sflag:$0x5] =	stream.linear.gather @p0 [hbm4b:s6+s21], $0xD00, $0x38;
	[tilespmem:$0xC600] =	vst v63  }
0x13: {  	s21 =	simm.s32 @p0 $0x5  }
0x14: {  	_ =	swait.ge @p0 [sflag:s21], $0xD00  }
0x15: {  	[sflag:s21] =	ssyncset.done @p0 $0x0  }
0x16: {  	[sflag:s21] =	ssyncadd.s32 @p0 $0xFFFFF300;
	s21 =	simm.s32 @!p0 $0x0  }
0x17: {  	[tilespmem:s21], [sflag:$0x5] =	stream.linear.gather @!p0 [hbm4b:s6+s21], $0x4200, $0x38;
	[tilespmem:$0xC600] =	vst v63  }
0x18: {  	s21 =	simm.s32 @!p0 $0x5  }
0x19: {  	_ =	swait.ge @!p0 [sflag:s21], $0x4200  }
0x1a: {  	[sflag:s21] =	ssyncset.done @!p0 $0x0  }
0x1b: {  	[sflag:s21] =	ssyncadd.s32 @!p0 $0xFFFFBE00  }
0x1c: {  	[tilespmem:s12], [sflag:$0x1] =	stream.indirect.gather [hbm4b:s1+s11], $0x80, s3, s11, $0xb8;
	[tilespmem:$0xC600] =	vst v63  }
0x1d: {  	s21 =	simm.s32 $0x0  }
0x1e: {  	[tilespmem:s13], [sflag:$0x2] =	stream.indirect.gather [hbm4b:s1+s11], $0x80, s11, s11, $0xb8;
	[tilespmem:$0xC600] =	vst v63  }
.LBB2_2:
0x1f: {  	_ =	swait.ge [sflag:s14], $0x4000  }
0x20: {  	p1 =	seq.s32 s21, $0x0;
	[sflag:s14] =	ssyncset.done $0x0  }
0x21: {  	s22 =	simm.s32 @!p1 $0x3;
	[sflag:s14] =	ssyncadd.s32 $0xFFFFC000  }
0x22: {  	_ =	swait.ge @!p1 [sflag:s22], $0x200  }
0x23: {  	[sflag:s22] =	ssyncset.done @!p1 $0x0  }
0x24: {  	s23 =	simm.s32 $0x0;
	[sflag:s22] =	ssyncadd.s32 @!p1 $0xFFFFFE00  }
0x25: {  	v5 =	vld [tilespmem:s23+$0x4280]  }
0x26: {  	v6 =	vld [tilespmem:s23+$0x4290]  }
0x27: {  	v7 =	vld [tilespmem:s23+$0x42A0]  }
0x28: {  	v9 =	vld [tilespmem:s23+$0x42B0]  }
0x29: {  	v10 =	vld [tilespmem:s23+$0x42C0]  }
0x2a: {  	v11 =	vld [tilespmem:s23+$0x42D0]  }
0x2b: {  	v13 =	vld [tilespmem:s23+$0x42E0]  }
0x2c: {  	v14 =	vld [tilespmem:s23+$0x42F0]  }
0x2d: {  	v15 =	vld [tilespmem:s23+$0x5280]  }
0x2e: {  	v17 =	vld [tilespmem:s23+$0x5290]  }
0x2f: {  	v18 =	vld [tilespmem:s23+$0x52A0]  }
0x30: {  	v19 =	vld [tilespmem:s23+$0x52B0]  }
0x31: {  	v20 =	vld [tilespmem:s23+$0x52C0]  }
0x32: {  	v21 =	vld [tilespmem:s23+$0x52D0]  }
0x33: {  	v23 =	vld [tilespmem:s23+$0x52E0]  }
0x34: {  	v24 =	vld [tilespmem:s23+$0x52F0]  }
0x35: {  	v25 =	vld [tilespmem:s23+$0x6280]  }
0x36: {  	v26 =	vld [tilespmem:s23+$0x6290]  }
0x37: {  	v28 =	vld [tilespmem:s23+$0x62A0]  }
0x38: {  	v29 =	vld [tilespmem:s23+$0x62B0]  }
0x39: {  	v31 =	vld [tilespmem:s23+$0x62C0]  }
0x3a: {  	v33 =	vld [tilespmem:s23+$0x62D0]  }
0x3b: {  	v34 =	vld [tilespmem:s23+$0x62E0]  }
0x3c: {  	v35 =	vld [tilespmem:s23+$0x62F0]  }
0x3d: {  	v49 =	vld [tilespmem:s23+$0x7280]  }
0x3e: {  	v48 =	vld [tilespmem:s23+$0x7290]  }
0x3f: {  	v47 =	vld [tilespmem:s23+$0x72A0]  }
0x40: {  	v46 =	vld [tilespmem:s23+$0x72B0]  }
0x41: {  	v8 =	vld [tilespmem:s23+$0x4200]  }
0x42: {  	v12 =	vld [tilespmem:s23+$0x4210]  }
0x43: {  	v16 =	vld [tilespmem:s23+$0x4220]  }
0x44: {  	v22 =	vld [tilespmem:s23+$0x4230]  }
0x45: {  	v40 =	vld [tilespmem:s23+$0x5260]  }
0x46: {  	v27 =	vld [tilespmem:s23+$0x4240]  }
0x47: {  	v58 =	vimm.f32 $0.0e+00;
	v30 =	vld [tilespmem:s23+$0x4250]  }
0x48: {  	v32 =	vld [tilespmem:s23+$0x4260];
	v8 =	vadd.f32 v8, v58  }
0x49: {  	v36 =	vld [tilespmem:s23+$0x4270];
	v12 =	vadd.f32 v12, v58;
	v16 =	vadd.f32 v16, v58  }
0x4a: {  	v37 =	vld [tilespmem:s23+$0x5200];
	v22 =	vadd.f32 v22, v58;
	v59 =	vadd.f32 v40, v58  }
0x4b: {  	v38 =	vld [tilespmem:s23+$0x5210];
	v8 =	vadd.f32 v5, v8;
	v6 =	vadd.f32 v6, v12  }
0x4c: {  	v39 =	vld [tilespmem:s23+$0x5220];
	v0 =	vadd.f32 v7, v16;
	v5 =	vadd.f32 v9, v22  }
0x4d: {  	v54 =	vld [tilespmem:s23+$0x5240];
	v9 =	vadd.f32 v27, v58;
	v16 =	vadd.f32 v30, v58  }
0x4e: {  	v22 =	vld [tilespmem:s23+$0x5230];
	v27 =	vadd.f32 v32, v58;
	v30 =	vadd.f32 v36, v58  }
0x4f: {  	v55 =	vld [tilespmem:s23+$0x5250];
	v12 =	vadd.f32 v10, v9;
	v10 =	vadd.f32 v11, v16  }
0x50: {  	v56 =	vld [tilespmem:s23+$0x6200];
	v11 =	vadd.f32 v13, v27;
	v13 =	vadd.f32 v37, v58  }
0x51: {  	v9 =	vadd.f32 v14, v30;
	v14 =	vadd.f32 v38, v58;
	v27 =	vld [tilespmem:s23+$0x5270]  }
0x52: {  	v57 =	vld [tilespmem:s23+$0x6210];
	v30 =	vadd.f32 v39, v58;
	v16 =	vadd.f32 v15, v13  }
0x53: {  	v60 =	vld [tilespmem:s23+$0x6240];
	v14 =	vadd.f32 v17, v14;
	v22 =	vadd.f32 v22, v58  }
0x54: {  	v17 =	vld [tilespmem:s23+$0x6220];
	v15 =	vadd.f32 v18, v30;
	v18 =	vadd.f32 v54, v58  }
0x55: {  	v30 =	vld [tilespmem:s23+$0x6230];
	v13 =	vadd.f32 v19, v22;
	v19 =	vadd.f32 v55, v58  }
0x56: {  	v61 =	vld [tilespmem:s23+$0x6250];
	v27 =	vadd.f32 v27, v58;
	v22 =	vadd.f32 v20, v18  }
0x57: {  	v62 =	vld [tilespmem:s23+$0x6270];
	v20 =	vadd.f32 v23, v59;
	v23 =	vadd.f32 v56, v58  }
0x58: {  	v41 =	vld [tilespmem:s23+$0x7200];
	v19 =	vadd.f32 v21, v19;
	v18 =	vadd.f32 v24, v27  }
0x59: {  	v42 =	vld [tilespmem:s23+$0x7210];
	v24 =	vadd.f32 v57, v58;
	v17 =	vadd.f32 v17, v58  }
0x5a: {  	v21 =	vld [tilespmem:s23+$0x6260];
	v63 =	vadd.f32 v30, v58;
	v30 =	vadd.f32 v25, v23  }
0x5b: {  	v43 =	vld [tilespmem:s23+$0x7220];
	v23 =	vadd.f32 v61, v58;
	v27 =	vadd.f32 v26, v24  }
0x5c: {  	v44 =	vld [tilespmem:s23+$0x7230];
	v28 =	vadd.f32 v28, v17;
	v17 =	vadd.f32 v60, v58  }
0x5d: {  	v40 =	vld [tilespmem:s23+$0x7260];
	v26 =	vadd.f32 v29, v63;
	v24 =	vadd.f32 v62, v58  }
0x5e: {  	v36 =	vld [tilespmem:s23+$0x72C0];
	v25 =	vimm.f32 $0.0e+00;
	v32 =	vadd.f32 v31, v17;
	v31 =	vadd.f32 v33, v23  }
0x5f: {  	v37 =	vld [tilespmem:s23+$0x72D0];
	v23 =	vadd.f32 v35, v24;
	v35 =	vimm.f32 $0.0e+00;
	v21 =	vadd.f32 v21, v58  }
0x60: {  	v38 =	vld [tilespmem:s23+$0x7240];
	v33 =	vimm.f32 $0.0e+00;
	v24 =	vimm.f32 $0.0e+00;
	v17 =	vimm.f32 $0.0e+00  }
0x61: {  	s24 =	simm.s32 $0x400;
	s22 =	sshll.u32 s21, $0x1;
	[tilespmem:$0x1FFF0] =	vst v0;
	v39 =	vld [tilespmem:s23+$0x7250];
	v29 =	vadd.f32 v34, v21;
	v34 =	vimm.f32 $0.0e+00;
	v21 =	vimm.f32 $0.0e+00  }
.LBB2_3:
0x62: {  	v62 =	vld [tilespmem:s23+$0x7270]  }
0x63: {  	v63 =	vld [tilespmem:s23+$0x72E0]  }
0x64: {  	v3 =	vld [tilespmem:s23+$0x72F0];
	s23 =	sshra.s32 s24, $0x2  }
0x65: {  	v45 =	vld [tilespmem:s23+$0x42F0]  }
0x66: {  	v60 =	vld [tilespmem:s23+$0x5280]  }
0x67: {  	v7 =	vld [tilespmem:s23+$0x5290]  }
0x68: {  	v59 =	vld [tilespmem:s23+$0x52A0]  }
0x69: {  	v61 =	vld [tilespmem:s23+$0x52B0]  }
0x6a: {  	v50 =	vld [tilespmem:s23+$0x52C0]  }
0x6b: {  	v51 =	vld [tilespmem:s23+$0x52D0]  }
0x6c: {  	v52 =	vld [tilespmem:s23+$0x52E0]  }
0x6d: {  	v53 =	vld [tilespmem:s23+$0x52F0]  }
0x6e: {  	v54 =	vld [tilespmem:s23+$0x6280]  }
0x6f: {  	v55 =	vld [tilespmem:s23+$0x6290]  }
0x70: {  	v56 =	vld [tilespmem:s23+$0x62A0]  }
0x71: {  	v57 =	vld [tilespmem:s23+$0x62B0]  }
0x72: {  	v35 =	vadd.f32 v43, v35;
	v43 =	vld [tilespmem:s23+$0x4280]  }
0x73: {  	v33 =	vadd.f32 v44, v33;
	v44 =	vld [tilespmem:s23+$0x4290]  }
0x74: {  	v1 =	vadd.f32 v38, v24;
	v38 =	vld [tilespmem:s23+$0x42A0]  }
0x75: {  	v2 =	vadd.f32 v39, v25;
	v39 =	vld [tilespmem:s23+$0x42B0]  }
0x76: {  	v4 =	vadd.f32 v40, v21;
	v40 =	vld [tilespmem:s23+$0x42C0]  }
0x77: {  	v0 =	vadd.f32 v41, v58;
	v41 =	vld [tilespmem:s23+$0x42D0]  }
0x78: {  	v34 =	vadd.f32 v42, v34;
	v42 =	vld [tilespmem:s23+$0x42E0]  }
0x79: {  	v17 =	vadd.f32 v62, v17;
	v62 =	vld [tilespmem:s23+$0x4200]  }
0x7a: {  	v33 =	vadd.f32 v46, v33;
	v46 =	vld [tilespmem:s23+$0x62C0]  }
0x7b: {  	v35 =	vadd.f32 v47, v35;
	v47 =	vld [tilespmem:s23+$0x62D0]  }
0x7c: {  	v34 =	vadd.f32 v48, v34;
	v48 =	vld [tilespmem:s23+$0x62E0]  }
0x7d: {  	v58 =	vadd.f32 v49, v0;
	v49 =	vld [tilespmem:s23+$0x62F0]  }
0x7e: {  	v24 =	vadd.f32 v36, v1;
	v36 =	vld [tilespmem:s23+$0x72C0]  }
0x7f: {  	v25 =	vadd.f32 v37, v2;
	v37 =	vld [tilespmem:s23+$0x72D0]  }
0x80: {  	v21 =	vadd.f32 v63, v4;
	v63 =	vld [tilespmem:s23+$0x4210]  }
0x81: {  	v0 =	vld [tilespmem:s23+$0x4220]  }
0x82: {  	v1 =	vld [tilespmem:s23+$0x4230]  }
0x83: {  	v2 =	vld [tilespmem:s23+$0x4240]  }
0x84: {  	v4 =	vld [tilespmem:s23+$0x4260]  }
0x85: {  	v17 =	vadd.f32 v3, v17;
	v3 =	vld [tilespmem:s23+$0x4250]  }
0x86: {  	v8 =	vadd.f32 v62, v8;
	v62 =	vld [tilespmem:s23+$0x4270]  }
0x87: {  	[tilespmem:$0x1FFE0] =	vst v49;
	v49 =	vld [tilespmem:s23+$0x7280]  }
0x88: {  	[tilespmem:$0x1FFD0] =	vst v48;
	v48 =	vld [tilespmem:s23+$0x7290]  }
0x89: {  	[tilespmem:$0x1FFC0] =	vst v47;
	v47 =	vld [tilespmem:s23+$0x72A0]  }
0x8a: {  	[tilespmem:$0x1FFB0] =	vst v46;
	v46 =	vld [tilespmem:s23+$0x72B0]  }
0x8b: {  	v6 =	vadd.f32 v63, v6;
	v63 =	vld [tilespmem:$0x1FFF0]  }
0x8c: {  	v1 =	vadd.f32 v1, v5;
	v5 =	vld [tilespmem:s23+$0x5210]  }
0x8d: {  	v8 =	vadd.f32 v43, v8;
	v43 =	vld [tilespmem:s23+$0x5220];
	v6 =	vadd.f32 v44, v6  }
0x8e: {  	v44 =	vadd.f32 v39, v1;
	v1 =	vadd.f32 v3, v10;
	v39 =	vld [tilespmem:s23+$0x5250]  }
0x8f: {  	v3 =	vadd.f32 v4, v11;
	v4 =	vadd.f32 v62, v9;
	v62 =	vld [tilespmem:s23+$0x5240]  }
0x90: {  	v10 =	vadd.f32 v41, v1;
	v41 =	vld [tilespmem:s23+$0x6210]  }
0x91: {  	v11 =	vadd.f32 v42, v3;
	v42 =	vld [tilespmem:s23+$0x7210]  }
0x92: {  	v0 =	vadd.f32 v0, v63;
	v63 =	vld [tilespmem:s23+$0x5200];
	v3 =	vadd.f32 v5, v14  }
0x93: {  	v9 =	vadd.f32 v45, v4;
	v4 =	vld [tilespmem:s23+$0x5270];
	v5 =	vadd.f32 v43, v15  }
0x94: {  	v43 =	vld [tilespmem:s23+$0x7220];
	v0 =	vadd.f32 v38, v0;
	v14 =	vadd.f32 v7, v3  }
0x95: {  	v3 =	vadd.f32 v39, v19;
	v15 =	vadd.f32 v59, v5;
	v5 =	vld [tilespmem:s23+$0x6230]  }
0x96: {  	[tilespmem:$0x1FFF0] =	vst v0;
	v0 =	vadd.f32 v2, v12;
	v2 =	vld [tilespmem:s23+$0x5230]  }
0x97: {  	v19 =	vadd.f32 v51, v3;
	v51 =	vld [tilespmem:s23+$0x6260]  }
0x98: {  	v45 =	vadd.f32 v63, v16;
	v63 =	vld [tilespmem:s23+$0x6240]  }
0x99: {  	v62 =	vadd.f32 v62, v22;
	v12 =	vadd.f32 v40, v0;
	v0 =	vld [tilespmem:s23+$0x5260]  }
0x9a: {  	v40 =	vld [tilespmem:s23+$0x6200];
	v4 =	vadd.f32 v4, v18  }
0x9b: {  	v22 =	vadd.f32 v50, v62;
	v62 =	vld [tilespmem:$0x1FFD0]  }
0x9c: {  	v3 =	vadd.f32 v41, v27;
	v18 =	vadd.f32 v53, v4;
	v4 =	vld [tilespmem:s23+$0x6270]  }
0x9d: {  	v16 =	vadd.f32 v60, v45;
	v60 =	vld [tilespmem:s23+$0x6220];
	v7 =	vadd.f32 v5, v26  }
0x9e: {  	v27 =	vadd.f32 v55, v3;
	v45 =	vld [tilespmem:s23+$0x6250];
	v2 =	vadd.f32 v2, v13  }
0x9f: {  	v26 =	vadd.f32 v57, v7;
	v59 =	vadd.f32 v63, v32;
	v63 =	vld [tilespmem:$0x1FFE0]  }
0xa0: {  	v13 =	vadd.f32 v61, v2;
	v0 =	vadd.f32 v0, v20;
	v61 =	vld [tilespmem:$0x1FFC0]  }
0xa1: {  	p2 =	sne.s32 s24, $0x3C00;
	v53 =	vadd.f32 v40, v30;
	v3 =	vadd.f32 v4, v23;
	v4 =	vld [tilespmem:$0x1FFB0]  }
.Ltmp0:
0xa2: {  	v38 =	vld [tilespmem:s23+$0x7240];
	v2 =	vadd.f32 v51, v29;
	v1 =	vadd.f32 v60, v28;
	(pc) =	sbr.rel @p2 .LBB2_3-.Ltmp0, $4  }
0xa3: {  	v39 =	vld [tilespmem:s23+$0x7250];
	v60 =	vadd.f32 v45, v31;
	v20 =	vadd.f32 v52, v0  }
0xa4: {  	v41 =	vld [tilespmem:s23+$0x7200];
	v30 =	vadd.f32 v54, v53;
	v29 =	vadd.f32 v62, v2  }
0xa5: {  	v5 =	vmov v44;
	v44 =	vld [tilespmem:s23+$0x7230];
	v28 =	vadd.f32 v56, v1;
	v23 =	vadd.f32 v63, v3  }
0xa6: {  	s24 =	sadd.s32 $0x400, s24;
	v40 =	vld [tilespmem:s23+$0x7260];
	v31 =	vadd.f32 v61, v60;
	v32 =	vadd.f32 v4, v59  }
0xa7: {  	v0 =	vld [tilespmem:s23+$0x7270];
	v2 =	vmul.f32 $3.125000000e-02, v8  }
0xa8: {  	v1 =	vld [tilespmem:s23+$0x72E0];
	v4 =	vmul.f32 $3.125000000e-02, v6  }
0xa9: {  	v3 =	vld [tilespmem:s23+$0x72F0];
	v55 =	vmul.f32 $3.125000000e-02, v12;
	[tilespmem:$0xC200] =	vst v2  }
0xaa: {  	v56 =	vmul.f32 $3.125000000e-02, v11;
	[tilespmem:$0xC210] =	vst v4  }
0xab: {  	v57 =	vmul.f32 $3.125000000e-02, v16;
	[tilespmem:$0xC240] =	vst v55  }
0xac: {  	v4 =	vmul.f32 $3.125000000e-02, v5;
	[tilespmem:$0xC260] =	vst v56  }
0xad: {  	v59 =	vmul.f32 $3.125000000e-02, v15;
	[tilespmem:$0xC280] =	vst v57  }
0xae: {  	[tilespmem:$0xC230] =	vst v4;
	v4 =	vmul.f32 $3.125000000e-02, v10  }
0xaf: {  	v60 =	vmul.f32 $3.125000000e-02, v22;
	[tilespmem:$0xC2A0] =	vst v59  }
0xb0: {  	[tilespmem:$0xC250] =	vst v4;
	v4 =	vmul.f32 $3.125000000e-02, v9  }
0xb1: {  	v61 =	vmul.f32 $3.125000000e-02, v20;
	[tilespmem:$0xC2C0] =	vst v60  }
0xb2: {  	[tilespmem:$0xC270] =	vst v4;
	v4 =	vmul.f32 $3.125000000e-02, v14  }
0xb3: {  	v62 =	vmul.f32 $3.125000000e-02, v30;
	[tilespmem:$0xC2E0] =	vst v61  }
0xb4: {  	[tilespmem:$0xC290] =	vst v4;
	v4 =	vmul.f32 $3.125000000e-02, v13  }
0xb5: {  	v63 =	vmul.f32 $3.125000000e-02, v28;
	[tilespmem:$0xC300] =	vst v62  }
0xb6: {  	[tilespmem:$0xC2B0] =	vst v4;
	v4 =	vmul.f32 $3.125000000e-02, v19  }
0xb7: {  	v7 =	vadd.f32 v43, v35;
	v35 =	vmul.f32 $3.125000000e-02, v29;
	[tilespmem:$0xC320] =	vst v63  }
0xb8: {  	v54 =	vld [tilespmem:$0x1FFF0];
	[tilespmem:$0xC2D0] =	vst v4;
	v4 =	vmul.f32 $3.125000000e-02, v18  }
0xb9: {  	v32 =	vmul.f32 $3.125000000e-02, v32;
	v7 =	vadd.f32 v47, v7;
	[tilespmem:$0xC360] =	vst v35  }
0xba: {  	v5 =	vadd.f32 v41, v58;
	[tilespmem:$0xC2F0] =	vst v4;
	v4 =	vmul.f32 $3.125000000e-02, v27  }
0xbb: {  	v6 =	vadd.f32 v42, v34;
	[tilespmem:$0xC340] =	vst v32;
	v41 =	vmul.f32 $3.125000000e-02, v7  }
0xbc: {  	v8 =	vadd.f32 v44, v33;
	v5 =	vadd.f32 v49, v5;
	[tilespmem:$0xC310] =	vst v4;
	v4 =	vmul.f32 $3.125000000e-02, v26  }
0xbd: {  	v2 =	vmul.f32 $3.125000000e-02, v54;
	v0 =	vadd.f32 v0, v17;
	v9 =	vadd.f32 v38, v24;
	[tilespmem:$0xC3A0] =	vst v41  }
0xbe: {  	v38 =	vmul.f32 $3.125000000e-02, v5;
	v5 =	vadd.f32 v46, v8;
	[tilespmem:$0xC330] =	vst v4;
	v4 =	vmul.f32 $3.125000000e-02, v31  }
0xbf: {  	v8 =	vadd.f32 v39, v25;
	[tilespmem:$0xC220] =	vst v2;
	v0 =	vadd.f32 v3, v0  }
0xc0: {  	v6 =	vadd.f32 v48, v6;
	v9 =	vadd.f32 v36, v9;
	[tilespmem:$0xC350] =	vst v4;
	v4 =	vmul.f32 $3.125000000e-02, v23  }
0xc1: {  	[tilespmem:$0xC380] =	vst v38;
	v7 =	vadd.f32 v37, v8;
	v0 =	vmul.f32 $3.125000000e-02, v0  }
0xc2: {  	v42 =	vmul.f32 $3.125000000e-02, v9;
	[tilespmem:$0xC370] =	vst v4;
	v4 =	vmul.f32 $3.125000000e-02, v6;
	v6 =	vadd.f32 v40, v21  }
0xc3: {  	[tilespmem:$0xC3F0] =	vst v0  }
0xc4: {  	v3 =	vmul.f32 $3.125000000e-02, v7;
	[tilespmem:$0xC3C0] =	vst v42;
	v1 =	vadd.f32 v1, v6  }
0xc5: {  	[tilespmem:$0xC390] =	vst v4;
	v4 =	vmul.f32 $3.125000000e-02, v5  }
0xc6: {  	s31 =	sadd.s32 s8, s21;
	[tilespmem:$0xC3D0] =	vst v3;
	v1 =	vmul.f32 $3.125000000e-02, v1  }
0xc7: {  	s23 =	sshll.u32 s31, $0x7;
	[tilespmem:$0xC3B0] =	vst v4  }
0xc8: {  	s23 =	sadd.s32 s4, s23;
	[tilespmem:$0xC3E0] =	vst v1  }
0xc9: {  	[hbm4b:s23+s3] =	stream.linear.scatter [tilespmem:s15], [sflag:$0x3], $0x200, $0x38;
	[tilespmem:$0xC600] =	vst v63  }
0xca: {  	s23 =	sadd.s32 $0x2, s22  }
0xcb: {  	p2 =	sge.u32 s23, s5  }
0xcc: {  	s23 =	sshll.u32 @!p2 s23, $0x7  }
0xcd: {  	s24 =	simm.s32 @!p2 $0x80;
	s25 =	simm.s32 @!p2 $0x4200;
	s23 =	sand.u32 @!p2 $0x3FFFFF80, s23  }
0xce: {  	[tilespmem:s25], [sflag:$0x1] =	stream.indirect.gather @!p2 [hbm4b:s1+s24], $0x80, s23, s24, $0xb8;
	[tilespmem:$0xC600] =	vst v63  }
0xcf: {  	_ =	swait.ge [sflag:s16], $0x4000  }
0xd0: {  	[sflag:s16] =	ssyncset.done $0x0  }
0xd1: {  	s23 =	simm.s32 @!p1 $0x4;
	[sflag:s16] =	ssyncadd.s32 $0xFFFFC000  }
0xd2: {  	_ =	swait.ge @!p1 [sflag:s23], $0x200  }
0xd3: {  	[sflag:s23] =	ssyncset.done @!p1 $0x0  }
0xd4: {  	[sflag:s23] =	ssyncadd.s32 @!p1 $0xFFFFFE00;
	s23 =	simm.s32 $0x0  }
0xd5: {  	v5 =	vld [tilespmem:s23+$0x8280]  }
0xd6: {  	v6 =	vld [tilespmem:s23+$0x8290]  }
0xd7: {  	v7 =	vld [tilespmem:s23+$0x82A0]  }
0xd8: {  	v9 =	vld [tilespmem:s23+$0x82B0]  }
0xd9: {  	v10 =	vld [tilespmem:s23+$0x82C0]  }
0xda: {  	v11 =	vld [tilespmem:s23+$0x82D0]  }
0xdb: {  	v13 =	vld [tilespmem:s23+$0x82E0]  }
0xdc: {  	v14 =	vld [tilespmem:s23+$0x82F0]  }
0xdd: {  	v15 =	vld [tilespmem:s23+$0x9280]  }
0xde: {  	v16 =	vld [tilespmem:s23+$0x9290]  }
0xdf: {  	v18 =	vld [tilespmem:s23+$0x92A0]  }
0xe0: {  	v19 =	vld [tilespmem:s23+$0x92B0]  }
0xe1: {  	v20 =	vld [tilespmem:s23+$0x92C0]  }
0xe2: {  	v21 =	vld [tilespmem:s23+$0x92D0]  }
0xe3: {  	v23 =	vld [tilespmem:s23+$0x92E0]  }
0xe4: {  	v24 =	vld [tilespmem:s23+$0x92F0]  }
0xe5: {  	v25 =	vld [tilespmem:s23+$0xA280]  }
0xe6: {  	v26 =	vld [tilespmem:s23+$0xA290]  }
0xe7: {  	v28 =	vld [tilespmem:s23+$0xA2A0]  }
0xe8: {  	v29 =	vld [tilespmem:s23+$0xA2B0]  }
0xe9: {  	v31 =	vld [tilespmem:s23+$0xA2C0]  }
0xea: {  	v33 =	vld [tilespmem:s23+$0xA2D0]  }
0xeb: {  	v34 =	vld [tilespmem:s23+$0xA2E0]  }
0xec: {  	v35 =	vld [tilespmem:s23+$0xA2F0]  }
0xed: {  	v49 =	vld [tilespmem:s23+$0xB280]  }
0xee: {  	v48 =	vld [tilespmem:s23+$0xB290]  }
0xef: {  	v47 =	vld [tilespmem:s23+$0xB2A0]  }
0xf0: {  	v46 =	vld [tilespmem:s23+$0xB2B0]  }
0xf1: {  	v8 =	vld [tilespmem:s23+$0x8200]  }
0xf2: {  	v12 =	vld [tilespmem:s23+$0x8210]  }
0xf3: {  	v17 =	vld [tilespmem:s23+$0x8220]  }
0xf4: {  	v22 =	vld [tilespmem:s23+$0x8230]  }
0xf5: {  	v55 =	vld [tilespmem:s23+$0x9260]  }
0xf6: {  	v27 =	vld [tilespmem:s23+$0x8240]  }
0xf7: {  	v58 =	vimm.f32 $0.0e+00;
	v30 =	vld [tilespmem:s23+$0x8250]  }
0xf8: {  	v43 =	vld [tilespmem:s23+$0x8260];
	v8 =	vadd.f32 v8, v58  }
0xf9: {  	v44 =	vld [tilespmem:s23+$0x8270];
	v12 =	vadd.f32 v12, v58;
	v17 =	vadd.f32 v17, v58  }
0xfa: {  	v45 =	vld [tilespmem:s23+$0x9200];
	v22 =	vadd.f32 v22, v58;
	v59 =	vadd.f32 v55, v58  }
0xfb: {  	v50 =	vld [tilespmem:s23+$0x9210];
	v8 =	vadd.f32 v5, v8;
	v6 =	vadd.f32 v6, v12  }
0xfc: {  	v51 =	vld [tilespmem:s23+$0x9220];
	v52 =	vadd.f32 v7, v17;
	v5 =	vadd.f32 v9, v22  }
0xfd: {  	v53 =	vld [tilespmem:s23+$0x9240];
	v9 =	vadd.f32 v27, v58;
	v17 =	vadd.f32 v30, v58  }
0xfe: {  	v22 =	vld [tilespmem:s23+$0x9230];
	v27 =	vadd.f32 v43, v58;
	v30 =	vadd.f32 v44, v58  }
0xff: {  	v54 =	vld [tilespmem:s23+$0x9250];
	v12 =	vadd.f32 v10, v9;
	v10 =	vadd.f32 v11, v17  }
0x100: {  	v56 =	vld [tilespmem:s23+$0xA200];
	v11 =	vadd.f32 v13, v27;
	v13 =	vadd.f32 v45, v58  }
0x101: {  	v9 =	vadd.f32 v14, v30;
	v14 =	vadd.f32 v50, v58;
	v27 =	vld [tilespmem:s23+$0x9270]  }
0x102: {  	v57 =	vld [tilespmem:s23+$0xA210];
	v30 =	vadd.f32 v51, v58;
	v17 =	vadd.f32 v15, v13  }
0x103: {  	v60 =	vld [tilespmem:s23+$0xA240];
	v14 =	vadd.f32 v16, v14;
	v22 =	vadd.f32 v22, v58  }
0x104: {  	v16 =	vld [tilespmem:s23+$0xA220];
	v15 =	vadd.f32 v18, v30;
	v18 =	vadd.f32 v53, v58  }
0x105: {  	v30 =	vld [tilespmem:s23+$0xA230];
	v13 =	vadd.f32 v19, v22;
	v19 =	vadd.f32 v54, v58  }
0x106: {  	v61 =	vld [tilespmem:s23+$0xA250];
	v27 =	vadd.f32 v27, v58;
	v22 =	vadd.f32 v20, v18  }
0x107: {  	v62 =	vld [tilespmem:s23+$0xA270];
	v20 =	vadd.f32 v21, v19;
	v21 =	vadd.f32 v23, v59  }
0x108: {  	v36 =	vld [tilespmem:s23+$0xB2C0];
	v18 =	vadd.f32 v24, v27;
	v23 =	vadd.f32 v56, v58  }
0x109: {  	v37 =	vld [tilespmem:s23+$0xB2D0];
	v24 =	vadd.f32 v57, v58;
	v16 =	vadd.f32 v16, v58  }
0x10a: {  	v19 =	vld [tilespmem:s23+$0xA260];
	v63 =	vadd.f32 v30, v58;
	v30 =	vadd.f32 v25, v23  }
0x10b: {  	v41 =	vld [tilespmem:s23+$0xB200];
	v27 =	vadd.f32 v26, v24;
	v28 =	vadd.f32 v28, v16  }
0x10c: {  	v42 =	vld [tilespmem:s23+$0xB210];
	v16 =	vadd.f32 v60, v58;
	v23 =	vadd.f32 v61, v58  }
0x10d: {  	v38 =	vld [tilespmem:s23+$0xB240];
	v26 =	vadd.f32 v29, v63;
	v24 =	vadd.f32 v62, v58  }
0x10e: {  	v39 =	vld [tilespmem:s23+$0xB250];
	v25 =	vimm.f32 $0.0e+00;
	v32 =	vadd.f32 v31, v16;
	v31 =	vadd.f32 v33, v23  }
0x10f: {  	v40 =	vld [tilespmem:s23+$0xB260];
	v23 =	vadd.f32 v35, v24;
	v35 =	vimm.f32 $0.0e+00;
	v19 =	vadd.f32 v19, v58  }
0x110: {  	v43 =	vld [tilespmem:s23+$0xB220];
	v33 =	vimm.f32 $0.0e+00;
	v24 =	vimm.f32 $0.0e+00;
	v16 =	vimm.f32 $0.0e+00  }
0x111: {  	s24 =	simm.s32 $0x400;
	v44 =	vld [tilespmem:s23+$0xB230];
	[tilespmem:$0x1FFA0] =	vst v52;
	v29 =	vadd.f32 v34, v19;
	v34 =	vimm.f32 $0.0e+00;
	v19 =	vimm.f32 $0.0e+00  }
.LBB2_5:
0x112: {  	v62 =	vld [tilespmem:s23+$0xB270]  }
0x113: {  	v63 =	vld [tilespmem:s23+$0xB2E0]  }
0x114: {  	v3 =	vld [tilespmem:s23+$0xB2F0];
	s23 =	sshra.s32 s24, $0x2  }
0x115: {  	v45 =	vld [tilespmem:s23+$0x82F0]  }
0x116: {  	v60 =	vld [tilespmem:s23+$0x9280]  }
0x117: {  	v59 =	vld [tilespmem:s23+$0x9290]  }
0x118: {  	v61 =	vld [tilespmem:s23+$0x92A0]  }
0x119: {  	v7 =	vld [tilespmem:s23+$0x92B0]  }
0x11a: {  	v50 =	vld [tilespmem:s23+$0x92C0]  }
0x11b: {  	v51 =	vld [tilespmem:s23+$0x92D0]  }
0x11c: {  	v52 =	vld [tilespmem:s23+$0x92E0]  }
0x11d: {  	v53 =	vld [tilespmem:s23+$0x92F0]  }
0x11e: {  	v54 =	vld [tilespmem:s23+$0xA280]  }
0x11f: {  	v55 =	vld [tilespmem:s23+$0xA290]  }
0x120: {  	v56 =	vld [tilespmem:s23+$0xA2A0]  }
0x121: {  	v57 =	vld [tilespmem:s23+$0xA2B0]  }
0x122: {  	v35 =	vadd.f32 v43, v35;
	v43 =	vld [tilespmem:s23+$0x8280]  }
0x123: {  	v33 =	vadd.f32 v44, v33;
	v44 =	vld [tilespmem:s23+$0x8290]  }
0x124: {  	v1 =	vadd.f32 v38, v25;
	v38 =	vld [tilespmem:s23+$0x82A0]  }
0x125: {  	v2 =	vadd.f32 v39, v24;
	v39 =	vld [tilespmem:s23+$0x82B0]  }
0x126: {  	v4 =	vadd.f32 v40, v19;
	v40 =	vld [tilespmem:s23+$0x82C0]  }
0x127: {  	v0 =	vadd.f32 v41, v58;
	v41 =	vld [tilespmem:s23+$0x82D0]  }
0x128: {  	v34 =	vadd.f32 v42, v34;
	v42 =	vld [tilespmem:s23+$0x82E0]  }
0x129: {  	v16 =	vadd.f32 v62, v16;
	v62 =	vld [tilespmem:s23+$0x8200]  }
0x12a: {  	v33 =	vadd.f32 v46, v33;
	v46 =	vld [tilespmem:s23+$0xA2C0]  }
0x12b: {  	v35 =	vadd.f32 v47, v35;
	v47 =	vld [tilespmem:s23+$0xA2D0]  }
0x12c: {  	v34 =	vadd.f32 v48, v34;
	v48 =	vld [tilespmem:s23+$0xA2E0]  }
0x12d: {  	v58 =	vadd.f32 v49, v0;
	v49 =	vld [tilespmem:s23+$0xA2F0]  }
0x12e: {  	v25 =	vadd.f32 v36, v1;
	v36 =	vld [tilespmem:s23+$0xB2C0]  }
0x12f: {  	v24 =	vadd.f32 v37, v2;
	v37 =	vld [tilespmem:s23+$0xB2D0]  }
0x130: {  	v19 =	vadd.f32 v63, v4;
	v63 =	vld [tilespmem:s23+$0x8210]  }
0x131: {  	v0 =	vld [tilespmem:s23+$0x8220]  }
0x132: {  	v1 =	vld [tilespmem:s23+$0x8230]  }
0x133: {  	v2 =	vld [tilespmem:s23+$0x8240]  }
0x134: {  	v4 =	vld [tilespmem:s23+$0x8260]  }
0x135: {  	v16 =	vadd.f32 v3, v16;
	v3 =	vld [tilespmem:s23+$0x8250]  }
0x136: {  	v8 =	vadd.f32 v62, v8;
	v62 =	vld [tilespmem:s23+$0x8270]  }
0x137: {  	[tilespmem:$0x1FF90] =	vst v49;
	v49 =	vld [tilespmem:s23+$0xB280]  }
0x138: {  	[tilespmem:$0x1FF80] =	vst v48;
	v48 =	vld [tilespmem:s23+$0xB290]  }
0x139: {  	[tilespmem:$0x1FF70] =	vst v47;
	v47 =	vld [tilespmem:s23+$0xB2A0]  }
0x13a: {  	[tilespmem:$0x1FF60] =	vst v46;
	v46 =	vld [tilespmem:s23+$0xB2B0]  }
0x13b: {  	v6 =	vadd.f32 v63, v6;
	v63 =	vld [tilespmem:$0x1FFA0]  }
0x13c: {  	v1 =	vadd.f32 v1, v5;
	v5 =	vld [tilespmem:s23+$0x9210]  }
0x13d: {  	v8 =	vadd.f32 v43, v8;
	v43 =	vld [tilespmem:s23+$0x9220];
	v6 =	vadd.f32 v44, v6  }
0x13e: {  	v44 =	vadd.f32 v39, v1;
	v1 =	vadd.f32 v3, v10;
	v39 =	vld [tilespmem:s23+$0x9250]  }
0x13f: {  	v3 =	vadd.f32 v4, v11;
	v4 =	vadd.f32 v62, v9;
	v62 =	vld [tilespmem:s23+$0x9240]  }
0x140: {  	v10 =	vadd.f32 v41, v1;
	v41 =	vld [tilespmem:s23+$0xA210]  }
0x141: {  	v11 =	vadd.f32 v42, v3;
	v42 =	vld [tilespmem:s23+$0xB210]  }
0x142: {  	v0 =	vadd.f32 v0, v63;
	v63 =	vld [tilespmem:s23+$0x9200];
	v3 =	vadd.f32 v5, v14  }
0x143: {  	v9 =	vadd.f32 v45, v4;
	v4 =	vld [tilespmem:s23+$0x9270];
	v5 =	vadd.f32 v43, v15  }
0x144: {  	v43 =	vld [tilespmem:s23+$0xB220];
	v0 =	vadd.f32 v38, v0;
	v14 =	vadd.f32 v59, v3  }
0x145: {  	v3 =	vadd.f32 v39, v20;
	v15 =	vadd.f32 v61, v5;
	v5 =	vld [tilespmem:s23+$0xA230]  }
0x146: {  	[tilespmem:$0x1FFA0] =	vst v0;
	v0 =	vadd.f32 v2, v12;
	v2 =	vld [tilespmem:s23+$0x9230]  }
0x147: {  	v20 =	vadd.f32 v51, v3;
	v51 =	vld [tilespmem:s23+$0xA260]  }
0x148: {  	v45 =	vadd.f32 v63, v17;
	v63 =	vld [tilespmem:s23+$0xA240]  }
0x149: {  	v12 =	vadd.f32 v40, v0;
	v0 =	vld [tilespmem:s23+$0x9260]  }
0x14a: {  	v40 =	vld [tilespmem:s23+$0xA200];
	v4 =	vadd.f32 v4, v18  }
0x14b: {  	v62 =	vadd.f32 v62, v22;
	v17 =	vadd.f32 v60, v45;
	v60 =	vld [tilespmem:s23+$0xA220]  }
0x14c: {  	v3 =	vadd.f32 v41, v27;
	v18 =	vadd.f32 v53, v4;
	v4 =	vld [tilespmem:s23+$0xA270]  }
0x14d: {  	v22 =	vadd.f32 v50, v62;
	v45 =	vld [tilespmem:s23+$0xA250];
	v2 =	vadd.f32 v2, v13  }
0x14e: {  	v61 =	vld [tilespmem:$0x1FF70];
	v27 =	vadd.f32 v55, v3;
	v59 =	vadd.f32 v63, v32  }
0x14f: {  	v62 =	vld [tilespmem:$0x1FF80];
	v13 =	vadd.f32 v7, v2;
	v0 =	vadd.f32 v0, v21  }
0x150: {  	v63 =	vld [tilespmem:$0x1FF90];
	v53 =	vadd.f32 v40, v30;
	v7 =	vadd.f32 v5, v26  }
0x151: {  	p1 =	sne.s32 s24, $0x3C00;
	v2 =	vadd.f32 v51, v29;
	v3 =	vadd.f32 v4, v23;
	v4 =	vld [tilespmem:$0x1FF60]  }
.Ltmp1:
0x152: {  	v38 =	vld [tilespmem:s23+$0xB240];
	v1 =	vadd.f32 v60, v28;
	v60 =	vadd.f32 v45, v31;
	(pc) =	sbr.rel @p1 .LBB2_5-.Ltmp1, $4  }
0x153: {  	v39 =	vld [tilespmem:s23+$0xB250];
	v21 =	vadd.f32 v52, v0;
	v30 =	vadd.f32 v54, v53  }
0x154: {  	v41 =	vld [tilespmem:s23+$0xB200];
	v26 =	vadd.f32 v57, v7;
	v29 =	vadd.f32 v62, v2  }
0x155: {  	v5 =	vmov v44;
	v44 =	vld [tilespmem:s23+$0xB230];
	v28 =	vadd.f32 v56, v1;
	v31 =	vadd.f32 v61, v60  }
0x156: {  	s24 =	sadd.s32 $0x400, s24;
	v40 =	vld [tilespmem:s23+$0xB260];
	v23 =	vadd.f32 v63, v3;
	v32 =	vadd.f32 v4, v59  }
0x157: {  	v0 =	vld [tilespmem:s23+$0xB270];
	v2 =	vmul.f32 $3.125000000e-02, v8  }
0x158: {  	v1 =	vld [tilespmem:s23+$0xB2E0];
	v4 =	vmul.f32 $3.125000000e-02, v6  }
0x159: {  	v3 =	vld [tilespmem:s23+$0xB2F0];
	v61 =	vmul.f32 $3.125000000e-02, v5;
	[tilespmem:$0xC400] =	vst v2  }
0x15a: {  	v62 =	vmul.f32 $3.125000000e-02, v12;
	[tilespmem:$0xC410] =	vst v4  }
0x15b: {  	v63 =	vmul.f32 $3.125000000e-02, v10;
	[tilespmem:$0xC430] =	vst v61  }
0x15c: {  	v8 =	vmul.f32 $3.125000000e-02, v11;
	[tilespmem:$0xC440] =	vst v62  }
0x15d: {  	v9 =	vmul.f32 $3.125000000e-02, v9;
	[tilespmem:$0xC450] =	vst v63  }
0x15e: {  	v10 =	vmul.f32 $3.125000000e-02, v17;
	[tilespmem:$0xC460] =	vst v8  }
0x15f: {  	v11 =	vmul.f32 $3.125000000e-02, v14;
	[tilespmem:$0xC470] =	vst v9  }
0x160: {  	v12 =	vmul.f32 $3.125000000e-02, v15;
	[tilespmem:$0xC480] =	vst v10  }
0x161: {  	v13 =	vmul.f32 $3.125000000e-02, v13;
	[tilespmem:$0xC490] =	vst v11  }
0x162: {  	v14 =	vmul.f32 $3.125000000e-02, v22;
	[tilespmem:$0xC4A0] =	vst v12  }
0x163: {  	v15 =	vmul.f32 $3.125000000e-02, v20;
	[tilespmem:$0xC4B0] =	vst v13  }
0x164: {  	v17 =	vmul.f32 $3.125000000e-02, v21;
	[tilespmem:$0xC4C0] =	vst v14  }
0x165: {  	v20 =	vmul.f32 $3.125000000e-02, v18;
	[tilespmem:$0xC4D0] =	vst v15  }
0x166: {  	v21 =	vmul.f32 $3.125000000e-02, v30;
	[tilespmem:$0xC4E0] =	vst v17  }
0x167: {  	v22 =	vmul.f32 $3.125000000e-02, v27;
	[tilespmem:$0xC4F0] =	vst v20  }
0x168: {  	v27 =	vmul.f32 $3.125000000e-02, v28;
	[tilespmem:$0xC500] =	vst v21  }
0x169: {  	v28 =	vmul.f32 $3.125000000e-02, v26;
	[tilespmem:$0xC510] =	vst v22  }
0x16a: {  	v42 =	vadd.f32 v42, v34;
	v45 =	vmul.f32 $3.125000000e-02, v31;
	[tilespmem:$0xC520] =	vst v27  }
0x16b: {  	v7 =	vadd.f32 v43, v35;
	v50 =	vmul.f32 $3.125000000e-02, v29;
	[tilespmem:$0xC530] =	vst v28  }
0x16c: {  	v60 =	vld [tilespmem:$0x1FFA0];
	v53 =	vadd.f32 v38, v25;
	v52 =	vmul.f32 $3.125000000e-02, v23;
	v6 =	vadd.f32 v48, v42;
	[tilespmem:$0xC550] =	vst v45  }
0x16d: {  	v30 =	vadd.f32 v41, v58;
	v41 =	vmul.f32 $3.125000000e-02, v32;
	v7 =	vadd.f32 v47, v7;
	[tilespmem:$0xC560] =	vst v50  }
0x16e: {  	v9 =	vadd.f32 v36, v53;
	[tilespmem:$0xC570] =	vst v52;
	v57 =	vmul.f32 $3.125000000e-02, v6  }
0x16f: {  	v51 =	vadd.f32 v44, v33;
	[tilespmem:$0xC540] =	vst v41;
	v59 =	vmul.f32 $3.125000000e-02, v7  }
0x170: {  	v56 =	vadd.f32 v39, v24;
	v5 =	vadd.f32 v49, v30;
	v62 =	vmul.f32 $3.125000000e-02, v9;
	[tilespmem:$0xC590] =	vst v57  }
0x171: {  	v58 =	vadd.f32 v40, v19;
	v2 =	vmul.f32 $3.125000000e-02, v60;
	v55 =	vadd.f32 v46, v51;
	[tilespmem:$0xC5A0] =	vst v59  }
0x172: {  	v0 =	vadd.f32 v0, v16;
	v60 =	vadd.f32 v37, v56;
	v54 =	vmul.f32 $3.125000000e-02, v5;
	[tilespmem:$0xC5C0] =	vst v62  }
0x173: {  	v1 =	vadd.f32 v1, v58;
	[tilespmem:$0xC420] =	vst v2;
	v61 =	vmul.f32 $3.125000000e-02, v55  }
0x174: {  	v0 =	vadd.f32 v3, v0;
	v63 =	vmul.f32 $3.125000000e-02, v60;
	[tilespmem:$0xC580] =	vst v54  }
0x175: {  	v1 =	vmul.f32 $3.125000000e-02, v1;
	[tilespmem:$0xC5B0] =	vst v61  }
0x176: {  	s22 =	sadd.s32 $0x3, s22;
	[tilespmem:$0xC5D0] =	vst v63;
	v0 =	vmul.f32 $3.125000000e-02, v0  }
0x177: {  	s31 =	sshll.u32 s21, $0x7;
	p1 =	sge.u32 s22, s5;
	[tilespmem:$0xC5E0] =	vst v1  }
0x178: {  	s21 =	sadd.s32 $0x1, s21;
	s23 =	sadd.s32 s10, s31;
	s22 =	sshll.u32 @!p1 s22, $0x7;
	[tilespmem:$0xC5F0] =	vst v0  }
0x179: {  	[hbm4b:s23+s3] =	stream.linear.scatter [tilespmem:s17], [sflag:$0x4], $0x200, $0x38;
	[tilespmem:$0xC600] =	vst v63  }
0x17a: {  	s24 =	simm.s32 @!p1 $0x8200;
	s22 =	sand.u32 @!p1 $0x3FFFFF80, s22;
	s23 =	simm.s32 @!p1 $0x80  }
0x17b: {  	[tilespmem:s24], [sflag:$0x2] =	stream.indirect.gather @!p1 [hbm4b:s1+s23], $0x80, s22, s23, $0xb8;
	[tilespmem:$0xC600] =	vst v63  }
0x17c: {  	p1 =	sne.s32 s21, s7  }
.Ltmp2:
0x17d: {  	_ = 	snop;
	(pc) =	sbr.rel @p1 .LBB2_2-.Ltmp2, $1  }
0x17e: {  	_ =	sdelay $0x3  }
0x17f: {  	s20 =	sadd.s32 $0x1, s20  }
0x180: {  	_ =	swait.ge [sflag:s18], $0x200;
	p1 =	sne.s32 s20, s9  }
.Ltmp3:
0x181: {  	[sflag:s18] =	ssyncset.done $0x0;
	(pc) =	sbr.rel @p1 .LBB2_1-.Ltmp3, $4  }
0x182: {  	[sflag:s18] =	ssyncadd.s32 $0xFFFFFE00  }
0x183: {  	_ =	swait.ge [sflag:s19], $0x200  }
0x184: {  	[sflag:s19] =	ssyncset.done $0x0  }
0x185: {  	[sflag:s19] =	ssyncadd.s32 $0xFFFFFE00  }
0x186: {  	_ =	sfence.sel $0x180000  }
0x187: {  	[bflag:$0x0] =	sbarrier.arrive $0xFFFF  }
0x188: {  	p0 =	sne.s32 s2, $0x0;
	_ =	strace $0x90000047  }
0x189: {  	s0 =	sadd.s32 @!p0 $0x100000, s0;
	[bflag:$0x2] =	sbarrier.arrive $0xFFFF  }
0x18a: {  	[sflag:s0] =	ssyncadd.tile.s32 @!p0 $0x1;
	_ =	shalt  }
.Lfunc_end2:
_tile_overlayer_lowered:
.L_overlay_start_2:
0x18b: {  	(tag) =	ssettag $0x2  }
0x18c: {  	s0 =	rddreg [dreg:$0x0];
	s2 =	stileid.u32  }
0x18d: {  	s1 =	rddreg [dreg:$0x1];
	p0 =	sne.s32 s2, $0x0  }
0x18e: {  	s3 =	rddreg [dreg:$0x2];
	[bflag:$0x3] =	sbarrier.arrive $0xFFFF;
	s2 =	simm.s32 @!p0 $0x1C05  }
0x18f: {  	[timem:s3], [sflag:s2] =	dma.local @!p0 [hbm:s0], s1  }
0x190: {  	s0 =	simm.s32 @!p0 $0x5  }
0x191: {  	_ =	swait.ge @!p0 [sflag:s0], s1  }
0x192: {  	s1 =	ssub.s32 @!p0 $0x0, s1;
	[sflag:s0] =	ssyncset.done @!p0 $0x0  }
0x193: {  	[sflag:s0] =	ssyncadd.s32 @!p0 s1  }
0x194: {  	[bflag:$0x3] =	sbarrier.arrive $0xFFFF  }
0x195: {  	_ =	shalt  }

</sc_bundles>
